<compile_context>
chip_gen: v7x
topology: tpu7x:2x2x1
jax: 0.10.2.dev20260603
libtpu: 0.0.44.dev20260713+nightly
codegen_flags: <defaults>
</compile_context>

<pallas_src>
import functools
import numpy as np
import jax
import jax.numpy as jnp
from jax import lax
from jax.experimental import pallas as pl
from jax.experimental.pallas import tpu as pltpu
from jax.experimental.pallas import tpu_sc as plsc

NN = 10000
NP = 10240
EE = 320000
HH = 128
MM = 512
NC = 2
NS = 16
NW = NC * NS
EC = EE // NW
K = 80
NCHUNK = EC // K
RPT = NP // NS
ISQ = float(1.0 / np.sqrt(1.0 + 1e-5))

_mesh = plsc.VectorSubcoreMesh(core_axis_name="c", subcore_axis_name="s")
_SC_PARAMS = pltpu.CompilerParams(needs_layout_passes=False)


def _i16(v):
    return v + jnp.zeros((16,), jnp.int32)


_DROWS = NP // 128


@functools.partial(
    pl.kernel,
    out_type=jax.ShapeDtypeStruct((NC, _DROWS, 128), jnp.float32),
    mesh=_mesh,
    compiler_params=_SC_PARAMS,
    scratch_types=[
        pltpu.VMEM((EC,), jnp.int32),
        pltpu.VMEM((_DROWS,), jnp.int32),
        pltpu.VMEM((_DROWS, 128), jnp.float32),
        pltpu.VMEM_SHARED((_DROWS, 128), jnp.float32),
    ],
)
def _deg(dst_hbm, iden_hbm, z80_hbm, out_hbm, didx_all, iden, dacc, acc):
    c = lax.axis_index("c")
    s = lax.axis_index("s")
    wid = c * NS + s

    @pl.when(s < _DROWS // 8)
    def _():
        pltpu.sync_copy(z80_hbm.at[pl.ds(s * 8, 8)], acc.at[pl.ds(s * 8, 8)])

    pltpu.sync_copy(z80_hbm, dacc)
    pltpu.sync_copy(iden_hbm, iden)
    pltpu.sync_copy(dst_hbm.at[pl.ds(pl.multiple_of(wid * EC, 8), EC)],
                    didx_all)
    plsc.subcore_barrier()

    iota16 = lax.iota(jnp.int32, 16)
    ones16 = jnp.ones((16,), jnp.float32)

    def body(i, _):
        voff = pl.multiple_of(i * K, 8)
        for g in range(K // 16):
            dvec = didx_all[pl.ds(voff + g * 16, 16)]
            hi = lax.shift_right_logical(dvec, 7)
            lo = jnp.bitwise_and(dvec, 127)
            for j in range(16):
                plsc.addupdate_scatter(dacc, [hi, lo], ones16,
                                       mask=iota16 == j)
        return 0

    lax.fori_loop(0, NCHUNK, body, 0)
    pltpu.sync_copy(dacc, acc.at[iden], add=True)
    plsc.subcore_barrier()

    @pl.when(s < _DROWS // 8)
    def _():
        pltpu.sync_copy(acc.at[pl.ds(s * 8, 8)],
                        out_hbm.at[c, pl.ds(s * 8, 8)])


NBUF = 5
KP = 40
NCHUNKP = EC // KP


@functools.partial(
    pl.kernel,
    out_type=jax.ShapeDtypeStruct((NC, NP, HH), jnp.float32),
    mesh=_mesh,
    compiler_params=_SC_PARAMS,
    scratch_types=(
        [pltpu.VMEM((EC,), jnp.int32)]
        + [pltpu.VMEM((KP,), jnp.int32) for _ in range(NBUF)]
        + [pltpu.VMEM((KP, HH), jnp.float32) for _ in range(NBUF)]
        + [pltpu.SemaphoreType.DMA] * (3 * NBUF)
        + [pltpu.VMEM_SHARED((NP, HH), jnp.float32)]
    ),
)
def _prop(hs_hbm, src_hbm, dst_hbm, znh_hbm, out_hbm,
          sidx_all, di0, di1, di2, di3, di4, ro0, ro1, ro2, ro3, ro4,
          ds0, ds1, ds2, ds3, ds4, gs0, gs1, gs2, gs3, gs4,
          ss0, ss1, ss2, ss3, ss4, acc):
    didx = [di0, di1, di2, di3, di4]
    rows = [ro0, ro1, ro2, ro3, ro4]
    dsem = [ds0, ds1, ds2, ds3, ds4]
    gsem = [gs0, gs1, gs2, gs3, gs4]
    ssem = [ss0, ss1, ss2, ss3, ss4]
    c = lax.axis_index("c")
    s = lax.axis_index("s")
    wid = c * NS + s
    ebase = pl.multiple_of(wid * EC, 8)
    pltpu.sync_copy(znh_hbm.at[pl.ds(s * RPT, RPT)], acc.at[pl.ds(s * RPT, RPT)])
    pltpu.sync_copy(src_hbm.at[pl.ds(ebase, EC)], sidx_all)
    plsc.subcore_barrier()

    def issue(ci, b):
        base = pl.multiple_of(ebase + ci * KP, 8)
        voff = pl.multiple_of(ci * KP, 8)
        pltpu.async_copy(dst_hbm.at[pl.ds(base, KP)], didx[b], dsem[b])
        pltpu.async_copy(hs_hbm.at[sidx_all.at[pl.ds(voff, KP)]],
                         rows[b], gsem[b])

    issue(0, 0)

    def outer(g, _):
        for b in range(NBUF):
            ci = g * NBUF + b
            nb = (b + 1) % NBUF

            @pl.when(ci + 1 < NCHUNKP)
            def _():
                @pl.when(ci + 1 >= NBUF)
                def _():
                    pltpu.make_async_copy(rows[nb], acc.at[didx[nb]],
                                          ssem[nb]).wait()

                issue(ci + 1, nb)

            base = pl.multiple_of(ebase + ci * KP, 8)
            voff = pl.multiple_of(ci * KP, 8)
            pltpu.make_async_copy(dst_hbm.at[pl.ds(base, KP)], didx[b],
                                  dsem[b]).wait()
            pltpu.make_async_copy(hs_hbm.at[sidx_all.at[pl.ds(voff, KP)]],
                                  rows[b], gsem[b]).wait()
            pltpu.async_copy(rows[b], acc.at[didx[b]], ssem[b], add=True)
        return 0

    lax.fori_loop(0, NCHUNKP // NBUF, outer, 0)
    for b in range(NBUF):
        pltpu.make_async_copy(rows[b], acc.at[didx[b]], ssem[b]).wait()
    plsc.subcore_barrier()
    pltpu.sync_copy(acc.at[pl.ds(s * RPT, RPT)],
                    out_hbm.at[c, pl.ds(s * RPT, RPT)])


_POOL_ACTIVE = 25
_POOL_ROWS = 400
_MPT = MM // NS


_CROWS = MM // 128


@functools.partial(
    pl.kernel,
    out_type=[
        jax.ShapeDtypeStruct((NC, MM, HH), jnp.float32),
        jax.ShapeDtypeStruct((NC, _CROWS, 128), jnp.float32),
        jax.ShapeDtypeStruct((NW, MM, HH), jnp.float32),
    ],
    mesh=_mesh,
    compiler_params=_SC_PARAMS,
    scratch_types=[
        pltpu.VMEM((K,), jnp.int32),
        pltpu.VMEM((K, 1), jnp.float32),
        pltpu.VMEM((K, HH), jnp.float32),
        pltpu.VMEM((_CROWS,), jnp.int32),
        pltpu.VMEM((_CROWS, 128), jnp.float32),
        pltpu.VMEM((MM, HH), jnp.float32),
        pltpu.VMEM_SHARED((MM, HH), jnp.float32),
        pltpu.VMEM_SHARED((_CROWS, 128), jnp.float32),
    ],
)
def _pool(z_hbm, batch_hbm, batchf_hbm, iden_hbm, zmh_hbm,
          osum_hbm, ocnt_hbm, omax_hbm,
          bidx, bfv, rows, iden, cacc, maxacc, sacc, cacc_sp):
    c = lax.axis_index("c")
    s = lax.axis_index("s")
    wid = c * NS + s
    pltpu.sync_copy(zmh_hbm.at[pl.ds(s * _MPT, _MPT)],
                    sacc.at[pl.ds(s * _MPT, _MPT)])
    pltpu.sync_copy(zmh_hbm.at[pl.ds(0, _CROWS)], cacc)
    pltpu.sync_copy(zmh_hbm, maxacc)
    pltpu.sync_copy(iden_hbm, iden)

    @pl.when(s == 0)
    def _():
        pltpu.sync_copy(zmh_hbm.at[pl.ds(0, _CROWS)], cacc_sp)

    plsc.subcore_barrier()

    iota16 = lax.iota(jnp.int32, 16)
    ones16 = jnp.ones((16,), jnp.float32)
    mask0 = iota16 == 0

    @pl.when(wid < _POOL_ACTIVE)
    def _():
        def chunk(i, _):
            base = pl.multiple_of(wid * _POOL_ROWS + i * K, 8)
            pltpu.sync_copy(batch_hbm.at[pl.ds(base, K)], bidx)
            pltpu.sync_copy(batchf_hbm.at[pl.ds(base, K)], bfv)
            pltpu.sync_copy(z_hbm.at[pl.ds(base, K)], rows)
            pltpu.sync_copy(rows, sacc.at[bidx], add=True)

            def rowfn(r, _2):
                bm = plsc.load_gather(bfv, [_i16(r), _i16(0)]).astype(jnp.int32)
                plsc.addupdate_scatter(
                    cacc, [lax.shift_right_logical(bm, 7),
                           jnp.bitwise_and(bm, 127)], ones16, mask=mask0)
                for cc in range(HH // 16):
                    colv = iota16 + cc * 16
                    v = plsc.load_gather(rows, [_i16(r), colv])
                    cur = plsc.load_gather(maxacc, [bm, colv])
                    plsc.store_scatter(maxacc, [bm, colv], jnp.maximum(cur, v))
                return 0

            lax.fori_loop(0, K, rowfn, 0)
            return 0

        lax.fori_loop(0, _POOL_ROWS // K, chunk, 0)

    pltpu.sync_copy(cacc, cacc_sp.at[iden], add=True)
    plsc.subcore_barrier()
    pltpu.sync_copy(sacc.at[pl.ds(s * _MPT, _MPT)],
                    osum_hbm.at[c, pl.ds(s * _MPT, _MPT)])

    @pl.when(s == 0)
    def _():
        pltpu.sync_copy(cacc_sp, ocnt_hbm.at[c])

    pltpu.sync_copy(maxacc, omax_hbm.at[wid])


_BLK = 2048
_GRID = NP // _BLK


def _t1_body(x_ref, w_ref, d0_ref, d1_ref, hs_ref, dinv_ref):
    deg = 1.0 + d0_ref[...] + d1_ref[...]
    dinv = lax.rsqrt(deg)
    h = jnp.dot(x_ref[...], w_ref[...], preferred_element_type=jnp.float32)
    hs_ref[...] = h * dinv
    dinv_ref[...] = dinv


def _t1(x, w1, d0, d1):
    return pl.pallas_call(
        _t1_body,
        grid=(_GRID,),
        in_specs=[
            pl.BlockSpec((_BLK, HH), lambda i: (i, 0)),
            pl.BlockSpec((HH, HH), lambda i: (0, 0)),
            pl.BlockSpec((_BLK, 1), lambda i: (i, 0)),
            pl.BlockSpec((_BLK, 1), lambda i: (i, 0)),
        ],
        out_specs=[
            pl.BlockSpec((_BLK, HH), lambda i: (i, 0)),
            pl.BlockSpec((_BLK, 1), lambda i: (i, 0)),
        ],
        out_shape=[
            jax.ShapeDtypeStruct((NP, HH), jnp.float32),
            jax.ShapeDtypeStruct((NP, 1), jnp.float32),
        ],
    )(x, w1, d0, d1)


def _t2_body(p0_ref, p1_ref, hs_ref, dinv_ref, w_ref, b_ref, g_ref, be_ref,
             out_ref):
    dinv = dinv_ref[...]
    conv = dinv * (p0_ref[...] + p1_ref[...] + hs_ref[...]) + b_ref[...]
    z = jax.nn.relu(g_ref[...] * (conv * ISQ) + be_ref[...])
    out_ref[...] = jnp.dot(z, w_ref[...],
                           preferred_element_type=jnp.float32) * dinv


def _t2(p0, p1, hs, dinv, w2, b1, g1, be1):
    return pl.pallas_call(
        _t2_body,
        grid=(_GRID,),
        in_specs=[
            pl.BlockSpec((_BLK, HH), lambda i: (i, 0)),
            pl.BlockSpec((_BLK, HH), lambda i: (i, 0)),
            pl.BlockSpec((_BLK, HH), lambda i: (i, 0)),
            pl.BlockSpec((_BLK, 1), lambda i: (i, 0)),
            pl.BlockSpec((HH, HH), lambda i: (0, 0)),
            pl.BlockSpec((1, HH), lambda i: (0, 0)),
            pl.BlockSpec((1, HH), lambda i: (0, 0)),
            pl.BlockSpec((1, HH), lambda i: (0, 0)),
        ],
        out_specs=pl.BlockSpec((_BLK, HH), lambda i: (i, 0)),
        out_shape=jax.ShapeDtypeStruct((NP, HH), jnp.float32),
    )(p0, p1, hs, dinv, w2, b1, g1, be1)


def _t3_body(q0_ref, q1_ref, hs_ref, dinv_ref, b_ref, g_ref, be_ref, out_ref):
    conv = dinv_ref[...] * (q0_ref[...] + q1_ref[...] + hs_ref[...]) + b_ref[...]
    out_ref[...] = jax.nn.relu(g_ref[...] * (conv * ISQ) + be_ref[...])


def _t3(q0, q1, hs, dinv, b2, g2, be2):
    return pl.pallas_call(
        _t3_body,
        grid=(_GRID,),
        in_specs=[
            pl.BlockSpec((_BLK, HH), lambda i: (i, 0)),
            pl.BlockSpec((_BLK, HH), lambda i: (i, 0)),
            pl.BlockSpec((_BLK, HH), lambda i: (i, 0)),
            pl.BlockSpec((_BLK, 1), lambda i: (i, 0)),
            pl.BlockSpec((1, HH), lambda i: (0, 0)),
            pl.BlockSpec((1, HH), lambda i: (0, 0)),
            pl.BlockSpec((1, HH), lambda i: (0, 0)),
        ],
        out_specs=pl.BlockSpec((_BLK, HH), lambda i: (i, 0)),
        out_shape=jax.ShapeDtypeStruct((NP, HH), jnp.float32),
    )(q0, q1, hs, dinv, b2, g2, be2)


def _t4_body(sp0_ref, sp1_ref, sp2_ref, sp3_ref,
             cp0_ref, cp1_ref, cp2_ref, cp3_ref,
             mp0_ref, mp1_ref, mp2_ref, mp3_ref, ratios_ref,
             mtw1_ref, mtb1_ref, mtw2_ref, mtb2_ref,
             rw1_ref, rb1_ref, rw2_ref, rb2_ref,
             rw3_ref, rb3_ref, rw4_ref, rb4_ref, out_ref):
    mix = jnp.zeros((HH, 3 * HH), jnp.float32)
    for j, (sp, cp, mp) in enumerate([
            (sp0_ref, cp0_ref, mp0_ref), (sp1_ref, cp1_ref, mp1_ref),
            (sp2_ref, cp2_ref, mp2_ref), (sp3_ref, cp3_ref, mp3_ref)]):
        sums_j = sp[0] + sp[1]
        cnt_j = cp[0] + cp[1]
        mx_j = jnp.max(mp[...], axis=0)
        mean_j = sums_j / jnp.maximum(cnt_j, 1.0)
        mol_j = jnp.concatenate([mean_j, mx_j, sums_j], axis=1)
        mix = mix + ratios_ref[:, j:j + 1] * mol_j
    f = jax.nn.relu(jnp.dot(mix, mtw1_ref[...],
                            preferred_element_type=jnp.float32) + mtb1_ref[...])
    f = jax.nn.relu(jnp.dot(f, mtw2_ref[...],
                            preferred_element_type=jnp.float32) + mtb2_ref[...])
    r = jax.nn.relu(jnp.dot(f, rw1_ref[...],
                            preferred_element_type=jnp.float32) + rb1_ref[...])
    r = jax.nn.relu(jnp.dot(r, rw2_ref[...],
                            preferred_element_type=jnp.float32) + rb2_ref[...])
    r = jax.nn.relu(jnp.dot(r, rw3_ref[...],
                            preferred_element_type=jnp.float32) + rb3_ref[...])
    out_ref[...] = jnp.dot(r, rw4_ref[...],
                           preferred_element_type=jnp.float32) + rb4_ref[...]


def _t4(sps, cps, mps, ratios, mtw1, mtb1, mtw2, mtb2,
        rw1, rb1, rw2, rb2, rw3, rb3, rw4, rb4):
    return pl.pallas_call(
        _t4_body,
        out_shape=jax.ShapeDtypeStruct((128, 1), jnp.float32),
    )(*sps, *cps, *mps, ratios, mtw1, mtb1, mtw2, mtb2,
      rw1, rb1, rw2, rb2, rw3, rb3, rw4, rb4)


def kernel(x, edge_index, batch, ratios, W1, b1, g1, be1, W2, b2, g2, be2,
           mtW1, mtb1, mtW2, mtb2, rW1, rb1, rW2, rb2, rW3, rb3, rW4, rb4):
    src = edge_index[0]
    dst = edge_index[1]
    x = jnp.pad(x, ((0, NP - NN), (0, 0)))
    iden80 = jnp.arange(_DROWS, dtype=jnp.int32)
    iden4 = jnp.arange(_CROWS, dtype=jnp.int32)
    z80 = jnp.zeros((_DROWS, 128), jnp.float32)
    znh = jnp.zeros((NP, HH), jnp.float32)
    zmh = jnp.zeros((MM, HH), jnp.float32)

    degp = _deg(dst, iden80, z80)
    hs1, dinv = _t1(x, W1, degp[0].reshape(NP, 1), degp[1].reshape(NP, 1))
    p = _prop(hs1, src, dst, znh)
    hs2 = _t2(p[0], p[1], hs1, dinv, W2,
              b1.reshape(1, HH), g1.reshape(1, HH), be1.reshape(1, HH))
    q = _prop(hs2, src, dst, znh)
    z2 = _t3(q[0], q[1], hs2, dinv,
             b2.reshape(1, HH), g2.reshape(1, HH), be2.reshape(1, HH))
    batchf = batch.astype(jnp.float32).reshape(NN, 1)
    sp, cp, mp = _pool(z2, batch, batchf, iden4, zmh)
    cnt2 = cp.reshape(NC, MM, 1)
    sps = [sp[:, j::4, :] for j in range(4)]
    cps = [cnt2[:, j::4, :] for j in range(4)]
    mps = [mp[:, j::4, :] for j in range(4)]
    return _t4(sps, cps, mps, ratios,
               mtW1, mtb1.reshape(1, -1), mtW2, mtb2.reshape(1, -1),
               rW1, rb1.reshape(1, -1), rW2, rb2.reshape(1, -1),
               rW3, rb3.reshape(1, -1), rW4, rb4.reshape(1, -1))

# --- scband reference (transcript-rebuilt; emitter-appended) ---
"""Pipeline reference for scband-mixture-gnn-17669495455819 (READ-ONLY COPY).

The authoritative reference and input builder live on the scoring server;
editing this copy changes nothing except your own understanding.
"""

import jax, jax.numpy as jnp
import numpy as np

N = 10000
E = 320000
D = 128
H = 128
NUM_MOLS = 512
NUM_MIX = 128
NUM_COMP = 4


def _init_linear(key, fan_in, shape):
    return jax.random.uniform(key, shape, minval=-1.0, maxval=1.0, dtype=jnp.float32) / np.sqrt(fan_in)


def setup_inputs(seed: int = 0):
    key = jax.random.key(seed)
    ks = jax.random.split(key, 16)
    inp = {}
    inp['x'] = jax.random.normal(ks[0], (N, D), dtype=jnp.float32)
    inp['edge_index'] = jax.random.randint(ks[1], (2, E), 0, N, dtype=jnp.int32)
    inp['batch'] = jnp.sort(jax.random.randint(ks[2], (N,), 0, NUM_MOLS, dtype=jnp.int32))
    inp['ratios'] = jax.random.uniform(ks[3], (NUM_MIX, NUM_COMP), dtype=jnp.float32)
    inp['W1'] = _init_linear(ks[4], D, (D, H))
    inp['b1'] = jnp.zeros((H,), jnp.float32)
    inp['g1'] = jnp.ones((H,), jnp.float32)
    inp['be1'] = jnp.zeros((H,), jnp.float32)
    inp['W2'] = _init_linear(ks[5], H, (H, H))
    inp['b2'] = jnp.zeros((H,), jnp.float32)
    inp['g2'] = jnp.ones((H,), jnp.float32)
    inp['be2'] = jnp.zeros((H,), jnp.float32)
    inp['mtW1'] = _init_linear(ks[6], 3 * H, (3 * H, 2 * H))
    inp['mtb1'] = jnp.zeros((2 * H,), jnp.float32)
    inp['mtW2'] = _init_linear(ks[7], 2 * H, (2 * H, H))
    inp['mtb2'] = jnp.zeros((H,), jnp.float32)
    inp['rW1'] = _init_linear(ks[8], H, (H, 64))
    inp['rb1'] = jnp.zeros((64,), jnp.float32)
    inp['rW2'] = _init_linear(ks[9], 64, (64, 32))
    inp['rb2'] = jnp.zeros((32,), jnp.float32)
    inp['rW3'] = _init_linear(ks[10], 32, (32, 16))
    inp['rb3'] = jnp.zeros((16,), jnp.float32)
    inp['rW4'] = _init_linear(ks[11], 16, (16, 1))
    inp['rb4'] = jnp.zeros((1,), jnp.float32)
    return inp


def _gcn_conv(x, src, dst, W, b):
    h = x @ W
    loop = jnp.arange(N, dtype=src.dtype)
    s = jnp.concatenate([src, loop])
    d = jnp.concatenate([dst, loop])
    deg = jnp.zeros((N,), h.dtype).at[d].add(1.0)
    dinv = jnp.where(deg > 0, jax.lax.rsqrt(jnp.maximum(deg, 1e-12)), 0.0)
    norm = dinv[s] * dinv[d]
    out = jnp.zeros((N, h.shape[1]), h.dtype).at[d].add(h[s] * norm[:, None])
    return out + b


def _bn_eval(x, g, b):
    # eval-mode BatchNorm1d with running_mean=0, running_var=1, eps=1e-5
    return g * (x / jnp.sqrt(1.0 + 1e-5)) + b


def _forward(x, ratios, W1, b1, g1, be1, W2, b2, g2, be2, mtW1, mtb1, mtW2, mtb2, rW1, rb1, rW2, rb2, rW3, rb3, rW4, rb4, edge_index, batch):
    src = edge_index[0]
    dst = edge_index[1]
    h = jax.nn.relu(_bn_eval(_gcn_conv(x, src, dst, W1, b1), g1, be1))
    h = jax.nn.relu(_bn_eval(_gcn_conv(h, src, dst, W2, b2), g2, be2))
    sums = jax.ops.segment_sum(h, batch, num_segments=NUM_MOLS)
    cnt = jax.ops.segment_sum(jnp.ones((N, 1), h.dtype), batch, num_segments=NUM_MOLS)
    mean = sums / jnp.maximum(cnt, 1.0)
    mx = jax.ops.segment_max(h, batch, num_segments=NUM_MOLS)
    mx = jnp.where(cnt > 0, mx, 0.0)
    mol_emb = jnp.concatenate([mean, mx, sums], axis=1)
    comp = mol_emb.reshape(NUM_MIX, NUM_COMP, 3 * H)
    mix = jnp.sum(comp * ratios[:, :, None], axis=1)
    f = jax.nn.relu(mix @ mtW1 + mtb1)
    f = jax.nn.relu(f @ mtW2 + mtb2)
    r = jax.nn.relu(f @ rW1 + rb1)
    r = jax.nn.relu(r @ rW2 + rb2)
    r = jax.nn.relu(r @ rW3 + rb3)
    r = r @ rW4 + rb4
    return r


def reference(x, edge_index, batch, ratios, W1, b1, g1, be1, W2, b2, g2, be2, mtW1, mtb1, mtW2, mtb2, rW1, rb1, rW2, rb2, rW3, rb3, rW4, rb4):
    return _forward(x, ratios, W1, b1, g1, be1, W2, b2, g2, be2, mtW1, mtb1, mtW2, mtb2, rW1, rb1, rW2, rb2, rW3, rb3, rW4, rb4, edge_index, batch)

if __name__ == "__main__":
    import jax
    _d = setup_inputs()
    print(jax.jit(kernel)(*tuple(_d.values())))

</pallas_src>

<mosaic_0001>
#map = affine_map<(d0, d1) -> (0)>
#map1 = affine_map<(d0, d1) -> (0, 0)>
#map2 = affine_map<(d0, d1) -> (0, 0, 0)>
module attributes {stable_mosaic.version = 14 : i64} {
  func.func @_deg(%arg0: i32, %arg1: i32, %arg2: memref<320000xi32, #tpu.memory_space<hbm>>, %arg3: memref<80xi32, #tpu.memory_space<hbm>>, %arg4: memref<80x128xf32, #tpu.memory_space<hbm>>, %arg5: memref<2x80x128xf32, #tpu.memory_space<hbm>>, %arg6: memref<10000xi32, #tpu.memory_space<vmem>>, %arg7: memref<80xi32, #tpu.memory_space<vmem>>, %arg8: memref<80x128xf32, #tpu.memory_space<vmem>>, %arg9: memref<80x128xf32, #tpu.memory_space<vmem_shared>>) attributes {dimension_semantics = [#tpu.dimension_semantics<core_parallel>, #tpu.dimension_semantics<subcore_parallel>], iteration_bounds = array<i64: 2, 16>, scalar_prefetch = 0 : i64, scratch_operands = 4 : i64, tpu.core_type = #tpu.core_type<sc_vector_subcore>, window_params = [{transform_indices = #map}, {transform_indices = #map}, {transform_indices = #map1}, {transform_indices = #map2}]} {
    %mul3A = arith.constant 16 : i32
    %mul3A_0 = arith.muli %arg0, %mul3A : i32
    %add3A = arith.addi %mul3A_0, %arg1 : i32
    %lt3A = arith.constant 10 : i32
    %lt3A_1 = arith.cmpi slt, %arg1, %lt3A : i32
    %convert_element_type3A = arith.extui %lt3A_1 : i1 to i32
    %cond3A = arith.constant 0 : i32
    %cond3A_2 = arith.cmpi ne, %convert_element_type3A, %cond3A : i32
    scf.if %cond3A_2 {
      %mul3A_18 = arith.constant 8 : i32
      %mul3A_19 = arith.muli %arg1, %mul3A_18 : i32
      %mul3A_20 = arith.constant 8 : i32
      %mul3A_21 = arith.muli %arg1, %mul3A_20 : i32
      "tpu.region"() ({
        %run_scoped3A = tpu.sem_alloc : memref<!tpu.dma_semaphore, #tpu.memory_space<semaphore_mem>>
        %dma_start3A = arith.constant 0 : i32
        %dma_start3A_22 = tpu.memref_slice %arg9[%mul3A_21, %dma_start3A] : memref<80x128xf32, #tpu.memory_space<vmem_shared>> -> memref<8x128xf32, #tpu.memory_space<vmem_shared>>
        %dma_start3A_23 = arith.constant 0 : i32
        %dma_start3A_24 = tpu.memref_slice %arg4[%mul3A_19, %dma_start3A_23] : memref<80x128xf32, #tpu.memory_space<hbm>> -> memref<8x128xf32, #tpu.memory_space<hbm>>
        tpu.enqueue_dma source(%dma_start3A_24 : memref<8x128xf32, #tpu.memory_space<hbm>>) target(%dma_start3A_22 : memref<8x128xf32, #tpu.memory_space<vmem_shared>>) target_semaphore(%run_scoped3A : memref<!tpu.dma_semaphore, #tpu.memory_space<semaphore_mem>>)
        %dma_wait3A = arith.constant 0 : i32
        %dma_wait3A_25 = tpu.memref_slice %arg9[%mul3A_21, %dma_wait3A] : memref<80x128xf32, #tpu.memory_space<vmem_shared>> -> memref<8x128xf32, #tpu.memory_space<vmem_shared>>
        %dma_wait3A_26 = arith.constant 0 : i32
        %dma_wait3A_27 = tpu.memref_slice %arg4[%mul3A_19, %dma_wait3A_26] : memref<80x128xf32, #tpu.memory_space<hbm>> -> memref<8x128xf32, #tpu.memory_space<hbm>>
        tpu.wait_dma2 semaphore(%run_scoped3A : memref<!tpu.dma_semaphore, #tpu.memory_space<semaphore_mem>>) src(%dma_wait3A_27 : memref<8x128xf32, #tpu.memory_space<hbm>>) dst(%dma_wait3A_25 : memref<8x128xf32, #tpu.memory_space<vmem_shared>>)
        tpu.yield
      }) : () -> ()
    } else {
    }
    "tpu.region"() ({
      %run_scoped3A = tpu.sem_alloc : memref<!tpu.dma_semaphore, #tpu.memory_space<semaphore_mem>>
      tpu.enqueue_dma source(%arg4 : memref<80x128xf32, #tpu.memory_space<hbm>>) target(%arg8 : memref<80x128xf32, #tpu.memory_space<vmem>>) target_semaphore(%run_scoped3A : memref<!tpu.dma_semaphore, #tpu.memory_space<semaphore_mem>>)
      tpu.wait_dma2 semaphore(%run_scoped3A : memref<!tpu.dma_semaphore, #tpu.memory_space<semaphore_mem>>) src(%arg4 : memref<80x128xf32, #tpu.memory_space<hbm>>) dst(%arg8 : memref<80x128xf32, #tpu.memory_space<vmem>>)
      tpu.yield
    }) : () -> ()
    "tpu.region"() ({
      %run_scoped3A = tpu.sem_alloc : memref<!tpu.dma_semaphore, #tpu.memory_space<semaphore_mem>>
      tpu.enqueue_dma source(%arg3 : memref<80xi32, #tpu.memory_space<hbm>>) target(%arg7 : memref<80xi32, #tpu.memory_space<vmem>>) target_semaphore(%run_scoped3A : memref<!tpu.dma_semaphore, #tpu.memory_space<semaphore_mem>>)
      tpu.wait_dma2 semaphore(%run_scoped3A : memref<!tpu.dma_semaphore, #tpu.memory_space<semaphore_mem>>) src(%arg3 : memref<80xi32, #tpu.memory_space<hbm>>) dst(%arg7 : memref<80xi32, #tpu.memory_space<vmem>>)
      tpu.yield
    }) : () -> ()
    %mul3A_3 = arith.constant 10000 : i32
    %mul3A_4 = arith.muli %add3A, %mul3A_3 : i32
    %multiple_of3A = tpu.assume_multiple %mul3A_4, 8 : i32
    "tpu.region"() ({
      %run_scoped3A = tpu.sem_alloc : memref<!tpu.dma_semaphore, #tpu.memory_space<semaphore_mem>>
      %dma_start3A = tpu.memref_slice %arg2[%multiple_of3A] : memref<320000xi32, #tpu.memory_space<hbm>> -> memref<10000xi32, #tpu.memory_space<hbm>>
      %dma_start3A_18 = tpu.memref_slice %arg2[%multiple_of3A] : memref<320000xi32, #tpu.memory_space<hbm>> -> memref<10000xi32, #tpu.memory_space<hbm>>
      tpu.enqueue_dma source(%dma_start3A_18 : memref<10000xi32, #tpu.memory_space<hbm>>) target(%arg6 : memref<10000xi32, #tpu.memory_space<vmem>>) target_semaphore(%run_scoped3A : memref<!tpu.dma_semaphore, #tpu.memory_space<semaphore_mem>>)
      %dma_wait3A = tpu.memref_slice %arg2[%multiple_of3A] : memref<320000xi32, #tpu.memory_space<hbm>> -> memref<10000xi32, #tpu.memory_space<hbm>>
      %dma_wait3A_19 = tpu.memref_slice %arg2[%multiple_of3A] : memref<320000xi32, #tpu.memory_space<hbm>> -> memref<10000xi32, #tpu.memory_space<hbm>>
      tpu.wait_dma2 semaphore(%run_scoped3A : memref<!tpu.dma_semaphore, #tpu.memory_space<semaphore_mem>>) src(%dma_wait3A_19 : memref<10000xi32, #tpu.memory_space<hbm>>) dst(%arg6 : memref<10000xi32, #tpu.memory_space<vmem>>)
      tpu.yield
    }) : () -> ()
    %barrier3A = arith.constant 0 : index
    tpu.barrier barrier_id(%barrier3A)
    %iota3A = tpu.iota {dimensions = array<i32: 0>} : vector<16xi32>
    %broadcast_in_dim3A = arith.constant 1.000000e+00 : f32
    %broadcast_in_dim3A_5 = vector.broadcast %broadcast_in_dim3A : f32 to vector<16xf32>
    %scan3A = arith.constant 0 : i32
    %scan3A_6 = arith.constant 0 : i32
    %scan3A_7 = arith.constant 125 : i32
    %scan3A_8 = arith.addi %scan3A_6, %scan3A_7 : i32
    %scan3A_9 = arith.constant 1 : i32
    %scan3A_10 = scf.for %scan3A_18 = %scan3A_6 to %scan3A_8 step %scan3A_9 iter_args(%scan3A_19 = %scan3A) -> (i32)  : i32 {
      %mul3A_20 = arith.constant 80 : i32
      %mul3A_21 = arith.muli %scan3A_18, %mul3A_20 : i32
      %multiple_of3A_22 = tpu.assume_multiple %mul3A_21, 8 : i32
      %add3A_23 = arith.constant 0 : i32
      %add3A_24 = arith.addi %multiple_of3A_22, %add3A_23 : i32
      %get3A = arith.index_cast %add3A_24 : i32 to index
      %get3A_25 = tpu.vector_load %arg6[%get3A] {strides = array<i32>} : memref<10000xi32, #tpu.memory_space<vmem>>, vector<16xi32>,
      %shift_right_logical3A = arith.constant 7 : i32
      %shift_right_logical3A_26 = vector.broadcast %shift_right_logical3A : i32 to vector<16xi32>
      %shift_right_logical3A_27 = arith.shrui %get3A_25, %shift_right_logical3A_26 : vector<16xi32>
      %and3A = arith.constant 127 : i32
      %and3A_28 = vector.broadcast %and3A : i32 to vector<16xi32>
      %and3A_29 = arith.andi %get3A_25, %and3A_28 : vector<16xi32>
      %eq3A = arith.constant 0 : i32
      %eq3A_30 = vector.broadcast %eq3A : i32 to vector<16xi32>
      %eq3A_31 = arith.cmpi eq, %iota3A, %eq3A_30 : vector<16xi32>
      tpu.vector_store_idx %arg8[%shift_right_logical3A_27, %and3A_29], %broadcast_in_dim3A_5 masked %eq3A_31 {add = true} : memref<80x128xf32, #tpu.memory_space<vmem>>[vector<16xi32>, vector<16xi32>], vector<16xf32>, vector<16xi1>
      %eq3A_32 = arith.constant 1 : i32
      %eq3A_33 = vector.broadcast %eq3A_32 : i32 to vector<16xi32>
      %eq3A_34 = arith.cmpi eq, %iota3A, %eq3A_33 : vector<16xi32>
      tpu.vector_store_idx %arg8[%shift_right_logical3A_27, %and3A_29], %broadcast_in_dim3A_5 masked %eq3A_34 {add = true} : memref<80x128xf32, #tpu.memory_space<vmem>>[vector<16xi32>, vector<16xi32>], vector<16xf32>, vector<16xi1>
      %eq3A_35 = arith.constant 2 : i32
      %eq3A_36 = vector.broadcast %eq3A_35 : i32 to vector<16xi32>
      %eq3A_37 = arith.cmpi eq, %iota3A, %eq3A_36 : vector<16xi32>
      tpu.vector_store_idx %arg8[%shift_right_logical3A_27, %and3A_29], %broadcast_in_dim3A_5 masked %eq3A_37 {add = true} : memref<80x128xf32, #tpu.memory_space<vmem>>[vector<16xi32>, vector<16xi32>], vector<16xf32>, vector<16xi1>
      %eq3A_38 = arith.constant 3 : i32
      %eq3A_39 = vector.broadcast %eq3A_38 : i32 to vector<16xi32>
      %eq3A_40 = arith.cmpi eq, %iota3A, %eq3A_39 : vector<16xi32>
      tpu.vector_store_idx %arg8[%shift_right_logical3A_27, %and3A_29], %broadcast_in_dim3A_5 masked %eq3A_40 {add = true} : memref<80x128xf32, #tpu.memory_space<vmem>>[vector<16xi32>, vector<16xi32>], vector<16xf32>, vector<16xi1>
      %eq3A_41 = arith.constant 4 : i32
      %eq3A_42 = vector.broadcast %eq3A_41 : i32 to vector<16xi32>
      %eq3A_43 = arith.cmpi eq, %iota3A, %eq3A_42 : vector<16xi32>
      tpu.vector_store_idx %arg8[%shift_right_logical3A_27, %and3A_29], %broadcast_in_dim3A_5 masked %eq3A_43 {add = true} : memref<80x128xf32, #tpu.memory_space<vmem>>[vector<16xi32>, vector<16xi32>], vector<16xf32>, vector<16xi1>
      %eq3A_44 = arith.constant 5 : i32
      %eq3A_45 = vector.broadcast %eq3A_44 : i32 to vector<16xi32>
      %eq3A_46 = arith.cmpi eq, %iota3A, %eq3A_45 : vector<16xi32>
      tpu.vector_store_idx %arg8[%shift_right_logical3A_27, %and3A_29], %broadcast_in_dim3A_5 masked %eq3A_46 {add = true} : memref<80x128xf32, #tpu.memory_space<vmem>>[vector<16xi32>, vector<16xi32>], vector<16xf32>, vector<16xi1>
      %eq3A_47 = arith.constant 6 : i32
      %eq3A_48 = vector.broadcast %eq3A_47 : i32 to vector<16xi32>
      %eq3A_49 = arith.cmpi eq, %iota3A, %eq3A_48 : vector<16xi32>
      tpu.vector_store_idx %arg8[%shift_right_logical3A_27, %and3A_29], %broadcast_in_dim3A_5 masked %eq3A_49 {add = true} : memref<80x128xf32, #tpu.memory_space<vmem>>[vector<16xi32>, vector<16xi32>], vector<16xf32>, vector<16xi1>
      %eq3A_50 = arith.constant 7 : i32
      %eq3A_51 = vector.broadcast %eq3A_50 : i32 to vector<16xi32>
      %eq3A_52 = arith.cmpi eq, %iota3A, %eq3A_51 : vector<16xi32>
      tpu.vector_store_idx %arg8[%shift_right_logical3A_27, %and3A_29], %broadcast_in_dim3A_5 masked %eq3A_52 {add = true} : memref<80x128xf32, #tpu.memory_space<vmem>>[vector<16xi32>, vector<16xi32>], vector<16xf32>, vector<16xi1>
      %eq3A_53 = arith.constant 8 : i32
      %eq3A_54 = vector.broadcast %eq3A_53 : i32 to vector<16xi32>
      %eq3A_55 = arith.cmpi eq, %iota3A, %eq3A_54 : vector<16xi32>
      tpu.vector_store_idx %arg8[%shift_right_logical3A_27, %and3A_29], %broadcast_in_dim3A_5 masked %eq3A_55 {add = true} : memref<80x128xf32, #tpu.memory_space<vmem>>[vector<16xi32>, vector<16xi32>], vector<16xf32>, vector<16xi1>
      %eq3A_56 = arith.constant 9 : i32
      %eq3A_57 = vector.broadcast %eq3A_56 : i32 to vector<16xi32>
      %eq3A_58 = arith.cmpi eq, %iota3A, %eq3A_57 : vector<16xi32>
      tpu.vector_store_idx %arg8[%shift_right_logical3A_27, %and3A_29], %broadcast_in_dim3A_5 masked %eq3A_58 {add = true} : memref<80x128xf32, #tpu.memory_space<vmem>>[vector<16xi32>, vector<16xi32>], vector<16xf32>, vector<16xi1>
      %eq3A_59 = arith.constant 10 : i32
      %eq3A_60 = vector.broadcast %eq3A_59 : i32 to vector<16xi32>
      %eq3A_61 = arith.cmpi eq, %iota3A, %eq3A_60 : vector<16xi32>
      tpu.vector_store_idx %arg8[%shift_right_logical3A_27, %and3A_29], %broadcast_in_dim3A_5 masked %eq3A_61 {add = true} : memref<80x128xf32, #tpu.memory_space<vmem>>[vector<16xi32>, vector<16xi32>], vector<16xf32>, vector<16xi1>
      %eq3A_62 = arith.constant 11 : i32
      %eq3A_63 = vector.broadcast %eq3A_62 : i32 to vector<16xi32>
      %eq3A_64 = arith.cmpi eq, %iota3A, %eq3A_63 : vector<16xi32>
      tpu.vector_store_idx %arg8[%shift_right_logical3A_27, %and3A_29], %broadcast_in_dim3A_5 masked %eq3A_64 {add = true} : memref<80x128xf32, #tpu.memory_space<vmem>>[vector<16xi32>, vector<16xi32>], vector<16xf32>, vector<16xi1>
      %eq3A_65 = arith.constant 12 : i32
      %eq3A_66 = vector.broadcast %eq3A_65 : i32 to vector<16xi32>
      %eq3A_67 = arith.cmpi eq, %iota3A, %eq3A_66 : vector<16xi32>
      tpu.vector_store_idx %arg8[%shift_right_logical3A_27, %and3A_29], %broadcast_in_dim3A_5 masked %eq3A_67 {add = true} : memref<80x128xf32, #tpu.memory_space<vmem>>[vector<16xi32>, vector<16xi32>], vector<16xf32>, vector<16xi1>
      %eq3A_68 = arith.constant 13 : i32
      %eq3A_69 = vector.broadcast %eq3A_68 : i32 to vector<16xi32>
      %eq3A_70 = arith.cmpi eq, %iota3A, %eq3A_69 : vector<16xi32>
      tpu.vector_store_idx %arg8[%shift_right_logical3A_27, %and3A_29], %broadcast_in_dim3A_5 masked %eq3A_70 {add = true} : memref<80x128xf32, #tpu.memory_space<vmem>>[vector<16xi32>, vector<16xi32>], vector<16xf32>, vector<16xi1>
      %eq3A_71 = arith.constant 14 : i32
      %eq3A_72 = vector.broadcast %eq3A_71 : i32 to vector<16xi32>
      %eq3A_73 = arith.cmpi eq, %iota3A, %eq3A_72 : vector<16xi32>
      tpu.vector_store_idx %arg8[%shift_right_logical3A_27, %and3A_29], %broadcast_in_dim3A_5 masked %eq3A_73 {add = true} : memref<80x128xf32, #tpu.memory_space<vmem>>[vector<16xi32>, vector<16xi32>], vector<16xf32>, vector<16xi1>
      %eq3A_74 = arith.constant 15 : i32
      %eq3A_75 = vector.broadcast %eq3A_74 : i32 to vector<16xi32>
      %eq3A_76 = arith.cmpi eq, %iota3A, %eq3A_75 : vector<16xi32>
      tpu.vector_store_idx %arg8[%shift_right_logical3A_27, %and3A_29], %broadcast_in_dim3A_5 masked %eq3A_76 {add = true} : memref<80x128xf32, #tpu.memory_space<vmem>>[vector<16xi32>, vector<16xi32>], vector<16xf32>, vector<16xi1>
      %add3A_77 = arith.constant 16 : i32
      %add3A_78 = arith.addi %multiple_of3A_22, %add3A_77 : i32
      %get3A_79 = arith.index_cast %add3A_78 : i32 to index
      %get3A_80 = tpu.vector_load %arg6[%get3A_79] {strides = array<i32>} : memref<10000xi32, #tpu.memory_space<vmem>>, vector<16xi32>,
      %shift_right_logical3A_81 = arith.constant 7 : i32
      %shift_right_logical3A_82 = vector.broadcast %shift_right_logical3A_81 : i32 to vector<16xi32>
      %shift_right_logical3A_83 = arith.shrui %get3A_80, %shift_right_logical3A_82 : vector<16xi32>
      %and3A_84 = arith.constant 127 : i32
      %and3A_85 = vector.broadcast %and3A_84 : i32 to vector<16xi32>
      %and3A_86 = arith.andi %get3A_80, %and3A_85 : vector<16xi32>
      %eq3A_87 = arith.constant 0 : i32
      %eq3A_88 = vector.broadcast %eq3A_87 : i32 to vector<16xi32>
      %eq3A_89 = arith.cmpi eq, %iota3A, %eq3A_88 : vector<16xi32>
      tpu.vector_store_idx %arg8[%shift_right_logical3A_83, %and3A_86], %broadcast_in_dim3A_5 masked %eq3A_89 {add = true} : memref<80x128xf32, #tpu.memory_space<vmem>>[vector<16xi32>, vector<16xi32>], vector<16xf32>, vector<16xi1>
      %eq3A_90 = arith.constant 1 : i32
      %eq3A_91 = vector.broadcast %eq3A_90 : i32 to vector<16xi32>
      %eq3A_92 = arith.cmpi eq, %iota3A, %eq3A_91 : vector<16xi32>
      tpu.vector_store_idx %arg8[%shift_right_logical3A_83, %and3A_86], %broadcast_in_dim3A_5 masked %eq3A_92 {add = true} : memref<80x128xf32, #tpu.memory_space<vmem>>[vector<16xi32>, vector<16xi32>], vector<16xf32>, vector<16xi1>
      %eq3A_93 = arith.constant 2 : i32
      %eq3A_94 = vector.broadcast %eq3A_93 : i32 to vector<16xi32>
      %eq3A_95 = arith.cmpi eq, %iota3A, %eq3A_94 : vector<16xi32>
      tpu.vector_store_idx %arg8[%shift_right_logical3A_83, %and3A_86], %broadcast_in_dim3A_5 masked %eq3A_95 {add = true} : memref<80x128xf32, #tpu.memory_space<vmem>>[vector<16xi32>, vector<16xi32>], vector<16xf32>, vector<16xi1>
      %eq3A_96 = arith.constant 3 : i32
      %eq3A_97 = vector.broadcast %eq3A_96 : i32 to vector<16xi32>
      %eq3A_98 = arith.cmpi eq, %iota3A, %eq3A_97 : vector<16xi32>
      tpu.vector_store_idx %arg8[%shift_right_logical3A_83, %and3A_86], %broadcast_in_dim3A_5 masked %eq3A_98 {add = true} : memref<80x128xf32, #tpu.memory_space<vmem>>[vector<16xi32>, vector<16xi32>], vector<16xf32>, vector<16xi1>
      %eq3A_99 = arith.constant 4 : i32
      %eq3A_100 = vector.broadcast %eq3A_99 : i32 to vector<16xi32>
      %eq3A_101 = arith.cmpi eq, %iota3A, %eq3A_100 : vector<16xi32>
      tpu.vector_store_idx %arg8[%shift_right_logical3A_83, %and3A_86], %broadcast_in_dim3A_5 masked %eq3A_101 {add = true} : memref<80x128xf32, #tpu.memory_space<vmem>>[vector<16xi32>, vector<16xi32>], vector<16xf32>, vector<16xi1>
      %eq3A_102 = arith.constant 5 : i32
      %eq3A_103 = vector.broadcast %eq3A_102 : i32 to vector<16xi32>
      %eq3A_104 = arith.cmpi eq, %iota3A, %eq3A_103 : vector<16xi32>
      tpu.vector_store_idx %arg8[%shift_right_logical3A_83, %and3A_86], %broadcast_in_dim3A_5 masked %eq3A_104 {add = true} : memref<80x128xf32, #tpu.memory_space<vmem>>[vector<16xi32>, vector<16xi32>], vector<16xf32>, vector<16xi1>
      %eq3A_105 = arith.constant 6 : i32
      %eq3A_106 = vector.broadcast %eq3A_105 : i32 to vector<16xi32>
      %eq3A_107 = arith.cmpi eq, %iota3A, %eq3A_106 : vector<16xi32>
      tpu.vector_store_idx %arg8[%shift_right_logical3A_83, %and3A_86], %broadcast_in_dim3A_5 masked %eq3A_107 {add = true} : memref<80x128xf32, #tpu.memory_space<vmem>>[vector<16xi32>, vector<16xi32>], vector<16xf32>, vector<16xi1>
      %eq3A_108 = arith.constant 7 : i32
      %eq3A_109 = vector.broadcast %eq3A_108 : i32 to vector<16xi32>
      %eq3A_110 = arith.cmpi eq, %iota3A, %eq3A_109 : vector<16xi32>
      tpu.vector_store_idx %arg8[%shift_right_logical3A_83, %and3A_86], %broadcast_in_dim3A_5 masked %eq3A_110 {add = true} : memref<80x128xf32, #tpu.memory_space<vmem>>[vector<16xi32>, vector<16xi32>], vector<16xf32>, vector<16xi1>
      %eq3A_111 = arith.constant 8 : i32
      %eq3A_112 = vector.broadcast %eq3A_111 : i32 to vector<16xi32>
      %eq3A_113 = arith.cmpi eq, %iota3A, %eq3A_112 : vector<16xi32>
      tpu.vector_store_idx %arg8[%shift_right_logical3A_83, %and3A_86], %broadcast_in_dim3A_5 masked %eq3A_113 {add = true} : memref<80x128xf32, #tpu.memory_space<vmem>>[vector<16xi32>, vector<16xi32>], vector<16xf32>, vector<16xi1>
      %eq3A_114 = arith.constant 9 : i32
      %eq3A_115 = vector.broadcast %eq3A_114 : i32 to vector<16xi32>
      %eq3A_116 = arith.cmpi eq, %iota3A, %eq3A_115 : vector<16xi32>
      tpu.vector_store_idx %arg8[%shift_right_logical3A_83, %and3A_86], %broadcast_in_dim3A_5 masked %eq3A_116 {add = true} : memref<80x128xf32, #tpu.memory_space<vmem>>[vector<16xi32>, vector<16xi32>], vector<16xf32>, vector<16xi1>
      %eq3A_117 = arith.constant 10 : i32
      %eq3A_118 = vector.broadcast %eq3A_117 : i32 to vector<16xi32>
      %eq3A_119 = arith.cmpi eq, %iota3A, %eq3A_118 : vector<16xi32>
      tpu.vector_store_idx %arg8[%shift_right_logical3A_83, %and3A_86], %broadcast_in_dim3A_5 masked %eq3A_119 {add = true} : memref<80x128xf32, #tpu.memory_space<vmem>>[vector<16xi32>, vector<16xi32>], vector<16xf32>, vector<16xi1>
      %eq3A_120 = arith.constant 11 : i32
      %eq3A_121 = vector.broadcast %eq3A_120 : i32 to vector<16xi32>
      %eq3A_122 = arith.cmpi eq, %iota3A, %eq3A_121 : vector<16xi32>
      tpu.vector_store_idx %arg8[%shift_right_logical3A_83, %and3A_86], %broadcast_in_dim3A_5 masked %eq3A_122 {add = true} : memref<80x128xf32, #tpu.memory_space<vmem>>[vector<16xi32>, vector<16xi32>], vector<16xf32>, vector<16xi1>
      %eq3A_123 = arith.constant 12 : i32
      %eq3A_124 = vector.broadcast %eq3A_123 : i32 to vector<16xi32>
      %eq3A_125 = arith.cmpi eq, %iota3A, %eq3A_124 : vector<16xi32>
      tpu.vector_store_idx %arg8[%shift_right_logical3A_83, %and3A_86], %broadcast_in_dim3A_5 masked %eq3A_125 {add = true} : memref<80x128xf32, #tpu.memory_space<vmem>>[vector<16xi32>, vector<16xi32>], vector<16xf32>, vector<16xi1>
      %eq3A_126 = arith.constant 13 : i32
      %eq3A_127 = vector.broadcast %eq3A_126 : i32 to vector<16xi32>
      %eq3A_128 = arith.cmpi eq, %iota3A, %eq3A_127 : vector<16xi32>
      tpu.vector_store_idx %arg8[%shift_right_logical3A_83, %and3A_86], %broadcast_in_dim3A_5 masked %eq3A_128 {add = true} : memref<80x128xf32, #tpu.memory_space<vmem>>[vector<16xi32>, vector<16xi32>], vector<16xf32>, vector<16xi1>
      %eq3A_129 = arith.constant 14 : i32
      %eq3A_130 = vector.broadcast %eq3A_129 : i32 to vector<16xi32>
      %eq3A_131 = arith.cmpi eq, %iota3A, %eq3A_130 : vector<16xi32>
      tpu.vector_store_idx %arg8[%shift_right_logical3A_83, %and3A_86], %broadcast_in_dim3A_5 masked %eq3A_131 {add = true} : memref<80x128xf32, #tpu.memory_space<vmem>>[vector<16xi32>, vector<16xi32>], vector<16xf32>, vector<16xi1>
      %eq3A_132 = arith.constant 15 : i32
      %eq3A_133 = vector.broadcast %eq3A_132 : i32 to vector<16xi32>
      %eq3A_134 = arith.cmpi eq, %iota3A, %eq3A_133 : vector<16xi32>
      tpu.vector_store_idx %arg8[%shift_right_logical3A_83, %and3A_86], %broadcast_in_dim3A_5 masked %eq3A_134 {add = true} : memref<80x128xf32, #tpu.memory_space<vmem>>[vector<16xi32>, vector<16xi32>], vector<16xf32>, vector<16xi1>
      %add3A_135 = arith.constant 32 : i32
      %add3A_136 = arith.addi %multiple_of3A_22, %add3A_135 : i32
      %get3A_137 = arith.index_cast %add3A_136 : i32 to index
      %get3A_138 = tpu.vector_load %arg6[%get3A_137] {strides = array<i32>} : memref<10000xi32, #tpu.memory_space<vmem>>, vector<16xi32>,
      %shift_right_logical3A_139 = arith.constant 7 : i32
      %shift_right_logical3A_140 = vector.broadcast %shift_right_logical3A_139 : i32 to vector<16xi32>
      %shift_right_logical3A_141 = arith.shrui %get3A_138, %shift_right_logical3A_140 : vector<16xi32>
      %and3A_142 = arith.constant 127 : i32
      %and3A_143 = vector.broadcast %and3A_142 : i32 to vector<16xi32>
      %and3A_144 = arith.andi %get3A_138, %and3A_143 : vector<16xi32>
      %eq3A_145 = arith.constant 0 : i32
      %eq3A_146 = vector.broadcast %eq3A_145 : i32 to vector<16xi32>
      %eq3A_147 = arith.cmpi eq, %iota3A, %eq3A_146 : vector<16xi32>
      tpu.vector_store_idx %arg8[%shift_right_logical3A_141, %and3A_144], %broadcast_in_dim3A_5 masked %eq3A_147 {add = true} : memref<80x128xf32, #tpu.memory_space<vmem>>[vector<16xi32>, vector<16xi32>], vector<16xf32>, vector<16xi1>
      %eq3A_148 = arith.constant 1 : i32
      %eq3A_149 = vector.broadcast %eq3A_148 : i32 to vector<16xi32>
      %eq3A_150 = arith.cmpi eq, %iota3A, %eq3A_149 : vector<16xi32>
      tpu.vector_store_idx %arg8[%shift_right_logical3A_141, %and3A_144], %broadcast_in_dim3A_5 masked %eq3A_150 {add = true} : memref<80x128xf32, #tpu.memory_space<vmem>>[vector<16xi32>, vector<16xi32>], vector<16xf32>, vector<16xi1>
      %eq3A_151 = arith.constant 2 : i32
      %eq3A_152 = vector.broadcast %eq3A_151 : i32 to vector<16xi32>
      %eq3A_153 = arith.cmpi eq, %iota3A, %eq3A_152 : vector<16xi32>
      tpu.vector_store_idx %arg8[%shift_right_logical3A_141, %and3A_144], %broadcast_in_dim3A_5 masked %eq3A_153 {add = true} : memref<80x128xf32, #tpu.memory_space<vmem>>[vector<16xi32>, vector<16xi32>], vector<16xf32>, vector<16xi1>
      %eq3A_154 = arith.constant 3 : i32
      %eq3A_155 = vector.broadcast %eq3A_154 : i32 to vector<16xi32>
      %eq3A_156 = arith.cmpi eq, %iota3A, %eq3A_155 : vector<16xi32>
      tpu.vector_store_idx %arg8[%shift_right_logical3A_141, %and3A_144], %broadcast_in_dim3A_5 masked %eq3A_156 {add = true} : memref<80x128xf32, #tpu.memory_space<vmem>>[vector<16xi32>, vector<16xi32>], vector<16xf32>, vector<16xi1>
      %eq3A_157 = arith.constant 4 : i32
      %eq3A_158 = vector.broadcast %eq3A_157 : i32 to vector<16xi32>
      %eq3A_159 = arith.cmpi eq, %iota3A, %eq3A_158 : vector<16xi32>
      tpu.vector_store_idx %arg8[%shift_right_logical3A_141, %and3A_144], %broadcast_in_dim3A_5 masked %eq3A_159 {add = true} : memref<80x128xf32, #tpu.memory_space<vmem>>[vector<16xi32>, vector<16xi32>], vector<16xf32>, vector<16xi1>
      %eq3A_160 = arith.constant 5 : i32
      %eq3A_161 = vector.broadcast %eq3A_160 : i32 to vector<16xi32>
      %eq3A_162 = arith.cmpi eq, %iota3A, %eq3A_161 : vector<16xi32>
      tpu.vector_store_idx %arg8[%shift_right_logical3A_141, %and3A_144], %broadcast_in_dim3A_5 masked %eq3A_162 {add = true} : memref<80x128xf32, #tpu.memory_space<vmem>>[vector<16xi32>, vector<16xi32>], vector<16xf32>, vector<16xi1>
      %eq3A_163 = arith.constant 6 : i32
      %eq3A_164 = vector.broadcast %eq3A_163 : i32 to vector<16xi32>
      %eq3A_165 = arith.cmpi eq, %iota3A, %eq3A_164 : vector<16xi32>
      tpu.vector_store_idx %arg8[%shift_right_logical3A_141, %and3A_144], %broadcast_in_dim3A_5 masked %eq3A_165 {add = true} : memref<80x128xf32, #tpu.memory_space<vmem>>[vector<16xi32>, vector<16xi32>], vector<16xf32>, vector<16xi1>
      %eq3A_166 = arith.constant 7 : i32
      %eq3A_167 = vector.broadcast %eq3A_166 : i32 to vector<16xi32>
      %eq3A_168 = arith.cmpi eq, %iota3A, %eq3A_167 : vector<16xi32>
      tpu.vector_store_idx %arg8[%shift_right_logical3A_141, %and3A_144], %broadcast_in_dim3A_5 masked %eq3A_168 {add = true} : memref<80x128xf32, #tpu.memory_space<vmem>>[vector<16xi32>, vector<16xi32>], vector<16xf32>, vector<16xi1>
      %eq3A_169 = arith.constant 8 : i32
      %eq3A_170 = vector.broadcast %eq3A_169 : i32 to vector<16xi32>
      %eq3A_171 = arith.cmpi eq, %iota3A, %eq3A_170 : vector<16xi32>
      tpu.vector_store_idx %arg8[%shift_right_logical3A_141, %and3A_144], %broadcast_in_dim3A_5 masked %eq3A_171 {add = true} : memref<80x128xf32, #tpu.memory_space<vmem>>[vector<16xi32>, vector<16xi32>], vector<16xf32>, vector<16xi1>
      %eq3A_172 = arith.constant 9 : i32
      %eq3A_173 = vector.broadcast %eq3A_172 : i32 to vector<16xi32>
      %eq3A_174 = arith.cmpi eq, %iota3A, %eq3A_173 : vector<16xi32>
      tpu.vector_store_idx %arg8[%shift_right_logical3A_141, %and3A_144], %broadcast_in_dim3A_5 masked %eq3A_174 {add = true} : memref<80x128xf32, #tpu.memory_space<vmem>>[vector<16xi32>, vector<16xi32>], vector<16xf32>, vector<16xi1>
      %eq3A_175 = arith.constant 10 : i32
      %eq3A_176 = vector.broadcast %eq3A_175 : i32 to vector<16xi32>
      %eq3A_177 = arith.cmpi eq, %iota3A, %eq3A_176 : vector<16xi32>
      tpu.vector_store_idx %arg8[%shift_right_logical3A_141, %and3A_144], %broadcast_in_dim3A_5 masked %eq3A_177 {add = true} : memref<80x128xf32, #tpu.memory_space<vmem>>[vector<16xi32>, vector<16xi32>], vector<16xf32>, vector<16xi1>
      %eq3A_178 = arith.constant 11 : i32
      %eq3A_179 = vector.broadcast %eq3A_178 : i32 to vector<16xi32>
      %eq3A_180 = arith.cmpi eq, %iota3A, %eq3A_179 : vector<16xi32>
      tpu.vector_store_idx %arg8[%shift_right_logical3A_141, %and3A_144], %broadcast_in_dim3A_5 masked %eq3A_180 {add = true} : memref<80x128xf32, #tpu.memory_space<vmem>>[vector<16xi32>, vector<16xi32>], vector<16xf32>, vector<16xi1>
      %eq3A_181 = arith.constant 12 : i32
      %eq3A_182 = vector.broadcast %eq3A_181 : i32 to vector<16xi32>
      %eq3A_183 = arith.cmpi eq, %iota3A, %eq3A_182 : vector<16xi32>
      tpu.vector_store_idx %arg8[%shift_right_logical3A_141, %and3A_144], %broadcast_in_dim3A_5 masked %eq3A_183 {add = true} : memref<80x128xf32, #tpu.memory_space<vmem>>[vector<16xi32>, vector<16xi32>], vector<16xf32>, vector<16xi1>
      %eq3A_184 = arith.constant 13 : i32
      %eq3A_185 = vector.broadcast %eq3A_184 : i32 to vector<16xi32>
      %eq3A_186 = arith.cmpi eq, %iota3A, %eq3A_185 : vector<16xi32>
      tpu.vector_store_idx %arg8[%shift_right_logical3A_141, %and3A_144], %broadcast_in_dim3A_5 masked %eq3A_186 {add = true} : memref<80x128xf32, #tpu.memory_space<vmem>>[vector<16xi32>, vector<16xi32>], vector<16xf32>, vector<16xi1>
      %eq3A_187 = arith.constant 14 : i32
      %eq3A_188 = vector.broadcast %eq3A_187 : i32 to vector<16xi32>
      %eq3A_189 = arith.cmpi eq, %iota3A, %eq3A_188 : vector<16xi32>
      tpu.vector_store_idx %arg8[%shift_right_logical3A_141, %and3A_144], %broadcast_in_dim3A_5 masked %eq3A_189 {add = true} : memref<80x128xf32, #tpu.memory_space<vmem>>[vector<16xi32>, vector<16xi32>], vector<16xf32>, vector<16xi1>
      %eq3A_190 = arith.constant 15 : i32
      %eq3A_191 = vector.broadcast %eq3A_190 : i32 to vector<16xi32>
      %eq3A_192 = arith.cmpi eq, %iota3A, %eq3A_191 : vector<16xi32>
      tpu.vector_store_idx %arg8[%shift_right_logical3A_141, %and3A_144], %broadcast_in_dim3A_5 masked %eq3A_192 {add = true} : memref<80x128xf32, #tpu.memory_space<vmem>>[vector<16xi32>, vector<16xi32>], vector<16xf32>, vector<16xi1>
      %add3A_193 = arith.constant 48 : i32
      %add3A_194 = arith.addi %multiple_of3A_22, %add3A_193 : i32
      %get3A_195 = arith.index_cast %add3A_194 : i32 to index
      %get3A_196 = tpu.vector_load %arg6[%get3A_195] {strides = array<i32>} : memref<10000xi32, #tpu.memory_space<vmem>>, vector<16xi32>,
      %shift_right_logical3A_197 = arith.constant 7 : i32
      %shift_right_logical3A_198 = vector.broadcast %shift_right_logical3A_197 : i32 to vector<16xi32>
      %shift_right_logical3A_199 = arith.shrui %get3A_196, %shift_right_logical3A_198 : vector<16xi32>
      %and3A_200 = arith.constant 127 : i32
      %and3A_201 = vector.broadcast %and3A_200 : i32 to vector<16xi32>
      %and3A_202 = arith.andi %get3A_196, %and3A_201 : vector<16xi32>
      %eq3A_203 = arith.constant 0 : i32
      %eq3A_204 = vector.broadcast %eq3A_203 : i32 to vector<16xi32>
      %eq3A_205 = arith.cmpi eq, %iota3A, %eq3A_204 : vector<16xi32>
      tpu.vector_store_idx %arg8[%shift_right_logical3A_199, %and3A_202], %broadcast_in_dim3A_5 masked %eq3A_205 {add = true} : memref<80x128xf32, #tpu.memory_space<vmem>>[vector<16xi32>, vector<16xi32>], vector<16xf32>, vector<16xi1>
      %eq3A_206 = arith.constant 1 : i32
      %eq3A_207 = vector.broadcast %eq3A_206 : i32 to vector<16xi32>
      %eq3A_208 = arith.cmpi eq, %iota3A, %eq3A_207 : vector<16xi32>
      tpu.vector_store_idx %arg8[%shift_right_logical3A_199, %and3A_202], %broadcast_in_dim3A_5 masked %eq3A_208 {add = true} : memref<80x128xf32, #tpu.memory_space<vmem>>[vector<16xi32>, vector<16xi32>], vector<16xf32>, vector<16xi1>
      %eq3A_209 = arith.constant 2 : i32
      %eq3A_210 = vector.broadcast %eq3A_209 : i32 to vector<16xi32>
      %eq3A_211 = arith.cmpi eq, %iota3A, %eq3A_210 : vector<16xi32>
      tpu.vector_store_idx %arg8[%shift_right_logical3A_199, %and3A_202], %broadcast_in_dim3A_5 masked %eq3A_211 {add = true} : memref<80x128xf32, #tpu.memory_space<vmem>>[vector<16xi32>, vector<16xi32>], vector<16xf32>, vector<16xi1>
      %eq3A_212 = arith.constant 3 : i32
      %eq3A_213 = vector.broadcast %eq3A_212 : i32 to vector<16xi32>
      %eq3A_214 = arith.cmpi eq, %iota3A, %eq3A_213 : vector<16xi32>
      tpu.vector_store_idx %arg8[%shift_right_logical3A_199, %and3A_202], %broadcast_in_dim3A_5 masked %eq3A_214 {add = true} : memref<80x128xf32, #tpu.memory_space<vmem>>[vector<16xi32>, vector<16xi32>], vector<16xf32>, vector<16xi1>
      %eq3A_215 = arith.constant 4 : i32
      %eq3A_216 = vector.broadcast %eq3A_215 : i32 to vector<16xi32>
      %eq3A_217 = arith.cmpi eq, %iota3A, %eq3A_216 : vector<16xi32>
      tpu.vector_store_idx %arg8[%shift_right_logical3A_199, %and3A_202], %broadcast_in_dim3A_5 masked %eq3A_217 {add = true} : memref<80x128xf32, #tpu.memory_space<vmem>>[vector<16xi32>, vector<16xi32>], vector<16xf32>, vector<16xi1>
      %eq3A_218 = arith.constant 5 : i32
      %eq3A_219 = vector.broadcast %eq3A_218 : i32 to vector<16xi32>
      %eq3A_220 = arith.cmpi eq, %iota3A, %eq3A_219 : vector<16xi32>
      tpu.vector_store_idx %arg8[%shift_right_logical3A_199, %and3A_202], %broadcast_in_dim3A_5 masked %eq3A_220 {add = true} : memref<80x128xf32, #tpu.memory_space<vmem>>[vector<16xi32>, vector<16xi32>], vector<16xf32>, vector<16xi1>
      %eq3A_221 = arith.constant 6 : i32
      %eq3A_222 = vector.broadcast %eq3A_221 : i32 to vector<16xi32>
      %eq3A_223 = arith.cmpi eq, %iota3A, %eq3A_222 : vector<16xi32>
      tpu.vector_store_idx %arg8[%shift_right_logical3A_199, %and3A_202], %broadcast_in_dim3A_5 masked %eq3A_223 {add = true} : memref<80x128xf32, #tpu.memory_space<vmem>>[vector<16xi32>, vector<16xi32>], vector<16xf32>, vector<16xi1>
      %eq3A_224 = arith.constant 7 : i32
      %eq3A_225 = vector.broadcast %eq3A_224 : i32 to vector<16xi32>
      %eq3A_226 = arith.cmpi eq, %iota3A, %eq3A_225 : vector<16xi32>
      tpu.vector_store_idx %arg8[%shift_right_logical3A_199, %and3A_202], %broadcast_in_dim3A_5 masked %eq3A_226 {add = true} : memref<80x128xf32, #tpu.memory_space<vmem>>[vector<16xi32>, vector<16xi32>], vector<16xf32>, vector<16xi1>
      %eq3A_227 = arith.constant 8 : i32
      %eq3A_228 = vector.broadcast %eq3A_227 : i32 to vector<16xi32>
      %eq3A_229 = arith.cmpi eq, %iota3A, %eq3A_228 : vector<16xi32>
      tpu.vector_store_idx %arg8[%shift_right_logical3A_199, %and3A_202], %broadcast_in_dim3A_5 masked %eq3A_229 {add = true} : memref<80x128xf32, #tpu.memory_space<vmem>>[vector<16xi32>, vector<16xi32>], vector<16xf32>, vector<16xi1>
      %eq3A_230 = arith.constant 9 : i32
      %eq3A_231 = vector.broadcast %eq3A_230 : i32 to vector<16xi32>
      %eq3A_232 = arith.cmpi eq, %iota3A, %eq3A_231 : vector<16xi32>
      tpu.vector_store_idx %arg8[%shift_right_logical3A_199, %and3A_202], %broadcast_in_dim3A_5 masked %eq3A_232 {add = true} : memref<80x128xf32, #tpu.memory_space<vmem>>[vector<16xi32>, vector<16xi32>], vector<16xf32>, vector<16xi1>
      %eq3A_233 = arith.constant 10 : i32
      %eq3A_234 = vector.broadcast %eq3A_233 : i32 to vector<16xi32>
      %eq3A_235 = arith.cmpi eq, %iota3A, %eq3A_234 : vector<16xi32>
      tpu.vector_store_idx %arg8[%shift_right_logical3A_199, %and3A_202], %broadcast_in_dim3A_5 masked %eq3A_235 {add = true} : memref<80x128xf32, #tpu.memory_space<vmem>>[vector<16xi32>, vector<16xi32>], vector<16xf32>, vector<16xi1>
      %eq3A_236 = arith.constant 11 : i32
      %eq3A_237 = vector.broadcast %eq3A_236 : i32 to vector<16xi32>
      %eq3A_238 = arith.cmpi eq, %iota3A, %eq3A_237 : vector<16xi32>
      tpu.vector_store_idx %arg8[%shift_right_logical3A_199, %and3A_202], %broadcast_in_dim3A_5 masked %eq3A_238 {add = true} : memref<80x128xf32, #tpu.memory_space<vmem>>[vector<16xi32>, vector<16xi32>], vector<16xf32>, vector<16xi1>
      %eq3A_239 = arith.constant 12 : i32
      %eq3A_240 = vector.broadcast %eq3A_239 : i32 to vector<16xi32>
      %eq3A_241 = arith.cmpi eq, %iota3A, %eq3A_240 : vector<16xi32>
      tpu.vector_store_idx %arg8[%shift_right_logical3A_199, %and3A_202], %broadcast_in_dim3A_5 masked %eq3A_241 {add = true} : memref<80x128xf32, #tpu.memory_space<vmem>>[vector<16xi32>, vector<16xi32>], vector<16xf32>, vector<16xi1>
      %eq3A_242 = arith.constant 13 : i32
      %eq3A_243 = vector.broadcast %eq3A_242 : i32 to vector<16xi32>
      %eq3A_244 = arith.cmpi eq, %iota3A, %eq3A_243 : vector<16xi32>
      tpu.vector_store_idx %arg8[%shift_right_logical3A_199, %and3A_202], %broadcast_in_dim3A_5 masked %eq3A_244 {add = true} : memref<80x128xf32, #tpu.memory_space<vmem>>[vector<16xi32>, vector<16xi32>], vector<16xf32>, vector<16xi1>
      %eq3A_245 = arith.constant 14 : i32
      %eq3A_246 = vector.broadcast %eq3A_245 : i32 to vector<16xi32>
      %eq3A_247 = arith.cmpi eq, %iota3A, %eq3A_246 : vector<16xi32>
      tpu.vector_store_idx %arg8[%shift_right_logical3A_199, %and3A_202], %broadcast_in_dim3A_5 masked %eq3A_247 {add = true} : memref<80x128xf32, #tpu.memory_space<vmem>>[vector<16xi32>, vector<16xi32>], vector<16xf32>, vector<16xi1>
      %eq3A_248 = arith.constant 15 : i32
      %eq3A_249 = vector.broadcast %eq3A_248 : i32 to vector<16xi32>
      %eq3A_250 = arith.cmpi eq, %iota3A, %eq3A_249 : vector<16xi32>
      tpu.vector_store_idx %arg8[%shift_right_logical3A_199, %and3A_202], %broadcast_in_dim3A_5 masked %eq3A_250 {add = true} : memref<80x128xf32, #tpu.memory_space<vmem>>[vector<16xi32>, vector<16xi32>], vector<16xf32>, vector<16xi1>
      %add3A_251 = arith.constant 64 : i32
      %add3A_252 = arith.addi %multiple_of3A_22, %add3A_251 : i32
      %get3A_253 = arith.index_cast %add3A_252 : i32 to index
      %get3A_254 = tpu.vector_load %arg6[%get3A_253] {strides = array<i32>} : memref<10000xi32, #tpu.memory_space<vmem>>, vector<16xi32>,
      %shift_right_logical3A_255 = arith.constant 7 : i32
      %shift_right_logical3A_256 = vector.broadcast %shift_right_logical3A_255 : i32 to vector<16xi32>
      %shift_right_logical3A_257 = arith.shrui %get3A_254, %shift_right_logical3A_256 : vector<16xi32>
      %and3A_258 = arith.constant 127 : i32
      %and3A_259 = vector.broadcast %and3A_258 : i32 to vector<16xi32>
      %and3A_260 = arith.andi %get3A_254, %and3A_259 : vector<16xi32>
      %eq3A_261 = arith.constant 0 : i32
      %eq3A_262 = vector.broadcast %eq3A_261 : i32 to vector<16xi32>
      %eq3A_263 = arith.cmpi eq, %iota3A, %eq3A_262 : vector<16xi32>
      tpu.vector_store_idx %arg8[%shift_right_logical3A_257, %and3A_260], %broadcast_in_dim3A_5 masked %eq3A_263 {add = true} : memref<80x128xf32, #tpu.memory_space<vmem>>[vector<16xi32>, vector<16xi32>], vector<16xf32>, vector<16xi1>
      %eq3A_264 = arith.constant 1 : i32
      %eq3A_265 = vector.broadcast %eq3A_264 : i32 to vector<16xi32>
      %eq3A_266 = arith.cmpi eq, %iota3A, %eq3A_265 : vector<16xi32>
      tpu.vector_store_idx %arg8[%shift_right_logical3A_257, %and3A_260], %broadcast_in_dim3A_5 masked %eq3A_266 {add = true} : memref<80x128xf32, #tpu.memory_space<vmem>>[vector<16xi32>, vector<16xi32>], vector<16xf32>, vector<16xi1>
      %eq3A_267 = arith.constant 2 : i32
      %eq3A_268 = vector.broadcast %eq3A_267 : i32 to vector<16xi32>
      %eq3A_269 = arith.cmpi eq, %iota3A, %eq3A_268 : vector<16xi32>
      tpu.vector_store_idx %arg8[%shift_right_logical3A_257, %and3A_260], %broadcast_in_dim3A_5 masked %eq3A_269 {add = true} : memref<80x128xf32, #tpu.memory_space<vmem>>[vector<16xi32>, vector<16xi32>], vector<16xf32>, vector<16xi1>
      %eq3A_270 = arith.constant 3 : i32
      %eq3A_271 = vector.broadcast %eq3A_270 : i32 to vector<16xi32>
      %eq3A_272 = arith.cmpi eq, %iota3A, %eq3A_271 : vector<16xi32>
      tpu.vector_store_idx %arg8[%shift_right_logical3A_257, %and3A_260], %broadcast_in_dim3A_5 masked %eq3A_272 {add = true} : memref<80x128xf32, #tpu.memory_space<vmem>>[vector<16xi32>, vector<16xi32>], vector<16xf32>, vector<16xi1>
      %eq3A_273 = arith.constant 4 : i32
      %eq3A_274 = vector.broadcast %eq3A_273 : i32 to vector<16xi32>
      %eq3A_275 = arith.cmpi eq, %iota3A, %eq3A_274 : vector<16xi32>
      tpu.vector_store_idx %arg8[%shift_right_logical3A_257, %and3A_260], %broadcast_in_dim3A_5 masked %eq3A_275 {add = true} : memref<80x128xf32, #tpu.memory_space<vmem>>[vector<16xi32>, vector<16xi32>], vector<16xf32>, vector<16xi1>
      %eq3A_276 = arith.constant 5 : i32
      %eq3A_277 = vector.broadcast %eq3A_276 : i32 to vector<16xi32>
      %eq3A_278 = arith.cmpi eq, %iota3A, %eq3A_277 : vector<16xi32>
      tpu.vector_store_idx %arg8[%shift_right_logical3A_257, %and3A_260], %broadcast_in_dim3A_5 masked %eq3A_278 {add = true} : memref<80x128xf32, #tpu.memory_space<vmem>>[vector<16xi32>, vector<16xi32>], vector<16xf32>, vector<16xi1>
      %eq3A_279 = arith.constant 6 : i32
      %eq3A_280 = vector.broadcast %eq3A_279 : i32 to vector<16xi32>
      %eq3A_281 = arith.cmpi eq, %iota3A, %eq3A_280 : vector<16xi32>
      tpu.vector_store_idx %arg8[%shift_right_logical3A_257, %and3A_260], %broadcast_in_dim3A_5 masked %eq3A_281 {add = true} : memref<80x128xf32, #tpu.memory_space<vmem>>[vector<16xi32>, vector<16xi32>], vector<16xf32>, vector<16xi1>
      %eq3A_282 = arith.constant 7 : i32
      %eq3A_283 = vector.broadcast %eq3A_282 : i32 to vector<16xi32>
      %eq3A_284 = arith.cmpi eq, %iota3A, %eq3A_283 : vector<16xi32>
      tpu.vector_store_idx %arg8[%shift_right_logical3A_257, %and3A_260], %broadcast_in_dim3A_5 masked %eq3A_284 {add = true} : memref<80x128xf32, #tpu.memory_space<vmem>>[vector<16xi32>, vector<16xi32>], vector<16xf32>, vector<16xi1>
      %eq3A_285 = arith.constant 8 : i32
      %eq3A_286 = vector.broadcast %eq3A_285 : i32 to vector<16xi32>
      %eq3A_287 = arith.cmpi eq, %iota3A, %eq3A_286 : vector<16xi32>
      tpu.vector_store_idx %arg8[%shift_right_logical3A_257, %and3A_260], %broadcast_in_dim3A_5 masked %eq3A_287 {add = true} : memref<80x128xf32, #tpu.memory_space<vmem>>[vector<16xi32>, vector<16xi32>], vector<16xf32>, vector<16xi1>
      %eq3A_288 = arith.constant 9 : i32
      %eq3A_289 = vector.broadcast %eq3A_288 : i32 to vector<16xi32>
      %eq3A_290 = arith.cmpi eq, %iota3A, %eq3A_289 : vector<16xi32>
      tpu.vector_store_idx %arg8[%shift_right_logical3A_257, %and3A_260], %broadcast_in_dim3A_5 masked %eq3A_290 {add = true} : memref<80x128xf32, #tpu.memory_space<vmem>>[vector<16xi32>, vector<16xi32>], vector<16xf32>, vector<16xi1>
      %eq3A_291 = arith.constant 10 : i32
      %eq3A_292 = vector.broadcast %eq3A_291 : i32 to vector<16xi32>
      %eq3A_293 = arith.cmpi eq, %iota3A, %eq3A_292 : vector<16xi32>
      tpu.vector_store_idx %arg8[%shift_right_logical3A_257, %and3A_260], %broadcast_in_dim3A_5 masked %eq3A_293 {add = true} : memref<80x128xf32, #tpu.memory_space<vmem>>[vector<16xi32>, vector<16xi32>], vector<16xf32>, vector<16xi1>
      %eq3A_294 = arith.constant 11 : i32
      %eq3A_295 = vector.broadcast %eq3A_294 : i32 to vector<16xi32>
      %eq3A_296 = arith.cmpi eq, %iota3A, %eq3A_295 : vector<16xi32>
      tpu.vector_store_idx %arg8[%shift_right_logical3A_257, %and3A_260], %broadcast_in_dim3A_5 masked %eq3A_296 {add = true} : memref<80x128xf32, #tpu.memory_space<vmem>>[vector<16xi32>, vector<16xi32>], vector<16xf32>, vector<16xi1>
      %eq3A_297 = arith.constant 12 : i32
      %eq3A_298 = vector.broadcast %eq3A_297 : i32 to vector<16xi32>
      %eq3A_299 = arith.cmpi eq, %iota3A, %eq3A_298 : vector<16xi32>
      tpu.vector_store_idx %arg8[%shift_right_logical3A_257, %and3A_260], %broadcast_in_dim3A_5 masked %eq3A_299 {add = true} : memref<80x128xf32, #tpu.memory_space<vmem>>[vector<16xi32>, vector<16xi32>], vector<16xf32>, vector<16xi1>
      %eq3A_300 = arith.constant 13 : i32
      %eq3A_301 = vector.broadcast %eq3A_300 : i32 to vector<16xi32>
      %eq3A_302 = arith.cmpi eq, %iota3A, %eq3A_301 : vector<16xi32>
      tpu.vector_store_idx %arg8[%shift_right_logical3A_257, %and3A_260], %broadcast_in_dim3A_5 masked %eq3A_302 {add = true} : memref<80x128xf32, #tpu.memory_space<vmem>>[vector<16xi32>, vector<16xi32>], vector<16xf32>, vector<16xi1>
      %eq3A_303 = arith.constant 14 : i32
      %eq3A_304 = vector.broadcast %eq3A_303 : i32 to vector<16xi32>
      %eq3A_305 = arith.cmpi eq, %iota3A, %eq3A_304 : vector<16xi32>
      tpu.vector_store_idx %arg8[%shift_right_logical3A_257, %and3A_260], %broadcast_in_dim3A_5 masked %eq3A_305 {add = true} : memref<80x128xf32, #tpu.memory_space<vmem>>[vector<16xi32>, vector<16xi32>], vector<16xf32>, vector<16xi1>
      %eq3A_306 = arith.constant 15 : i32
      %eq3A_307 = vector.broadcast %eq3A_306 : i32 to vector<16xi32>
      %eq3A_308 = arith.cmpi eq, %iota3A, %eq3A_307 : vector<16xi32>
      tpu.vector_store_idx %arg8[%shift_right_logical3A_257, %and3A_260], %broadcast_in_dim3A_5 masked %eq3A_308 {add = true} : memref<80x128xf32, #tpu.memory_space<vmem>>[vector<16xi32>, vector<16xi32>], vector<16xf32>, vector<16xi1>
      %scan3A_309 = arith.constant 0 : i32
      scf.yield %scan3A_309 : i32
    }
    %scan3A_11 = arith.constant 125 : i32
    "tpu.region"() ({
      %run_scoped3A = tpu.sem_alloc : memref<!tpu.dma_semaphore, #tpu.memory_space<semaphore_mem>>
      %dma_start3A = arith.constant 0 : i32
      %dma_start3A_18 = arith.constant 0 : i32
      %dma_start3A_19 = tpu.memref_slice %arg9[%dma_start3A, %dma_start3A_18] : memref<80x128xf32, #tpu.memory_space<vmem_shared>> -> memref<80x128xf32, #tpu.memory_space<vmem_shared>>
      tpu.enqueue_indirect_dma source(%arg8 : memref<80x128xf32, #tpu.memory_space<vmem>>) target(%dma_start3A_19 : memref<80x128xf32, #tpu.memory_space<vmem_shared>>) offsets(%arg7 : memref<80xi32, #tpu.memory_space<vmem>>) semaphore(%run_scoped3A : memref<!tpu.dma_semaphore, #tpu.memory_space<semaphore_mem>>) {add = true}
      %dma_wait3A = arith.constant 0 : i32
      %dma_wait3A_20 = arith.constant 0 : i32
      %dma_wait3A_21 = tpu.memref_slice %arg9[%dma_wait3A, %dma_wait3A_20] : memref<80x128xf32, #tpu.memory_space<vmem_shared>> -> memref<80x128xf32, #tpu.memory_space<vmem_shared>>
      tpu.wait_indirect_dma semaphore(%run_scoped3A : memref<!tpu.dma_semaphore, #tpu.memory_space<semaphore_mem>>) src(%arg8 : memref<80x128xf32, #tpu.memory_space<vmem>>) dst(%dma_wait3A_21 : memref<80x128xf32, #tpu.memory_space<vmem_shared>>)
      tpu.yield
    }) : () -> ()
    %barrier3A_12 = arith.constant 0 : index
    tpu.barrier barrier_id(%barrier3A_12)
    %lt3A_13 = arith.constant 10 : i32
    %lt3A_14 = arith.cmpi slt, %arg1, %lt3A_13 : i32
    %convert_element_type3A_15 = arith.extui %lt3A_14 : i1 to i32
    %cond3A_16 = arith.constant 0 : i32
    %cond3A_17 = arith.cmpi ne, %convert_element_type3A_15, %cond3A_16 : i32
    scf.if %cond3A_17 {
      %mul3A_18 = arith.constant 8 : i32
      %mul3A_19 = arith.muli %arg1, %mul3A_18 : i32
      %mul3A_20 = arith.constant 8 : i32
      %mul3A_21 = arith.muli %arg1, %mul3A_20 : i32
      "tpu.region"() ({
        %run_scoped3A = tpu.sem_alloc : memref<!tpu.dma_semaphore, #tpu.memory_space<semaphore_mem>>
        %dma_start3A = arith.constant 0 : i32
        %dma_start3A_22 = tpu.memref_slice %arg5[%arg0, %mul3A_21, %dma_start3A] : memref<2x80x128xf32, #tpu.memory_space<hbm>> -> memref<1x8x128xf32, #tpu.memory_space<hbm>>
        %dma_start3A_23 = tpu.memref_squeeze %dma_start3A_22 : memref<1x8x128xf32, #tpu.memory_space<hbm>> -> memref<8x128xf32, #tpu.memory_space<hbm>>
        %dma_start3A_24 = arith.constant 0 : i32
        %dma_start3A_25 = tpu.memref_slice %arg9[%mul3A_19, %dma_start3A_24] : memref<80x128xf32, #tpu.memory_space<vmem_shared>> -> memref<8x128xf32, #tpu.memory_space<vmem_shared>>
        tpu.enqueue_dma source(%dma_start3A_25 : memref<8x128xf32, #tpu.memory_space<vmem_shared>>) target(%dma_start3A_23 : memref<8x128xf32, #tpu.memory_space<hbm>>) target_semaphore(%run_scoped3A : memref<!tpu.dma_semaphore, #tpu.memory_space<semaphore_mem>>)
        %dma_wait3A = arith.constant 0 : i32
        %dma_wait3A_26 = tpu.memref_slice %arg5[%arg0, %mul3A_21, %dma_wait3A] : memref<2x80x128xf32, #tpu.memory_space<hbm>> -> memref<1x8x128xf32, #tpu.memory_space<hbm>>
        %dma_wait3A_27 = tpu.memref_squeeze %dma_wait3A_26 : memref<1x8x128xf32, #tpu.memory_space<hbm>> -> memref<8x128xf32, #tpu.memory_space<hbm>>
        %dma_wait3A_28 = arith.constant 0 : i32
        %dma_wait3A_29 = tpu.memref_slice %arg9[%mul3A_19, %dma_wait3A_28] : memref<80x128xf32, #tpu.memory_space<vmem_shared>> -> memref<8x128xf32, #tpu.memory_space<vmem_shared>>
        tpu.wait_dma2 semaphore(%run_scoped3A : memref<!tpu.dma_semaphore, #tpu.memory_space<semaphore_mem>>) src(%dma_wait3A_29 : memref<8x128xf32, #tpu.memory_space<vmem_shared>>) dst(%dma_wait3A_27 : memref<8x128xf32, #tpu.memory_space<hbm>>)
        tpu.yield
      }) : () -> ()
    } else {
    }
    return
  }
}

#map = affine_map<(d0, d1) -> (0, 0)>
#map1 = affine_map<(d0, d1) -> (0)>
#map2 = affine_map<(d0, d1) -> (0, 0, 0)>
module attributes {stable_mosaic.version = 14 : i64} {
  func.func @_prop(%arg0: i32, %arg1: i32, %arg2: memref<10240x128xf32, #tpu.memory_space<hbm>>, %arg3: memref<320000xi32, #tpu.memory_space<hbm>>, %arg4: memref<320000xi32, #tpu.memory_space<hbm>>, %arg5: memref<10240x128xf32, #tpu.memory_space<hbm>>, %arg6: memref<2x10240x128xf32, #tpu.memory_space<hbm>>, %arg7: memref<10000xi32, #tpu.memory_space<vmem>>, %arg8: memref<40xi32, #tpu.memory_space<vmem>>, %arg9: memref<40xi32, #tpu.memory_space<vmem>>, %arg10: memref<40xi32, #tpu.memory_space<vmem>>, %arg11: memref<40xi32, #tpu.memory_space<vmem>>, %arg12: memref<40xi32, #tpu.memory_space<vmem>>, %arg13: memref<40x128xf32, #tpu.memory_space<vmem>>, %arg14: memref<40x128xf32, #tpu.memory_space<vmem>>, %arg15: memref<40x128xf32, #tpu.memory_space<vmem>>, %arg16: memref<40x128xf32, #tpu.memory_space<vmem>>, %arg17: memref<40x128xf32, #tpu.memory_space<vmem>>, %arg18: memref<!tpu.dma_semaphore, #tpu.memory_space<semaphore_mem>>, %arg19: memref<!tpu.dma_semaphore, #tpu.memory_space<semaphore_mem>>, %arg20: memref<!tpu.dma_semaphore, #tpu.memory_space<semaphore_mem>>, %arg21: memref<!tpu.dma_semaphore, #tpu.memory_space<semaphore_mem>>, %arg22: memref<!tpu.dma_semaphore, #tpu.memory_space<semaphore_mem>>, %arg23: memref<!tpu.dma_semaphore, #tpu.memory_space<semaphore_mem>>, %arg24: memref<!tpu.dma_semaphore, #tpu.memory_space<semaphore_mem>>, %arg25: memref<!tpu.dma_semaphore, #tpu.memory_space<semaphore_mem>>, %arg26: memref<!tpu.dma_semaphore, #tpu.memory_space<semaphore_mem>>, %arg27: memref<!tpu.dma_semaphore, #tpu.memory_space<semaphore_mem>>, %arg28: memref<!tpu.dma_semaphore, #tpu.memory_space<semaphore_mem>>, %arg29: memref<!tpu.dma_semaphore, #tpu.memory_space<semaphore_mem>>, %arg30: memref<!tpu.dma_semaphore, #tpu.memory_space<semaphore_mem>>, %arg31: memref<!tpu.dma_semaphore, #tpu.memory_space<semaphore_mem>>, %arg32: memref<!tpu.dma_semaphore, #tpu.memory_space<semaphore_mem>>, %arg33: memref<10240x128xf32, #tpu.memory_space<vmem_shared>>) attributes {dimension_semantics = [#tpu.dimension_semantics<core_parallel>, #tpu.dimension_semantics<subcore_parallel>], iteration_bounds = array<i64: 2, 16>, scalar_prefetch = 0 : i64, scratch_operands = 27 : i64, tpu.core_type = #tpu.core_type<sc_vector_subcore>, window_params = [{transform_indices = #map}, {transform_indices = #map1}, {transform_indices = #map1}, {transform_indices = #map}, {transform_indices = #map2}]} {
    %mul3A = arith.constant 16 : i32
    %mul3A_0 = arith.muli %arg0, %mul3A : i32
    %add3A = arith.addi %mul3A_0, %arg1 : i32
    %mul3A_1 = arith.constant 10000 : i32
    %mul3A_2 = arith.muli %add3A, %mul3A_1 : i32
    %multiple_of3A = tpu.assume_multiple %mul3A_2, 8 : i32
    %mul3A_3 = arith.constant 640 : i32
    %mul3A_4 = arith.muli %arg1, %mul3A_3 : i32
    %mul3A_5 = arith.constant 640 : i32
    %mul3A_6 = arith.muli %arg1, %mul3A_5 : i32
    "tpu.region"() ({
      %run_scoped3A = tpu.sem_alloc : memref<!tpu.dma_semaphore, #tpu.memory_space<semaphore_mem>>
      %dma_start3A_42 = arith.constant 0 : i32
      %dma_start3A_43 = tpu.memref_slice %arg33[%mul3A_6, %dma_start3A_42] : memref<10240x128xf32, #tpu.memory_space<vmem_shared>> -> memref<640x128xf32, #tpu.memory_space<vmem_shared>>
      %dma_start3A_44 = arith.constant 0 : i32
      %dma_start3A_45 = tpu.memref_slice %arg5[%mul3A_4, %dma_start3A_44] : memref<10240x128xf32, #tpu.memory_space<hbm>> -> memref<640x128xf32, #tpu.memory_space<hbm>>
      tpu.enqueue_dma source(%dma_start3A_45 : memref<640x128xf32, #tpu.memory_space<hbm>>) target(%dma_start3A_43 : memref<640x128xf32, #tpu.memory_space<vmem_shared>>) target_semaphore(%run_scoped3A : memref<!tpu.dma_semaphore, #tpu.memory_space<semaphore_mem>>)
      %dma_wait3A_46 = arith.constant 0 : i32
      %dma_wait3A_47 = tpu.memref_slice %arg33[%mul3A_6, %dma_wait3A_46] : memref<10240x128xf32, #tpu.memory_space<vmem_shared>> -> memref<640x128xf32, #tpu.memory_space<vmem_shared>>
      %dma_wait3A_48 = arith.constant 0 : i32
      %dma_wait3A_49 = tpu.memref_slice %arg5[%mul3A_4, %dma_wait3A_48] : memref<10240x128xf32, #tpu.memory_space<hbm>> -> memref<640x128xf32, #tpu.memory_space<hbm>>
      tpu.wait_dma2 semaphore(%run_scoped3A : memref<!tpu.dma_semaphore, #tpu.memory_space<semaphore_mem>>) src(%dma_wait3A_49 : memref<640x128xf32, #tpu.memory_space<hbm>>) dst(%dma_wait3A_47 : memref<640x128xf32, #tpu.memory_space<vmem_shared>>)
      tpu.yield
    }) : () -> ()
    "tpu.region"() ({
      %run_scoped3A = tpu.sem_alloc : memref<!tpu.dma_semaphore, #tpu.memory_space<semaphore_mem>>
      %dma_start3A_42 = tpu.memref_slice %arg3[%multiple_of3A] : memref<320000xi32, #tpu.memory_space<hbm>> -> memref<10000xi32, #tpu.memory_space<hbm>>
      %dma_start3A_43 = tpu.memref_slice %arg3[%multiple_of3A] : memref<320000xi32, #tpu.memory_space<hbm>> -> memref<10000xi32, #tpu.memory_space<hbm>>
      tpu.enqueue_dma source(%dma_start3A_43 : memref<10000xi32, #tpu.memory_space<hbm>>) target(%arg7 : memref<10000xi32, #tpu.memory_space<vmem>>) target_semaphore(%run_scoped3A : memref<!tpu.dma_semaphore, #tpu.memory_space<semaphore_mem>>)
      %dma_wait3A_44 = tpu.memref_slice %arg3[%multiple_of3A] : memref<320000xi32, #tpu.memory_space<hbm>> -> memref<10000xi32, #tpu.memory_space<hbm>>
      %dma_wait3A_45 = tpu.memref_slice %arg3[%multiple_of3A] : memref<320000xi32, #tpu.memory_space<hbm>> -> memref<10000xi32, #tpu.memory_space<hbm>>
      tpu.wait_dma2 semaphore(%run_scoped3A : memref<!tpu.dma_semaphore, #tpu.memory_space<semaphore_mem>>) src(%dma_wait3A_45 : memref<10000xi32, #tpu.memory_space<hbm>>) dst(%arg7 : memref<10000xi32, #tpu.memory_space<vmem>>)
      tpu.yield
    }) : () -> ()
    %barrier3A = arith.constant 0 : index
    tpu.barrier barrier_id(%barrier3A)
    %add3A_7 = arith.constant 0 : i32
    %add3A_8 = arith.addi %multiple_of3A, %add3A_7 : i32
    %multiple_of3A_9 = tpu.assume_multiple %add3A_8, 8 : i32
    %multiple_of3A_10 = arith.constant 0 : i32
    %multiple_of3A_11 = tpu.assume_multiple %multiple_of3A_10, 8 : i32
    %dma_start3A = tpu.memref_slice %arg4[%multiple_of3A_9] : memref<320000xi32, #tpu.memory_space<hbm>> -> memref<40xi32, #tpu.memory_space<hbm>>
    %dma_start3A_12 = tpu.memref_slice %arg4[%multiple_of3A_9] : memref<320000xi32, #tpu.memory_space<hbm>> -> memref<40xi32, #tpu.memory_space<hbm>>
    tpu.enqueue_dma source(%dma_start3A_12 : memref<40xi32, #tpu.memory_space<hbm>>) target(%arg8 : memref<40xi32, #tpu.memory_space<vmem>>) target_semaphore(%arg18 : memref<!tpu.dma_semaphore, #tpu.memory_space<semaphore_mem>>)
    %dma_start3A_13 = tpu.memref_slice %arg7[%multiple_of3A_11] : memref<10000xi32, #tpu.memory_space<vmem>> -> memref<40xi32, #tpu.memory_space<vmem>>
    %dma_start3A_14 = arith.constant 0 : i32
    %dma_start3A_15 = arith.constant 0 : i32
    %dma_start3A_16 = tpu.memref_slice %arg2[%dma_start3A_14, %dma_start3A_15] : memref<10240x128xf32, #tpu.memory_space<hbm>> -> memref<10240x128xf32, #tpu.memory_space<hbm>>
    tpu.enqueue_indirect_dma source(%dma_start3A_16 : memref<10240x128xf32, #tpu.memory_space<hbm>>) target(%arg13 : memref<40x128xf32, #tpu.memory_space<vmem>>) offsets(%dma_start3A_13 : memref<40xi32, #tpu.memory_space<vmem>>) semaphore(%arg23 : memref<!tpu.dma_semaphore, #tpu.memory_space<semaphore_mem>>)
    %scan3A = arith.constant 0 : i32
    %scan3A_17 = arith.constant 0 : i32
    %scan3A_18 = arith.constant 50 : i32
    %scan3A_19 = arith.addi %scan3A_17, %scan3A_18 : i32
    %scan3A_20 = arith.constant 1 : i32
    %scan3A_21 = scf.for %scan3A_42 = %scan3A_17 to %scan3A_19 step %scan3A_20 iter_args(%scan3A_43 = %scan3A) -> (i32)  : i32 {
      %mul3A_44 = arith.constant 5 : i32
      %mul3A_45 = arith.muli %scan3A_42, %mul3A_44 : i32
      %add3A_46 = arith.constant 0 : i32
      %add3A_47 = arith.addi %mul3A_45, %add3A_46 : i32
      %add3A_48 = arith.constant 1 : i32
      %add3A_49 = arith.addi %add3A_47, %add3A_48 : i32
      %lt3A = arith.constant 250 : i32
      %lt3A_50 = arith.cmpi slt, %add3A_49, %lt3A : i32
      %convert_element_type3A = arith.extui %lt3A_50 : i1 to i32
      %cond3A = arith.constant 0 : i32
      %cond3A_51 = arith.cmpi ne, %convert_element_type3A, %cond3A : i32
      scf.if %cond3A_51 {
        %add3A_177 = arith.constant 1 : i32
        %add3A_178 = arith.addi %add3A_47, %add3A_177 : i32
        %ge3A = arith.constant 5 : i32
        %ge3A_179 = arith.cmpi sge, %add3A_178, %ge3A : i32
        %convert_element_type3A_180 = arith.extui %ge3A_179 : i1 to i32
        %cond3A_181 = arith.constant 0 : i32
        %cond3A_182 = arith.cmpi ne, %convert_element_type3A_180, %cond3A_181 : i32
        scf.if %cond3A_182 {
          %dma_wait3A_198 = arith.constant 0 : i32
          %dma_wait3A_199 = arith.constant 0 : i32
          %dma_wait3A_200 = tpu.memref_slice %arg33[%dma_wait3A_198, %dma_wait3A_199] : memref<10240x128xf32, #tpu.memory_space<vmem_shared>> -> memref<10240x128xf32, #tpu.memory_space<vmem_shared>>
          tpu.wait_indirect_dma semaphore(%arg29 : memref<!tpu.dma_semaphore, #tpu.memory_space<semaphore_mem>>) src(%arg14 : memref<40x128xf32, #tpu.memory_space<vmem>>) dst(%dma_wait3A_200 : memref<10240x128xf32, #tpu.memory_space<vmem_shared>>)
        } else {
        }
        %add3A_183 = arith.constant 1 : i32
        %add3A_184 = arith.addi %add3A_47, %add3A_183 : i32
        %mul3A_185 = arith.constant 40 : i32
        %mul3A_186 = arith.muli %add3A_184, %mul3A_185 : i32
        %add3A_187 = arith.addi %multiple_of3A, %mul3A_186 : i32
        %multiple_of3A_188 = tpu.assume_multiple %add3A_187, 8 : i32
        %mul3A_189 = arith.constant 40 : i32
        %mul3A_190 = arith.muli %add3A_184, %mul3A_189 : i32
        %multiple_of3A_191 = tpu.assume_multiple %mul3A_190, 8 : i32
        %dma_start3A_192 = tpu.memref_slice %arg4[%multiple_of3A_188] : memref<320000xi32, #tpu.memory_space<hbm>> -> memref<40xi32, #tpu.memory_space<hbm>>
        %dma_start3A_193 = tpu.memref_slice %arg4[%multiple_of3A_188] : memref<320000xi32, #tpu.memory_space<hbm>> -> memref<40xi32, #tpu.memory_space<hbm>>
        tpu.enqueue_dma source(%dma_start3A_193 : memref<40xi32, #tpu.memory_space<hbm>>) target(%arg9 : memref<40xi32, #tpu.memory_space<vmem>>) target_semaphore(%arg19 : memref<!tpu.dma_semaphore, #tpu.memory_space<semaphore_mem>>)
        %dma_start3A_194 = tpu.memref_slice %arg7[%multiple_of3A_191] : memref<10000xi32, #tpu.memory_space<vmem>> -> memref<40xi32, #tpu.memory_space<vmem>>
        %dma_start3A_195 = arith.constant 0 : i32
        %dma_start3A_196 = arith.constant 0 : i32
        %dma_start3A_197 = tpu.memref_slice %arg2[%dma_start3A_195, %dma_start3A_196] : memref<10240x128xf32, #tpu.memory_space<hbm>> -> memref<10240x128xf32, #tpu.memory_space<hbm>>
        tpu.enqueue_indirect_dma source(%dma_start3A_197 : memref<10240x128xf32, #tpu.memory_space<hbm>>) target(%arg14 : memref<40x128xf32, #tpu.memory_space<vmem>>) offsets(%dma_start3A_194 : memref<40xi32, #tpu.memory_space<vmem>>) semaphore(%arg24 : memref<!tpu.dma_semaphore, #tpu.memory_space<semaphore_mem>>)
      } else {
      }
      %mul3A_52 = arith.constant 40 : i32
      %mul3A_53 = arith.muli %add3A_47, %mul3A_52 : i32
      %add3A_54 = arith.addi %multiple_of3A, %mul3A_53 : i32
      %multiple_of3A_55 = tpu.assume_multiple %add3A_54, 8 : i32
      %mul3A_56 = arith.constant 40 : i32
      %mul3A_57 = arith.muli %add3A_47, %mul3A_56 : i32
      %multiple_of3A_58 = tpu.assume_multiple %mul3A_57, 8 : i32
      %dma_wait3A_59 = tpu.memref_slice %arg4[%multiple_of3A_55] : memref<320000xi32, #tpu.memory_space<hbm>> -> memref<40xi32, #tpu.memory_space<hbm>>
      %dma_wait3A_60 = tpu.memref_slice %arg4[%multiple_of3A_55] : memref<320000xi32, #tpu.memory_space<hbm>> -> memref<40xi32, #tpu.memory_space<hbm>>
      tpu.wait_dma2 semaphore(%arg18 : memref<!tpu.dma_semaphore, #tpu.memory_space<semaphore_mem>>) src(%dma_wait3A_60 : memref<40xi32, #tpu.memory_space<hbm>>) dst(%arg8 : memref<40xi32, #tpu.memory_space<vmem>>)
      %dma_wait3A_61 = tpu.memref_slice %arg7[%multiple_of3A_58] : memref<10000xi32, #tpu.memory_space<vmem>> -> memref<40xi32, #tpu.memory_space<vmem>>
      %dma_wait3A_62 = arith.constant 0 : i32
      %dma_wait3A_63 = arith.constant 0 : i32
      %dma_wait3A_64 = tpu.memref_slice %arg2[%dma_wait3A_62, %dma_wait3A_63] : memref<10240x128xf32, #tpu.memory_space<hbm>> -> memref<10240x128xf32, #tpu.memory_space<hbm>>
      tpu.wait_indirect_dma semaphore(%arg23 : memref<!tpu.dma_semaphore, #tpu.memory_space<semaphore_mem>>) src(%dma_wait3A_64 : memref<10240x128xf32, #tpu.memory_space<hbm>>) dst(%arg13 : memref<40x128xf32, #tpu.memory_space<vmem>>)
      %dma_start3A_65 = arith.constant 0 : i32
      %dma_start3A_66 = arith.constant 0 : i32
      %dma_start3A_67 = tpu.memref_slice %arg33[%dma_start3A_65, %dma_start3A_66] : memref<10240x128xf32, #tpu.memory_space<vmem_shared>> -> memref<10240x128xf32, #tpu.memory_space<vmem_shared>>
      tpu.enqueue_indirect_dma source(%arg13 : memref<40x128xf32, #tpu.memory_space<vmem>>) target(%dma_start3A_67 : memref<10240x128xf32, #tpu.memory_space<vmem_shared>>) offsets(%arg8 : memref<40xi32, #tpu.memory_space<vmem>>) semaphore(%arg28 : memref<!tpu.dma_semaphore, #tpu.memory_space<semaphore_mem>>) {add = true}
      %mul3A_68 = arith.constant 5 : i32
      %mul3A_69 = arith.muli %scan3A_42, %mul3A_68 : i32
      %add3A_70 = arith.constant 1 : i32
      %add3A_71 = arith.addi %mul3A_69, %add3A_70 : i32
      %add3A_72 = arith.constant 1 : i32
      %add3A_73 = arith.addi %add3A_71, %add3A_72 : i32
      %lt3A_74 = arith.constant 250 : i32
      %lt3A_75 = arith.cmpi slt, %add3A_73, %lt3A_74 : i32
      %convert_element_type3A_76 = arith.extui %lt3A_75 : i1 to i32
      %cond3A_77 = arith.constant 0 : i32
      %cond3A_78 = arith.cmpi ne, %convert_element_type3A_76, %cond3A_77 : i32
      scf.if %cond3A_78 {
        %add3A_177 = arith.constant 1 : i32
        %add3A_178 = arith.addi %add3A_71, %add3A_177 : i32
        %ge3A = arith.constant 5 : i32
        %ge3A_179 = arith.cmpi sge, %add3A_178, %ge3A : i32
        %convert_element_type3A_180 = arith.extui %ge3A_179 : i1 to i32
        %cond3A_181 = arith.constant 0 : i32
        %cond3A_182 = arith.cmpi ne, %convert_element_type3A_180, %cond3A_181 : i32
        scf.if %cond3A_182 {
          %dma_wait3A_198 = arith.constant 0 : i32
          %dma_wait3A_199 = arith.constant 0 : i32
          %dma_wait3A_200 = tpu.memref_slice %arg33[%dma_wait3A_198, %dma_wait3A_199] : memref<10240x128xf32, #tpu.memory_space<vmem_shared>> -> memref<10240x128xf32, #tpu.memory_space<vmem_shared>>
          tpu.wait_indirect_dma semaphore(%arg30 : memref<!tpu.dma_semaphore, #tpu.memory_space<semaphore_mem>>) src(%arg15 : memref<40x128xf32, #tpu.memory_space<vmem>>) dst(%dma_wait3A_200 : memref<10240x128xf32, #tpu.memory_space<vmem_shared>>)
        } else {
        }
        %add3A_183 = arith.constant 1 : i32
        %add3A_184 = arith.addi %add3A_71, %add3A_183 : i32
        %mul3A_185 = arith.constant 40 : i32
        %mul3A_186 = arith.muli %add3A_184, %mul3A_185 : i32
        %add3A_187 = arith.addi %multiple_of3A, %mul3A_186 : i32
        %multiple_of3A_188 = tpu.assume_multiple %add3A_187, 8 : i32
        %mul3A_189 = arith.constant 40 : i32
        %mul3A_190 = arith.muli %add3A_184, %mul3A_189 : i32
        %multiple_of3A_191 = tpu.assume_multiple %mul3A_190, 8 : i32
        %dma_start3A_192 = tpu.memref_slice %arg4[%multiple_of3A_188] : memref<320000xi32, #tpu.memory_space<hbm>> -> memref<40xi32, #tpu.memory_space<hbm>>
        %dma_start3A_193 = tpu.memref_slice %arg4[%multiple_of3A_188] : memref<320000xi32, #tpu.memory_space<hbm>> -> memref<40xi32, #tpu.memory_space<hbm>>
        tpu.enqueue_dma source(%dma_start3A_193 : memref<40xi32, #tpu.memory_space<hbm>>) target(%arg10 : memref<40xi32, #tpu.memory_space<vmem>>) target_semaphore(%arg20 : memref<!tpu.dma_semaphore, #tpu.memory_space<semaphore_mem>>)
        %dma_start3A_194 = tpu.memref_slice %arg7[%multiple_of3A_191] : memref<10000xi32, #tpu.memory_space<vmem>> -> memref<40xi32, #tpu.memory_space<vmem>>
        %dma_start3A_195 = arith.constant 0 : i32
        %dma_start3A_196 = arith.constant 0 : i32
        %dma_start3A_197 = tpu.memref_slice %arg2[%dma_start3A_195, %dma_start3A_196] : memref<10240x128xf32, #tpu.memory_space<hbm>> -> memref<10240x128xf32, #tpu.memory_space<hbm>>
        tpu.enqueue_indirect_dma source(%dma_start3A_197 : memref<10240x128xf32, #tpu.memory_space<hbm>>) target(%arg15 : memref<40x128xf32, #tpu.memory_space<vmem>>) offsets(%dma_start3A_194 : memref<40xi32, #tpu.memory_space<vmem>>) semaphore(%arg25 : memref<!tpu.dma_semaphore, #tpu.memory_space<semaphore_mem>>)
      } else {
      }
      %mul3A_79 = arith.constant 40 : i32
      %mul3A_80 = arith.muli %add3A_71, %mul3A_79 : i32
      %add3A_81 = arith.addi %multiple_of3A, %mul3A_80 : i32
      %multiple_of3A_82 = tpu.assume_multiple %add3A_81, 8 : i32
      %mul3A_83 = arith.constant 40 : i32
      %mul3A_84 = arith.muli %add3A_71, %mul3A_83 : i32
      %multiple_of3A_85 = tpu.assume_multiple %mul3A_84, 8 : i32
      %dma_wait3A_86 = tpu.memref_slice %arg4[%multiple_of3A_82] : memref<320000xi32, #tpu.memory_space<hbm>> -> memref<40xi32, #tpu.memory_space<hbm>>
      %dma_wait3A_87 = tpu.memref_slice %arg4[%multiple_of3A_82] : memref<320000xi32, #tpu.memory_space<hbm>> -> memref<40xi32, #tpu.memory_space<hbm>>
      tpu.wait_dma2 semaphore(%arg19 : memref<!tpu.dma_semaphore, #tpu.memory_space<semaphore_mem>>) src(%dma_wait3A_87 : memref<40xi32, #tpu.memory_space<hbm>>) dst(%arg9 : memref<40xi32, #tpu.memory_space<vmem>>)
      %dma_wait3A_88 = tpu.memref_slice %arg7[%multiple_of3A_85] : memref<10000xi32, #tpu.memory_space<vmem>> -> memref<40xi32, #tpu.memory_space<vmem>>
      %dma_wait3A_89 = arith.constant 0 : i32
      %dma_wait3A_90 = arith.constant 0 : i32
      %dma_wait3A_91 = tpu.memref_slice %arg2[%dma_wait3A_89, %dma_wait3A_90] : memref<10240x128xf32, #tpu.memory_space<hbm>> -> memref<10240x128xf32, #tpu.memory_space<hbm>>
      tpu.wait_indirect_dma semaphore(%arg24 : memref<!tpu.dma_semaphore, #tpu.memory_space<semaphore_mem>>) src(%dma_wait3A_91 : memref<10240x128xf32, #tpu.memory_space<hbm>>) dst(%arg14 : memref<40x128xf32, #tpu.memory_space<vmem>>)
      %dma_start3A_92 = arith.constant 0 : i32
      %dma_start3A_93 = arith.constant 0 : i32
      %dma_start3A_94 = tpu.memref_slice %arg33[%dma_start3A_92, %dma_start3A_93] : memref<10240x128xf32, #tpu.memory_space<vmem_shared>> -> memref<10240x128xf32, #tpu.memory_space<vmem_shared>>
      tpu.enqueue_indirect_dma source(%arg14 : memref<40x128xf32, #tpu.memory_space<vmem>>) target(%dma_start3A_94 : memref<10240x128xf32, #tpu.memory_space<vmem_shared>>) offsets(%arg9 : memref<40xi32, #tpu.memory_space<vmem>>) semaphore(%arg29 : memref<!tpu.dma_semaphore, #tpu.memory_space<semaphore_mem>>) {add = true}
      %mul3A_95 = arith.constant 5 : i32
      %mul3A_96 = arith.muli %scan3A_42, %mul3A_95 : i32
      %add3A_97 = arith.constant 2 : i32
      %add3A_98 = arith.addi %mul3A_96, %add3A_97 : i32
      %add3A_99 = arith.constant 1 : i32
      %add3A_100 = arith.addi %add3A_98, %add3A_99 : i32
      %lt3A_101 = arith.constant 250 : i32
      %lt3A_102 = arith.cmpi slt, %add3A_100, %lt3A_101 : i32
      %convert_element_type3A_103 = arith.extui %lt3A_102 : i1 to i32
      %cond3A_104 = arith.constant 0 : i32
      %cond3A_105 = arith.cmpi ne, %convert_element_type3A_103, %cond3A_104 : i32
      scf.if %cond3A_105 {
        %add3A_177 = arith.constant 1 : i32
        %add3A_178 = arith.addi %add3A_98, %add3A_177 : i32
        %ge3A = arith.constant 5 : i32
        %ge3A_179 = arith.cmpi sge, %add3A_178, %ge3A : i32
        %convert_element_type3A_180 = arith.extui %ge3A_179 : i1 to i32
        %cond3A_181 = arith.constant 0 : i32
        %cond3A_182 = arith.cmpi ne, %convert_element_type3A_180, %cond3A_181 : i32
        scf.if %cond3A_182 {
          %dma_wait3A_198 = arith.constant 0 : i32
          %dma_wait3A_199 = arith.constant 0 : i32
          %dma_wait3A_200 = tpu.memref_slice %arg33[%dma_wait3A_198, %dma_wait3A_199] : memref<10240x128xf32, #tpu.memory_space<vmem_shared>> -> memref<10240x128xf32, #tpu.memory_space<vmem_shared>>
          tpu.wait_indirect_dma semaphore(%arg31 : memref<!tpu.dma_semaphore, #tpu.memory_space<semaphore_mem>>) src(%arg16 : memref<40x128xf32, #tpu.memory_space<vmem>>) dst(%dma_wait3A_200 : memref<10240x128xf32, #tpu.memory_space<vmem_shared>>)
        } else {
        }
        %add3A_183 = arith.constant 1 : i32
        %add3A_184 = arith.addi %add3A_98, %add3A_183 : i32
        %mul3A_185 = arith.constant 40 : i32
        %mul3A_186 = arith.muli %add3A_184, %mul3A_185 : i32
        %add3A_187 = arith.addi %multiple_of3A, %mul3A_186 : i32
        %multiple_of3A_188 = tpu.assume_multiple %add3A_187, 8 : i32
        %mul3A_189 = arith.constant 40 : i32
        %mul3A_190 = arith.muli %add3A_184, %mul3A_189 : i32
        %multiple_of3A_191 = tpu.assume_multiple %mul3A_190, 8 : i32
        %dma_start3A_192 = tpu.memref_slice %arg4[%multiple_of3A_188] : memref<320000xi32, #tpu.memory_space<hbm>> -> memref<40xi32, #tpu.memory_space<hbm>>
        %dma_start3A_193 = tpu.memref_slice %arg4[%multiple_of3A_188] : memref<320000xi32, #tpu.memory_space<hbm>> -> memref<40xi32, #tpu.memory_space<hbm>>
        tpu.enqueue_dma source(%dma_start3A_193 : memref<40xi32, #tpu.memory_space<hbm>>) target(%arg11 : memref<40xi32, #tpu.memory_space<vmem>>) target_semaphore(%arg21 : memref<!tpu.dma_semaphore, #tpu.memory_space<semaphore_mem>>)
        %dma_start3A_194 = tpu.memref_slice %arg7[%multiple_of3A_191] : memref<10000xi32, #tpu.memory_space<vmem>> -> memref<40xi32, #tpu.memory_space<vmem>>
        %dma_start3A_195 = arith.constant 0 : i32
        %dma_start3A_196 = arith.constant 0 : i32
        %dma_start3A_197 = tpu.memref_slice %arg2[%dma_start3A_195, %dma_start3A_196] : memref<10240x128xf32, #tpu.memory_space<hbm>> -> memref<10240x128xf32, #tpu.memory_space<hbm>>
        tpu.enqueue_indirect_dma source(%dma_start3A_197 : memref<10240x128xf32, #tpu.memory_space<hbm>>) target(%arg16 : memref<40x128xf32, #tpu.memory_space<vmem>>) offsets(%dma_start3A_194 : memref<40xi32, #tpu.memory_space<vmem>>) semaphore(%arg26 : memref<!tpu.dma_semaphore, #tpu.memory_space<semaphore_mem>>)
      } else {
      }
      %mul3A_106 = arith.constant 40 : i32
      %mul3A_107 = arith.muli %add3A_98, %mul3A_106 : i32
      %add3A_108 = arith.addi %multiple_of3A, %mul3A_107 : i32
      %multiple_of3A_109 = tpu.assume_multiple %add3A_108, 8 : i32
      %mul3A_110 = arith.constant 40 : i32
      %mul3A_111 = arith.muli %add3A_98, %mul3A_110 : i32
      %multiple_of3A_112 = tpu.assume_multiple %mul3A_111, 8 : i32
      %dma_wait3A_113 = tpu.memref_slice %arg4[%multiple_of3A_109] : memref<320000xi32, #tpu.memory_space<hbm>> -> memref<40xi32, #tpu.memory_space<hbm>>
      %dma_wait3A_114 = tpu.memref_slice %arg4[%multiple_of3A_109] : memref<320000xi32, #tpu.memory_space<hbm>> -> memref<40xi32, #tpu.memory_space<hbm>>
      tpu.wait_dma2 semaphore(%arg20 : memref<!tpu.dma_semaphore, #tpu.memory_space<semaphore_mem>>) src(%dma_wait3A_114 : memref<40xi32, #tpu.memory_space<hbm>>) dst(%arg10 : memref<40xi32, #tpu.memory_space<vmem>>)
      %dma_wait3A_115 = tpu.memref_slice %arg7[%multiple_of3A_112] : memref<10000xi32, #tpu.memory_space<vmem>> -> memref<40xi32, #tpu.memory_space<vmem>>
      %dma_wait3A_116 = arith.constant 0 : i32
      %dma_wait3A_117 = arith.constant 0 : i32
      %dma_wait3A_118 = tpu.memref_slice %arg2[%dma_wait3A_116, %dma_wait3A_117] : memref<10240x128xf32, #tpu.memory_space<hbm>> -> memref<10240x128xf32, #tpu.memory_space<hbm>>
      tpu.wait_indirect_dma semaphore(%arg25 : memref<!tpu.dma_semaphore, #tpu.memory_space<semaphore_mem>>) src(%dma_wait3A_118 : memref<10240x128xf32, #tpu.memory_space<hbm>>) dst(%arg15 : memref<40x128xf32, #tpu.memory_space<vmem>>)
      %dma_start3A_119 = arith.constant 0 : i32
      %dma_start3A_120 = arith.constant 0 : i32
      %dma_start3A_121 = tpu.memref_slice %arg33[%dma_start3A_119, %dma_start3A_120] : memref<10240x128xf32, #tpu.memory_space<vmem_shared>> -> memref<10240x128xf32, #tpu.memory_space<vmem_shared>>
      tpu.enqueue_indirect_dma source(%arg15 : memref<40x128xf32, #tpu.memory_space<vmem>>) target(%dma_start3A_121 : memref<10240x128xf32, #tpu.memory_space<vmem_shared>>) offsets(%arg10 : memref<40xi32, #tpu.memory_space<vmem>>) semaphore(%arg30 : memref<!tpu.dma_semaphore, #tpu.memory_space<semaphore_mem>>) {add = true}
      %mul3A_122 = arith.constant 5 : i32
      %mul3A_123 = arith.muli %scan3A_42, %mul3A_122 : i32
      %add3A_124 = arith.constant 3 : i32
      %add3A_125 = arith.addi %mul3A_123, %add3A_124 : i32
      %add3A_126 = arith.constant 1 : i32
      %add3A_127 = arith.addi %add3A_125, %add3A_126 : i32
      %lt3A_128 = arith.constant 250 : i32
      %lt3A_129 = arith.cmpi slt, %add3A_127, %lt3A_128 : i32
      %convert_element_type3A_130 = arith.extui %lt3A_129 : i1 to i32
      %cond3A_131 = arith.constant 0 : i32
      %cond3A_132 = arith.cmpi ne, %convert_element_type3A_130, %cond3A_131 : i32
      scf.if %cond3A_132 {
        %add3A_177 = arith.constant 1 : i32
        %add3A_178 = arith.addi %add3A_125, %add3A_177 : i32
        %ge3A = arith.constant 5 : i32
        %ge3A_179 = arith.cmpi sge, %add3A_178, %ge3A : i32
        %convert_element_type3A_180 = arith.extui %ge3A_179 : i1 to i32
        %cond3A_181 = arith.constant 0 : i32
        %cond3A_182 = arith.cmpi ne, %convert_element_type3A_180, %cond3A_181 : i32
        scf.if %cond3A_182 {
          %dma_wait3A_198 = arith.constant 0 : i32
          %dma_wait3A_199 = arith.constant 0 : i32
          %dma_wait3A_200 = tpu.memref_slice %arg33[%dma_wait3A_198, %dma_wait3A_199] : memref<10240x128xf32, #tpu.memory_space<vmem_shared>> -> memref<10240x128xf32, #tpu.memory_space<vmem_shared>>
          tpu.wait_indirect_dma semaphore(%arg32 : memref<!tpu.dma_semaphore, #tpu.memory_space<semaphore_mem>>) src(%arg17 : memref<40x128xf32, #tpu.memory_space<vmem>>) dst(%dma_wait3A_200 : memref<10240x128xf32, #tpu.memory_space<vmem_shared>>)
        } else {
        }
        %add3A_183 = arith.constant 1 : i32
        %add3A_184 = arith.addi %add3A_125, %add3A_183 : i32
        %mul3A_185 = arith.constant 40 : i32
        %mul3A_186 = arith.muli %add3A_184, %mul3A_185 : i32
        %add3A_187 = arith.addi %multiple_of3A, %mul3A_186 : i32
        %multiple_of3A_188 = tpu.assume_multiple %add3A_187, 8 : i32
        %mul3A_189 = arith.constant 40 : i32
        %mul3A_190 = arith.muli %add3A_184, %mul3A_189 : i32
        %multiple_of3A_191 = tpu.assume_multiple %mul3A_190, 8 : i32
        %dma_start3A_192 = tpu.memref_slice %arg4[%multiple_of3A_188] : memref<320000xi32, #tpu.memory_space<hbm>> -> memref<40xi32, #tpu.memory_space<hbm>>
        %dma_start3A_193 = tpu.memref_slice %arg4[%multiple_of3A_188] : memref<320000xi32, #tpu.memory_space<hbm>> -> memref<40xi32, #tpu.memory_space<hbm>>
        tpu.enqueue_dma source(%dma_start3A_193 : memref<40xi32, #tpu.memory_space<hbm>>) target(%arg12 : memref<40xi32, #tpu.memory_space<vmem>>) target_semaphore(%arg22 : memref<!tpu.dma_semaphore, #tpu.memory_space<semaphore_mem>>)
        %dma_start3A_194 = tpu.memref_slice %arg7[%multiple_of3A_191] : memref<10000xi32, #tpu.memory_space<vmem>> -> memref<40xi32, #tpu.memory_space<vmem>>
        %dma_start3A_195 = arith.constant 0 : i32
        %dma_start3A_196 = arith.constant 0 : i32
        %dma_start3A_197 = tpu.memref_slice %arg2[%dma_start3A_195, %dma_start3A_196] : memref<10240x128xf32, #tpu.memory_space<hbm>> -> memref<10240x128xf32, #tpu.memory_space<hbm>>
        tpu.enqueue_indirect_dma source(%dma_start3A_197 : memref<10240x128xf32, #tpu.memory_space<hbm>>) target(%arg17 : memref<40x128xf32, #tpu.memory_space<vmem>>) offsets(%dma_start3A_194 : memref<40xi32, #tpu.memory_space<vmem>>) semaphore(%arg27 : memref<!tpu.dma_semaphore, #tpu.memory_space<semaphore_mem>>)
      } else {
      }
      %mul3A_133 = arith.constant 40 : i32
      %mul3A_134 = arith.muli %add3A_125, %mul3A_133 : i32
      %add3A_135 = arith.addi %multiple_of3A, %mul3A_134 : i32
      %multiple_of3A_136 = tpu.assume_multiple %add3A_135, 8 : i32
      %mul3A_137 = arith.constant 40 : i32
      %mul3A_138 = arith.muli %add3A_125, %mul3A_137 : i32
      %multiple_of3A_139 = tpu.assume_multiple %mul3A_138, 8 : i32
      %dma_wait3A_140 = tpu.memref_slice %arg4[%multiple_of3A_136] : memref<320000xi32, #tpu.memory_space<hbm>> -> memref<40xi32, #tpu.memory_space<hbm>>
      %dma_wait3A_141 = tpu.memref_slice %arg4[%multiple_of3A_136] : memref<320000xi32, #tpu.memory_space<hbm>> -> memref<40xi32, #tpu.memory_space<hbm>>
      tpu.wait_dma2 semaphore(%arg21 : memref<!tpu.dma_semaphore, #tpu.memory_space<semaphore_mem>>) src(%dma_wait3A_141 : memref<40xi32, #tpu.memory_space<hbm>>) dst(%arg11 : memref<40xi32, #tpu.memory_space<vmem>>)
      %dma_wait3A_142 = tpu.memref_slice %arg7[%multiple_of3A_139] : memref<10000xi32, #tpu.memory_space<vmem>> -> memref<40xi32, #tpu.memory_space<vmem>>
      %dma_wait3A_143 = arith.constant 0 : i32
      %dma_wait3A_144 = arith.constant 0 : i32
      %dma_wait3A_145 = tpu.memref_slice %arg2[%dma_wait3A_143, %dma_wait3A_144] : memref<10240x128xf32, #tpu.memory_space<hbm>> -> memref<10240x128xf32, #tpu.memory_space<hbm>>
      tpu.wait_indirect_dma semaphore(%arg26 : memref<!tpu.dma_semaphore, #tpu.memory_space<semaphore_mem>>) src(%dma_wait3A_145 : memref<10240x128xf32, #tpu.memory_space<hbm>>) dst(%arg16 : memref<40x128xf32, #tpu.memory_space<vmem>>)
      %dma_start3A_146 = arith.constant 0 : i32
      %dma_start3A_147 = arith.constant 0 : i32
      %dma_start3A_148 = tpu.memref_slice %arg33[%dma_start3A_146, %dma_start3A_147] : memref<10240x128xf32, #tpu.memory_space<vmem_shared>> -> memref<10240x128xf32, #tpu.memory_space<vmem_shared>>
      tpu.enqueue_indirect_dma source(%arg16 : memref<40x128xf32, #tpu.memory_space<vmem>>) target(%dma_start3A_148 : memref<10240x128xf32, #tpu.memory_space<vmem_shared>>) offsets(%arg11 : memref<40xi32, #tpu.memory_space<vmem>>) semaphore(%arg31 : memref<!tpu.dma_semaphore, #tpu.memory_space<semaphore_mem>>) {add = true}
      %mul3A_149 = arith.constant 5 : i32
      %mul3A_150 = arith.muli %scan3A_42, %mul3A_149 : i32
      %add3A_151 = arith.constant 4 : i32
      %add3A_152 = arith.addi %mul3A_150, %add3A_151 : i32
      %add3A_153 = arith.constant 1 : i32
      %add3A_154 = arith.addi %add3A_152, %add3A_153 : i32
      %lt3A_155 = arith.constant 250 : i32
      %lt3A_156 = arith.cmpi slt, %add3A_154, %lt3A_155 : i32
      %convert_element_type3A_157 = arith.extui %lt3A_156 : i1 to i32
      %cond3A_158 = arith.constant 0 : i32
      %cond3A_159 = arith.cmpi ne, %convert_element_type3A_157, %cond3A_158 : i32
      scf.if %cond3A_159 {
        %add3A_177 = arith.constant 1 : i32
        %add3A_178 = arith.addi %add3A_152, %add3A_177 : i32
        %ge3A = arith.constant 5 : i32
        %ge3A_179 = arith.cmpi sge, %add3A_178, %ge3A : i32
        %convert_element_type3A_180 = arith.extui %ge3A_179 : i1 to i32
        %cond3A_181 = arith.constant 0 : i32
        %cond3A_182 = arith.cmpi ne, %convert_element_type3A_180, %cond3A_181 : i32
        scf.if %cond3A_182 {
          %dma_wait3A_198 = arith.constant 0 : i32
          %dma_wait3A_199 = arith.constant 0 : i32
          %dma_wait3A_200 = tpu.memref_slice %arg33[%dma_wait3A_198, %dma_wait3A_199] : memref<10240x128xf32, #tpu.memory_space<vmem_shared>> -> memref<10240x128xf32, #tpu.memory_space<vmem_shared>>
          tpu.wait_indirect_dma semaphore(%arg28 : memref<!tpu.dma_semaphore, #tpu.memory_space<semaphore_mem>>) src(%arg13 : memref<40x128xf32, #tpu.memory_space<vmem>>) dst(%dma_wait3A_200 : memref<10240x128xf32, #tpu.memory_space<vmem_shared>>)
        } else {
        }
        %add3A_183 = arith.constant 1 : i32
        %add3A_184 = arith.addi %add3A_152, %add3A_183 : i32
        %mul3A_185 = arith.constant 40 : i32
        %mul3A_186 = arith.muli %add3A_184, %mul3A_185 : i32
        %add3A_187 = arith.addi %multiple_of3A, %mul3A_186 : i32
        %multiple_of3A_188 = tpu.assume_multiple %add3A_187, 8 : i32
        %mul3A_189 = arith.constant 40 : i32
        %mul3A_190 = arith.muli %add3A_184, %mul3A_189 : i32
        %multiple_of3A_191 = tpu.assume_multiple %mul3A_190, 8 : i32
        %dma_start3A_192 = tpu.memref_slice %arg4[%multiple_of3A_188] : memref<320000xi32, #tpu.memory_space<hbm>> -> memref<40xi32, #tpu.memory_space<hbm>>
        %dma_start3A_193 = tpu.memref_slice %arg4[%multiple_of3A_188] : memref<320000xi32, #tpu.memory_space<hbm>> -> memref<40xi32, #tpu.memory_space<hbm>>
        tpu.enqueue_dma source(%dma_start3A_193 : memref<40xi32, #tpu.memory_space<hbm>>) target(%arg8 : memref<40xi32, #tpu.memory_space<vmem>>) target_semaphore(%arg18 : memref<!tpu.dma_semaphore, #tpu.memory_space<semaphore_mem>>)
        %dma_start3A_194 = tpu.memref_slice %arg7[%multiple_of3A_191] : memref<10000xi32, #tpu.memory_space<vmem>> -> memref<40xi32, #tpu.memory_space<vmem>>
        %dma_start3A_195 = arith.constant 0 : i32
        %dma_start3A_196 = arith.constant 0 : i32
        %dma_start3A_197 = tpu.memref_slice %arg2[%dma_start3A_195, %dma_start3A_196] : memref<10240x128xf32, #tpu.memory_space<hbm>> -> memref<10240x128xf32, #tpu.memory_space<hbm>>
        tpu.enqueue_indirect_dma source(%dma_start3A_197 : memref<10240x128xf32, #tpu.memory_space<hbm>>) target(%arg13 : memref<40x128xf32, #tpu.memory_space<vmem>>) offsets(%dma_start3A_194 : memref<40xi32, #tpu.memory_space<vmem>>) semaphore(%arg23 : memref<!tpu.dma_semaphore, #tpu.memory_space<semaphore_mem>>)
      } else {
      }
      %mul3A_160 = arith.constant 40 : i32
      %mul3A_161 = arith.muli %add3A_152, %mul3A_160 : i32
      %add3A_162 = arith.addi %multiple_of3A, %mul3A_161 : i32
      %multiple_of3A_163 = tpu.assume_multiple %add3A_162, 8 : i32
      %mul3A_164 = arith.constant 40 : i32
      %mul3A_165 = arith.muli %add3A_152, %mul3A_164 : i32
      %multiple_of3A_166 = tpu.assume_multiple %mul3A_165, 8 : i32
      %dma_wait3A_167 = tpu.memref_slice %arg4[%multiple_of3A_163] : memref<320000xi32, #tpu.memory_space<hbm>> -> memref<40xi32, #tpu.memory_space<hbm>>
      %dma_wait3A_168 = tpu.memref_slice %arg4[%multiple_of3A_163] : memref<320000xi32, #tpu.memory_space<hbm>> -> memref<40xi32, #tpu.memory_space<hbm>>
      tpu.wait_dma2 semaphore(%arg22 : memref<!tpu.dma_semaphore, #tpu.memory_space<semaphore_mem>>) src(%dma_wait3A_168 : memref<40xi32, #tpu.memory_space<hbm>>) dst(%arg12 : memref<40xi32, #tpu.memory_space<vmem>>)
      %dma_wait3A_169 = tpu.memref_slice %arg7[%multiple_of3A_166] : memref<10000xi32, #tpu.memory_space<vmem>> -> memref<40xi32, #tpu.memory_space<vmem>>
      %dma_wait3A_170 = arith.constant 0 : i32
      %dma_wait3A_171 = arith.constant 0 : i32
      %dma_wait3A_172 = tpu.memref_slice %arg2[%dma_wait3A_170, %dma_wait3A_171] : memref<10240x128xf32, #tpu.memory_space<hbm>> -> memref<10240x128xf32, #tpu.memory_space<hbm>>
      tpu.wait_indirect_dma semaphore(%arg27 : memref<!tpu.dma_semaphore, #tpu.memory_space<semaphore_mem>>) src(%dma_wait3A_172 : memref<10240x128xf32, #tpu.memory_space<hbm>>) dst(%arg17 : memref<40x128xf32, #tpu.memory_space<vmem>>)
      %dma_start3A_173 = arith.constant 0 : i32
      %dma_start3A_174 = arith.constant 0 : i32
      %dma_start3A_175 = tpu.memref_slice %arg33[%dma_start3A_173, %dma_start3A_174] : memref<10240x128xf32, #tpu.memory_space<vmem_shared>> -> memref<10240x128xf32, #tpu.memory_space<vmem_shared>>
      tpu.enqueue_indirect_dma source(%arg17 : memref<40x128xf32, #tpu.memory_space<vmem>>) target(%dma_start3A_175 : memref<10240x128xf32, #tpu.memory_space<vmem_shared>>) offsets(%arg12 : memref<40xi32, #tpu.memory_space<vmem>>) semaphore(%arg32 : memref<!tpu.dma_semaphore, #tpu.memory_space<semaphore_mem>>) {add = true}
      %scan3A_176 = arith.constant 0 : i32
      scf.yield %scan3A_176 : i32
    }
    %scan3A_22 = arith.constant 50 : i32
    %dma_wait3A = arith.constant 0 : i32
    %dma_wait3A_23 = arith.constant 0 : i32
    %dma_wait3A_24 = tpu.memref_slice %arg33[%dma_wait3A, %dma_wait3A_23] : memref<10240x128xf32, #tpu.memory_space<vmem_shared>> -> memref<10240x128xf32, #tpu.memory_space<vmem_shared>>
    tpu.wait_indirect_dma semaphore(%arg28 : memref<!tpu.dma_semaphore, #tpu.memory_space<semaphore_mem>>) src(%arg13 : memref<40x128xf32, #tpu.memory_space<vmem>>) dst(%dma_wait3A_24 : memref<10240x128xf32, #tpu.memory_space<vmem_shared>>)
    %dma_wait3A_25 = arith.constant 0 : i32
    %dma_wait3A_26 = arith.constant 0 : i32
    %dma_wait3A_27 = tpu.memref_slice %arg33[%dma_wait3A_25, %dma_wait3A_26] : memref<10240x128xf32, #tpu.memory_space<vmem_shared>> -> memref<10240x128xf32, #tpu.memory_space<vmem_shared>>
    tpu.wait_indirect_dma semaphore(%arg29 : memref<!tpu.dma_semaphore, #tpu.memory_space<semaphore_mem>>) src(%arg14 : memref<40x128xf32, #tpu.memory_space<vmem>>) dst(%dma_wait3A_27 : memref<10240x128xf32, #tpu.memory_space<vmem_shared>>)
    %dma_wait3A_28 = arith.constant 0 : i32
    %dma_wait3A_29 = arith.constant 0 : i32
    %dma_wait3A_30 = tpu.memref_slice %arg33[%dma_wait3A_28, %dma_wait3A_29] : memref<10240x128xf32, #tpu.memory_space<vmem_shared>> -> memref<10240x128xf32, #tpu.memory_space<vmem_shared>>
    tpu.wait_indirect_dma semaphore(%arg30 : memref<!tpu.dma_semaphore, #tpu.memory_space<semaphore_mem>>) src(%arg15 : memref<40x128xf32, #tpu.memory_space<vmem>>) dst(%dma_wait3A_30 : memref<10240x128xf32, #tpu.memory_space<vmem_shared>>)
    %dma_wait3A_31 = arith.constant 0 : i32
    %dma_wait3A_32 = arith.constant 0 : i32
    %dma_wait3A_33 = tpu.memref_slice %arg33[%dma_wait3A_31, %dma_wait3A_32] : memref<10240x128xf32, #tpu.memory_space<vmem_shared>> -> memref<10240x128xf32, #tpu.memory_space<vmem_shared>>
    tpu.wait_indirect_dma semaphore(%arg31 : memref<!tpu.dma_semaphore, #tpu.memory_space<semaphore_mem>>) src(%arg16 : memref<40x128xf32, #tpu.memory_space<vmem>>) dst(%dma_wait3A_33 : memref<10240x128xf32, #tpu.memory_space<vmem_shared>>)
    %dma_wait3A_34 = arith.constant 0 : i32
    %dma_wait3A_35 = arith.constant 0 : i32
    %dma_wait3A_36 = tpu.memref_slice %arg33[%dma_wait3A_34, %dma_wait3A_35] : memref<10240x128xf32, #tpu.memory_space<vmem_shared>> -> memref<10240x128xf32, #tpu.memory_space<vmem_shared>>
    tpu.wait_indirect_dma semaphore(%arg32 : memref<!tpu.dma_semaphore, #tpu.memory_space<semaphore_mem>>) src(%arg17 : memref<40x128xf32, #tpu.memory_space<vmem>>) dst(%dma_wait3A_36 : memref<10240x128xf32, #tpu.memory_space<vmem_shared>>)
    %barrier3A_37 = arith.constant 0 : index
    tpu.barrier barrier_id(%barrier3A_37)
    %mul3A_38 = arith.constant 640 : i32
    %mul3A_39 = arith.muli %arg1, %mul3A_38 : i32
    %mul3A_40 = arith.constant 640 : i32
    %mul3A_41 = arith.muli %arg1, %mul3A_40 : i32
    "tpu.region"() ({
      %run_scoped3A = tpu.sem_alloc : memref<!tpu.dma_semaphore, #tpu.memory_space<semaphore_mem>>
      %dma_start3A_42 = arith.constant 0 : i32
      %dma_start3A_43 = tpu.memref_slice %arg6[%arg0, %mul3A_41, %dma_start3A_42] : memref<2x10240x128xf32, #tpu.memory_space<hbm>> -> memref<1x640x128xf32, #tpu.memory_space<hbm>>
      %dma_start3A_44 = tpu.memref_squeeze %dma_start3A_43 : memref<1x640x128xf32, #tpu.memory_space<hbm>> -> memref<640x128xf32, #tpu.memory_space<hbm>>
      %dma_start3A_45 = arith.constant 0 : i32
      %dma_start3A_46 = tpu.memref_slice %arg33[%mul3A_39, %dma_start3A_45] : memref<10240x128xf32, #tpu.memory_space<vmem_shared>> -> memref<640x128xf32, #tpu.memory_space<vmem_shared>>
      tpu.enqueue_dma source(%dma_start3A_46 : memref<640x128xf32, #tpu.memory_space<vmem_shared>>) target(%dma_start3A_44 : memref<640x128xf32, #tpu.memory_space<hbm>>) target_semaphore(%run_scoped3A : memref<!tpu.dma_semaphore, #tpu.memory_space<semaphore_mem>>)
      %dma_wait3A_47 = arith.constant 0 : i32
      %dma_wait3A_48 = tpu.memref_slice %arg6[%arg0, %mul3A_41, %dma_wait3A_47] : memref<2x10240x128xf32, #tpu.memory_space<hbm>> -> memref<1x640x128xf32, #tpu.memory_space<hbm>>
      %dma_wait3A_49 = tpu.memref_squeeze %dma_wait3A_48 : memref<1x640x128xf32, #tpu.memory_space<hbm>> -> memref<640x128xf32, #tpu.memory_space<hbm>>
      %dma_wait3A_50 = arith.constant 0 : i32
      %dma_wait3A_51 = tpu.memref_slice %arg33[%mul3A_39, %dma_wait3A_50] : memref<10240x128xf32, #tpu.memory_space<vmem_shared>> -> memref<640x128xf32, #tpu.memory_space<vmem_shared>>
      tpu.wait_dma2 semaphore(%run_scoped3A : memref<!tpu.dma_semaphore, #tpu.memory_space<semaphore_mem>>) src(%dma_wait3A_51 : memref<640x128xf32, #tpu.memory_space<vmem_shared>>) dst(%dma_wait3A_49 : memref<640x128xf32, #tpu.memory_space<hbm>>)
      tpu.yield
    }) : () -> ()
    return
  }
}

#map = affine_map<(d0, d1) -> (0, 0)>
#map1 = affine_map<(d0, d1) -> (0)>
#map2 = affine_map<(d0, d1) -> (0, 0, 0)>
module attributes {stable_mosaic.version = 14 : i64} {
  func.func @_pool(%arg0: i32, %arg1: i32, %arg2: memref<10240x128xf32, #tpu.memory_space<hbm>>, %arg3: memref<10000xi32, #tpu.memory_space<hbm>>, %arg4: memref<10000x1xf32, #tpu.memory_space<hbm>>, %arg5: memref<4xi32, #tpu.memory_space<hbm>>, %arg6: memref<512x128xf32, #tpu.memory_space<hbm>>, %arg7: memref<2x512x128xf32, #tpu.memory_space<hbm>>, %arg8: memref<2x4x128xf32, #tpu.memory_space<hbm>>, %arg9: memref<32x512x128xf32, #tpu.memory_space<hbm>>, %arg10: memref<80xi32, #tpu.memory_space<vmem>>, %arg11: memref<80x1xf32, #tpu.memory_space<vmem>>, %arg12: memref<80x128xf32, #tpu.memory_space<vmem>>, %arg13: memref<4xi32, #tpu.memory_space<vmem>>, %arg14: memref<4x128xf32, #tpu.memory_space<vmem>>, %arg15: memref<512x128xf32, #tpu.memory_space<vmem>>, %arg16: memref<512x128xf32, #tpu.memory_space<vmem_shared>>, %arg17: memref<4x128xf32, #tpu.memory_space<vmem_shared>>) attributes {dimension_semantics = [#tpu.dimension_semantics<core_parallel>, #tpu.dimension_semantics<subcore_parallel>], iteration_bounds = array<i64: 2, 16>, scalar_prefetch = 0 : i64, scratch_operands = 8 : i64, tpu.core_type = #tpu.core_type<sc_vector_subcore>, window_params = [{transform_indices = #map}, {transform_indices = #map1}, {transform_indices = #map}, {transform_indices = #map1}, {transform_indices = #map}, {transform_indices = #map2}, {transform_indices = #map2}, {transform_indices = #map2}]} {
    %mul3A = arith.constant 16 : i32
    %mul3A_0 = arith.muli %arg0, %mul3A : i32
    %add3A = arith.addi %mul3A_0, %arg1 : i32
    %mul3A_1 = arith.constant 32 : i32
    %mul3A_2 = arith.muli %arg1, %mul3A_1 : i32
    %mul3A_3 = arith.constant 32 : i32
    %mul3A_4 = arith.muli %arg1, %mul3A_3 : i32
    "tpu.region"() ({
      %run_scoped3A = tpu.sem_alloc : memref<!tpu.dma_semaphore, #tpu.memory_space<semaphore_mem>>
      %dma_start3A = arith.constant 0 : i32
      %dma_start3A_25 = tpu.memref_slice %arg16[%mul3A_4, %dma_start3A] : memref<512x128xf32, #tpu.memory_space<vmem_shared>> -> memref<32x128xf32, #tpu.memory_space<vmem_shared>>
      %dma_start3A_26 = arith.constant 0 : i32
      %dma_start3A_27 = tpu.memref_slice %arg6[%mul3A_2, %dma_start3A_26] : memref<512x128xf32, #tpu.memory_space<hbm>> -> memref<32x128xf32, #tpu.memory_space<hbm>>
      tpu.enqueue_dma source(%dma_start3A_27 : memref<32x128xf32, #tpu.memory_space<hbm>>) target(%dma_start3A_25 : memref<32x128xf32, #tpu.memory_space<vmem_shared>>) target_semaphore(%run_scoped3A : memref<!tpu.dma_semaphore, #tpu.memory_space<semaphore_mem>>)
      %dma_wait3A = arith.constant 0 : i32
      %dma_wait3A_28 = tpu.memref_slice %arg16[%mul3A_4, %dma_wait3A] : memref<512x128xf32, #tpu.memory_space<vmem_shared>> -> memref<32x128xf32, #tpu.memory_space<vmem_shared>>
      %dma_wait3A_29 = arith.constant 0 : i32
      %dma_wait3A_30 = tpu.memref_slice %arg6[%mul3A_2, %dma_wait3A_29] : memref<512x128xf32, #tpu.memory_space<hbm>> -> memref<32x128xf32, #tpu.memory_space<hbm>>
      tpu.wait_dma2 semaphore(%run_scoped3A : memref<!tpu.dma_semaphore, #tpu.memory_space<semaphore_mem>>) src(%dma_wait3A_30 : memref<32x128xf32, #tpu.memory_space<hbm>>) dst(%dma_wait3A_28 : memref<32x128xf32, #tpu.memory_space<vmem_shared>>)
      tpu.yield
    }) : () -> ()
    "tpu.region"() ({
      %run_scoped3A = tpu.sem_alloc : memref<!tpu.dma_semaphore, #tpu.memory_space<semaphore_mem>>
      %dma_start3A = arith.constant 0 : i32
      %dma_start3A_25 = arith.constant 0 : i32
      %dma_start3A_26 = tpu.memref_slice %arg6[%dma_start3A, %dma_start3A_25] : memref<512x128xf32, #tpu.memory_space<hbm>> -> memref<4x128xf32, #tpu.memory_space<hbm>>
      %dma_start3A_27 = arith.constant 0 : i32
      %dma_start3A_28 = arith.constant 0 : i32
      %dma_start3A_29 = tpu.memref_slice %arg6[%dma_start3A_27, %dma_start3A_28] : memref<512x128xf32, #tpu.memory_space<hbm>> -> memref<4x128xf32, #tpu.memory_space<hbm>>
      tpu.enqueue_dma source(%dma_start3A_29 : memref<4x128xf32, #tpu.memory_space<hbm>>) target(%arg14 : memref<4x128xf32, #tpu.memory_space<vmem>>) target_semaphore(%run_scoped3A : memref<!tpu.dma_semaphore, #tpu.memory_space<semaphore_mem>>)
      %dma_wait3A = arith.constant 0 : i32
      %dma_wait3A_30 = arith.constant 0 : i32
      %dma_wait3A_31 = tpu.memref_slice %arg6[%dma_wait3A, %dma_wait3A_30] : memref<512x128xf32, #tpu.memory_space<hbm>> -> memref<4x128xf32, #tpu.memory_space<hbm>>
      %dma_wait3A_32 = arith.constant 0 : i32
      %dma_wait3A_33 = arith.constant 0 : i32
      %dma_wait3A_34 = tpu.memref_slice %arg6[%dma_wait3A_32, %dma_wait3A_33] : memref<512x128xf32, #tpu.memory_space<hbm>> -> memref<4x128xf32, #tpu.memory_space<hbm>>
      tpu.wait_dma2 semaphore(%run_scoped3A : memref<!tpu.dma_semaphore, #tpu.memory_space<semaphore_mem>>) src(%dma_wait3A_34 : memref<4x128xf32, #tpu.memory_space<hbm>>) dst(%arg14 : memref<4x128xf32, #tpu.memory_space<vmem>>)
      tpu.yield
    }) : () -> ()
    "tpu.region"() ({
      %run_scoped3A = tpu.sem_alloc : memref<!tpu.dma_semaphore, #tpu.memory_space<semaphore_mem>>
      tpu.enqueue_dma source(%arg6 : memref<512x128xf32, #tpu.memory_space<hbm>>) target(%arg15 : memref<512x128xf32, #tpu.memory_space<vmem>>) target_semaphore(%run_scoped3A : memref<!tpu.dma_semaphore, #tpu.memory_space<semaphore_mem>>)
      tpu.wait_dma2 semaphore(%run_scoped3A : memref<!tpu.dma_semaphore, #tpu.memory_space<semaphore_mem>>) src(%arg6 : memref<512x128xf32, #tpu.memory_space<hbm>>) dst(%arg15 : memref<512x128xf32, #tpu.memory_space<vmem>>)
      tpu.yield
    }) : () -> ()
    "tpu.region"() ({
      %run_scoped3A = tpu.sem_alloc : memref<!tpu.dma_semaphore, #tpu.memory_space<semaphore_mem>>
      tpu.enqueue_dma source(%arg5 : memref<4xi32, #tpu.memory_space<hbm>>) target(%arg13 : memref<4xi32, #tpu.memory_space<vmem>>) target_semaphore(%run_scoped3A : memref<!tpu.dma_semaphore, #tpu.memory_space<semaphore_mem>>)
      tpu.wait_dma2 semaphore(%run_scoped3A : memref<!tpu.dma_semaphore, #tpu.memory_space<semaphore_mem>>) src(%arg5 : memref<4xi32, #tpu.memory_space<hbm>>) dst(%arg13 : memref<4xi32, #tpu.memory_space<vmem>>)
      tpu.yield
    }) : () -> ()
    %eq3A = arith.constant 0 : i32
    %eq3A_5 = arith.cmpi eq, %arg1, %eq3A : i32
    %convert_element_type3A = arith.extui %eq3A_5 : i1 to i32
    %cond3A = arith.constant 0 : i32
    %cond3A_6 = arith.cmpi ne, %convert_element_type3A, %cond3A : i32
    scf.if %cond3A_6 {
      "tpu.region"() ({
        %run_scoped3A = tpu.sem_alloc : memref<!tpu.dma_semaphore, #tpu.memory_space<semaphore_mem>>
        %dma_start3A = arith.constant 0 : i32
        %dma_start3A_25 = arith.constant 0 : i32
        %dma_start3A_26 = tpu.memref_slice %arg6[%dma_start3A, %dma_start3A_25] : memref<512x128xf32, #tpu.memory_space<hbm>> -> memref<4x128xf32, #tpu.memory_space<hbm>>
        tpu.enqueue_dma source(%dma_start3A_26 : memref<4x128xf32, #tpu.memory_space<hbm>>) target(%arg17 : memref<4x128xf32, #tpu.memory_space<vmem_shared>>) target_semaphore(%run_scoped3A : memref<!tpu.dma_semaphore, #tpu.memory_space<semaphore_mem>>)
        %dma_wait3A = arith.constant 0 : i32
        %dma_wait3A_27 = arith.constant 0 : i32
        %dma_wait3A_28 = tpu.memref_slice %arg6[%dma_wait3A, %dma_wait3A_27] : memref<512x128xf32, #tpu.memory_space<hbm>> -> memref<4x128xf32, #tpu.memory_space<hbm>>
        tpu.wait_dma2 semaphore(%run_scoped3A : memref<!tpu.dma_semaphore, #tpu.memory_space<semaphore_mem>>) src(%dma_wait3A_28 : memref<4x128xf32, #tpu.memory_space<hbm>>) dst(%arg17 : memref<4x128xf32, #tpu.memory_space<vmem_shared>>)
        tpu.yield
      }) : () -> ()
    } else {
    }
    %barrier3A = arith.constant 0 : index
    tpu.barrier barrier_id(%barrier3A)
    %iota3A = tpu.iota {dimensions = array<i32: 0>} : vector<16xi32>
    %broadcast_in_dim3A = arith.constant 1.000000e+00 : f32
    %broadcast_in_dim3A_7 = vector.broadcast %broadcast_in_dim3A : f32 to vector<16xf32>
    %eq3A_8 = arith.constant 0 : i32
    %eq3A_9 = vector.broadcast %eq3A_8 : i32 to vector<16xi32>
    %eq3A_10 = arith.cmpi eq, %iota3A, %eq3A_9 : vector<16xi32>
    %lt3A = arith.constant 25 : i32
    %lt3A_11 = arith.cmpi slt, %add3A, %lt3A : i32
    %convert_element_type3A_12 = arith.extui %lt3A_11 : i1 to i32
    %cond3A_13 = arith.constant 0 : i32
    %cond3A_14 = arith.cmpi ne, %convert_element_type3A_12, %cond3A_13 : i32
    scf.if %cond3A_14 {
      %scan3A = arith.constant 0 : i32
      %scan3A_25 = arith.constant 0 : i32
      %scan3A_26 = arith.constant 5 : i32
      %scan3A_27 = arith.addi %scan3A_25, %scan3A_26 : i32
      %scan3A_28 = arith.constant 1 : i32
      %scan3A_29 = scf.for %scan3A_31 = %scan3A_25 to %scan3A_27 step %scan3A_28 iter_args(%scan3A_32 = %scan3A) -> (i32)  : i32 {
        %mul3A_33 = arith.constant 400 : i32
        %mul3A_34 = arith.muli %add3A, %mul3A_33 : i32
        %mul3A_35 = arith.constant 80 : i32
        %mul3A_36 = arith.muli %scan3A_31, %mul3A_35 : i32
        %add3A_37 = arith.addi %mul3A_34, %mul3A_36 : i32
        %multiple_of3A = tpu.assume_multiple %add3A_37, 8 : i32
        "tpu.region"() ({
          %run_scoped3A = tpu.sem_alloc : memref<!tpu.dma_semaphore, #tpu.memory_space<semaphore_mem>>
          %dma_start3A = tpu.memref_slice %arg3[%multiple_of3A] : memref<10000xi32, #tpu.memory_space<hbm>> -> memref<80xi32, #tpu.memory_space<hbm>>
          %dma_start3A_46 = tpu.memref_slice %arg3[%multiple_of3A] : memref<10000xi32, #tpu.memory_space<hbm>> -> memref<80xi32, #tpu.memory_space<hbm>>
          tpu.enqueue_dma source(%dma_start3A_46 : memref<80xi32, #tpu.memory_space<hbm>>) target(%arg10 : memref<80xi32, #tpu.memory_space<vmem>>) target_semaphore(%run_scoped3A : memref<!tpu.dma_semaphore, #tpu.memory_space<semaphore_mem>>)
          %dma_wait3A = tpu.memref_slice %arg3[%multiple_of3A] : memref<10000xi32, #tpu.memory_space<hbm>> -> memref<80xi32, #tpu.memory_space<hbm>>
          %dma_wait3A_47 = tpu.memref_slice %arg3[%multiple_of3A] : memref<10000xi32, #tpu.memory_space<hbm>> -> memref<80xi32, #tpu.memory_space<hbm>>
          tpu.wait_dma2 semaphore(%run_scoped3A : memref<!tpu.dma_semaphore, #tpu.memory_space<semaphore_mem>>) src(%dma_wait3A_47 : memref<80xi32, #tpu.memory_space<hbm>>) dst(%arg10 : memref<80xi32, #tpu.memory_space<vmem>>)
          tpu.yield
        }) : () -> ()
        "tpu.region"() ({
          %run_scoped3A = tpu.sem_alloc : memref<!tpu.dma_semaphore, #tpu.memory_space<semaphore_mem>>
          %dma_start3A = arith.constant 0 : i32
          %dma_start3A_46 = tpu.memref_slice %arg4[%multiple_of3A, %dma_start3A] : memref<10000x1xf32, #tpu.memory_space<hbm>> -> memref<80x1xf32, #tpu.memory_space<hbm>>
          %dma_start3A_47 = arith.constant 0 : i32
          %dma_start3A_48 = tpu.memref_slice %arg4[%multiple_of3A, %dma_start3A_47] : memref<10000x1xf32, #tpu.memory_space<hbm>> -> memref<80x1xf32, #tpu.memory_space<hbm>>
          tpu.enqueue_dma source(%dma_start3A_48 : memref<80x1xf32, #tpu.memory_space<hbm>>) target(%arg11 : memref<80x1xf32, #tpu.memory_space<vmem>>) target_semaphore(%run_scoped3A : memref<!tpu.dma_semaphore, #tpu.memory_space<semaphore_mem>>)
          %dma_wait3A = arith.constant 0 : i32
          %dma_wait3A_49 = tpu.memref_slice %arg4[%multiple_of3A, %dma_wait3A] : memref<10000x1xf32, #tpu.memory_space<hbm>> -> memref<80x1xf32, #tpu.memory_space<hbm>>
          %dma_wait3A_50 = arith.constant 0 : i32
          %dma_wait3A_51 = tpu.memref_slice %arg4[%multiple_of3A, %dma_wait3A_50] : memref<10000x1xf32, #tpu.memory_space<hbm>> -> memref<80x1xf32, #tpu.memory_space<hbm>>
          tpu.wait_dma2 semaphore(%run_scoped3A : memref<!tpu.dma_semaphore, #tpu.memory_space<semaphore_mem>>) src(%dma_wait3A_51 : memref<80x1xf32, #tpu.memory_space<hbm>>) dst(%arg11 : memref<80x1xf32, #tpu.memory_space<vmem>>)
          tpu.yield
        }) : () -> ()
        "tpu.region"() ({
          %run_scoped3A = tpu.sem_alloc : memref<!tpu.dma_semaphore, #tpu.memory_space<semaphore_mem>>
          %dma_start3A = arith.constant 0 : i32
          %dma_start3A_46 = tpu.memref_slice %arg2[%multiple_of3A, %dma_start3A] : memref<10240x128xf32, #tpu.memory_space<hbm>> -> memref<80x128xf32, #tpu.memory_space<hbm>>
          %dma_start3A_47 = arith.constant 0 : i32
          %dma_start3A_48 = tpu.memref_slice %arg2[%multiple_of3A, %dma_start3A_47] : memref<10240x128xf32, #tpu.memory_space<hbm>> -> memref<80x128xf32, #tpu.memory_space<hbm>>
          tpu.enqueue_dma source(%dma_start3A_48 : memref<80x128xf32, #tpu.memory_space<hbm>>) target(%arg12 : memref<80x128xf32, #tpu.memory_space<vmem>>) target_semaphore(%run_scoped3A : memref<!tpu.dma_semaphore, #tpu.memory_space<semaphore_mem>>)
          %dma_wait3A = arith.constant 0 : i32
          %dma_wait3A_49 = tpu.memref_slice %arg2[%multiple_of3A, %dma_wait3A] : memref<10240x128xf32, #tpu.memory_space<hbm>> -> memref<80x128xf32, #tpu.memory_space<hbm>>
          %dma_wait3A_50 = arith.constant 0 : i32
          %dma_wait3A_51 = tpu.memref_slice %arg2[%multiple_of3A, %dma_wait3A_50] : memref<10240x128xf32, #tpu.memory_space<hbm>> -> memref<80x128xf32, #tpu.memory_space<hbm>>
          tpu.wait_dma2 semaphore(%run_scoped3A : memref<!tpu.dma_semaphore, #tpu.memory_space<semaphore_mem>>) src(%dma_wait3A_51 : memref<80x128xf32, #tpu.memory_space<hbm>>) dst(%arg12 : memref<80x128xf32, #tpu.memory_space<vmem>>)
          tpu.yield
        }) : () -> ()
        "tpu.region"() ({
          %run_scoped3A = tpu.sem_alloc : memref<!tpu.dma_semaphore, #tpu.memory_space<semaphore_mem>>
          %dma_start3A = arith.constant 0 : i32
          %dma_start3A_46 = arith.constant 0 : i32
          %dma_start3A_47 = tpu.memref_slice %arg16[%dma_start3A, %dma_start3A_46] : memref<512x128xf32, #tpu.memory_space<vmem_shared>> -> memref<512x128xf32, #tpu.memory_space<vmem_shared>>
          tpu.enqueue_indirect_dma source(%arg12 : memref<80x128xf32, #tpu.memory_space<vmem>>) target(%dma_start3A_47 : memref<512x128xf32, #tpu.memory_space<vmem_shared>>) offsets(%arg10 : memref<80xi32, #tpu.memory_space<vmem>>) semaphore(%run_scoped3A : memref<!tpu.dma_semaphore, #tpu.memory_space<semaphore_mem>>) {add = true}
          %dma_wait3A = arith.constant 0 : i32
          %dma_wait3A_48 = arith.constant 0 : i32
          %dma_wait3A_49 = tpu.memref_slice %arg16[%dma_wait3A, %dma_wait3A_48] : memref<512x128xf32, #tpu.memory_space<vmem_shared>> -> memref<512x128xf32, #tpu.memory_space<vmem_shared>>
          tpu.wait_indirect_dma semaphore(%run_scoped3A : memref<!tpu.dma_semaphore, #tpu.memory_space<semaphore_mem>>) src(%arg12 : memref<80x128xf32, #tpu.memory_space<vmem>>) dst(%dma_wait3A_49 : memref<512x128xf32, #tpu.memory_space<vmem_shared>>)
          tpu.yield
        }) : () -> ()
        %scan3A_38 = arith.constant 0 : i32
        %scan3A_39 = arith.constant 0 : i32
        %scan3A_40 = arith.constant 80 : i32
        %scan3A_41 = arith.addi %scan3A_39, %scan3A_40 : i32
        %scan3A_42 = arith.constant 1 : i32
        %scan3A_43 = scf.for %scan3A_46 = %scan3A_39 to %scan3A_41 step %scan3A_42 iter_args(%scan3A_47 = %scan3A_38) -> (i32)  : i32 {
          %broadcast_in_dim3A_48 = arith.constant 0 : i32
          %broadcast_in_dim3A_49 = vector.broadcast %broadcast_in_dim3A_48 : i32 to vector<16xi32>
          %add3A_50 = vector.broadcast %scan3A_46 : i32 to vector<16xi32>
          %add3A_51 = arith.addi %add3A_50, %broadcast_in_dim3A_49 : vector<16xi32>
          %broadcast_in_dim3A_52 = arith.constant 0 : i32
          %broadcast_in_dim3A_53 = vector.broadcast %broadcast_in_dim3A_52 : i32 to vector<16xi32>
          %add3A_54 = arith.constant 0 : i32
          %add3A_55 = vector.broadcast %add3A_54 : i32 to vector<16xi32>
          %add3A_56 = arith.addi %add3A_55, %broadcast_in_dim3A_53 : vector<16xi32>
          %gather3A = tpu.vector_load_idx %arg11[%add3A_51, %add3A_56] : memref<80x1xf32, #tpu.memory_space<vmem>>[vector<16xi32>, vector<16xi32>], vector<16xf32>,
          %convert_element_type3A_57 = arith.fptosi %gather3A : vector<16xf32> to vector<16xi32>
          %shift_right_logical3A = arith.constant 7 : i32
          %shift_right_logical3A_58 = vector.broadcast %shift_right_logical3A : i32 to vector<16xi32>
          %shift_right_logical3A_59 = arith.shrui %convert_element_type3A_57, %shift_right_logical3A_58 : vector<16xi32>
          %and3A = arith.constant 127 : i32
          %and3A_60 = vector.broadcast %and3A : i32 to vector<16xi32>
          %and3A_61 = arith.andi %convert_element_type3A_57, %and3A_60 : vector<16xi32>
          tpu.vector_store_idx %arg14[%shift_right_logical3A_59, %and3A_61], %broadcast_in_dim3A_7 masked %eq3A_10 {add = true} : memref<4x128xf32, #tpu.memory_space<vmem>>[vector<16xi32>, vector<16xi32>], vector<16xf32>, vector<16xi1>
          %add3A_62 = arith.constant 0 : i32
          %add3A_63 = vector.broadcast %add3A_62 : i32 to vector<16xi32>
          %add3A_64 = arith.addi %iota3A, %add3A_63 : vector<16xi32>
          %broadcast_in_dim3A_65 = arith.constant 0 : i32
          %broadcast_in_dim3A_66 = vector.broadcast %broadcast_in_dim3A_65 : i32 to vector<16xi32>
          %add3A_67 = vector.broadcast %scan3A_46 : i32 to vector<16xi32>
          %add3A_68 = arith.addi %add3A_67, %broadcast_in_dim3A_66 : vector<16xi32>
          %gather3A_69 = tpu.vector_load_idx %arg12[%add3A_68, %add3A_64] : memref<80x128xf32, #tpu.memory_space<vmem>>[vector<16xi32>, vector<16xi32>], vector<16xf32>,
          %gather3A_70 = tpu.vector_load_idx %arg15[%convert_element_type3A_57, %add3A_64] : memref<512x128xf32, #tpu.memory_space<vmem>>[vector<16xi32>, vector<16xi32>], vector<16xf32>,
          %max3A = arith.maximumf %gather3A_70, %gather3A_69 : vector<16xf32>
          tpu.vector_store_idx %arg15[%convert_element_type3A_57, %add3A_64], %max3A : memref<512x128xf32, #tpu.memory_space<vmem>>[vector<16xi32>, vector<16xi32>], vector<16xf32>,
          %add3A_71 = arith.constant 16 : i32
          %add3A_72 = vector.broadcast %add3A_71 : i32 to vector<16xi32>
          %add3A_73 = arith.addi %iota3A, %add3A_72 : vector<16xi32>
          %broadcast_in_dim3A_74 = arith.constant 0 : i32
          %broadcast_in_dim3A_75 = vector.broadcast %broadcast_in_dim3A_74 : i32 to vector<16xi32>
          %add3A_76 = vector.broadcast %scan3A_46 : i32 to vector<16xi32>
          %add3A_77 = arith.addi %add3A_76, %broadcast_in_dim3A_75 : vector<16xi32>
          %gather3A_78 = tpu.vector_load_idx %arg12[%add3A_77, %add3A_73] : memref<80x128xf32, #tpu.memory_space<vmem>>[vector<16xi32>, vector<16xi32>], vector<16xf32>,
          %gather3A_79 = tpu.vector_load_idx %arg15[%convert_element_type3A_57, %add3A_73] : memref<512x128xf32, #tpu.memory_space<vmem>>[vector<16xi32>, vector<16xi32>], vector<16xf32>,
          %max3A_80 = arith.maximumf %gather3A_79, %gather3A_78 : vector<16xf32>
          tpu.vector_store_idx %arg15[%convert_element_type3A_57, %add3A_73], %max3A_80 : memref<512x128xf32, #tpu.memory_space<vmem>>[vector<16xi32>, vector<16xi32>], vector<16xf32>,
          %add3A_81 = arith.constant 32 : i32
          %add3A_82 = vector.broadcast %add3A_81 : i32 to vector<16xi32>
          %add3A_83 = arith.addi %iota3A, %add3A_82 : vector<16xi32>
          %broadcast_in_dim3A_84 = arith.constant 0 : i32
          %broadcast_in_dim3A_85 = vector.broadcast %broadcast_in_dim3A_84 : i32 to vector<16xi32>
          %add3A_86 = vector.broadcast %scan3A_46 : i32 to vector<16xi32>
          %add3A_87 = arith.addi %add3A_86, %broadcast_in_dim3A_85 : vector<16xi32>
          %gather3A_88 = tpu.vector_load_idx %arg12[%add3A_87, %add3A_83] : memref<80x128xf32, #tpu.memory_space<vmem>>[vector<16xi32>, vector<16xi32>], vector<16xf32>,
          %gather3A_89 = tpu.vector_load_idx %arg15[%convert_element_type3A_57, %add3A_83] : memref<512x128xf32, #tpu.memory_space<vmem>>[vector<16xi32>, vector<16xi32>], vector<16xf32>,
          %max3A_90 = arith.maximumf %gather3A_89, %gather3A_88 : vector<16xf32>
          tpu.vector_store_idx %arg15[%convert_element_type3A_57, %add3A_83], %max3A_90 : memref<512x128xf32, #tpu.memory_space<vmem>>[vector<16xi32>, vector<16xi32>], vector<16xf32>,
          %add3A_91 = arith.constant 48 : i32
          %add3A_92 = vector.broadcast %add3A_91 : i32 to vector<16xi32>
          %add3A_93 = arith.addi %iota3A, %add3A_92 : vector<16xi32>
          %broadcast_in_dim3A_94 = arith.constant 0 : i32
          %broadcast_in_dim3A_95 = vector.broadcast %broadcast_in_dim3A_94 : i32 to vector<16xi32>
          %add3A_96 = vector.broadcast %scan3A_46 : i32 to vector<16xi32>
          %add3A_97 = arith.addi %add3A_96, %broadcast_in_dim3A_95 : vector<16xi32>
          %gather3A_98 = tpu.vector_load_idx %arg12[%add3A_97, %add3A_93] : memref<80x128xf32, #tpu.memory_space<vmem>>[vector<16xi32>, vector<16xi32>], vector<16xf32>,
          %gather3A_99 = tpu.vector_load_idx %arg15[%convert_element_type3A_57, %add3A_93] : memref<512x128xf32, #tpu.memory_space<vmem>>[vector<16xi32>, vector<16xi32>], vector<16xf32>,
          %max3A_100 = arith.maximumf %gather3A_99, %gather3A_98 : vector<16xf32>
          tpu.vector_store_idx %arg15[%convert_element_type3A_57, %add3A_93], %max3A_100 : memref<512x128xf32, #tpu.memory_space<vmem>>[vector<16xi32>, vector<16xi32>], vector<16xf32>,
          %add3A_101 = arith.constant 64 : i32
          %add3A_102 = vector.broadcast %add3A_101 : i32 to vector<16xi32>
          %add3A_103 = arith.addi %iota3A, %add3A_102 : vector<16xi32>
          %broadcast_in_dim3A_104 = arith.constant 0 : i32
          %broadcast_in_dim3A_105 = vector.broadcast %broadcast_in_dim3A_104 : i32 to vector<16xi32>
          %add3A_106 = vector.broadcast %scan3A_46 : i32 to vector<16xi32>
          %add3A_107 = arith.addi %add3A_106, %broadcast_in_dim3A_105 : vector<16xi32>
          %gather3A_108 = tpu.vector_load_idx %arg12[%add3A_107, %add3A_103] : memref<80x128xf32, #tpu.memory_space<vmem>>[vector<16xi32>, vector<16xi32>], vector<16xf32>,
          %gather3A_109 = tpu.vector_load_idx %arg15[%convert_element_type3A_57, %add3A_103] : memref<512x128xf32, #tpu.memory_space<vmem>>[vector<16xi32>, vector<16xi32>], vector<16xf32>,
          %max3A_110 = arith.maximumf %gather3A_109, %gather3A_108 : vector<16xf32>
          tpu.vector_store_idx %arg15[%convert_element_type3A_57, %add3A_103], %max3A_110 : memref<512x128xf32, #tpu.memory_space<vmem>>[vector<16xi32>, vector<16xi32>], vector<16xf32>,
          %add3A_111 = arith.constant 80 : i32
          %add3A_112 = vector.broadcast %add3A_111 : i32 to vector<16xi32>
          %add3A_113 = arith.addi %iota3A, %add3A_112 : vector<16xi32>
          %broadcast_in_dim3A_114 = arith.constant 0 : i32
          %broadcast_in_dim3A_115 = vector.broadcast %broadcast_in_dim3A_114 : i32 to vector<16xi32>
          %add3A_116 = vector.broadcast %scan3A_46 : i32 to vector<16xi32>
          %add3A_117 = arith.addi %add3A_116, %broadcast_in_dim3A_115 : vector<16xi32>
          %gather3A_118 = tpu.vector_load_idx %arg12[%add3A_117, %add3A_113] : memref<80x128xf32, #tpu.memory_space<vmem>>[vector<16xi32>, vector<16xi32>], vector<16xf32>,
          %gather3A_119 = tpu.vector_load_idx %arg15[%convert_element_type3A_57, %add3A_113] : memref<512x128xf32, #tpu.memory_space<vmem>>[vector<16xi32>, vector<16xi32>], vector<16xf32>,
          %max3A_120 = arith.maximumf %gather3A_119, %gather3A_118 : vector<16xf32>
          tpu.vector_store_idx %arg15[%convert_element_type3A_57, %add3A_113], %max3A_120 : memref<512x128xf32, #tpu.memory_space<vmem>>[vector<16xi32>, vector<16xi32>], vector<16xf32>,
          %add3A_121 = arith.constant 96 : i32
          %add3A_122 = vector.broadcast %add3A_121 : i32 to vector<16xi32>
          %add3A_123 = arith.addi %iota3A, %add3A_122 : vector<16xi32>
          %broadcast_in_dim3A_124 = arith.constant 0 : i32
          %broadcast_in_dim3A_125 = vector.broadcast %broadcast_in_dim3A_124 : i32 to vector<16xi32>
          %add3A_126 = vector.broadcast %scan3A_46 : i32 to vector<16xi32>
          %add3A_127 = arith.addi %add3A_126, %broadcast_in_dim3A_125 : vector<16xi32>
          %gather3A_128 = tpu.vector_load_idx %arg12[%add3A_127, %add3A_123] : memref<80x128xf32, #tpu.memory_space<vmem>>[vector<16xi32>, vector<16xi32>], vector<16xf32>,
          %gather3A_129 = tpu.vector_load_idx %arg15[%convert_element_type3A_57, %add3A_123] : memref<512x128xf32, #tpu.memory_space<vmem>>[vector<16xi32>, vector<16xi32>], vector<16xf32>,
          %max3A_130 = arith.maximumf %gather3A_129, %gather3A_128 : vector<16xf32>
          tpu.vector_store_idx %arg15[%convert_element_type3A_57, %add3A_123], %max3A_130 : memref<512x128xf32, #tpu.memory_space<vmem>>[vector<16xi32>, vector<16xi32>], vector<16xf32>,
          %add3A_131 = arith.constant 112 : i32
          %add3A_132 = vector.broadcast %add3A_131 : i32 to vector<16xi32>
          %add3A_133 = arith.addi %iota3A, %add3A_132 : vector<16xi32>
          %broadcast_in_dim3A_134 = arith.constant 0 : i32
          %broadcast_in_dim3A_135 = vector.broadcast %broadcast_in_dim3A_134 : i32 to vector<16xi32>
          %add3A_136 = vector.broadcast %scan3A_46 : i32 to vector<16xi32>
          %add3A_137 = arith.addi %add3A_136, %broadcast_in_dim3A_135 : vector<16xi32>
          %gather3A_138 = tpu.vector_load_idx %arg12[%add3A_137, %add3A_133] : memref<80x128xf32, #tpu.memory_space<vmem>>[vector<16xi32>, vector<16xi32>], vector<16xf32>,
          %gather3A_139 = tpu.vector_load_idx %arg15[%convert_element_type3A_57, %add3A_133] : memref<512x128xf32, #tpu.memory_space<vmem>>[vector<16xi32>, vector<16xi32>], vector<16xf32>,
          %max3A_140 = arith.maximumf %gather3A_139, %gather3A_138 : vector<16xf32>
          tpu.vector_store_idx %arg15[%convert_element_type3A_57, %add3A_133], %max3A_140 : memref<512x128xf32, #tpu.memory_space<vmem>>[vector<16xi32>, vector<16xi32>], vector<16xf32>,
          %scan3A_141 = arith.constant 0 : i32
          scf.yield %scan3A_141 : i32
        }
        %scan3A_44 = arith.constant 80 : i32
        %scan3A_45 = arith.constant 0 : i32
        scf.yield %scan3A_45 : i32
      }
      %scan3A_30 = arith.constant 5 : i32
    } else {
    }
    "tpu.region"() ({
      %run_scoped3A = tpu.sem_alloc : memref<!tpu.dma_semaphore, #tpu.memory_space<semaphore_mem>>
      %dma_start3A = arith.constant 0 : i32
      %dma_start3A_25 = arith.constant 0 : i32
      %dma_start3A_26 = tpu.memref_slice %arg17[%dma_start3A, %dma_start3A_25] : memref<4x128xf32, #tpu.memory_space<vmem_shared>> -> memref<4x128xf32, #tpu.memory_space<vmem_shared>>
      tpu.enqueue_indirect_dma source(%arg14 : memref<4x128xf32, #tpu.memory_space<vmem>>) target(%dma_start3A_26 : memref<4x128xf32, #tpu.memory_space<vmem_shared>>) offsets(%arg13 : memref<4xi32, #tpu.memory_space<vmem>>) semaphore(%run_scoped3A : memref<!tpu.dma_semaphore, #tpu.memory_space<semaphore_mem>>) {add = true}
      %dma_wait3A = arith.constant 0 : i32
      %dma_wait3A_27 = arith.constant 0 : i32
      %dma_wait3A_28 = tpu.memref_slice %arg17[%dma_wait3A, %dma_wait3A_27] : memref<4x128xf32, #tpu.memory_space<vmem_shared>> -> memref<4x128xf32, #tpu.memory_space<vmem_shared>>
      tpu.wait_indirect_dma semaphore(%run_scoped3A : memref<!tpu.dma_semaphore, #tpu.memory_space<semaphore_mem>>) src(%arg14 : memref<4x128xf32, #tpu.memory_space<vmem>>) dst(%dma_wait3A_28 : memref<4x128xf32, #tpu.memory_space<vmem_shared>>)
      tpu.yield
    }) : () -> ()
    %barrier3A_15 = arith.constant 0 : index
    tpu.barrier barrier_id(%barrier3A_15)
    %mul3A_16 = arith.constant 32 : i32
    %mul3A_17 = arith.muli %arg1, %mul3A_16 : i32
    %mul3A_18 = arith.constant 32 : i32
    %mul3A_19 = arith.muli %arg1, %mul3A_18 : i32
    "tpu.region"() ({
      %run_scoped3A = tpu.sem_alloc : memref<!tpu.dma_semaphore, #tpu.memory_space<semaphore_mem>>
      %dma_start3A = arith.constant 0 : i32
      %dma_start3A_25 = tpu.memref_slice %arg7[%arg0, %mul3A_19, %dma_start3A] : memref<2x512x128xf32, #tpu.memory_space<hbm>> -> memref<1x32x128xf32, #tpu.memory_space<hbm>>
      %dma_start3A_26 = tpu.memref_squeeze %dma_start3A_25 : memref<1x32x128xf32, #tpu.memory_space<hbm>> -> memref<32x128xf32, #tpu.memory_space<hbm>>
      %dma_start3A_27 = arith.constant 0 : i32
      %dma_start3A_28 = tpu.memref_slice %arg16[%mul3A_17, %dma_start3A_27] : memref<512x128xf32, #tpu.memory_space<vmem_shared>> -> memref<32x128xf32, #tpu.memory_space<vmem_shared>>
      tpu.enqueue_dma source(%dma_start3A_28 : memref<32x128xf32, #tpu.memory_space<vmem_shared>>) target(%dma_start3A_26 : memref<32x128xf32, #tpu.memory_space<hbm>>) target_semaphore(%run_scoped3A : memref<!tpu.dma_semaphore, #tpu.memory_space<semaphore_mem>>)
      %dma_wait3A = arith.constant 0 : i32
      %dma_wait3A_29 = tpu.memref_slice %arg7[%arg0, %mul3A_19, %dma_wait3A] : memref<2x512x128xf32, #tpu.memory_space<hbm>> -> memref<1x32x128xf32, #tpu.memory_space<hbm>>
      %dma_wait3A_30 = tpu.memref_squeeze %dma_wait3A_29 : memref<1x32x128xf32, #tpu.memory_space<hbm>> -> memref<32x128xf32, #tpu.memory_space<hbm>>
      %dma_wait3A_31 = arith.constant 0 : i32
      %dma_wait3A_32 = tpu.memref_slice %arg16[%mul3A_17, %dma_wait3A_31] : memref<512x128xf32, #tpu.memory_space<vmem_shared>> -> memref<32x128xf32, #tpu.memory_space<vmem_shared>>
      tpu.wait_dma2 semaphore(%run_scoped3A : memref<!tpu.dma_semaphore, #tpu.memory_space<semaphore_mem>>) src(%dma_wait3A_32 : memref<32x128xf32, #tpu.memory_space<vmem_shared>>) dst(%dma_wait3A_30 : memref<32x128xf32, #tpu.memory_space<hbm>>)
      tpu.yield
    }) : () -> ()
    %eq3A_20 = arith.constant 0 : i32
    %eq3A_21 = arith.cmpi eq, %arg1, %eq3A_20 : i32
    %convert_element_type3A_22 = arith.extui %eq3A_21 : i1 to i32
    %cond3A_23 = arith.constant 0 : i32
    %cond3A_24 = arith.cmpi ne, %convert_element_type3A_22, %cond3A_23 : i32
    scf.if %cond3A_24 {
      "tpu.region"() ({
        %run_scoped3A = tpu.sem_alloc : memref<!tpu.dma_semaphore, #tpu.memory_space<semaphore_mem>>
        %dma_start3A = arith.constant 0 : i32
        %dma_start3A_25 = arith.constant 0 : i32
        %dma_start3A_26 = tpu.memref_slice %arg8[%arg0, %dma_start3A, %dma_start3A_25] : memref<2x4x128xf32, #tpu.memory_space<hbm>> -> memref<1x4x128xf32, #tpu.memory_space<hbm>>
        %dma_start3A_27 = tpu.memref_squeeze %dma_start3A_26 : memref<1x4x128xf32, #tpu.memory_space<hbm>> -> memref<4x128xf32, #tpu.memory_space<hbm>>
        tpu.enqueue_dma source(%arg17 : memref<4x128xf32, #tpu.memory_space<vmem_shared>>) target(%dma_start3A_27 : memref<4x128xf32, #tpu.memory_space<hbm>>) target_semaphore(%run_scoped3A : memref<!tpu.dma_semaphore, #tpu.memory_space<semaphore_mem>>)
        %dma_wait3A = arith.constant 0 : i32
        %dma_wait3A_28 = arith.constant 0 : i32
        %dma_wait3A_29 = tpu.memref_slice %arg8[%arg0, %dma_wait3A, %dma_wait3A_28] : memref<2x4x128xf32, #tpu.memory_space<hbm>> -> memref<1x4x128xf32, #tpu.memory_space<hbm>>
        %dma_wait3A_30 = tpu.memref_squeeze %dma_wait3A_29 : memref<1x4x128xf32, #tpu.memory_space<hbm>> -> memref<4x128xf32, #tpu.memory_space<hbm>>
        tpu.wait_dma2 semaphore(%run_scoped3A : memref<!tpu.dma_semaphore, #tpu.memory_space<semaphore_mem>>) src(%arg17 : memref<4x128xf32, #tpu.memory_space<vmem_shared>>) dst(%dma_wait3A_30 : memref<4x128xf32, #tpu.memory_space<hbm>>)
        tpu.yield
      }) : () -> ()
    } else {
    }
    "tpu.region"() ({
      %run_scoped3A = tpu.sem_alloc : memref<!tpu.dma_semaphore, #tpu.memory_space<semaphore_mem>>
      %dma_start3A = arith.constant 0 : i32
      %dma_start3A_25 = arith.constant 0 : i32
      %dma_start3A_26 = tpu.memref_slice %arg9[%add3A, %dma_start3A, %dma_start3A_25] : memref<32x512x128xf32, #tpu.memory_space<hbm>> -> memref<1x512x128xf32, #tpu.memory_space<hbm>>
      %dma_start3A_27 = tpu.memref_squeeze %dma_start3A_26 : memref<1x512x128xf32, #tpu.memory_space<hbm>> -> memref<512x128xf32, #tpu.memory_space<hbm>>
      %dma_start3A_28 = arith.constant 0 : i32
      %dma_start3A_29 = arith.constant 0 : i32
      %dma_start3A_30 = tpu.memref_slice %arg9[%add3A, %dma_start3A_28, %dma_start3A_29] : memref<32x512x128xf32, #tpu.memory_space<hbm>> -> memref<1x512x128xf32, #tpu.memory_space<hbm>>
      %dma_start3A_31 = tpu.memref_squeeze %dma_start3A_30 : memref<1x512x128xf32, #tpu.memory_space<hbm>> -> memref<512x128xf32, #tpu.memory_space<hbm>>
      tpu.enqueue_dma source(%arg15 : memref<512x128xf32, #tpu.memory_space<vmem>>) target(%dma_start3A_31 : memref<512x128xf32, #tpu.memory_space<hbm>>) target_semaphore(%run_scoped3A : memref<!tpu.dma_semaphore, #tpu.memory_space<semaphore_mem>>)
      %dma_wait3A = arith.constant 0 : i32
      %dma_wait3A_32 = arith.constant 0 : i32
      %dma_wait3A_33 = tpu.memref_slice %arg9[%add3A, %dma_wait3A, %dma_wait3A_32] : memref<32x512x128xf32, #tpu.memory_space<hbm>> -> memref<1x512x128xf32, #tpu.memory_space<hbm>>
      %dma_wait3A_34 = tpu.memref_squeeze %dma_wait3A_33 : memref<1x512x128xf32, #tpu.memory_space<hbm>> -> memref<512x128xf32, #tpu.memory_space<hbm>>
      %dma_wait3A_35 = arith.constant 0 : i32
      %dma_wait3A_36 = arith.constant 0 : i32
      %dma_wait3A_37 = tpu.memref_slice %arg9[%add3A, %dma_wait3A_35, %dma_wait3A_36] : memref<32x512x128xf32, #tpu.memory_space<hbm>> -> memref<1x512x128xf32, #tpu.memory_space<hbm>>
      %dma_wait3A_38 = tpu.memref_squeeze %dma_wait3A_37 : memref<1x512x128xf32, #tpu.memory_space<hbm>> -> memref<512x128xf32, #tpu.memory_space<hbm>>
      tpu.wait_dma2 semaphore(%run_scoped3A : memref<!tpu.dma_semaphore, #tpu.memory_space<semaphore_mem>>) src(%arg15 : memref<512x128xf32, #tpu.memory_space<vmem>>) dst(%dma_wait3A_38 : memref<512x128xf32, #tpu.memory_space<hbm>>)
      tpu.yield
    }) : () -> ()
    return
  }
}

#map = affine_map<(d0, d1) -> (0, 0)>
#map1 = affine_map<(d0, d1) -> (0)>
#map2 = affine_map<(d0, d1) -> (0, 0, 0)>
module attributes {stable_mosaic.version = 14 : i64} {
  func.func @_prop(%arg0: i32, %arg1: i32, %arg2: memref<10240x128xf32, #tpu.memory_space<hbm>>, %arg3: memref<320000xi32, #tpu.memory_space<hbm>>, %arg4: memref<320000xi32, #tpu.memory_space<hbm>>, %arg5: memref<10240x128xf32, #tpu.memory_space<hbm>>, %arg6: memref<2x10240x128xf32, #tpu.memory_space<hbm>>, %arg7: memref<10000xi32, #tpu.memory_space<vmem>>, %arg8: memref<40xi32, #tpu.memory_space<vmem>>, %arg9: memref<40xi32, #tpu.memory_space<vmem>>, %arg10: memref<40xi32, #tpu.memory_space<vmem>>, %arg11: memref<40xi32, #tpu.memory_space<vmem>>, %arg12: memref<40xi32, #tpu.memory_space<vmem>>, %arg13: memref<40x128xf32, #tpu.memory_space<vmem>>, %arg14: memref<40x128xf32, #tpu.memory_space<vmem>>, %arg15: memref<40x128xf32, #tpu.memory_space<vmem>>, %arg16: memref<40x128xf32, #tpu.memory_space<vmem>>, %arg17: memref<40x128xf32, #tpu.memory_space<vmem>>, %arg18: memref<!tpu.dma_semaphore, #tpu.memory_space<semaphore_mem>>, %arg19: memref<!tpu.dma_semaphore, #tpu.memory_space<semaphore_mem>>, %arg20: memref<!tpu.dma_semaphore, #tpu.memory_space<semaphore_mem>>, %arg21: memref<!tpu.dma_semaphore, #tpu.memory_space<semaphore_mem>>, %arg22: memref<!tpu.dma_semaphore, #tpu.memory_space<semaphore_mem>>, %arg23: memref<!tpu.dma_semaphore, #tpu.memory_space<semaphore_mem>>, %arg24: memref<!tpu.dma_semaphore, #tpu.memory_space<semaphore_mem>>, %arg25: memref<!tpu.dma_semaphore, #tpu.memory_space<semaphore_mem>>, %arg26: memref<!tpu.dma_semaphore, #tpu.memory_space<semaphore_mem>>, %arg27: memref<!tpu.dma_semaphore, #tpu.memory_space<semaphore_mem>>, %arg28: memref<!tpu.dma_semaphore, #tpu.memory_space<semaphore_mem>>, %arg29: memref<!tpu.dma_semaphore, #tpu.memory_space<semaphore_mem>>, %arg30: memref<!tpu.dma_semaphore, #tpu.memory_space<semaphore_mem>>, %arg31: memref<!tpu.dma_semaphore, #tpu.memory_space<semaphore_mem>>, %arg32: memref<!tpu.dma_semaphore, #tpu.memory_space<semaphore_mem>>, %arg33: memref<10240x128xf32, #tpu.memory_space<vmem_shared>>) attributes {dimension_semantics = [#tpu.dimension_semantics<core_parallel>, #tpu.dimension_semantics<subcore_parallel>], iteration_bounds = array<i64: 2, 16>, scalar_prefetch = 0 : i64, scratch_operands = 27 : i64, tpu.core_type = #tpu.core_type<sc_vector_subcore>, window_params = [{transform_indices = #map}, {transform_indices = #map1}, {transform_indices = #map1}, {transform_indices = #map}, {transform_indices = #map2}]} {
    %mul3A = arith.constant 16 : i32
    %mul3A_0 = arith.muli %arg0, %mul3A : i32
    %add3A = arith.addi %mul3A_0, %arg1 : i32
    %mul3A_1 = arith.constant 10000 : i32
    %mul3A_2 = arith.muli %add3A, %mul3A_1 : i32
    %multiple_of3A = tpu.assume_multiple %mul3A_2, 8 : i32
    %mul3A_3 = arith.constant 640 : i32
    %mul3A_4 = arith.muli %arg1, %mul3A_3 : i32
    %mul3A_5 = arith.constant 640 : i32
    %mul3A_6 = arith.muli %arg1, %mul3A_5 : i32
    "tpu.region"() ({
      %run_scoped3A = tpu.sem_alloc : memref<!tpu.dma_semaphore, #tpu.memory_space<semaphore_mem>>
      %dma_start3A_42 = arith.constant 0 : i32
      %dma_start3A_43 = tpu.memref_slice %arg33[%mul3A_6, %dma_start3A_42] : memref<10240x128xf32, #tpu.memory_space<vmem_shared>> -> memref<640x128xf32, #tpu.memory_space<vmem_shared>>
      %dma_start3A_44 = arith.constant 0 : i32
      %dma_start3A_45 = tpu.memref_slice %arg5[%mul3A_4, %dma_start3A_44] : memref<10240x128xf32, #tpu.memory_space<hbm>> -> memref<640x128xf32, #tpu.memory_space<hbm>>
      tpu.enqueue_dma source(%dma_start3A_45 : memref<640x128xf32, #tpu.memory_space<hbm>>) target(%dma_start3A_43 : memref<640x128xf32, #tpu.memory_space<vmem_shared>>) target_semaphore(%run_scoped3A : memref<!tpu.dma_semaphore, #tpu.memory_space<semaphore_mem>>)
      %dma_wait3A_46 = arith.constant 0 : i32
      %dma_wait3A_47 = tpu.memref_slice %arg33[%mul3A_6, %dma_wait3A_46] : memref<10240x128xf32, #tpu.memory_space<vmem_shared>> -> memref<640x128xf32, #tpu.memory_space<vmem_shared>>
      %dma_wait3A_48 = arith.constant 0 : i32
      %dma_wait3A_49 = tpu.memref_slice %arg5[%mul3A_4, %dma_wait3A_48] : memref<10240x128xf32, #tpu.memory_space<hbm>> -> memref<640x128xf32, #tpu.memory_space<hbm>>
      tpu.wait_dma2 semaphore(%run_scoped3A : memref<!tpu.dma_semaphore, #tpu.memory_space<semaphore_mem>>) src(%dma_wait3A_49 : memref<640x128xf32, #tpu.memory_space<hbm>>) dst(%dma_wait3A_47 : memref<640x128xf32, #tpu.memory_space<vmem_shared>>)
      tpu.yield
    }) : () -> ()
    "tpu.region"() ({
      %run_scoped3A = tpu.sem_alloc : memref<!tpu.dma_semaphore, #tpu.memory_space<semaphore_mem>>
      %dma_start3A_42 = tpu.memref_slice %arg3[%multiple_of3A] : memref<320000xi32, #tpu.memory_space<hbm>> -> memref<10000xi32, #tpu.memory_space<hbm>>
      %dma_start3A_43 = tpu.memref_slice %arg3[%multiple_of3A] : memref<320000xi32, #tpu.memory_space<hbm>> -> memref<10000xi32, #tpu.memory_space<hbm>>
      tpu.enqueue_dma source(%dma_start3A_43 : memref<10000xi32, #tpu.memory_space<hbm>>) target(%arg7 : memref<10000xi32, #tpu.memory_space<vmem>>) target_semaphore(%run_scoped3A : memref<!tpu.dma_semaphore, #tpu.memory_space<semaphore_mem>>)
      %dma_wait3A_44 = tpu.memref_slice %arg3[%multiple_of3A] : memref<320000xi32, #tpu.memory_space<hbm>> -> memref<10000xi32, #tpu.memory_space<hbm>>
      %dma_wait3A_45 = tpu.memref_slice %arg3[%multiple_of3A] : memref<320000xi32, #tpu.memory_space<hbm>> -> memref<10000xi32, #tpu.memory_space<hbm>>
      tpu.wait_dma2 semaphore(%run_scoped3A : memref<!tpu.dma_semaphore, #tpu.memory_space<semaphore_mem>>) src(%dma_wait3A_45 : memref<10000xi32, #tpu.memory_space<hbm>>) dst(%arg7 : memref<10000xi32, #tpu.memory_space<vmem>>)
      tpu.yield
    }) : () -> ()
    %barrier3A = arith.constant 0 : index
    tpu.barrier barrier_id(%barrier3A)
    %add3A_7 = arith.constant 0 : i32
    %add3A_8 = arith.addi %multiple_of3A, %add3A_7 : i32
    %multiple_of3A_9 = tpu.assume_multiple %add3A_8, 8 : i32
    %multiple_of3A_10 = arith.constant 0 : i32
    %multiple_of3A_11 = tpu.assume_multiple %multiple_of3A_10, 8 : i32
    %dma_start3A = tpu.memref_slice %arg4[%multiple_of3A_9] : memref<320000xi32, #tpu.memory_space<hbm>> -> memref<40xi32, #tpu.memory_space<hbm>>
    %dma_start3A_12 = tpu.memref_slice %arg4[%multiple_of3A_9] : memref<320000xi32, #tpu.memory_space<hbm>> -> memref<40xi32, #tpu.memory_space<hbm>>
    tpu.enqueue_dma source(%dma_start3A_12 : memref<40xi32, #tpu.memory_space<hbm>>) target(%arg8 : memref<40xi32, #tpu.memory_space<vmem>>) target_semaphore(%arg18 : memref<!tpu.dma_semaphore, #tpu.memory_space<semaphore_mem>>)
    %dma_start3A_13 = tpu.memref_slice %arg7[%multiple_of3A_11] : memref<10000xi32, #tpu.memory_space<vmem>> -> memref<40xi32, #tpu.memory_space<vmem>>
    %dma_start3A_14 = arith.constant 0 : i32
    %dma_start3A_15 = arith.constant 0 : i32
    %dma_start3A_16 = tpu.memref_slice %arg2[%dma_start3A_14, %dma_start3A_15] : memref<10240x128xf32, #tpu.memory_space<hbm>> -> memref<10240x128xf32, #tpu.memory_space<hbm>>
    tpu.enqueue_indirect_dma source(%dma_start3A_16 : memref<10240x128xf32, #tpu.memory_space<hbm>>) target(%arg13 : memref<40x128xf32, #tpu.memory_space<vmem>>) offsets(%dma_start3A_13 : memref<40xi32, #tpu.memory_space<vmem>>) semaphore(%arg23 : memref<!tpu.dma_semaphore, #tpu.memory_space<semaphore_mem>>)
    %scan3A = arith.constant 0 : i32
    %scan3A_17 = arith.constant 0 : i32
    %scan3A_18 = arith.constant 50 : i32
    %scan3A_19 = arith.addi %scan3A_17, %scan3A_18 : i32
    %scan3A_20 = arith.constant 1 : i32
    %scan3A_21 = scf.for %scan3A_42 = %scan3A_17 to %scan3A_19 step %scan3A_20 iter_args(%scan3A_43 = %scan3A) -> (i32)  : i32 {
      %mul3A_44 = arith.constant 5 : i32
      %mul3A_45 = arith.muli %scan3A_42, %mul3A_44 : i32
      %add3A_46 = arith.constant 0 : i32
      %add3A_47 = arith.addi %mul3A_45, %add3A_46 : i32
      %add3A_48 = arith.constant 1 : i32
      %add3A_49 = arith.addi %add3A_47, %add3A_48 : i32
      %lt3A = arith.constant 250 : i32
      %lt3A_50 = arith.cmpi slt, %add3A_49, %lt3A : i32
      %convert_element_type3A = arith.extui %lt3A_50 : i1 to i32
      %cond3A = arith.constant 0 : i32
      %cond3A_51 = arith.cmpi ne, %convert_element_type3A, %cond3A : i32
      scf.if %cond3A_51 {
        %add3A_177 = arith.constant 1 : i32
        %add3A_178 = arith.addi %add3A_47, %add3A_177 : i32
        %ge3A = arith.constant 5 : i32
        %ge3A_179 = arith.cmpi sge, %add3A_178, %ge3A : i32
        %convert_element_type3A_180 = arith.extui %ge3A_179 : i1 to i32
        %cond3A_181 = arith.constant 0 : i32
        %cond3A_182 = arith.cmpi ne, %convert_element_type3A_180, %cond3A_181 : i32
        scf.if %cond3A_182 {
          %dma_wait3A_198 = arith.constant 0 : i32
          %dma_wait3A_199 = arith.constant 0 : i32
          %dma_wait3A_200 = tpu.memref_slice %arg33[%dma_wait3A_198, %dma_wait3A_199] : memref<10240x128xf32, #tpu.memory_space<vmem_shared>> -> memref<10240x128xf32, #tpu.memory_space<vmem_shared>>
          tpu.wait_indirect_dma semaphore(%arg29 : memref<!tpu.dma_semaphore, #tpu.memory_space<semaphore_mem>>) src(%arg14 : memref<40x128xf32, #tpu.memory_space<vmem>>) dst(%dma_wait3A_200 : memref<10240x128xf32, #tpu.memory_space<vmem_shared>>)
        } else {
        }
        %add3A_183 = arith.constant 1 : i32
        %add3A_184 = arith.addi %add3A_47, %add3A_183 : i32
        %mul3A_185 = arith.constant 40 : i32
        %mul3A_186 = arith.muli %add3A_184, %mul3A_185 : i32
        %add3A_187 = arith.addi %multiple_of3A, %mul3A_186 : i32
        %multiple_of3A_188 = tpu.assume_multiple %add3A_187, 8 : i32
        %mul3A_189 = arith.constant 40 : i32
        %mul3A_190 = arith.muli %add3A_184, %mul3A_189 : i32
        %multiple_of3A_191 = tpu.assume_multiple %mul3A_190, 8 : i32
        %dma_start3A_192 = tpu.memref_slice %arg4[%multiple_of3A_188] : memref<320000xi32, #tpu.memory_space<hbm>> -> memref<40xi32, #tpu.memory_space<hbm>>
        %dma_start3A_193 = tpu.memref_slice %arg4[%multiple_of3A_188] : memref<320000xi32, #tpu.memory_space<hbm>> -> memref<40xi32, #tpu.memory_space<hbm>>
        tpu.enqueue_dma source(%dma_start3A_193 : memref<40xi32, #tpu.memory_space<hbm>>) target(%arg9 : memref<40xi32, #tpu.memory_space<vmem>>) target_semaphore(%arg19 : memref<!tpu.dma_semaphore, #tpu.memory_space<semaphore_mem>>)
        %dma_start3A_194 = tpu.memref_slice %arg7[%multiple_of3A_191] : memref<10000xi32, #tpu.memory_space<vmem>> -> memref<40xi32, #tpu.memory_space<vmem>>
        %dma_start3A_195 = arith.constant 0 : i32
        %dma_start3A_196 = arith.constant 0 : i32
        %dma_start3A_197 = tpu.memref_slice %arg2[%dma_start3A_195, %dma_start3A_196] : memref<10240x128xf32, #tpu.memory_space<hbm>> -> memref<10240x128xf32, #tpu.memory_space<hbm>>
        tpu.enqueue_indirect_dma source(%dma_start3A_197 : memref<10240x128xf32, #tpu.memory_space<hbm>>) target(%arg14 : memref<40x128xf32, #tpu.memory_space<vmem>>) offsets(%dma_start3A_194 : memref<40xi32, #tpu.memory_space<vmem>>) semaphore(%arg24 : memref<!tpu.dma_semaphore, #tpu.memory_space<semaphore_mem>>)
      } else {
      }
      %mul3A_52 = arith.constant 40 : i32
      %mul3A_53 = arith.muli %add3A_47, %mul3A_52 : i32
      %add3A_54 = arith.addi %multiple_of3A, %mul3A_53 : i32
      %multiple_of3A_55 = tpu.assume_multiple %add3A_54, 8 : i32
      %mul3A_56 = arith.constant 40 : i32
      %mul3A_57 = arith.muli %add3A_47, %mul3A_56 : i32
      %multiple_of3A_58 = tpu.assume_multiple %mul3A_57, 8 : i32
      %dma_wait3A_59 = tpu.memref_slice %arg4[%multiple_of3A_55] : memref<320000xi32, #tpu.memory_space<hbm>> -> memref<40xi32, #tpu.memory_space<hbm>>
      %dma_wait3A_60 = tpu.memref_slice %arg4[%multiple_of3A_55] : memref<320000xi32, #tpu.memory_space<hbm>> -> memref<40xi32, #tpu.memory_space<hbm>>
      tpu.wait_dma2 semaphore(%arg18 : memref<!tpu.dma_semaphore, #tpu.memory_space<semaphore_mem>>) src(%dma_wait3A_60 : memref<40xi32, #tpu.memory_space<hbm>>) dst(%arg8 : memref<40xi32, #tpu.memory_space<vmem>>)
      %dma_wait3A_61 = tpu.memref_slice %arg7[%multiple_of3A_58] : memref<10000xi32, #tpu.memory_space<vmem>> -> memref<40xi32, #tpu.memory_space<vmem>>
      %dma_wait3A_62 = arith.constant 0 : i32
      %dma_wait3A_63 = arith.constant 0 : i32
      %dma_wait3A_64 = tpu.memref_slice %arg2[%dma_wait3A_62, %dma_wait3A_63] : memref<10240x128xf32, #tpu.memory_space<hbm>> -> memref<10240x128xf32, #tpu.memory_space<hbm>>
      tpu.wait_indirect_dma semaphore(%arg23 : memref<!tpu.dma_semaphore, #tpu.memory_space<semaphore_mem>>) src(%dma_wait3A_64 : memref<10240x128xf32, #tpu.memory_space<hbm>>) dst(%arg13 : memref<40x128xf32, #tpu.memory_space<vmem>>)
      %dma_start3A_65 = arith.constant 0 : i32
      %dma_start3A_66 = arith.constant 0 : i32
      %dma_start3A_67 = tpu.memref_slice %arg33[%dma_start3A_65, %dma_start3A_66] : memref<10240x128xf32, #tpu.memory_space<vmem_shared>> -> memref<10240x128xf32, #tpu.memory_space<vmem_shared>>
      tpu.enqueue_indirect_dma source(%arg13 : memref<40x128xf32, #tpu.memory_space<vmem>>) target(%dma_start3A_67 : memref<10240x128xf32, #tpu.memory_space<vmem_shared>>) offsets(%arg8 : memref<40xi32, #tpu.memory_space<vmem>>) semaphore(%arg28 : memref<!tpu.dma_semaphore, #tpu.memory_space<semaphore_mem>>) {add = true}
      %mul3A_68 = arith.constant 5 : i32
      %mul3A_69 = arith.muli %scan3A_42, %mul3A_68 : i32
      %add3A_70 = arith.constant 1 : i32
      %add3A_71 = arith.addi %mul3A_69, %add3A_70 : i32
      %add3A_72 = arith.constant 1 : i32
      %add3A_73 = arith.addi %add3A_71, %add3A_72 : i32
      %lt3A_74 = arith.constant 250 : i32
      %lt3A_75 = arith.cmpi slt, %add3A_73, %lt3A_74 : i32
      %convert_element_type3A_76 = arith.extui %lt3A_75 : i1 to i32
      %cond3A_77 = arith.constant 0 : i32
      %cond3A_78 = arith.cmpi ne, %convert_element_type3A_76, %cond3A_77 : i32
      scf.if %cond3A_78 {
        %add3A_177 = arith.constant 1 : i32
        %add3A_178 = arith.addi %add3A_71, %add3A_177 : i32
        %ge3A = arith.constant 5 : i32
        %ge3A_179 = arith.cmpi sge, %add3A_178, %ge3A : i32
        %convert_element_type3A_180 = arith.extui %ge3A_179 : i1 to i32
        %cond3A_181 = arith.constant 0 : i32
        %cond3A_182 = arith.cmpi ne, %convert_element_type3A_180, %cond3A_181 : i32
        scf.if %cond3A_182 {
          %dma_wait3A_198 = arith.constant 0 : i32
          %dma_wait3A_199 = arith.constant 0 : i32
          %dma_wait3A_200 = tpu.memref_slice %arg33[%dma_wait3A_198, %dma_wait3A_199] : memref<10240x128xf32, #tpu.memory_space<vmem_shared>> -> memref<10240x128xf32, #tpu.memory_space<vmem_shared>>
          tpu.wait_indirect_dma semaphore(%arg30 : memref<!tpu.dma_semaphore, #tpu.memory_space<semaphore_mem>>) src(%arg15 : memref<40x128xf32, #tpu.memory_space<vmem>>) dst(%dma_wait3A_200 : memref<10240x128xf32, #tpu.memory_space<vmem_shared>>)
        } else {
        }
        %add3A_183 = arith.constant 1 : i32
        %add3A_184 = arith.addi %add3A_71, %add3A_183 : i32
        %mul3A_185 = arith.constant 40 : i32
        %mul3A_186 = arith.muli %add3A_184, %mul3A_185 : i32
        %add3A_187 = arith.addi %multiple_of3A, %mul3A_186 : i32
        %multiple_of3A_188 = tpu.assume_multiple %add3A_187, 8 : i32
        %mul3A_189 = arith.constant 40 : i32
        %mul3A_190 = arith.muli %add3A_184, %mul3A_189 : i32
        %multiple_of3A_191 = tpu.assume_multiple %mul3A_190, 8 : i32
        %dma_start3A_192 = tpu.memref_slice %arg4[%multiple_of3A_188] : memref<320000xi32, #tpu.memory_space<hbm>> -> memref<40xi32, #tpu.memory_space<hbm>>
        %dma_start3A_193 = tpu.memref_slice %arg4[%multiple_of3A_188] : memref<320000xi32, #tpu.memory_space<hbm>> -> memref<40xi32, #tpu.memory_space<hbm>>
        tpu.enqueue_dma source(%dma_start3A_193 : memref<40xi32, #tpu.memory_space<hbm>>) target(%arg10 : memref<40xi32, #tpu.memory_space<vmem>>) target_semaphore(%arg20 : memref<!tpu.dma_semaphore, #tpu.memory_space<semaphore_mem>>)
        %dma_start3A_194 = tpu.memref_slice %arg7[%multiple_of3A_191] : memref<10000xi32, #tpu.memory_space<vmem>> -> memref<40xi32, #tpu.memory_space<vmem>>
        %dma_start3A_195 = arith.constant 0 : i32
        %dma_start3A_196 = arith.constant 0 : i32
        %dma_start3A_197 = tpu.memref_slice %arg2[%dma_start3A_195, %dma_start3A_196] : memref<10240x128xf32, #tpu.memory_space<hbm>> -> memref<10240x128xf32, #tpu.memory_space<hbm>>
        tpu.enqueue_indirect_dma source(%dma_start3A_197 : memref<10240x128xf32, #tpu.memory_space<hbm>>) target(%arg15 : memref<40x128xf32, #tpu.memory_space<vmem>>) offsets(%dma_start3A_194 : memref<40xi32, #tpu.memory_space<vmem>>) semaphore(%arg25 : memref<!tpu.dma_semaphore, #tpu.memory_space<semaphore_mem>>)
      } else {
      }
      %mul3A_79 = arith.constant 40 : i32
      %mul3A_80 = arith.muli %add3A_71, %mul3A_79 : i32
      %add3A_81 = arith.addi %multiple_of3A, %mul3A_80 : i32
      %multiple_of3A_82 = tpu.assume_multiple %add3A_81, 8 : i32
      %mul3A_83 = arith.constant 40 : i32
      %mul3A_84 = arith.muli %add3A_71, %mul3A_83 : i32
      %multiple_of3A_85 = tpu.assume_multiple %mul3A_84, 8 : i32
      %dma_wait3A_86 = tpu.memref_slice %arg4[%multiple_of3A_82] : memref<320000xi32, #tpu.memory_space<hbm>> -> memref<40xi32, #tpu.memory_space<hbm>>
      %dma_wait3A_87 = tpu.memref_slice %arg4[%multiple_of3A_82] : memref<320000xi32, #tpu.memory_space<hbm>> -> memref<40xi32, #tpu.memory_space<hbm>>
      tpu.wait_dma2 semaphore(%arg19 : memref<!tpu.dma_semaphore, #tpu.memory_space<semaphore_mem>>) src(%dma_wait3A_87 : memref<40xi32, #tpu.memory_space<hbm>>) dst(%arg9 : memref<40xi32, #tpu.memory_space<vmem>>)
      %dma_wait3A_88 = tpu.memref_slice %arg7[%multiple_of3A_85] : memref<10000xi32, #tpu.memory_space<vmem>> -> memref<40xi32, #tpu.memory_space<vmem>>
      %dma_wait3A_89 = arith.constant 0 : i32
      %dma_wait3A_90 = arith.constant 0 : i32
      %dma_wait3A_91 = tpu.memref_slice %arg2[%dma_wait3A_89, %dma_wait3A_90] : memref<10240x128xf32, #tpu.memory_space<hbm>> -> memref<10240x128xf32, #tpu.memory_space<hbm>>
      tpu.wait_indirect_dma semaphore(%arg24 : memref<!tpu.dma_semaphore, #tpu.memory_space<semaphore_mem>>) src(%dma_wait3A_91 : memref<10240x128xf32, #tpu.memory_space<hbm>>) dst(%arg14 : memref<40x128xf32, #tpu.memory_space<vmem>>)
      %dma_start3A_92 = arith.constant 0 : i32
      %dma_start3A_93 = arith.constant 0 : i32
      %dma_start3A_94 = tpu.memref_slice %arg33[%dma_start3A_92, %dma_start3A_93] : memref<10240x128xf32, #tpu.memory_space<vmem_shared>> -> memref<10240x128xf32, #tpu.memory_space<vmem_shared>>
      tpu.enqueue_indirect_dma source(%arg14 : memref<40x128xf32, #tpu.memory_space<vmem>>) target(%dma_start3A_94 : memref<10240x128xf32, #tpu.memory_space<vmem_shared>>) offsets(%arg9 : memref<40xi32, #tpu.memory_space<vmem>>) semaphore(%arg29 : memref<!tpu.dma_semaphore, #tpu.memory_space<semaphore_mem>>) {add = true}
      %mul3A_95 = arith.constant 5 : i32
      %mul3A_96 = arith.muli %scan3A_42, %mul3A_95 : i32
      %add3A_97 = arith.constant 2 : i32
      %add3A_98 = arith.addi %mul3A_96, %add3A_97 : i32
      %add3A_99 = arith.constant 1 : i32
      %add3A_100 = arith.addi %add3A_98, %add3A_99 : i32
      %lt3A_101 = arith.constant 250 : i32
      %lt3A_102 = arith.cmpi slt, %add3A_100, %lt3A_101 : i32
      %convert_element_type3A_103 = arith.extui %lt3A_102 : i1 to i32
      %cond3A_104 = arith.constant 0 : i32
      %cond3A_105 = arith.cmpi ne, %convert_element_type3A_103, %cond3A_104 : i32
      scf.if %cond3A_105 {
        %add3A_177 = arith.constant 1 : i32
        %add3A_178 = arith.addi %add3A_98, %add3A_177 : i32
        %ge3A = arith.constant 5 : i32
        %ge3A_179 = arith.cmpi sge, %add3A_178, %ge3A : i32
        %convert_element_type3A_180 = arith.extui %ge3A_179 : i1 to i32
        %cond3A_181 = arith.constant 0 : i32
        %cond3A_182 = arith.cmpi ne, %convert_element_type3A_180, %cond3A_181 : i32
        scf.if %cond3A_182 {
          %dma_wait3A_198 = arith.constant 0 : i32
          %dma_wait3A_199 = arith.constant 0 : i32
          %dma_wait3A_200 = tpu.memref_slice %arg33[%dma_wait3A_198, %dma_wait3A_199] : memref<10240x128xf32, #tpu.memory_space<vmem_shared>> -> memref<10240x128xf32, #tpu.memory_space<vmem_shared>>
          tpu.wait_indirect_dma semaphore(%arg31 : memref<!tpu.dma_semaphore, #tpu.memory_space<semaphore_mem>>) src(%arg16 : memref<40x128xf32, #tpu.memory_space<vmem>>) dst(%dma_wait3A_200 : memref<10240x128xf32, #tpu.memory_space<vmem_shared>>)
        } else {
        }
        %add3A_183 = arith.constant 1 : i32
        %add3A_184 = arith.addi %add3A_98, %add3A_183 : i32
        %mul3A_185 = arith.constant 40 : i32
        %mul3A_186 = arith.muli %add3A_184, %mul3A_185 : i32
        %add3A_187 = arith.addi %multiple_of3A, %mul3A_186 : i32
        %multiple_of3A_188 = tpu.assume_multiple %add3A_187, 8 : i32
        %mul3A_189 = arith.constant 40 : i32
        %mul3A_190 = arith.muli %add3A_184, %mul3A_189 : i32
        %multiple_of3A_191 = tpu.assume_multiple %mul3A_190, 8 : i32
        %dma_start3A_192 = tpu.memref_slice %arg4[%multiple_of3A_188] : memref<320000xi32, #tpu.memory_space<hbm>> -> memref<40xi32, #tpu.memory_space<hbm>>
        %dma_start3A_193 = tpu.memref_slice %arg4[%multiple_of3A_188] : memref<320000xi32, #tpu.memory_space<hbm>> -> memref<40xi32, #tpu.memory_space<hbm>>
        tpu.enqueue_dma source(%dma_start3A_193 : memref<40xi32, #tpu.memory_space<hbm>>) target(%arg11 : memref<40xi32, #tpu.memory_space<vmem>>) target_semaphore(%arg21 : memref<!tpu.dma_semaphore, #tpu.memory_space<semaphore_mem>>)
        %dma_start3A_194 = tpu.memref_slice %arg7[%multiple_of3A_191] : memref<10000xi32, #tpu.memory_space<vmem>> -> memref<40xi32, #tpu.memory_space<vmem>>
        %dma_start3A_195 = arith.constant 0 : i32
        %dma_start3A_196 = arith.constant 0 : i32
        %dma_start3A_197 = tpu.memref_slice %arg2[%dma_start3A_195, %dma_start3A_196] : memref<10240x128xf32, #tpu.memory_space<hbm>> -> memref<10240x128xf32, #tpu.memory_space<hbm>>
        tpu.enqueue_indirect_dma source(%dma_start3A_197 : memref<10240x128xf32, #tpu.memory_space<hbm>>) target(%arg16 : memref<40x128xf32, #tpu.memory_space<vmem>>) offsets(%dma_start3A_194 : memref<40xi32, #tpu.memory_space<vmem>>) semaphore(%arg26 : memref<!tpu.dma_semaphore, #tpu.memory_space<semaphore_mem>>)
      } else {
      }
      %mul3A_106 = arith.constant 40 : i32
      %mul3A_107 = arith.muli %add3A_98, %mul3A_106 : i32
      %add3A_108 = arith.addi %multiple_of3A, %mul3A_107 : i32
      %multiple_of3A_109 = tpu.assume_multiple %add3A_108, 8 : i32
      %mul3A_110 = arith.constant 40 : i32
      %mul3A_111 = arith.muli %add3A_98, %mul3A_110 : i32
      %multiple_of3A_112 = tpu.assume_multiple %mul3A_111, 8 : i32
      %dma_wait3A_113 = tpu.memref_slice %arg4[%multiple_of3A_109] : memref<320000xi32, #tpu.memory_space<hbm>> -> memref<40xi32, #tpu.memory_space<hbm>>
      %dma_wait3A_114 = tpu.memref_slice %arg4[%multiple_of3A_109] : memref<320000xi32, #tpu.memory_space<hbm>> -> memref<40xi32, #tpu.memory_space<hbm>>
      tpu.wait_dma2 semaphore(%arg20 : memref<!tpu.dma_semaphore, #tpu.memory_space<semaphore_mem>>) src(%dma_wait3A_114 : memref<40xi32, #tpu.memory_space<hbm>>) dst(%arg10 : memref<40xi32, #tpu.memory_space<vmem>>)
      %dma_wait3A_115 = tpu.memref_slice %arg7[%multiple_of3A_112] : memref<10000xi32, #tpu.memory_space<vmem>> -> memref<40xi32, #tpu.memory_space<vmem>>
      %dma_wait3A_116 = arith.constant 0 : i32
      %dma_wait3A_117 = arith.constant 0 : i32
      %dma_wait3A_118 = tpu.memref_slice %arg2[%dma_wait3A_116, %dma_wait3A_117] : memref<10240x128xf32, #tpu.memory_space<hbm>> -> memref<10240x128xf32, #tpu.memory_space<hbm>>
      tpu.wait_indirect_dma semaphore(%arg25 : memref<!tpu.dma_semaphore, #tpu.memory_space<semaphore_mem>>) src(%dma_wait3A_118 : memref<10240x128xf32, #tpu.memory_space<hbm>>) dst(%arg15 : memref<40x128xf32, #tpu.memory_space<vmem>>)
      %dma_start3A_119 = arith.constant 0 : i32
      %dma_start3A_120 = arith.constant 0 : i32
      %dma_start3A_121 = tpu.memref_slice %arg33[%dma_start3A_119, %dma_start3A_120] : memref<10240x128xf32, #tpu.memory_space<vmem_shared>> -> memref<10240x128xf32, #tpu.memory_space<vmem_shared>>
      tpu.enqueue_indirect_dma source(%arg15 : memref<40x128xf32, #tpu.memory_space<vmem>>) target(%dma_start3A_121 : memref<10240x128xf32, #tpu.memory_space<vmem_shared>>) offsets(%arg10 : memref<40xi32, #tpu.memory_space<vmem>>) semaphore(%arg30 : memref<!tpu.dma_semaphore, #tpu.memory_space<semaphore_mem>>) {add = true}
      %mul3A_122 = arith.constant 5 : i32
      %mul3A_123 = arith.muli %scan3A_42, %mul3A_122 : i32
      %add3A_124 = arith.constant 3 : i32
      %add3A_125 = arith.addi %mul3A_123, %add3A_124 : i32
      %add3A_126 = arith.constant 1 : i32
      %add3A_127 = arith.addi %add3A_125, %add3A_126 : i32
      %lt3A_128 = arith.constant 250 : i32
      %lt3A_129 = arith.cmpi slt, %add3A_127, %lt3A_128 : i32
      %convert_element_type3A_130 = arith.extui %lt3A_129 : i1 to i32
      %cond3A_131 = arith.constant 0 : i32
      %cond3A_132 = arith.cmpi ne, %convert_element_type3A_130, %cond3A_131 : i32
      scf.if %cond3A_132 {
        %add3A_177 = arith.constant 1 : i32
        %add3A_178 = arith.addi %add3A_125, %add3A_177 : i32
        %ge3A = arith.constant 5 : i32
        %ge3A_179 = arith.cmpi sge, %add3A_178, %ge3A : i32
        %convert_element_type3A_180 = arith.extui %ge3A_179 : i1 to i32
        %cond3A_181 = arith.constant 0 : i32
        %cond3A_182 = arith.cmpi ne, %convert_element_type3A_180, %cond3A_181 : i32
        scf.if %cond3A_182 {
          %dma_wait3A_198 = arith.constant 0 : i32
          %dma_wait3A_199 = arith.constant 0 : i32
          %dma_wait3A_200 = tpu.memref_slice %arg33[%dma_wait3A_198, %dma_wait3A_199] : memref<10240x128xf32, #tpu.memory_space<vmem_shared>> -> memref<10240x128xf32, #tpu.memory_space<vmem_shared>>
          tpu.wait_indirect_dma semaphore(%arg32 : memref<!tpu.dma_semaphore, #tpu.memory_space<semaphore_mem>>) src(%arg17 : memref<40x128xf32, #tpu.memory_space<vmem>>) dst(%dma_wait3A_200 : memref<10240x128xf32, #tpu.memory_space<vmem_shared>>)
        } else {
        }
        %add3A_183 = arith.constant 1 : i32
        %add3A_184 = arith.addi %add3A_125, %add3A_183 : i32
        %mul3A_185 = arith.constant 40 : i32
        %mul3A_186 = arith.muli %add3A_184, %mul3A_185 : i32
        %add3A_187 = arith.addi %multiple_of3A, %mul3A_186 : i32
        %multiple_of3A_188 = tpu.assume_multiple %add3A_187, 8 : i32
        %mul3A_189 = arith.constant 40 : i32
        %mul3A_190 = arith.muli %add3A_184, %mul3A_189 : i32
        %multiple_of3A_191 = tpu.assume_multiple %mul3A_190, 8 : i32
        %dma_start3A_192 = tpu.memref_slice %arg4[%multiple_of3A_188] : memref<320000xi32, #tpu.memory_space<hbm>> -> memref<40xi32, #tpu.memory_space<hbm>>
        %dma_start3A_193 = tpu.memref_slice %arg4[%multiple_of3A_188] : memref<320000xi32, #tpu.memory_space<hbm>> -> memref<40xi32, #tpu.memory_space<hbm>>
        tpu.enqueue_dma source(%dma_start3A_193 : memref<40xi32, #tpu.memory_space<hbm>>) target(%arg12 : memref<40xi32, #tpu.memory_space<vmem>>) target_semaphore(%arg22 : memref<!tpu.dma_semaphore, #tpu.memory_space<semaphore_mem>>)
        %dma_start3A_194 = tpu.memref_slice %arg7[%multiple_of3A_191] : memref<10000xi32, #tpu.memory_space<vmem>> -> memref<40xi32, #tpu.memory_space<vmem>>
        %dma_start3A_195 = arith.constant 0 : i32
        %dma_start3A_196 = arith.constant 0 : i32
        %dma_start3A_197 = tpu.memref_slice %arg2[%dma_start3A_195, %dma_start3A_196] : memref<10240x128xf32, #tpu.memory_space<hbm>> -> memref<10240x128xf32, #tpu.memory_space<hbm>>
        tpu.enqueue_indirect_dma source(%dma_start3A_197 : memref<10240x128xf32, #tpu.memory_space<hbm>>) target(%arg17 : memref<40x128xf32, #tpu.memory_space<vmem>>) offsets(%dma_start3A_194 : memref<40xi32, #tpu.memory_space<vmem>>) semaphore(%arg27 : memref<!tpu.dma_semaphore, #tpu.memory_space<semaphore_mem>>)
      } else {
      }
      %mul3A_133 = arith.constant 40 : i32
      %mul3A_134 = arith.muli %add3A_125, %mul3A_133 : i32
      %add3A_135 = arith.addi %multiple_of3A, %mul3A_134 : i32
      %multiple_of3A_136 = tpu.assume_multiple %add3A_135, 8 : i32
      %mul3A_137 = arith.constant 40 : i32
      %mul3A_138 = arith.muli %add3A_125, %mul3A_137 : i32
      %multiple_of3A_139 = tpu.assume_multiple %mul3A_138, 8 : i32
      %dma_wait3A_140 = tpu.memref_slice %arg4[%multiple_of3A_136] : memref<320000xi32, #tpu.memory_space<hbm>> -> memref<40xi32, #tpu.memory_space<hbm>>
      %dma_wait3A_141 = tpu.memref_slice %arg4[%multiple_of3A_136] : memref<320000xi32, #tpu.memory_space<hbm>> -> memref<40xi32, #tpu.memory_space<hbm>>
      tpu.wait_dma2 semaphore(%arg21 : memref<!tpu.dma_semaphore, #tpu.memory_space<semaphore_mem>>) src(%dma_wait3A_141 : memref<40xi32, #tpu.memory_space<hbm>>) dst(%arg11 : memref<40xi32, #tpu.memory_space<vmem>>)
      %dma_wait3A_142 = tpu.memref_slice %arg7[%multiple_of3A_139] : memref<10000xi32, #tpu.memory_space<vmem>> -> memref<40xi32, #tpu.memory_space<vmem>>
      %dma_wait3A_143 = arith.constant 0 : i32
      %dma_wait3A_144 = arith.constant 0 : i32
      %dma_wait3A_145 = tpu.memref_slice %arg2[%dma_wait3A_143, %dma_wait3A_144] : memref<10240x128xf32, #tpu.memory_space<hbm>> -> memref<10240x128xf32, #tpu.memory_space<hbm>>
      tpu.wait_indirect_dma semaphore(%arg26 : memref<!tpu.dma_semaphore, #tpu.memory_space<semaphore_mem>>) src(%dma_wait3A_145 : memref<10240x128xf32, #tpu.memory_space<hbm>>) dst(%arg16 : memref<40x128xf32, #tpu.memory_space<vmem>>)
      %dma_start3A_146 = arith.constant 0 : i32
      %dma_start3A_147 = arith.constant 0 : i32
      %dma_start3A_148 = tpu.memref_slice %arg33[%dma_start3A_146, %dma_start3A_147] : memref<10240x128xf32, #tpu.memory_space<vmem_shared>> -> memref<10240x128xf32, #tpu.memory_space<vmem_shared>>
      tpu.enqueue_indirect_dma source(%arg16 : memref<40x128xf32, #tpu.memory_space<vmem>>) target(%dma_start3A_148 : memref<10240x128xf32, #tpu.memory_space<vmem_shared>>) offsets(%arg11 : memref<40xi32, #tpu.memory_space<vmem>>) semaphore(%arg31 : memref<!tpu.dma_semaphore, #tpu.memory_space<semaphore_mem>>) {add = true}
      %mul3A_149 = arith.constant 5 : i32
      %mul3A_150 = arith.muli %scan3A_42, %mul3A_149 : i32
      %add3A_151 = arith.constant 4 : i32
      %add3A_152 = arith.addi %mul3A_150, %add3A_151 : i32
      %add3A_153 = arith.constant 1 : i32
      %add3A_154 = arith.addi %add3A_152, %add3A_153 : i32
      %lt3A_155 = arith.constant 250 : i32
      %lt3A_156 = arith.cmpi slt, %add3A_154, %lt3A_155 : i32
      %convert_element_type3A_157 = arith.extui %lt3A_156 : i1 to i32
      %cond3A_158 = arith.constant 0 : i32
      %cond3A_159 = arith.cmpi ne, %convert_element_type3A_157, %cond3A_158 : i32
      scf.if %cond3A_159 {
        %add3A_177 = arith.constant 1 : i32
        %add3A_178 = arith.addi %add3A_152, %add3A_177 : i32
        %ge3A = arith.constant 5 : i32
        %ge3A_179 = arith.cmpi sge, %add3A_178, %ge3A : i32
        %convert_element_type3A_180 = arith.extui %ge3A_179 : i1 to i32
        %cond3A_181 = arith.constant 0 : i32
        %cond3A_182 = arith.cmpi ne, %convert_element_type3A_180, %cond3A_181 : i32
        scf.if %cond3A_182 {
          %dma_wait3A_198 = arith.constant 0 : i32
          %dma_wait3A_199 = arith.constant 0 : i32
          %dma_wait3A_200 = tpu.memref_slice %arg33[%dma_wait3A_198, %dma_wait3A_199] : memref<10240x128xf32, #tpu.memory_space<vmem_shared>> -> memref<10240x128xf32, #tpu.memory_space<vmem_shared>>
          tpu.wait_indirect_dma semaphore(%arg28 : memref<!tpu.dma_semaphore, #tpu.memory_space<semaphore_mem>>) src(%arg13 : memref<40x128xf32, #tpu.memory_space<vmem>>) dst(%dma_wait3A_200 : memref<10240x128xf32, #tpu.memory_space<vmem_shared>>)
        } else {
        }
        %add3A_183 = arith.constant 1 : i32
        %add3A_184 = arith.addi %add3A_152, %add3A_183 : i32
        %mul3A_185 = arith.constant 40 : i32
        %mul3A_186 = arith.muli %add3A_184, %mul3A_185 : i32
        %add3A_187 = arith.addi %multiple_of3A, %mul3A_186 : i32
        %multiple_of3A_188 = tpu.assume_multiple %add3A_187, 8 : i32
        %mul3A_189 = arith.constant 40 : i32
        %mul3A_190 = arith.muli %add3A_184, %mul3A_189 : i32
        %multiple_of3A_191 = tpu.assume_multiple %mul3A_190, 8 : i32
        %dma_start3A_192 = tpu.memref_slice %arg4[%multiple_of3A_188] : memref<320000xi32, #tpu.memory_space<hbm>> -> memref<40xi32, #tpu.memory_space<hbm>>
        %dma_start3A_193 = tpu.memref_slice %arg4[%multiple_of3A_188] : memref<320000xi32, #tpu.memory_space<hbm>> -> memref<40xi32, #tpu.memory_space<hbm>>
        tpu.enqueue_dma source(%dma_start3A_193 : memref<40xi32, #tpu.memory_space<hbm>>) target(%arg8 : memref<40xi32, #tpu.memory_space<vmem>>) target_semaphore(%arg18 : memref<!tpu.dma_semaphore, #tpu.memory_space<semaphore_mem>>)
        %dma_start3A_194 = tpu.memref_slice %arg7[%multiple_of3A_191] : memref<10000xi32, #tpu.memory_space<vmem>> -> memref<40xi32, #tpu.memory_space<vmem>>
        %dma_start3A_195 = arith.constant 0 : i32
        %dma_start3A_196 = arith.constant 0 : i32
        %dma_start3A_197 = tpu.memref_slice %arg2[%dma_start3A_195, %dma_start3A_196] : memref<10240x128xf32, #tpu.memory_space<hbm>> -> memref<10240x128xf32, #tpu.memory_space<hbm>>
        tpu.enqueue_indirect_dma source(%dma_start3A_197 : memref<10240x128xf32, #tpu.memory_space<hbm>>) target(%arg13 : memref<40x128xf32, #tpu.memory_space<vmem>>) offsets(%dma_start3A_194 : memref<40xi32, #tpu.memory_space<vmem>>) semaphore(%arg23 : memref<!tpu.dma_semaphore, #tpu.memory_space<semaphore_mem>>)
      } else {
      }
      %mul3A_160 = arith.constant 40 : i32
      %mul3A_161 = arith.muli %add3A_152, %mul3A_160 : i32
      %add3A_162 = arith.addi %multiple_of3A, %mul3A_161 : i32
      %multiple_of3A_163 = tpu.assume_multiple %add3A_162, 8 : i32
      %mul3A_164 = arith.constant 40 : i32
      %mul3A_165 = arith.muli %add3A_152, %mul3A_164 : i32
      %multiple_of3A_166 = tpu.assume_multiple %mul3A_165, 8 : i32
      %dma_wait3A_167 = tpu.memref_slice %arg4[%multiple_of3A_163] : memref<320000xi32, #tpu.memory_space<hbm>> -> memref<40xi32, #tpu.memory_space<hbm>>
      %dma_wait3A_168 = tpu.memref_slice %arg4[%multiple_of3A_163] : memref<320000xi32, #tpu.memory_space<hbm>> -> memref<40xi32, #tpu.memory_space<hbm>>
      tpu.wait_dma2 semaphore(%arg22 : memref<!tpu.dma_semaphore, #tpu.memory_space<semaphore_mem>>) src(%dma_wait3A_168 : memref<40xi32, #tpu.memory_space<hbm>>) dst(%arg12 : memref<40xi32, #tpu.memory_space<vmem>>)
      %dma_wait3A_169 = tpu.memref_slice %arg7[%multiple_of3A_166] : memref<10000xi32, #tpu.memory_space<vmem>> -> memref<40xi32, #tpu.memory_space<vmem>>
      %dma_wait3A_170 = arith.constant 0 : i32
      %dma_wait3A_171 = arith.constant 0 : i32
      %dma_wait3A_172 = tpu.memref_slice %arg2[%dma_wait3A_170, %dma_wait3A_171] : memref<10240x128xf32, #tpu.memory_space<hbm>> -> memref<10240x128xf32, #tpu.memory_space<hbm>>
      tpu.wait_indirect_dma semaphore(%arg27 : memref<!tpu.dma_semaphore, #tpu.memory_space<semaphore_mem>>) src(%dma_wait3A_172 : memref<10240x128xf32, #tpu.memory_space<hbm>>) dst(%arg17 : memref<40x128xf32, #tpu.memory_space<vmem>>)
      %dma_start3A_173 = arith.constant 0 : i32
      %dma_start3A_174 = arith.constant 0 : i32
      %dma_start3A_175 = tpu.memref_slice %arg33[%dma_start3A_173, %dma_start3A_174] : memref<10240x128xf32, #tpu.memory_space<vmem_shared>> -> memref<10240x128xf32, #tpu.memory_space<vmem_shared>>
      tpu.enqueue_indirect_dma source(%arg17 : memref<40x128xf32, #tpu.memory_space<vmem>>) target(%dma_start3A_175 : memref<10240x128xf32, #tpu.memory_space<vmem_shared>>) offsets(%arg12 : memref<40xi32, #tpu.memory_space<vmem>>) semaphore(%arg32 : memref<!tpu.dma_semaphore, #tpu.memory_space<semaphore_mem>>) {add = true}
      %scan3A_176 = arith.constant 0 : i32
      scf.yield %scan3A_176 : i32
    }
    %scan3A_22 = arith.constant 50 : i32
    %dma_wait3A = arith.constant 0 : i32
    %dma_wait3A_23 = arith.constant 0 : i32
    %dma_wait3A_24 = tpu.memref_slice %arg33[%dma_wait3A, %dma_wait3A_23] : memref<10240x128xf32, #tpu.memory_space<vmem_shared>> -> memref<10240x128xf32, #tpu.memory_space<vmem_shared>>
    tpu.wait_indirect_dma semaphore(%arg28 : memref<!tpu.dma_semaphore, #tpu.memory_space<semaphore_mem>>) src(%arg13 : memref<40x128xf32, #tpu.memory_space<vmem>>) dst(%dma_wait3A_24 : memref<10240x128xf32, #tpu.memory_space<vmem_shared>>)
    %dma_wait3A_25 = arith.constant 0 : i32
    %dma_wait3A_26 = arith.constant 0 : i32
    %dma_wait3A_27 = tpu.memref_slice %arg33[%dma_wait3A_25, %dma_wait3A_26] : memref<10240x128xf32, #tpu.memory_space<vmem_shared>> -> memref<10240x128xf32, #tpu.memory_space<vmem_shared>>
    tpu.wait_indirect_dma semaphore(%arg29 : memref<!tpu.dma_semaphore, #tpu.memory_space<semaphore_mem>>) src(%arg14 : memref<40x128xf32, #tpu.memory_space<vmem>>) dst(%dma_wait3A_27 : memref<10240x128xf32, #tpu.memory_space<vmem_shared>>)
    %dma_wait3A_28 = arith.constant 0 : i32
    %dma_wait3A_29 = arith.constant 0 : i32
    %dma_wait3A_30 = tpu.memref_slice %arg33[%dma_wait3A_28, %dma_wait3A_29] : memref<10240x128xf32, #tpu.memory_space<vmem_shared>> -> memref<10240x128xf32, #tpu.memory_space<vmem_shared>>
    tpu.wait_indirect_dma semaphore(%arg30 : memref<!tpu.dma_semaphore, #tpu.memory_space<semaphore_mem>>) src(%arg15 : memref<40x128xf32, #tpu.memory_space<vmem>>) dst(%dma_wait3A_30 : memref<10240x128xf32, #tpu.memory_space<vmem_shared>>)
    %dma_wait3A_31 = arith.constant 0 : i32
    %dma_wait3A_32 = arith.constant 0 : i32
    %dma_wait3A_33 = tpu.memref_slice %arg33[%dma_wait3A_31, %dma_wait3A_32] : memref<10240x128xf32, #tpu.memory_space<vmem_shared>> -> memref<10240x128xf32, #tpu.memory_space<vmem_shared>>
    tpu.wait_indirect_dma semaphore(%arg31 : memref<!tpu.dma_semaphore, #tpu.memory_space<semaphore_mem>>) src(%arg16 : memref<40x128xf32, #tpu.memory_space<vmem>>) dst(%dma_wait3A_33 : memref<10240x128xf32, #tpu.memory_space<vmem_shared>>)
    %dma_wait3A_34 = arith.constant 0 : i32
    %dma_wait3A_35 = arith.constant 0 : i32
    %dma_wait3A_36 = tpu.memref_slice %arg33[%dma_wait3A_34, %dma_wait3A_35] : memref<10240x128xf32, #tpu.memory_space<vmem_shared>> -> memref<10240x128xf32, #tpu.memory_space<vmem_shared>>
    tpu.wait_indirect_dma semaphore(%arg32 : memref<!tpu.dma_semaphore, #tpu.memory_space<semaphore_mem>>) src(%arg17 : memref<40x128xf32, #tpu.memory_space<vmem>>) dst(%dma_wait3A_36 : memref<10240x128xf32, #tpu.memory_space<vmem_shared>>)
    %barrier3A_37 = arith.constant 0 : index
    tpu.barrier barrier_id(%barrier3A_37)
    %mul3A_38 = arith.constant 640 : i32
    %mul3A_39 = arith.muli %arg1, %mul3A_38 : i32
    %mul3A_40 = arith.constant 640 : i32
    %mul3A_41 = arith.muli %arg1, %mul3A_40 : i32
    "tpu.region"() ({
      %run_scoped3A = tpu.sem_alloc : memref<!tpu.dma_semaphore, #tpu.memory_space<semaphore_mem>>
      %dma_start3A_42 = arith.constant 0 : i32
      %dma_start3A_43 = tpu.memref_slice %arg6[%arg0, %mul3A_41, %dma_start3A_42] : memref<2x10240x128xf32, #tpu.memory_space<hbm>> -> memref<1x640x128xf32, #tpu.memory_space<hbm>>
      %dma_start3A_44 = tpu.memref_squeeze %dma_start3A_43 : memref<1x640x128xf32, #tpu.memory_space<hbm>> -> memref<640x128xf32, #tpu.memory_space<hbm>>
      %dma_start3A_45 = arith.constant 0 : i32
      %dma_start3A_46 = tpu.memref_slice %arg33[%mul3A_39, %dma_start3A_45] : memref<10240x128xf32, #tpu.memory_space<vmem_shared>> -> memref<640x128xf32, #tpu.memory_space<vmem_shared>>
      tpu.enqueue_dma source(%dma_start3A_46 : memref<640x128xf32, #tpu.memory_space<vmem_shared>>) target(%dma_start3A_44 : memref<640x128xf32, #tpu.memory_space<hbm>>) target_semaphore(%run_scoped3A : memref<!tpu.dma_semaphore, #tpu.memory_space<semaphore_mem>>)
      %dma_wait3A_47 = arith.constant 0 : i32
      %dma_wait3A_48 = tpu.memref_slice %arg6[%arg0, %mul3A_41, %dma_wait3A_47] : memref<2x10240x128xf32, #tpu.memory_space<hbm>> -> memref<1x640x128xf32, #tpu.memory_space<hbm>>
      %dma_wait3A_49 = tpu.memref_squeeze %dma_wait3A_48 : memref<1x640x128xf32, #tpu.memory_space<hbm>> -> memref<640x128xf32, #tpu.memory_space<hbm>>
      %dma_wait3A_50 = arith.constant 0 : i32
      %dma_wait3A_51 = tpu.memref_slice %arg33[%mul3A_39, %dma_wait3A_50] : memref<10240x128xf32, #tpu.memory_space<vmem_shared>> -> memref<640x128xf32, #tpu.memory_space<vmem_shared>>
      tpu.wait_dma2 semaphore(%run_scoped3A : memref<!tpu.dma_semaphore, #tpu.memory_space<semaphore_mem>>) src(%dma_wait3A_51 : memref<640x128xf32, #tpu.memory_space<vmem_shared>>) dst(%dma_wait3A_49 : memref<640x128xf32, #tpu.memory_space<hbm>>)
      tpu.yield
    }) : () -> ()
    return
  }
}

module attributes {stable_mosaic.version = 14 : i64} {
  func.func @_t1_body(%arg0: i32, %arg1: memref<2048x128xf32, #tpu.memory_space<vmem>>, %arg2: memref<128x128xf32, #tpu.memory_space<vmem>>, %arg3: memref<2048x1xf32, #tpu.memory_space<vmem>>, %arg4: memref<2048x1xf32, #tpu.memory_space<vmem>>, %arg5: memref<2048x128xf32, #tpu.memory_space<vmem>>, %arg6: memref<2048x1xf32, #tpu.memory_space<vmem>>) attributes {dimension_semantics = [#tpu.dimension_semantics<arbitrary>], iteration_bounds = array<i64: 5>, scalar_prefetch = 0 : i64, scratch_operands = 0 : i64, tpu.core_type = #tpu.core_type<tc>, window_params = [{transform_indices = @transform_0, window_bounds = array<i64: 2048, 128>}, {pipeline_mode = #tpu.pipeline_mode<synchronous>, transform_indices = @transform_1, window_bounds = array<i64: 128, 128>}, {transform_indices = @transform_2, window_bounds = array<i64: 2048, 1>}, {transform_indices = @transform_3, window_bounds = array<i64: 2048, 1>}, {transform_indices = @transform_4, window_bounds = array<i64: 2048, 128>}, {transform_indices = @transform_5, window_bounds = array<i64: 2048, 1>}]} {
    %get3A = arith.constant 0 : index
    %get3A_0 = arith.constant 0 : index
    %get3A_1 = vector.load %arg3[%get3A, %get3A_0] : memref<2048x1xf32, #tpu.memory_space<vmem>>, vector<2048x1xf32>
    %add3A = arith.constant 1.000000e+00 : f32
    %add3A_2 = vector.broadcast %add3A : f32 to vector<2048x1xf32>
    %add3A_3 = arith.addf %add3A_2, %get3A_1 : vector<2048x1xf32>
    %get3A_4 = arith.constant 0 : index
    %get3A_5 = arith.constant 0 : index
    %get3A_6 = vector.load %arg4[%get3A_4, %get3A_5] : memref<2048x1xf32, #tpu.memory_space<vmem>>, vector<2048x1xf32>
    %add3A_7 = arith.addf %add3A_3, %get3A_6 : vector<2048x1xf32>
    %rsqrt3A = math.rsqrt %add3A_7 : vector<2048x1xf32>
    %get3A_8 = arith.constant 0 : index
    %get3A_9 = arith.constant 0 : index
    %get3A_10 = vector.load %arg1[%get3A_8, %get3A_9] : memref<2048x128xf32, #tpu.memory_space<vmem>>, vector<2048x128xf32>
    %get3A_11 = arith.constant 0 : index
    %get3A_12 = arith.constant 0 : index
    %get3A_13 = vector.load %arg2[%get3A_11, %get3A_12] : memref<128x128xf32, #tpu.memory_space<vmem>>, vector<128x128xf32>
    %dot_general3A = arith.constant dense<0.000000e+00> : vector<2048x128xf32>
    %dot_general3A_14 = tpu.matmul %get3A_10, %get3A_13, %dot_general3A {dimension_numbers = #tpu.dot_dimension_numbers<[1], [0], [0], [1], [0, 0, 1, 1], [], []>, transpose_lhs_hint = false} : vector<2048x128xf32>, vector<128x128xf32>, vector<2048x128xf32> -> vector<2048x128xf32>
    %mul3A = vector.broadcast %rsqrt3A : vector<2048x1xf32> to vector<2048x128xf32>
    %mul3A_15 = arith.mulf %dot_general3A_14, %mul3A : vector<2048x128xf32>
    %swap3A = arith.constant 0 : index
    %swap3A_16 = arith.constant 0 : index
    %swap3A_17 = vector.load %arg5[%swap3A, %swap3A_16] : memref<2048x128xf32, #tpu.memory_space<vmem>>, vector<2048x128xf32>
    tpu.vector_store %arg5[%swap3A, %swap3A_16], %mul3A_15 {strides = array<i32>} : memref<2048x128xf32, #tpu.memory_space<vmem>>, vector<2048x128xf32>,
    %swap3A_18 = arith.constant 0 : index
    %swap3A_19 = arith.constant 0 : index
    %swap3A_20 = vector.load %arg6[%swap3A_18, %swap3A_19] : memref<2048x1xf32, #tpu.memory_space<vmem>>, vector<2048x1xf32>
    tpu.vector_store %arg6[%swap3A_18, %swap3A_19], %rsqrt3A {strides = array<i32>} : memref<2048x1xf32, #tpu.memory_space<vmem>>, vector<2048x1xf32>,
    return
  }
  func.func @transform_0(%arg0: i32) -> (i32, i32) {
    %c0_i32 = arith.constant 0 : i32
    %c0_i32_0 = arith.constant 0 : i32
    return %arg0, %c0_i32 : i32, i32
  }
  func.func @transform_1(%arg0: i32) -> (i32, i32) {
    %c0_i32 = arith.constant 0 : i32
    %c0_i32_0 = arith.constant 0 : i32
    %c0_i32_1 = arith.constant 0 : i32
    return %c0_i32, %c0_i32_0 : i32, i32
  }
  func.func @transform_2(%arg0: i32) -> (i32, i32) {
    %c0_i32 = arith.constant 0 : i32
    %c0_i32_0 = arith.constant 0 : i32
    return %arg0, %c0_i32 : i32, i32
  }
  func.func @transform_3(%arg0: i32) -> (i32, i32) {
    %c0_i32 = arith.constant 0 : i32
    %c0_i32_0 = arith.constant 0 : i32
    return %arg0, %c0_i32 : i32, i32
  }
  func.func @transform_4(%arg0: i32) -> (i32, i32) {
    %c0_i32 = arith.constant 0 : i32
    %c0_i32_0 = arith.constant 0 : i32
    return %arg0, %c0_i32 : i32, i32
  }
  func.func @transform_5(%arg0: i32) -> (i32, i32) {
    %c0_i32 = arith.constant 0 : i32
    %c0_i32_0 = arith.constant 0 : i32
    return %arg0, %c0_i32 : i32, i32
  }
}

module attributes {stable_mosaic.version = 14 : i64} {
  func.func @_t2_body(%arg0: i32, %arg1: memref<2048x128xf32, #tpu.memory_space<vmem>>, %arg2: memref<2048x128xf32, #tpu.memory_space<vmem>>, %arg3: memref<2048x128xf32, #tpu.memory_space<vmem>>, %arg4: memref<2048x1xf32, #tpu.memory_space<vmem>>, %arg5: memref<128x128xf32, #tpu.memory_space<vmem>>, %arg6: memref<1x128xf32, #tpu.memory_space<vmem>>, %arg7: memref<1x128xf32, #tpu.memory_space<vmem>>, %arg8: memref<1x128xf32, #tpu.memory_space<vmem>>, %arg9: memref<2048x128xf32, #tpu.memory_space<vmem>>) attributes {dimension_semantics = [#tpu.dimension_semantics<arbitrary>], iteration_bounds = array<i64: 5>, scalar_prefetch = 0 : i64, scratch_operands = 0 : i64, tpu.core_type = #tpu.core_type<tc>, window_params = [{transform_indices = @transform_0, window_bounds = array<i64: 2048, 128>}, {transform_indices = @transform_1, window_bounds = array<i64: 2048, 128>}, {transform_indices = @transform_2, window_bounds = array<i64: 2048, 128>}, {transform_indices = @transform_3, window_bounds = array<i64: 2048, 1>}, {pipeline_mode = #tpu.pipeline_mode<synchronous>, transform_indices = @transform_4, window_bounds = array<i64: 128, 128>}, {pipeline_mode = #tpu.pipeline_mode<synchronous>, transform_indices = @transform_5, window_bounds = array<i64: 1, 128>}, {pipeline_mode = #tpu.pipeline_mode<synchronous>, transform_indices = @transform_6, window_bounds = array<i64: 1, 128>}, {pipeline_mode = #tpu.pipeline_mode<synchronous>, transform_indices = @transform_7, window_bounds = array<i64: 1, 128>}, {transform_indices = @transform_8, window_bounds = array<i64: 2048, 128>}]} {
    %get3A = arith.constant 0 : index
    %get3A_0 = arith.constant 0 : index
    %get3A_1 = vector.load %arg4[%get3A, %get3A_0] : memref<2048x1xf32, #tpu.memory_space<vmem>>, vector<2048x1xf32>
    %get3A_2 = arith.constant 0 : index
    %get3A_3 = arith.constant 0 : index
    %get3A_4 = vector.load %arg1[%get3A_2, %get3A_3] : memref<2048x128xf32, #tpu.memory_space<vmem>>, vector<2048x128xf32>
    %get3A_5 = arith.constant 0 : index
    %get3A_6 = arith.constant 0 : index
    %get3A_7 = vector.load %arg2[%get3A_5, %get3A_6] : memref<2048x128xf32, #tpu.memory_space<vmem>>, vector<2048x128xf32>
    %add3A = arith.addf %get3A_4, %get3A_7 : vector<2048x128xf32>
    %get3A_8 = arith.constant 0 : index
    %get3A_9 = arith.constant 0 : index
    %get3A_10 = vector.load %arg3[%get3A_8, %get3A_9] : memref<2048x128xf32, #tpu.memory_space<vmem>>, vector<2048x128xf32>
    %add3A_11 = arith.addf %add3A, %get3A_10 : vector<2048x128xf32>
    %mul3A = vector.broadcast %get3A_1 : vector<2048x1xf32> to vector<2048x128xf32>
    %mul3A_12 = arith.mulf %mul3A, %add3A_11 : vector<2048x128xf32>
    %get3A_13 = arith.constant 0 : index
    %get3A_14 = arith.constant 0 : index
    %get3A_15 = vector.load %arg6[%get3A_13, %get3A_14] : memref<1x128xf32, #tpu.memory_space<vmem>>, vector<1x128xf32>
    %add3A_16 = vector.broadcast %get3A_15 : vector<1x128xf32> to vector<2048x128xf32>
    %add3A_17 = arith.addf %mul3A_12, %add3A_16 : vector<2048x128xf32>
    %get3A_18 = arith.constant 0 : index
    %get3A_19 = arith.constant 0 : index
    %get3A_20 = vector.load %arg7[%get3A_18, %get3A_19] : memref<1x128xf32, #tpu.memory_space<vmem>>, vector<1x128xf32>
    %mul3A_21 = arith.constant 0.999994993 : f32
    %mul3A_22 = vector.broadcast %mul3A_21 : f32 to vector<2048x128xf32>
    %mul3A_23 = arith.mulf %add3A_17, %mul3A_22 : vector<2048x128xf32>
    %mul3A_24 = vector.broadcast %get3A_20 : vector<1x128xf32> to vector<2048x128xf32>
    %mul3A_25 = arith.mulf %mul3A_24, %mul3A_23 : vector<2048x128xf32>
    %get3A_26 = arith.constant 0 : index
    %get3A_27 = arith.constant 0 : index
    %get3A_28 = vector.load %arg8[%get3A_26, %get3A_27] : memref<1x128xf32, #tpu.memory_space<vmem>>, vector<1x128xf32>
    %add3A_29 = vector.broadcast %get3A_28 : vector<1x128xf32> to vector<2048x128xf32>
    %add3A_30 = arith.addf %mul3A_25, %add3A_29 : vector<2048x128xf32>
    %max3A = arith.constant 0.000000e+00 : f32
    %max3A_31 = vector.broadcast %max3A : f32 to vector<2048x128xf32>
    %max3A_32 = arith.maximumf %add3A_30, %max3A_31 : vector<2048x128xf32>
    %get3A_33 = arith.constant 0 : index
    %get3A_34 = arith.constant 0 : index
    %get3A_35 = vector.load %arg5[%get3A_33, %get3A_34] : memref<128x128xf32, #tpu.memory_space<vmem>>, vector<128x128xf32>
    %dot_general3A = arith.constant dense<0.000000e+00> : vector<2048x128xf32>
    %dot_general3A_36 = tpu.matmul %max3A_32, %get3A_35, %dot_general3A {dimension_numbers = #tpu.dot_dimension_numbers<[1], [0], [0], [1], [0, 0, 1, 1], [], []>, transpose_lhs_hint = false} : vector<2048x128xf32>, vector<128x128xf32>, vector<2048x128xf32> -> vector<2048x128xf32>
    %mul3A_37 = vector.broadcast %get3A_1 : vector<2048x1xf32> to vector<2048x128xf32>
    %mul3A_38 = arith.mulf %dot_general3A_36, %mul3A_37 : vector<2048x128xf32>
    %swap3A = arith.constant 0 : index
    %swap3A_39 = arith.constant 0 : index
    %swap3A_40 = vector.load %arg9[%swap3A, %swap3A_39] : memref<2048x128xf32, #tpu.memory_space<vmem>>, vector<2048x128xf32>
    tpu.vector_store %arg9[%swap3A, %swap3A_39], %mul3A_38 {strides = array<i32>} : memref<2048x128xf32, #tpu.memory_space<vmem>>, vector<2048x128xf32>,
    return
  }
  func.func @transform_0(%arg0: i32) -> (i32, i32) {
    %c0_i32 = arith.constant 0 : i32
    %c0_i32_0 = arith.constant 0 : i32
    return %arg0, %c0_i32 : i32, i32
  }
  func.func @transform_1(%arg0: i32) -> (i32, i32) {
    %c0_i32 = arith.constant 0 : i32
    %c0_i32_0 = arith.constant 0 : i32
    return %arg0, %c0_i32 : i32, i32
  }
  func.func @transform_2(%arg0: i32) -> (i32, i32) {
    %c0_i32 = arith.constant 0 : i32
    %c0_i32_0 = arith.constant 0 : i32
    return %arg0, %c0_i32 : i32, i32
  }
  func.func @transform_3(%arg0: i32) -> (i32, i32) {
    %c0_i32 = arith.constant 0 : i32
    %c0_i32_0 = arith.constant 0 : i32
    return %arg0, %c0_i32 : i32, i32
  }
  func.func @transform_4(%arg0: i32) -> (i32, i32) {
    %c0_i32 = arith.constant 0 : i32
    %c0_i32_0 = arith.constant 0 : i32
    %c0_i32_1 = arith.constant 0 : i32
    return %c0_i32, %c0_i32_0 : i32, i32
  }
  func.func @transform_5(%arg0: i32) -> (i32, i32) {
    %c0_i32 = arith.constant 0 : i32
    %c0_i32_0 = arith.constant 0 : i32
    %c0_i32_1 = arith.constant 0 : i32
    return %c0_i32, %c0_i32_0 : i32, i32
  }
  func.func @transform_6(%arg0: i32) -> (i32, i32) {
    %c0_i32 = arith.constant 0 : i32
    %c0_i32_0 = arith.constant 0 : i32
    %c0_i32_1 = arith.constant 0 : i32
    return %c0_i32, %c0_i32_0 : i32, i32
  }
  func.func @transform_7(%arg0: i32) -> (i32, i32) {
    %c0_i32 = arith.constant 0 : i32
    %c0_i32_0 = arith.constant 0 : i32
    %c0_i32_1 = arith.constant 0 : i32
    return %c0_i32, %c0_i32_0 : i32, i32
  }
  func.func @transform_8(%arg0: i32) -> (i32, i32) {
    %c0_i32 = arith.constant 0 : i32
    %c0_i32_0 = arith.constant 0 : i32
    return %arg0, %c0_i32 : i32, i32
  }
}

module attributes {stable_mosaic.version = 14 : i64} {
  func.func @_t3_body(%arg0: i32, %arg1: memref<2048x128xf32, #tpu.memory_space<vmem>>, %arg2: memref<2048x128xf32, #tpu.memory_space<vmem>>, %arg3: memref<2048x128xf32, #tpu.memory_space<vmem>>, %arg4: memref<2048x1xf32, #tpu.memory_space<vmem>>, %arg5: memref<1x128xf32, #tpu.memory_space<vmem>>, %arg6: memref<1x128xf32, #tpu.memory_space<vmem>>, %arg7: memref<1x128xf32, #tpu.memory_space<vmem>>, %arg8: memref<2048x128xf32, #tpu.memory_space<vmem>>) attributes {dimension_semantics = [#tpu.dimension_semantics<arbitrary>], iteration_bounds = array<i64: 5>, scalar_prefetch = 0 : i64, scratch_operands = 0 : i64, tpu.core_type = #tpu.core_type<tc>, window_params = [{transform_indices = @transform_0, window_bounds = array<i64: 2048, 128>}, {transform_indices = @transform_1, window_bounds = array<i64: 2048, 128>}, {transform_indices = @transform_2, window_bounds = array<i64: 2048, 128>}, {transform_indices = @transform_3, window_bounds = array<i64: 2048, 1>}, {pipeline_mode = #tpu.pipeline_mode<synchronous>, transform_indices = @transform_4, window_bounds = array<i64: 1, 128>}, {pipeline_mode = #tpu.pipeline_mode<synchronous>, transform_indices = @transform_5, window_bounds = array<i64: 1, 128>}, {pipeline_mode = #tpu.pipeline_mode<synchronous>, transform_indices = @transform_6, window_bounds = array<i64: 1, 128>}, {transform_indices = @transform_7, window_bounds = array<i64: 2048, 128>}]} {
    %get3A = arith.constant 0 : index
    %get3A_0 = arith.constant 0 : index
    %get3A_1 = vector.load %arg4[%get3A, %get3A_0] : memref<2048x1xf32, #tpu.memory_space<vmem>>, vector<2048x1xf32>
    %get3A_2 = arith.constant 0 : index
    %get3A_3 = arith.constant 0 : index
    %get3A_4 = vector.load %arg1[%get3A_2, %get3A_3] : memref<2048x128xf32, #tpu.memory_space<vmem>>, vector<2048x128xf32>
    %get3A_5 = arith.constant 0 : index
    %get3A_6 = arith.constant 0 : index
    %get3A_7 = vector.load %arg2[%get3A_5, %get3A_6] : memref<2048x128xf32, #tpu.memory_space<vmem>>, vector<2048x128xf32>
    %add3A = arith.addf %get3A_4, %get3A_7 : vector<2048x128xf32>
    %get3A_8 = arith.constant 0 : index
    %get3A_9 = arith.constant 0 : index
    %get3A_10 = vector.load %arg3[%get3A_8, %get3A_9] : memref<2048x128xf32, #tpu.memory_space<vmem>>, vector<2048x128xf32>
    %add3A_11 = arith.addf %add3A, %get3A_10 : vector<2048x128xf32>
    %mul3A = vector.broadcast %get3A_1 : vector<2048x1xf32> to vector<2048x128xf32>
    %mul3A_12 = arith.mulf %mul3A, %add3A_11 : vector<2048x128xf32>
    %get3A_13 = arith.constant 0 : index
    %get3A_14 = arith.constant 0 : index
    %get3A_15 = vector.load %arg5[%get3A_13, %get3A_14] : memref<1x128xf32, #tpu.memory_space<vmem>>, vector<1x128xf32>
    %add3A_16 = vector.broadcast %get3A_15 : vector<1x128xf32> to vector<2048x128xf32>
    %add3A_17 = arith.addf %mul3A_12, %add3A_16 : vector<2048x128xf32>
    %get3A_18 = arith.constant 0 : index
    %get3A_19 = arith.constant 0 : index
    %get3A_20 = vector.load %arg6[%get3A_18, %get3A_19] : memref<1x128xf32, #tpu.memory_space<vmem>>, vector<1x128xf32>
    %mul3A_21 = arith.constant 0.999994993 : f32
    %mul3A_22 = vector.broadcast %mul3A_21 : f32 to vector<2048x128xf32>
    %mul3A_23 = arith.mulf %add3A_17, %mul3A_22 : vector<2048x128xf32>
    %mul3A_24 = vector.broadcast %get3A_20 : vector<1x128xf32> to vector<2048x128xf32>
    %mul3A_25 = arith.mulf %mul3A_24, %mul3A_23 : vector<2048x128xf32>
    %get3A_26 = arith.constant 0 : index
    %get3A_27 = arith.constant 0 : index
    %get3A_28 = vector.load %arg7[%get3A_26, %get3A_27] : memref<1x128xf32, #tpu.memory_space<vmem>>, vector<1x128xf32>
    %add3A_29 = vector.broadcast %get3A_28 : vector<1x128xf32> to vector<2048x128xf32>
    %add3A_30 = arith.addf %mul3A_25, %add3A_29 : vector<2048x128xf32>
    %max3A = arith.constant 0.000000e+00 : f32
    %max3A_31 = vector.broadcast %max3A : f32 to vector<2048x128xf32>
    %max3A_32 = arith.maximumf %add3A_30, %max3A_31 : vector<2048x128xf32>
    %swap3A = arith.constant 0 : index
    %swap3A_33 = arith.constant 0 : index
    %swap3A_34 = vector.load %arg8[%swap3A, %swap3A_33] : memref<2048x128xf32, #tpu.memory_space<vmem>>, vector<2048x128xf32>
    tpu.vector_store %arg8[%swap3A, %swap3A_33], %max3A_32 {strides = array<i32>} : memref<2048x128xf32, #tpu.memory_space<vmem>>, vector<2048x128xf32>,
    return
  }
  func.func @transform_0(%arg0: i32) -> (i32, i32) {
    %c0_i32 = arith.constant 0 : i32
    %c0_i32_0 = arith.constant 0 : i32
    return %arg0, %c0_i32 : i32, i32
  }
  func.func @transform_1(%arg0: i32) -> (i32, i32) {
    %c0_i32 = arith.constant 0 : i32
    %c0_i32_0 = arith.constant 0 : i32
    return %arg0, %c0_i32 : i32, i32
  }
  func.func @transform_2(%arg0: i32) -> (i32, i32) {
    %c0_i32 = arith.constant 0 : i32
    %c0_i32_0 = arith.constant 0 : i32
    return %arg0, %c0_i32 : i32, i32
  }
  func.func @transform_3(%arg0: i32) -> (i32, i32) {
    %c0_i32 = arith.constant 0 : i32
    %c0_i32_0 = arith.constant 0 : i32
    return %arg0, %c0_i32 : i32, i32
  }
  func.func @transform_4(%arg0: i32) -> (i32, i32) {
    %c0_i32 = arith.constant 0 : i32
    %c0_i32_0 = arith.constant 0 : i32
    %c0_i32_1 = arith.constant 0 : i32
    return %c0_i32, %c0_i32_0 : i32, i32
  }
  func.func @transform_5(%arg0: i32) -> (i32, i32) {
    %c0_i32 = arith.constant 0 : i32
    %c0_i32_0 = arith.constant 0 : i32
    %c0_i32_1 = arith.constant 0 : i32
    return %c0_i32, %c0_i32_0 : i32, i32
  }
  func.func @transform_6(%arg0: i32) -> (i32, i32) {
    %c0_i32 = arith.constant 0 : i32
    %c0_i32_0 = arith.constant 0 : i32
    %c0_i32_1 = arith.constant 0 : i32
    return %c0_i32, %c0_i32_0 : i32, i32
  }
  func.func @transform_7(%arg0: i32) -> (i32, i32) {
    %c0_i32 = arith.constant 0 : i32
    %c0_i32_0 = arith.constant 0 : i32
    return %arg0, %c0_i32 : i32, i32
  }
}

module attributes {stable_mosaic.version = 14 : i64} {
  func.func @_t4_body(%arg0: memref<2x128x128xf32, #tpu.memory_space<vmem>>, %arg1: memref<2x128x128xf32, #tpu.memory_space<vmem>>, %arg2: memref<2x128x128xf32, #tpu.memory_space<vmem>>, %arg3: memref<2x128x128xf32, #tpu.memory_space<vmem>>, %arg4: memref<2x128x1xf32, #tpu.memory_space<vmem>>, %arg5: memref<2x128x1xf32, #tpu.memory_space<vmem>>, %arg6: memref<2x128x1xf32, #tpu.memory_space<vmem>>, %arg7: memref<2x128x1xf32, #tpu.memory_space<vmem>>, %arg8: memref<32x128x128xf32, #tpu.memory_space<vmem>>, %arg9: memref<32x128x128xf32, #tpu.memory_space<vmem>>, %arg10: memref<32x128x128xf32, #tpu.memory_space<vmem>>, %arg11: memref<32x128x128xf32, #tpu.memory_space<vmem>>, %arg12: memref<128x4xf32, #tpu.memory_space<vmem>>, %arg13: memref<384x256xf32, #tpu.memory_space<vmem>>, %arg14: memref<1x256xf32, #tpu.memory_space<vmem>>, %arg15: memref<256x128xf32, #tpu.memory_space<vmem>>, %arg16: memref<1x128xf32, #tpu.memory_space<vmem>>, %arg17: memref<128x64xf32, #tpu.memory_space<vmem>>, %arg18: memref<1x64xf32, #tpu.memory_space<vmem>>, %arg19: memref<64x32xf32, #tpu.memory_space<vmem>>, %arg20: memref<1x32xf32, #tpu.memory_space<vmem>>, %arg21: memref<32x16xf32, #tpu.memory_space<vmem>>, %arg22: memref<1x16xf32, #tpu.memory_space<vmem>>, %arg23: memref<16x1xf32, #tpu.memory_space<vmem>>, %arg24: memref<1x1xf32, #tpu.memory_space<vmem>>, %arg25: memref<128x1xf32, #tpu.memory_space<vmem>>) attributes {dimension_semantics = [], scalar_prefetch = 0 : i64, scratch_operands = 0 : i64, tpu.core_type = #tpu.core_type<tc>} {
    %broadcast_in_dim3A = arith.constant 0.000000e+00 : f32
    %broadcast_in_dim3A_0 = vector.broadcast %broadcast_in_dim3A : f32 to vector<128x384xf32>
    %get3A = arith.constant 0 : index
    %get3A_1 = arith.constant 0 : index
    %get3A_2 = arith.constant 0 : index
    %get3A_3 = vector.load %arg0[%get3A, %get3A_1, %get3A_2] : memref<2x128x128xf32, #tpu.memory_space<vmem>>, vector<1x128x128xf32>
    %get3A_4 = vector.shape_cast %get3A_3 : vector<1x128x128xf32> to vector<128x128xf32>
    %get3A_5 = arith.constant 1 : index
    %get3A_6 = arith.constant 0 : index
    %get3A_7 = arith.constant 0 : index
    %get3A_8 = vector.load %arg0[%get3A_5, %get3A_6, %get3A_7] : memref<2x128x128xf32, #tpu.memory_space<vmem>>, vector<1x128x128xf32>
    %get3A_9 = vector.shape_cast %get3A_8 : vector<1x128x128xf32> to vector<128x128xf32>
    %add3A = arith.addf %get3A_4, %get3A_9 : vector<128x128xf32>
    %get3A_10 = arith.constant 0 : index
    %get3A_11 = arith.constant 0 : index
    %get3A_12 = arith.constant 0 : index
    %get3A_13 = vector.load %arg4[%get3A_10, %get3A_11, %get3A_12] : memref<2x128x1xf32, #tpu.memory_space<vmem>>, vector<1x128x1xf32>
    %get3A_14 = vector.shape_cast %get3A_13 : vector<1x128x1xf32> to vector<128x1xf32>
    %get3A_15 = arith.constant 1 : index
    %get3A_16 = arith.constant 0 : index
    %get3A_17 = arith.constant 0 : index
    %get3A_18 = vector.load %arg4[%get3A_15, %get3A_16, %get3A_17] : memref<2x128x1xf32, #tpu.memory_space<vmem>>, vector<1x128x1xf32>
    %get3A_19 = vector.shape_cast %get3A_18 : vector<1x128x1xf32> to vector<128x1xf32>
    %add3A_20 = arith.addf %get3A_14, %get3A_19 : vector<128x1xf32>
    %get3A_21 = arith.constant 0 : index
    %get3A_22 = arith.constant 0 : index
    %get3A_23 = arith.constant 0 : index
    %get3A_24 = vector.load %arg8[%get3A_21, %get3A_22, %get3A_23] : memref<32x128x128xf32, #tpu.memory_space<vmem>>, vector<32x128x128xf32>
    %reduce_max3A = arith.constant dense<0xFF800000> : vector<128x128xf32>
    %reduce_max3A_25 = vector.multi_reduction <maximumf>, %get3A_24, %reduce_max3A [0] : vector<32x128x128xf32> to vector<128x128xf32>
    %max3A = arith.constant 1.000000e+00 : f32
    %max3A_26 = vector.broadcast %max3A : f32 to vector<128x1xf32>
    %max3A_27 = arith.maximumf %add3A_20, %max3A_26 : vector<128x1xf32>
    %div3A = vector.broadcast %max3A_27 : vector<128x1xf32> to vector<128x128xf32>
    %div3A_28 = arith.divf %add3A, %div3A : vector<128x128xf32>
    %concatenate3A = tpu.concatenate %div3A_28, %reduce_max3A_25, %add3A in 1 : vector<128x128xf32>, vector<128x128xf32>, vector<128x128xf32> -> vector<128x384xf32>
    %get3A_29 = arith.constant 0 : index
    %get3A_30 = arith.constant 0 : index
    %get3A_31 = vector.load %arg12[%get3A_29, %get3A_30] : memref<128x4xf32, #tpu.memory_space<vmem>>, vector<128x1xf32>
    %mul3A = vector.broadcast %get3A_31 : vector<128x1xf32> to vector<128x384xf32>
    %mul3A_32 = arith.mulf %mul3A, %concatenate3A : vector<128x384xf32>
    %add3A_33 = arith.addf %broadcast_in_dim3A_0, %mul3A_32 : vector<128x384xf32>
    %get3A_34 = arith.constant 0 : index
    %get3A_35 = arith.constant 0 : index
    %get3A_36 = arith.constant 0 : index
    %get3A_37 = vector.load %arg1[%get3A_34, %get3A_35, %get3A_36] : memref<2x128x128xf32, #tpu.memory_space<vmem>>, vector<1x128x128xf32>
    %get3A_38 = vector.shape_cast %get3A_37 : vector<1x128x128xf32> to vector<128x128xf32>
    %get3A_39 = arith.constant 1 : index
    %get3A_40 = arith.constant 0 : index
    %get3A_41 = arith.constant 0 : index
    %get3A_42 = vector.load %arg1[%get3A_39, %get3A_40, %get3A_41] : memref<2x128x128xf32, #tpu.memory_space<vmem>>, vector<1x128x128xf32>
    %get3A_43 = vector.shape_cast %get3A_42 : vector<1x128x128xf32> to vector<128x128xf32>
    %add3A_44 = arith.addf %get3A_38, %get3A_43 : vector<128x128xf32>
    %get3A_45 = arith.constant 0 : index
    %get3A_46 = arith.constant 0 : index
    %get3A_47 = arith.constant 0 : index
    %get3A_48 = vector.load %arg5[%get3A_45, %get3A_46, %get3A_47] : memref<2x128x1xf32, #tpu.memory_space<vmem>>, vector<1x128x1xf32>
    %get3A_49 = vector.shape_cast %get3A_48 : vector<1x128x1xf32> to vector<128x1xf32>
    %get3A_50 = arith.constant 1 : index
    %get3A_51 = arith.constant 0 : index
    %get3A_52 = arith.constant 0 : index
    %get3A_53 = vector.load %arg5[%get3A_50, %get3A_51, %get3A_52] : memref<2x128x1xf32, #tpu.memory_space<vmem>>, vector<1x128x1xf32>
    %get3A_54 = vector.shape_cast %get3A_53 : vector<1x128x1xf32> to vector<128x1xf32>
    %add3A_55 = arith.addf %get3A_49, %get3A_54 : vector<128x1xf32>
    %get3A_56 = arith.constant 0 : index
    %get3A_57 = arith.constant 0 : index
    %get3A_58 = arith.constant 0 : index
    %get3A_59 = vector.load %arg9[%get3A_56, %get3A_57, %get3A_58] : memref<32x128x128xf32, #tpu.memory_space<vmem>>, vector<32x128x128xf32>
    %reduce_max3A_60 = arith.constant dense<0xFF800000> : vector<128x128xf32>
    %reduce_max3A_61 = vector.multi_reduction <maximumf>, %get3A_59, %reduce_max3A_60 [0] : vector<32x128x128xf32> to vector<128x128xf32>
    %max3A_62 = arith.constant 1.000000e+00 : f32
    %max3A_63 = vector.broadcast %max3A_62 : f32 to vector<128x1xf32>
    %max3A_64 = arith.maximumf %add3A_55, %max3A_63 : vector<128x1xf32>
    %div3A_65 = vector.broadcast %max3A_64 : vector<128x1xf32> to vector<128x128xf32>
    %div3A_66 = arith.divf %add3A_44, %div3A_65 : vector<128x128xf32>
    %concatenate3A_67 = tpu.concatenate %div3A_66, %reduce_max3A_61, %add3A_44 in 1 : vector<128x128xf32>, vector<128x128xf32>, vector<128x128xf32> -> vector<128x384xf32>
    %get3A_68 = arith.constant 0 : index
    %get3A_69 = arith.constant 1 : index
    %get3A_70 = vector.load %arg12[%get3A_68, %get3A_69] : memref<128x4xf32, #tpu.memory_space<vmem>>, vector<128x1xf32>
    %mul3A_71 = vector.broadcast %get3A_70 : vector<128x1xf32> to vector<128x384xf32>
    %mul3A_72 = arith.mulf %mul3A_71, %concatenate3A_67 : vector<128x384xf32>
    %add3A_73 = arith.addf %add3A_33, %mul3A_72 : vector<128x384xf32>
    %get3A_74 = arith.constant 0 : index
    %get3A_75 = arith.constant 0 : index
    %get3A_76 = arith.constant 0 : index
    %get3A_77 = vector.load %arg2[%get3A_74, %get3A_75, %get3A_76] : memref<2x128x128xf32, #tpu.memory_space<vmem>>, vector<1x128x128xf32>
    %get3A_78 = vector.shape_cast %get3A_77 : vector<1x128x128xf32> to vector<128x128xf32>
    %get3A_79 = arith.constant 1 : index
    %get3A_80 = arith.constant 0 : index
    %get3A_81 = arith.constant 0 : index
    %get3A_82 = vector.load %arg2[%get3A_79, %get3A_80, %get3A_81] : memref<2x128x128xf32, #tpu.memory_space<vmem>>, vector<1x128x128xf32>
    %get3A_83 = vector.shape_cast %get3A_82 : vector<1x128x128xf32> to vector<128x128xf32>
    %add3A_84 = arith.addf %get3A_78, %get3A_83 : vector<128x128xf32>
    %get3A_85 = arith.constant 0 : index
    %get3A_86 = arith.constant 0 : index
    %get3A_87 = arith.constant 0 : index
    %get3A_88 = vector.load %arg6[%get3A_85, %get3A_86, %get3A_87] : memref<2x128x1xf32, #tpu.memory_space<vmem>>, vector<1x128x1xf32>
    %get3A_89 = vector.shape_cast %get3A_88 : vector<1x128x1xf32> to vector<128x1xf32>
    %get3A_90 = arith.constant 1 : index
    %get3A_91 = arith.constant 0 : index
    %get3A_92 = arith.constant 0 : index
    %get3A_93 = vector.load %arg6[%get3A_90, %get3A_91, %get3A_92] : memref<2x128x1xf32, #tpu.memory_space<vmem>>, vector<1x128x1xf32>
    %get3A_94 = vector.shape_cast %get3A_93 : vector<1x128x1xf32> to vector<128x1xf32>
    %add3A_95 = arith.addf %get3A_89, %get3A_94 : vector<128x1xf32>
    %get3A_96 = arith.constant 0 : index
    %get3A_97 = arith.constant 0 : index
    %get3A_98 = arith.constant 0 : index
    %get3A_99 = vector.load %arg10[%get3A_96, %get3A_97, %get3A_98] : memref<32x128x128xf32, #tpu.memory_space<vmem>>, vector<32x128x128xf32>
    %reduce_max3A_100 = arith.constant dense<0xFF800000> : vector<128x128xf32>
    %reduce_max3A_101 = vector.multi_reduction <maximumf>, %get3A_99, %reduce_max3A_100 [0] : vector<32x128x128xf32> to vector<128x128xf32>
    %max3A_102 = arith.constant 1.000000e+00 : f32
    %max3A_103 = vector.broadcast %max3A_102 : f32 to vector<128x1xf32>
    %max3A_104 = arith.maximumf %add3A_95, %max3A_103 : vector<128x1xf32>
    %div3A_105 = vector.broadcast %max3A_104 : vector<128x1xf32> to vector<128x128xf32>
    %div3A_106 = arith.divf %add3A_84, %div3A_105 : vector<128x128xf32>
    %concatenate3A_107 = tpu.concatenate %div3A_106, %reduce_max3A_101, %add3A_84 in 1 : vector<128x128xf32>, vector<128x128xf32>, vector<128x128xf32> -> vector<128x384xf32>
    %get3A_108 = arith.constant 0 : index
    %get3A_109 = arith.constant 2 : index
    %get3A_110 = vector.load %arg12[%get3A_108, %get3A_109] : memref<128x4xf32, #tpu.memory_space<vmem>>, vector<128x1xf32>
    %mul3A_111 = vector.broadcast %get3A_110 : vector<128x1xf32> to vector<128x384xf32>
    %mul3A_112 = arith.mulf %mul3A_111, %concatenate3A_107 : vector<128x384xf32>
    %add3A_113 = arith.addf %add3A_73, %mul3A_112 : vector<128x384xf32>
    %get3A_114 = arith.constant 0 : index
    %get3A_115 = arith.constant 0 : index
    %get3A_116 = arith.constant 0 : index
    %get3A_117 = vector.load %arg3[%get3A_114, %get3A_115, %get3A_116] : memref<2x128x128xf32, #tpu.memory_space<vmem>>, vector<1x128x128xf32>
    %get3A_118 = vector.shape_cast %get3A_117 : vector<1x128x128xf32> to vector<128x128xf32>
    %get3A_119 = arith.constant 1 : index
    %get3A_120 = arith.constant 0 : index
    %get3A_121 = arith.constant 0 : index
    %get3A_122 = vector.load %arg3[%get3A_119, %get3A_120, %get3A_121] : memref<2x128x128xf32, #tpu.memory_space<vmem>>, vector<1x128x128xf32>
    %get3A_123 = vector.shape_cast %get3A_122 : vector<1x128x128xf32> to vector<128x128xf32>
    %add3A_124 = arith.addf %get3A_118, %get3A_123 : vector<128x128xf32>
    %get3A_125 = arith.constant 0 : index
    %get3A_126 = arith.constant 0 : index
    %get3A_127 = arith.constant 0 : index
    %get3A_128 = vector.load %arg7[%get3A_125, %get3A_126, %get3A_127] : memref<2x128x1xf32, #tpu.memory_space<vmem>>, vector<1x128x1xf32>
    %get3A_129 = vector.shape_cast %get3A_128 : vector<1x128x1xf32> to vector<128x1xf32>
    %get3A_130 = arith.constant 1 : index
    %get3A_131 = arith.constant 0 : index
    %get3A_132 = arith.constant 0 : index
    %get3A_133 = vector.load %arg7[%get3A_130, %get3A_131, %get3A_132] : memref<2x128x1xf32, #tpu.memory_space<vmem>>, vector<1x128x1xf32>
    %get3A_134 = vector.shape_cast %get3A_133 : vector<1x128x1xf32> to vector<128x1xf32>
    %add3A_135 = arith.addf %get3A_129, %get3A_134 : vector<128x1xf32>
    %get3A_136 = arith.constant 0 : index
    %get3A_137 = arith.constant 0 : index
    %get3A_138 = arith.constant 0 : index
    %get3A_139 = vector.load %arg11[%get3A_136, %get3A_137, %get3A_138] : memref<32x128x128xf32, #tpu.memory_space<vmem>>, vector<32x128x128xf32>
    %reduce_max3A_140 = arith.constant dense<0xFF800000> : vector<128x128xf32>
    %reduce_max3A_141 = vector.multi_reduction <maximumf>, %get3A_139, %reduce_max3A_140 [0] : vector<32x128x128xf32> to vector<128x128xf32>
    %max3A_142 = arith.constant 1.000000e+00 : f32
    %max3A_143 = vector.broadcast %max3A_142 : f32 to vector<128x1xf32>
    %max3A_144 = arith.maximumf %add3A_135, %max3A_143 : vector<128x1xf32>
    %div3A_145 = vector.broadcast %max3A_144 : vector<128x1xf32> to vector<128x128xf32>
    %div3A_146 = arith.divf %add3A_124, %div3A_145 : vector<128x128xf32>
    %concatenate3A_147 = tpu.concatenate %div3A_146, %reduce_max3A_141, %add3A_124 in 1 : vector<128x128xf32>, vector<128x128xf32>, vector<128x128xf32> -> vector<128x384xf32>
    %get3A_148 = arith.constant 0 : index
    %get3A_149 = arith.constant 3 : index
    %get3A_150 = vector.load %arg12[%get3A_148, %get3A_149] : memref<128x4xf32, #tpu.memory_space<vmem>>, vector<128x1xf32>
    %mul3A_151 = vector.broadcast %get3A_150 : vector<128x1xf32> to vector<128x384xf32>
    %mul3A_152 = arith.mulf %mul3A_151, %concatenate3A_147 : vector<128x384xf32>
    %add3A_153 = arith.addf %add3A_113, %mul3A_152 : vector<128x384xf32>
    %get3A_154 = arith.constant 0 : index
    %get3A_155 = arith.constant 0 : index
    %get3A_156 = vector.load %arg13[%get3A_154, %get3A_155] : memref<384x256xf32, #tpu.memory_space<vmem>>, vector<384x256xf32>
    %dot_general3A = arith.constant dense<0.000000e+00> : vector<128x256xf32>
    %dot_general3A_157 = tpu.matmul %add3A_153, %get3A_156, %dot_general3A {dimension_numbers = #tpu.dot_dimension_numbers<[1], [0], [0], [1], [0, 0, 1, 1], [], []>, transpose_lhs_hint = false} : vector<128x384xf32>, vector<384x256xf32>, vector<128x256xf32> -> vector<128x256xf32>
    %get3A_158 = arith.constant 0 : index
    %get3A_159 = arith.constant 0 : index
    %get3A_160 = vector.load %arg14[%get3A_158, %get3A_159] : memref<1x256xf32, #tpu.memory_space<vmem>>, vector<1x256xf32>
    %add3A_161 = vector.broadcast %get3A_160 : vector<1x256xf32> to vector<128x256xf32>
    %add3A_162 = arith.addf %dot_general3A_157, %add3A_161 : vector<128x256xf32>
    %max3A_163 = arith.constant 0.000000e+00 : f32
    %max3A_164 = vector.broadcast %max3A_163 : f32 to vector<128x256xf32>
    %max3A_165 = arith.maximumf %add3A_162, %max3A_164 : vector<128x256xf32>
    %get3A_166 = arith.constant 0 : index
    %get3A_167 = arith.constant 0 : index
    %get3A_168 = vector.load %arg15[%get3A_166, %get3A_167] : memref<256x128xf32, #tpu.memory_space<vmem>>, vector<256x128xf32>
    %dot_general3A_169 = arith.constant dense<0.000000e+00> : vector<128x128xf32>
    %dot_general3A_170 = tpu.matmul %max3A_165, %get3A_168, %dot_general3A_169 {dimension_numbers = #tpu.dot_dimension_numbers<[1], [0], [0], [1], [0, 0, 1, 1], [], []>, transpose_lhs_hint = false} : vector<128x256xf32>, vector<256x128xf32>, vector<128x128xf32> -> vector<128x128xf32>
    %get3A_171 = arith.constant 0 : index
    %get3A_172 = arith.constant 0 : index
    %get3A_173 = vector.load %arg16[%get3A_171, %get3A_172] : memref<1x128xf32, #tpu.memory_space<vmem>>, vector<1x128xf32>
    %add3A_174 = vector.broadcast %get3A_173 : vector<1x128xf32> to vector<128x128xf32>
    %add3A_175 = arith.addf %dot_general3A_170, %add3A_174 : vector<128x128xf32>
    %max3A_176 = arith.constant 0.000000e+00 : f32
    %max3A_177 = vector.broadcast %max3A_176 : f32 to vector<128x128xf32>
    %max3A_178 = arith.maximumf %add3A_175, %max3A_177 : vector<128x128xf32>
    %get3A_179 = arith.constant 0 : index
    %get3A_180 = arith.constant 0 : index
    %get3A_181 = vector.load %arg17[%get3A_179, %get3A_180] : memref<128x64xf32, #tpu.memory_space<vmem>>, vector<128x64xf32>
    %dot_general3A_182 = arith.constant dense<0.000000e+00> : vector<128x64xf32>
    %dot_general3A_183 = tpu.matmul %max3A_178, %get3A_181, %dot_general3A_182 {dimension_numbers = #tpu.dot_dimension_numbers<[1], [0], [0], [1], [0, 0, 1, 1], [], []>, transpose_lhs_hint = false} : vector<128x128xf32>, vector<128x64xf32>, vector<128x64xf32> -> vector<128x64xf32>
    %get3A_184 = arith.constant 0 : index
    %get3A_185 = arith.constant 0 : index
    %get3A_186 = vector.load %arg18[%get3A_184, %get3A_185] : memref<1x64xf32, #tpu.memory_space<vmem>>, vector<1x64xf32>
    %add3A_187 = vector.broadcast %get3A_186 : vector<1x64xf32> to vector<128x64xf32>
    %add3A_188 = arith.addf %dot_general3A_183, %add3A_187 : vector<128x64xf32>
    %max3A_189 = arith.constant 0.000000e+00 : f32
    %max3A_190 = vector.broadcast %max3A_189 : f32 to vector<128x64xf32>
    %max3A_191 = arith.maximumf %add3A_188, %max3A_190 : vector<128x64xf32>
    %get3A_192 = arith.constant 0 : index
    %get3A_193 = arith.constant 0 : index
    %get3A_194 = vector.load %arg19[%get3A_192, %get3A_193] : memref<64x32xf32, #tpu.memory_space<vmem>>, vector<64x32xf32>
    %dot_general3A_195 = arith.constant dense<0.000000e+00> : vector<128x32xf32>
    %dot_general3A_196 = tpu.matmul %max3A_191, %get3A_194, %dot_general3A_195 {dimension_numbers = #tpu.dot_dimension_numbers<[1], [0], [0], [1], [0, 0, 1, 1], [], []>, transpose_lhs_hint = false} : vector<128x64xf32>, vector<64x32xf32>, vector<128x32xf32> -> vector<128x32xf32>
    %get3A_197 = arith.constant 0 : index
    %get3A_198 = arith.constant 0 : index
    %get3A_199 = vector.load %arg20[%get3A_197, %get3A_198] : memref<1x32xf32, #tpu.memory_space<vmem>>, vector<1x32xf32>
    %add3A_200 = vector.broadcast %get3A_199 : vector<1x32xf32> to vector<128x32xf32>
    %add3A_201 = arith.addf %dot_general3A_196, %add3A_200 : vector<128x32xf32>
    %max3A_202 = arith.constant 0.000000e+00 : f32
    %max3A_203 = vector.broadcast %max3A_202 : f32 to vector<128x32xf32>
    %max3A_204 = arith.maximumf %add3A_201, %max3A_203 : vector<128x32xf32>
    %get3A_205 = arith.constant 0 : index
    %get3A_206 = arith.constant 0 : index
    %get3A_207 = vector.load %arg21[%get3A_205, %get3A_206] : memref<32x16xf32, #tpu.memory_space<vmem>>, vector<32x16xf32>
    %dot_general3A_208 = arith.constant dense<0.000000e+00> : vector<128x16xf32>
    %dot_general3A_209 = tpu.matmul %max3A_204, %get3A_207, %dot_general3A_208 {dimension_numbers = #tpu.dot_dimension_numbers<[1], [0], [0], [1], [0, 0, 1, 1], [], []>, transpose_lhs_hint = false} : vector<128x32xf32>, vector<32x16xf32>, vector<128x16xf32> -> vector<128x16xf32>
    %get3A_210 = arith.constant 0 : index
    %get3A_211 = arith.constant 0 : index
    %get3A_212 = vector.load %arg22[%get3A_210, %get3A_211] : memref<1x16xf32, #tpu.memory_space<vmem>>, vector<1x16xf32>
    %add3A_213 = vector.broadcast %get3A_212 : vector<1x16xf32> to vector<128x16xf32>
    %add3A_214 = arith.addf %dot_general3A_209, %add3A_213 : vector<128x16xf32>
    %max3A_215 = arith.constant 0.000000e+00 : f32
    %max3A_216 = vector.broadcast %max3A_215 : f32 to vector<128x16xf32>
    %max3A_217 = arith.maximumf %add3A_214, %max3A_216 : vector<128x16xf32>
    %get3A_218 = arith.constant 0 : index
    %get3A_219 = arith.constant 0 : index
    %get3A_220 = vector.load %arg23[%get3A_218, %get3A_219] : memref<16x1xf32, #tpu.memory_space<vmem>>, vector<16x1xf32>
    %dot_general3A_221 = arith.constant dense<0.000000e+00> : vector<128x1xf32>
    %dot_general3A_222 = tpu.matmul %max3A_217, %get3A_220, %dot_general3A_221 {dimension_numbers = #tpu.dot_dimension_numbers<[1], [0], [0], [1], [0, 0, 1, 1], [], []>, transpose_lhs_hint = false} : vector<128x16xf32>, vector<16x1xf32>, vector<128x1xf32> -> vector<128x1xf32>
    %get3A_223 = arith.constant 0 : index
    %get3A_224 = arith.constant 0 : index
    %get3A_225 = vector.load %arg24[%get3A_223, %get3A_224] : memref<1x1xf32, #tpu.memory_space<vmem>>, vector<1x1xf32>
    %add3A_226 = vector.broadcast %get3A_225 : vector<1x1xf32> to vector<128x1xf32>
    %add3A_227 = arith.addf %dot_general3A_222, %add3A_226 : vector<128x1xf32>
    %swap3A = arith.constant 0 : index
    %swap3A_228 = arith.constant 0 : index
    %swap3A_229 = vector.load %arg25[%swap3A, %swap3A_228] : memref<128x1xf32, #tpu.memory_space<vmem>>, vector<128x1xf32>
    tpu.vector_store %arg25[%swap3A, %swap3A_228], %add3A_227 {strides = array<i32>} : memref<128x1xf32, #tpu.memory_space<vmem>>, vector<128x1xf32>,
    return
  }
}

</mosaic_0001>

<sc_bundles>
// kernel: kernel.10.cloned.1.call-start
scs
__scs_entry_jumppad:
0x0: {  	(pc) =	sbr.rel $0x88, $3  }
0x1: {  	(tag) =	ssettag $0x0;
	lr =	simm.s32 $0x1  }
0x2: {  	[smem:$0x3F89] =	sst lr;
	_ =	strace $0xD0000000  }
0x3: {  	_ = 	snop  }
0x4: {  	_ = 	snop  }
0x5: {  	_ = 	snop  }
0x6: {  	_ = 	snop  }
0x7: {  	_ = 	snop  }
__scs_overlays_trampoline_lowered:
0x8: {  	[smem:$0x3F98] =	sst s0  }
0x9: {  	[smem:$0x3F99] =	sst s1  }
0xa: {  	[smem:$0x3F9A] =	sst s2  }
0xb: {  	[smem:$0x3F9B] =	sst s3  }
0xc: {  	[smem:$0x3F9C] =	sst s4  }
0xd: {  	[smem:$0x3F9D] =	sst s5  }
0xe: {  	[smem:$0x3F9E] =	sst s6  }
0xf: {  	[smem:$0x3F9F] =	sst s7  }
0x10: {  	[smem:$0x3FA0] =	sst s8  }
0x11: {  	[smem:$0x3FA1] =	sst s9;
	s0 =	simm.s32 @!p0 $0x0  }
0x12: {  	s1 =	sld [smem:$0x3F87];
	s0 =	simm.s32 @p0 $0x1  }
0x13: {  	[smem:$0x3FA2] =	sst s0;
	s0 =	simm.s32 @!p1 $0x0  }
0x14: {  	s2 =	sld [smem:$0x3F86];
	s0 =	simm.s32 @p1 $0x1  }
0x15: {  	[smem:$0x3FA3] =	sst s0;
	s0 =	simm.s32 @!p2 $0x0  }
0x16: {  	s3 =	sld [smem:$0x3FDB];
	s0 =	simm.s32 @p2 $0x1  }
0x17: {  	s4 =	simm.s32 $0x1BF5;
	[smem:$0x3FA5] =	sst s0  }
0x18: {  	s0 =	sld [smem:$0x3F88];
	_ =	swait.ge [sflag:s4], $0x0  }
0x19: {  	s7 =	sld [smem:$0x3F89]  }
0x1a: {  	s8 =	sadd.s32 $0xFFFFE003, lr  }
0x1b: {  	s9 =	sadd.s32 $0xFFFFFEF7, lr;
	s5 =	simm.s32 $0xFFFFFFFF;
	p2 =	slt.u32 s8, $0xFFFFF086  }
0x1c: {  	p1 =	slt.u32 s9, $0xF7A;
	s5 =	simm.s32 @!p2 $0x0  }
0x1d: {  	s5 =	simm.s32 @p1 $0x1;
	p0 =	seq.s32 s7, s2  }
0x1e: {  	s7 =	smul.u32 @!p0 $0xF7A, s2;
	p2 =	seq.s32 @!p0 s5, $0x0  }
0x1f: {  	s9 =	smul.u32 $0xF7A, s1;
	s8 =	simm.s32 @!p0 $0x1BF5;
	p2 =	por !p2, p0  }
0x20: {  	[sflag:s8] =	ssyncset.s32 @!p0 $0xFFFFF086;
	s6 =	sadd.s32 @!p0 s3, s7;
	s7 =	simm.s32 @!p0 $0x108  }
0x21: {  	s3 =	sadd.s32 s3, s9;
	s6 =	sadd.s32 @!p0 $0x88, s6;
	s7 =	simm.s32 @p2 $0x1082  }
0x22: {  	[simem:s7], [sflag:s8] =	dma.local @!p0 [hbm:s6], $0xF7A  }
0x23: {  	s9 =	sor.u32 $0xD0000000, s2;
	s6 =	simm.s32 $0x108;
	_ =	swait.ge @!p0 [sflag:s8], $0x0  }
0x24: {  	s3 =	sadd.s32 $0x88, s3;
	s6 =	simm.s32 @!p1 $0x1082;
	[sflag:s4] =	ssyncset.s32 $0xFFFFF086  }
0x25: {  	[simem:s6], [sflag:s4] =	dma.local [hbm:s3], $0xF7A  }
0x26: {  	[smem:$0x3F89] =	sst s1;
	(tag) =	ssettag s2;
	_ =	strace s9  }
0x27: {  	s1 =	sld [smem:$0x3F99]  }
0x28: {  	s2 =	sld [smem:$0x3F9A]  }
0x29: {  	s4 =	sld [smem:$0x3F9C]  }
0x2a: {  	p0 =	seq.s32 s5, $0x0;
	s5 =	sld [smem:$0x3F9D]  }
0x2b: {  	s6 =	sld [smem:$0x3F9E]  }
0x2c: {  	s7 =	sld [smem:$0x3F9F]  }
0x2d: {  	s3 =	simm.s32 $0x108;
	s8 =	sld [smem:$0x3FA0]  }
0x2e: {  	s3 =	simm.s32 @!p0 $0x1082;
	s9 =	sld [smem:$0x3FA1]  }
0x2f: {  	lr =	sadd.s32 s0, s3;
	s0 =	sld [smem:$0x3F98]  }
0x30: {  	s3 =	sld [smem:$0x3F9B]  }
0x31: {  	[smem:$0x3FA4] =	sst s10  }
0x32: {  	s10 =	sld [smem:$0x3FA2];
	_ =	sdelay $0x3  }
0x33: {  	p0 =	seq.s32 s10, $0x1;
	s10 =	sld [smem:$0x3FA4];
	_ =	sdelay $0x3  }
0x34: {  	[smem:$0x3FA4] =	sst s10  }
0x35: {  	s10 =	sld [smem:$0x3FA3];
	_ =	sdelay $0x3  }
0x36: {  	p1 =	seq.s32 s10, $0x1;
	s10 =	sld [smem:$0x3FA4];
	_ =	sdelay $0x3  }
0x37: {  	[smem:$0x3FA4] =	sst s10  }
0x38: {  	s10 =	sld [smem:$0x3FA5]  }
0x39: {  	_ = 	snop;
	(pc) =	sbr.ind lr, $3  }
0x3a: {  	_ = 	snop  }
0x3b: {  	_ = 	snop  }
0x3c: {  	p2 =	seq.s32 s10, $0x1;
	s10 =	sld [smem:$0x3FA4]  }
0x3d: {  	_ =	shalt  }
0x3e: {  	_ =	shalt  }
0x3f: {  	_ =	shalt  }
0x40: {  	_ =	shalt  }
0x41: {  	_ =	shalt  }
0x42: {  	_ =	shalt  }
0x43: {  	_ =	shalt  }
0x44: {  	_ =	shalt  }
0x45: {  	_ =	shalt  }
0x46: {  	_ =	shalt  }
0x47: {  	_ =	shalt  }
0x48: {  	_ =	shalt  }
0x49: {  	_ =	shalt  }
0x4a: {  	_ =	shalt  }
0x4b: {  	_ =	shalt  }
0x4c: {  	_ =	shalt  }
0x4d: {  	_ =	shalt  }
0x4e: {  	_ =	shalt  }
0x4f: {  	_ =	shalt  }
0x50: {  	_ =	shalt  }
0x51: {  	_ =	shalt  }
0x52: {  	_ =	shalt  }
0x53: {  	_ =	shalt  }
0x54: {  	_ =	shalt  }
0x55: {  	_ =	shalt  }
0x56: {  	_ =	shalt  }
0x57: {  	_ =	shalt  }
0x58: {  	_ =	shalt  }
0x59: {  	_ =	shalt  }
0x5a: {  	_ =	shalt  }
0x5b: {  	_ =	shalt  }
0x5c: {  	_ =	shalt  }
0x5d: {  	_ =	shalt  }
0x5e: {  	_ =	shalt  }
0x5f: {  	_ =	shalt  }
0x60: {  	_ =	shalt  }
0x61: {  	_ =	shalt  }
0x62: {  	_ =	shalt  }
0x63: {  	_ =	shalt  }
0x64: {  	_ =	shalt  }
0x65: {  	_ =	shalt  }
0x66: {  	_ =	shalt  }
0x67: {  	_ =	shalt  }
0x68: {  	_ =	shalt  }
0x69: {  	_ =	shalt  }
0x6a: {  	_ =	shalt  }
0x6b: {  	_ =	shalt  }
0x6c: {  	_ =	shalt  }
0x6d: {  	_ =	shalt  }
0x6e: {  	_ =	shalt  }
0x6f: {  	_ =	shalt  }
0x70: {  	_ =	shalt  }
0x71: {  	_ =	shalt  }
0x72: {  	_ =	shalt  }
0x73: {  	_ =	shalt  }
0x74: {  	_ =	shalt  }
0x75: {  	_ =	shalt  }
0x76: {  	_ =	shalt  }
0x77: {  	_ =	shalt  }
0x78: {  	_ =	shalt  }
0x79: {  	_ =	shalt  }
0x7a: {  	_ =	shalt  }
0x7b: {  	_ =	shalt  }
0x7c: {  	_ =	shalt  }
0x7d: {  	_ =	shalt  }
0x7e: {  	_ =	shalt  }
0x7f: {  	_ =	shalt  }
0x80: {  	_ =	shalt  }
0x81: {  	_ =	shalt  }
0x82: {  	_ =	shalt  }
0x83: {  	_ =	shalt  }
0x84: {  	_ =	shalt  }
0x85: {  	_ =	shalt  }
0x86: {  	_ =	shalt  }
0x87: {  	_ =	shalt  }
.Lfunc_end0:
.L_simem_size_0:
called_computation_lowered:
.L_overlay_start_0:
0x88: {  	s2 =	sld [smem:$0x3FD9]  }
0x89: {  	s3 =	sld [smem:$0x3FFE];
	_ =	sdelay $0x1  }
0x8a: {  	s1 =	srdreg.scid  }
0x8b: {  	s0 =	sand.u32 $0x1, s1  }
0x8c: {  	s17 =	sshll.u32 s0, $0xA;
	s2 =	sadd.s32 s3, s2  }
0x8d: {  	s2 =	sadd.s32 s2, s17  }
0x8e: {  	[smem:$0x3FB0] =	sst s2  }
0x8f: {  	_ = 	snop  }
0x90: {  	s2 =	sld [smem:$0x3FD0];
	(tm) =	ssettm $0x1  }
0x91: {  	s18 =	sld [smem:$0x3FFB];
	_ =	sdelay $0x3  }
0x92: {  	_ =	strace s18  }
0x93: {  	s3 =	sld [smem:$0x3FFC];
	_ =	sdelay $0x3  }
0x94: {  	_ =	strace s3  }
0x95: {  	s3 =	sld [smem:$0x3FFD];
	_ =	sdelay $0x3  }
0x96: {  	_ =	strace s3  }
0x97: {  	_ =	strace $0x8FFFFFFF  }
0x98: {  	s19 =	sld [smem:$0x3FDB];
	_ =	sdelay $0x1  }
0x99: {  	s4 =	simm.s32 $_scs_section_size  }
0x9a: {  	s5 =	simm.s32 $_size__tile_overlayer_lowered;
	s6 =	simm.s32 $_tile_overlayer_lowered  }
0x9b: {  	s22 =	simm.s32 $0x1BFF;
	s21 =	sshll.u32 s6, $0x1;
	s3 =	sadd.s32 s4, s19  }
0x9c: {  	s7 =	simm.s32 $0x0;
	s20 =	sshll.u32 s5, $0x1;
	s5 =	sadd.s32 s21, s3  }
0x9d: {  	[timem:s7], [sflag:s22] =	dma.local [hbm:s5], s20  }
0x9e: {  	_ =	swait.ge [sflag:s22], s20  }
0x9f: {  	s4 =	ssub.s32 $0x0, s20;
	[sflag:s22] =	ssyncset.done $0x0  }
0xa0: {  	[sflag:s22] =	ssyncadd.s32 s4;
	_ =	sdelay $0x1  }
0xa1: {  	s23 =	simm.s32 $0x1B8B  }
0xa2: {  	_ =	swait.ge [sflag:s23], $0x1  }
0xa3: {  	[sflag:s23] =	ssyncset.done $0x0  }
0xa4: {  	s25 =	simm.s32 $0x1B8E;
	s24 =	sld [smem:$0x3FFE];
	[sflag:s23] =	ssyncadd.s32 $0xFFFFFFFF  }
0xa5: {  	s26 =	simm.s32 $execute0_lowered;
	[smem:$0x3FD2] =	sst s25  }
0xa6: {  	s5 =	sshll.u32 s26, $0x1;
	_ =	strace $0x80000046;
	[dreg:$0x1] =	wrdreg $0xFFFFFFFF  }
0xa7: {  	s28 =	simm.s32 $_size_execute0_lowered;
	s3 =	sadd.s32 s3, s5;
	[dreg:$0x0] =	wrdreg $0x0  }
0xa8: {  	s5 =	sshll.u32 s28, $0x1;
	[dreg:$0x2] =	wrdreg s3  }
0xa9: {  	[dreg:$0x3] =	wrdreg s5  }
0xaa: {  	[dreg:$0x4] =	wrdreg $0xC0  }
0xab: {  	_ =	task [dreg:s7], $0x5FFFF  }
0xac: {  	[dreg:$0x1] =	wrdreg $0xFFFFFFFF  }
0xad: {  	[dreg:$0x0] =	wrdreg $0x60  }
0xae: {  	[dreg:$0x2] =	wrdreg s24  }
0xaf: {  	[dreg:$0x3] =	wrdreg s2  }
0xb0: {  	[dreg:$0x4] =	wrdreg $0x50000  }
0xb1: {  	[dreg:$0x5] =	wrdreg $0x9  }
0xb2: {  	_ =	task.clear_ibuf [dreg:s7], $0x6FFFF;
	_ =	strace $0x90000046  }
0xb3: {  	s29 =	simm.s32 $0x9;
	_ =	strace $0x80000048  }
0xb4: {  	_ =	swait.ge [sflag:s29], $0x1  }
0xb5: {  	[sflag:s29] =	ssyncadd.s32 $0xFFFFFFFF  }
0xb6: {  	_ =	strace $0x90000048  }
0xb7: {  	_ =	sfence  }
0xb8: {  	s30 =	sld [smem:$0x0];
	_ =	sdelay $0x2  }
0xb9: {  	s31 =	sshll.u32 s1, $0xD;
	s1 =	sshrl.u32 s1, $0x2  }
0xba: {  	s3 =	sand.u32 $0x4000, s31;
	s1 =	sadd.s32 s1, s30  }
0xbb: {  	s0 =	sor.u32 s3, s0;
	s1 =	sshll.u32 s1, $0x11  }
0xbc: {  	s0 =	sor.u32 s1, s0  }
0xbd: {  	s0 =	sadd.s32 $0x8F2B, s0  }
0xbe: {  	[sflag:s0] =	ssyncadd.remote.s32 $0x1  }
0xbf: {  	_ =	sfence.sel $0xFFFF  }
0xc0: {  	[dreg:$0x0] =	wrdreg $0xFFFFFFFF;
	(pc) =	sbr.abs _section_cstart, $3  }
0xc1: {  	[dreg:$0x1] =	wrdreg $0xFFFFFFFF  }
0xc2: {  	_ =	task.clear_ibuf [dreg:s7], $0x2FFFF;
	_ =	strace $0x9FFFFFFF  }
0xc3: {  	(tm) =	ssettm $0x7FFFFFFF  }
tec
execute0_lowered:
.L_overlay_start_1:
0x0: {  	(tag) =	ssettag $0x1  }
0x1: {  	s6 =	rddreg [dreg:$0x0]  }
0x2: {  	s1 =	rddreg [dreg:$0x1];
	s0 =	srdreg.scid  }
0x3: {  	s3 =	rddreg [dreg:$0x2];
	s2 =	stileid.u32  }
0x4: {  	s4 =	simm.s32 $0x0;
	s13 =	simm.s32 $0x1;
	s14 =	simm.s32 $0x2780  }
0x5: {  	s15 =	simm.s32 $0x50;
	s5 =	sand.u32 $0x1, s0;
	s0 =	rddreg [dreg:$0x3]  }
0x6: {  	s16 =	simm.s32 $0x0;
	[smem:$0x7FF] =	sst s4;
	s9 =	sshll.u32 s2, $0xA  }
0x7: {  	s31 =	sshll.u32 s2, $0x7;
	p0 =	sgt.u32 s2, $0x9;
	s7 =	sshll.u32 s5, $0x4  }
0x8: {  	s8 =	smul.u32 $0x2800, s5;
	_ =	strace $0x80000047;
	s10 =	ssub.s32 $0x2, s5  }
0x9: {  	v0 =	vimm.f32 $1.000000000e+00;
	s5 =	sadd.s32 $0x1A000, s6;
	s12 =	sshll.u32 @!p0 s2, $0x6;
	s7 =	sor.u32 s2, s7  }
0xa: {  	vm0 =	vcmask $0x704;
	vm1 =	vcmask $0xB08;
	vm2 =	vcmask $0xF0C;
	s11 =	sshrl.u32 s10, $0x1;
	s7 =	smul.u32 $0x4E2, s7;
	s8 =	sadd.s32 s9, s8  }
0xb: {  	vm3 =	vcmask $0x1310;
	vm4 =	vcmask $0x1714;
	vm5 =	vcmask $0x1B18;
	s10 =	ssub.s32 s10, s11;
	s11 =	sadd.s32 s9, s3;
	s8 =	sshrl.u32 s8, $0x3  }
0xc: {  	vm6 =	vcmask $0x1F1C;
	vm7 =	vcmask $0x2320;
	vm8 =	vcmask $0x2724;
	s9 =	smax.u32 s10, $0x1;
	s10 =	sor.u32 @!p0 $0x1C01, s12;
	s11 =	sshrl.u32 @!p0 s11, $0x3  }
0xd: {  	vm9 =	vcmask $0x2B28;
	vm10 =	vcmask $0x2F2C;
	vm11 =	vcmask $0x3330;
	s12 =	simm.s32 $0x2800;
	s7 =	sadd.s32 s7, s6;
	s8 =	sadd.s32 s8, s6  }
0xe: {  	vm12 =	vcmask $0x3734;
	vm13 =	vcmask $0x3B38;
	vm14 =	vcmask $0x3F3C;
	s6 =	sadd.s32 s5, s31;
	s7 =	sadd.s32 $0x10200, s7;
	s8 =	sadd.s32 $0x1A600, s8  }
.LBB2_1:
0xf: {  	[spmem:s11], [sflag:s10] =	dma.local @!p0 [hbm:s6], $0x80  }
0x10: {  	s17 =	simm.s32 @!p0 $0x1  }
0x11: {  	_ =	swait.ge @!p0 [sflag:s17], $0x80  }
0x12: {  	[sflag:s17] =	ssyncset.done @!p0 $0x0  }
0x13: {  	[sflag:s17] =	ssyncadd.s32 @!p0 $0xFFFFFF80  }
0x14: {  	[tilespmem:s12], [sflag:$0x1] =	stream.linear.gather [hbm4b:s5+s4], $0x2800, $0x38;
	[tilespmem:$0x5280] =	vst v63  }
0x15: {  	_ =	swait.ge [sflag:s13], $0x2800  }
0x16: {  	[sflag:s13] =	ssyncset.done $0x0  }
0x17: {  	[sflag:s13] =	ssyncadd.s32 $0xFFFFD800  }
0x18: {  	[tilespmem:s14], [sflag:$0x1] =	stream.linear.gather [hbm4b:s1+s4], $0x80, $0x38;
	[tilespmem:$0x5280] =	vst v63  }
0x19: {  	_ =	swait.ge [sflag:s13], $0x80  }
0x1a: {  	[sflag:s13] =	ssyncset.done $0x0  }
0x1b: {  	[sflag:s13] =	ssyncadd.s32 $0xFFFFFF80  }
0x1c: {  	[tilespmem:s4], [sflag:$0x1] =	stream.linear.gather [hbm4b:s7+s4], $0x2710, $0x38;
	[tilespmem:$0x5280] =	vst v63  }
0x1d: {  	_ =	swait.ge [sflag:s13], $0x2710  }
0x1e: {  	[sflag:s13] =	ssyncset.done $0x0  }
0x1f: {  	[sflag:s13] =	ssyncadd.s32 $0xFFFFD8F0  }
0x20: {  	s17 =	simm.s32 $0x0;
	[bflag:$0x0] =	sbarrier.arrive $0xFFFF  }
.LBB2_2:
0x21: {  	s18 =	sshra.s32 s17, $0x2  }
0x22: {  	v1 =	vld [tilespmem:s18+$0x0];
	_ =	sdelay $0x7  }
0x23: {  	[tilespmem:v1+s12+$0x0] =	vst.idx.add.f32.msk $0x1, v0  }
0x24: {  	[tilespmem:v1+s12+$0x0] =	vst.idx.add.f32.msk vm0, v0  }
0x25: {  	[tilespmem:v1+s12+$0x0] =	vst.idx.add.f32.msk vm1, v0  }
0x26: {  	[tilespmem:v1+s12+$0x0] =	vst.idx.add.f32.msk vm2, v0  }
0x27: {  	[tilespmem:v1+s12+$0x0] =	vst.idx.add.f32.msk vm3, v0  }
0x28: {  	[tilespmem:v1+s12+$0x0] =	vst.idx.add.f32.msk vm4, v0  }
0x29: {  	[tilespmem:v1+s12+$0x0] =	vst.idx.add.f32.msk vm5, v0  }
0x2a: {  	[tilespmem:v1+s12+$0x0] =	vst.idx.add.f32.msk vm6, v0  }
0x2b: {  	[tilespmem:v1+s12+$0x0] =	vst.idx.add.f32.msk vm7, v0  }
0x2c: {  	[tilespmem:v1+s12+$0x0] =	vst.idx.add.f32.msk vm8, v0  }
0x2d: {  	[tilespmem:v1+s12+$0x0] =	vst.idx.add.f32.msk vm9, v0  }
0x2e: {  	[tilespmem:v1+s12+$0x0] =	vst.idx.add.f32.msk vm10, v0  }
0x2f: {  	[tilespmem:v1+s12+$0x0] =	vst.idx.add.f32.msk vm11, v0  }
0x30: {  	[tilespmem:v1+s12+$0x0] =	vst.idx.add.f32.msk vm12, v0  }
0x31: {  	[tilespmem:v1+s12+$0x0] =	vst.idx.add.f32.msk vm13, v0  }
0x32: {  	[tilespmem:v1+s12+$0x0] =	vst.idx.add.f32.msk vm14, v0  }
0x33: {  	v1 =	vld [tilespmem:s18+$0x10];
	_ =	sdelay $0x7  }
0x34: {  	[tilespmem:v1+s12+$0x0] =	vst.idx.add.f32.msk $0x1, v0  }
0x35: {  	[tilespmem:v1+s12+$0x0] =	vst.idx.add.f32.msk vm0, v0  }
0x36: {  	[tilespmem:v1+s12+$0x0] =	vst.idx.add.f32.msk vm1, v0  }
0x37: {  	[tilespmem:v1+s12+$0x0] =	vst.idx.add.f32.msk vm2, v0  }
0x38: {  	[tilespmem:v1+s12+$0x0] =	vst.idx.add.f32.msk vm3, v0  }
0x39: {  	[tilespmem:v1+s12+$0x0] =	vst.idx.add.f32.msk vm4, v0  }
0x3a: {  	[tilespmem:v1+s12+$0x0] =	vst.idx.add.f32.msk vm5, v0  }
0x3b: {  	[tilespmem:v1+s12+$0x0] =	vst.idx.add.f32.msk vm6, v0  }
0x3c: {  	[tilespmem:v1+s12+$0x0] =	vst.idx.add.f32.msk vm7, v0  }
0x3d: {  	[tilespmem:v1+s12+$0x0] =	vst.idx.add.f32.msk vm8, v0  }
0x3e: {  	[tilespmem:v1+s12+$0x0] =	vst.idx.add.f32.msk vm9, v0  }
0x3f: {  	[tilespmem:v1+s12+$0x0] =	vst.idx.add.f32.msk vm10, v0  }
0x40: {  	[tilespmem:v1+s12+$0x0] =	vst.idx.add.f32.msk vm11, v0  }
0x41: {  	[tilespmem:v1+s12+$0x0] =	vst.idx.add.f32.msk vm12, v0  }
0x42: {  	[tilespmem:v1+s12+$0x0] =	vst.idx.add.f32.msk vm13, v0  }
0x43: {  	[tilespmem:v1+s12+$0x0] =	vst.idx.add.f32.msk vm14, v0  }
0x44: {  	v1 =	vld [tilespmem:s18+$0x20];
	_ =	sdelay $0x7  }
0x45: {  	[tilespmem:v1+s12+$0x0] =	vst.idx.add.f32.msk $0x1, v0  }
0x46: {  	[tilespmem:v1+s12+$0x0] =	vst.idx.add.f32.msk vm0, v0  }
0x47: {  	[tilespmem:v1+s12+$0x0] =	vst.idx.add.f32.msk vm1, v0  }
0x48: {  	[tilespmem:v1+s12+$0x0] =	vst.idx.add.f32.msk vm2, v0  }
0x49: {  	[tilespmem:v1+s12+$0x0] =	vst.idx.add.f32.msk vm3, v0  }
0x4a: {  	[tilespmem:v1+s12+$0x0] =	vst.idx.add.f32.msk vm4, v0  }
0x4b: {  	[tilespmem:v1+s12+$0x0] =	vst.idx.add.f32.msk vm5, v0  }
0x4c: {  	[tilespmem:v1+s12+$0x0] =	vst.idx.add.f32.msk vm6, v0  }
0x4d: {  	[tilespmem:v1+s12+$0x0] =	vst.idx.add.f32.msk vm7, v0  }
0x4e: {  	[tilespmem:v1+s12+$0x0] =	vst.idx.add.f32.msk vm8, v0  }
0x4f: {  	[tilespmem:v1+s12+$0x0] =	vst.idx.add.f32.msk vm9, v0  }
0x50: {  	[tilespmem:v1+s12+$0x0] =	vst.idx.add.f32.msk vm10, v0  }
0x51: {  	[tilespmem:v1+s12+$0x0] =	vst.idx.add.f32.msk vm11, v0  }
0x52: {  	[tilespmem:v1+s12+$0x0] =	vst.idx.add.f32.msk vm12, v0  }
0x53: {  	[tilespmem:v1+s12+$0x0] =	vst.idx.add.f32.msk vm13, v0  }
0x54: {  	[tilespmem:v1+s12+$0x0] =	vst.idx.add.f32.msk vm14, v0  }
0x55: {  	v1 =	vld [tilespmem:s18+$0x30];
	_ =	sdelay $0x7  }
0x56: {  	[tilespmem:v1+s12+$0x0] =	vst.idx.add.f32.msk $0x1, v0  }
0x57: {  	[tilespmem:v1+s12+$0x0] =	vst.idx.add.f32.msk vm0, v0  }
0x58: {  	[tilespmem:v1+s12+$0x0] =	vst.idx.add.f32.msk vm1, v0  }
0x59: {  	[tilespmem:v1+s12+$0x0] =	vst.idx.add.f32.msk vm2, v0  }
0x5a: {  	[tilespmem:v1+s12+$0x0] =	vst.idx.add.f32.msk vm3, v0  }
0x5b: {  	[tilespmem:v1+s12+$0x0] =	vst.idx.add.f32.msk vm4, v0  }
0x5c: {  	[tilespmem:v1+s12+$0x0] =	vst.idx.add.f32.msk vm5, v0  }
0x5d: {  	[tilespmem:v1+s12+$0x0] =	vst.idx.add.f32.msk vm6, v0  }
0x5e: {  	[tilespmem:v1+s12+$0x0] =	vst.idx.add.f32.msk vm7, v0  }
0x5f: {  	[tilespmem:v1+s12+$0x0] =	vst.idx.add.f32.msk vm8, v0  }
0x60: {  	[tilespmem:v1+s12+$0x0] =	vst.idx.add.f32.msk vm9, v0  }
0x61: {  	[tilespmem:v1+s12+$0x0] =	vst.idx.add.f32.msk vm10, v0  }
0x62: {  	[tilespmem:v1+s12+$0x0] =	vst.idx.add.f32.msk vm11, v0  }
0x63: {  	[tilespmem:v1+s12+$0x0] =	vst.idx.add.f32.msk vm12, v0  }
0x64: {  	[tilespmem:v1+s12+$0x0] =	vst.idx.add.f32.msk vm13, v0  }
0x65: {  	[tilespmem:v1+s12+$0x0] =	vst.idx.add.f32.msk vm14, v0  }
0x66: {  	v1 =	vld [tilespmem:s18+$0x40];
	_ =	sdelay $0x7  }
0x67: {  	[tilespmem:v1+s12+$0x0] =	vst.idx.add.f32.msk $0x1, v0  }
0x68: {  	[tilespmem:v1+s12+$0x0] =	vst.idx.add.f32.msk vm0, v0  }
0x69: {  	[tilespmem:v1+s12+$0x0] =	vst.idx.add.f32.msk vm1, v0  }
0x6a: {  	[tilespmem:v1+s12+$0x0] =	vst.idx.add.f32.msk vm2, v0  }
0x6b: {  	[tilespmem:v1+s12+$0x0] =	vst.idx.add.f32.msk vm3, v0  }
0x6c: {  	[tilespmem:v1+s12+$0x0] =	vst.idx.add.f32.msk vm4, v0  }
0x6d: {  	[tilespmem:v1+s12+$0x0] =	vst.idx.add.f32.msk vm5, v0  }
0x6e: {  	[tilespmem:v1+s12+$0x0] =	vst.idx.add.f32.msk vm6, v0  }
0x6f: {  	[tilespmem:v1+s12+$0x0] =	vst.idx.add.f32.msk vm7, v0  }
0x70: {  	[tilespmem:v1+s12+$0x0] =	vst.idx.add.f32.msk vm8, v0  }
0x71: {  	p1 =	sne.s32 s17, $0x9B00;
	[tilespmem:v1+s12+$0x0] =	vst.idx.add.f32.msk vm9, v0  }
.Ltmp0:
0x72: {  	[tilespmem:v1+s12+$0x0] =	vst.idx.add.f32.msk vm10, v0;
	(pc) =	sbr.rel @p1 .LBB2_2-.Ltmp0, $4  }
0x73: {  	[tilespmem:v1+s12+$0x0] =	vst.idx.add.f32.msk vm11, v0  }
0x74: {  	[tilespmem:v1+s12+$0x0] =	vst.idx.add.f32.msk vm12, v0  }
0x75: {  	[tilespmem:v1+s12+$0x0] =	vst.idx.add.f32.msk vm13, v0  }
0x76: {  	s17 =	sadd.s32 $0x140, s17;
	[tilespmem:v1+s12+$0x0] =	vst.idx.add.f32.msk vm14, v0  }
0x77: {  	[spmem:s3] =	stream.indirect.scatter.add.f32 [tilespmem:s12], [sflag:$0x1], $0x80, s14, s15, $0xb8;
	[tilespmem:$0x5280] =	vst v63  }
0x78: {  	_ =	swait.ge [sflag:s13], $0x2800  }
0x79: {  	s16 =	sadd.s32 $0x1, s16;
	[sflag:s13] =	ssyncset.done $0x0  }
0x7a: {  	p1 =	sne.s32 s16, s9;
	[sflag:s13] =	ssyncadd.s32 $0xFFFFD800  }
.Ltmp1:
0x7b: {  	s17 =	simm.s32 @!p0 $0x1;
	[bflag:$0x0] =	sbarrier.arrive $0xFFFF;
	(pc) =	sbr.rel @p1 .LBB2_1-.Ltmp1, $4  }
0x7c: {  	[hbm:s8], [sflag:s10] =	dma.local @!p0 [spmem:s11], $0x80  }
0x7d: {  	_ =	swait.ge @!p0 [sflag:s17], $0x80  }
0x7e: {  	[sflag:s17] =	ssyncset.done @!p0 $0x0  }
0x7f: {  	[sflag:s17] =	ssyncadd.s32 @!p0 $0xFFFFFF80  }
0x80: {  	_ =	sfence.sel $0x180000  }
0x81: {  	[bflag:$0x0] =	sbarrier.arrive $0xFFFF  }
0x82: {  	p0 =	sne.s32 s2, $0x0;
	_ =	strace $0x90000047  }
0x83: {  	s0 =	sadd.s32 @!p0 $0x100000, s0;
	[bflag:$0x2] =	sbarrier.arrive $0xFFFF  }
0x84: {  	[sflag:s0] =	ssyncadd.tile.s32 @!p0 $0x1;
	_ =	shalt  }
.Lfunc_end2:
_tile_overlayer_lowered:
.L_overlay_start_2:
0x85: {  	(tag) =	ssettag $0x2  }
0x86: {  	s0 =	rddreg [dreg:$0x0];
	s2 =	stileid.u32  }
0x87: {  	s1 =	rddreg [dreg:$0x1];
	p0 =	sne.s32 s2, $0x0  }
0x88: {  	s3 =	rddreg [dreg:$0x2];
	[bflag:$0x3] =	sbarrier.arrive $0xFFFF;
	s2 =	simm.s32 @!p0 $0x1C01  }
0x89: {  	[timem:s3], [sflag:s2] =	dma.local @!p0 [hbm:s0], s1  }
0x8a: {  	s0 =	simm.s32 @!p0 $0x1  }
0x8b: {  	_ =	swait.ge @!p0 [sflag:s0], s1  }
0x8c: {  	s1 =	ssub.s32 @!p0 $0x0, s1;
	[sflag:s0] =	ssyncset.done @!p0 $0x0  }
0x8d: {  	[sflag:s0] =	ssyncadd.s32 @!p0 s1  }
0x8e: {  	[bflag:$0x3] =	sbarrier.arrive $0xFFFF  }
0x8f: {  	_ =	shalt  }

// kernel: kernel.13.cloned.1.call-start
scs
__scs_entry_jumppad:
0x0: {  	(pc) =	sbr.rel $0x88, $3  }
0x1: {  	(tag) =	ssettag $0x0;
	lr =	simm.s32 $0x1  }
0x2: {  	[smem:$0x3F89] =	sst lr;
	_ =	strace $0xD0000000  }
0x3: {  	_ = 	snop  }
0x4: {  	_ = 	snop  }
0x5: {  	_ = 	snop  }
0x6: {  	_ = 	snop  }
0x7: {  	_ = 	snop  }
__scs_overlays_trampoline_lowered:
0x8: {  	[smem:$0x3F98] =	sst s0  }
0x9: {  	[smem:$0x3F99] =	sst s1  }
0xa: {  	[smem:$0x3F9A] =	sst s2  }
0xb: {  	[smem:$0x3F9B] =	sst s3  }
0xc: {  	[smem:$0x3F9C] =	sst s4  }
0xd: {  	[smem:$0x3F9D] =	sst s5  }
0xe: {  	[smem:$0x3F9E] =	sst s6  }
0xf: {  	[smem:$0x3F9F] =	sst s7  }
0x10: {  	[smem:$0x3FA0] =	sst s8  }
0x11: {  	[smem:$0x3FA1] =	sst s9;
	s0 =	simm.s32 @!p0 $0x0  }
0x12: {  	s1 =	sld [smem:$0x3F87];
	s0 =	simm.s32 @p0 $0x1  }
0x13: {  	[smem:$0x3FA2] =	sst s0;
	s0 =	simm.s32 @!p1 $0x0  }
0x14: {  	s2 =	sld [smem:$0x3F86];
	s0 =	simm.s32 @p1 $0x1  }
0x15: {  	[smem:$0x3FA3] =	sst s0;
	s0 =	simm.s32 @!p2 $0x0  }
0x16: {  	s3 =	sld [smem:$0x3FDB];
	s0 =	simm.s32 @p2 $0x1  }
0x17: {  	s4 =	simm.s32 $0x1BF5;
	[smem:$0x3FA5] =	sst s0  }
0x18: {  	s0 =	sld [smem:$0x3F88];
	_ =	swait.ge [sflag:s4], $0x0  }
0x19: {  	s7 =	sld [smem:$0x3F89]  }
0x1a: {  	s8 =	sadd.s32 $0xFFFFE003, lr  }
0x1b: {  	s9 =	sadd.s32 $0xFFFFFEF7, lr;
	s5 =	simm.s32 $0xFFFFFFFF;
	p2 =	slt.u32 s8, $0xFFFFF086  }
0x1c: {  	p1 =	slt.u32 s9, $0xF7A;
	s5 =	simm.s32 @!p2 $0x0  }
0x1d: {  	s5 =	simm.s32 @p1 $0x1;
	p0 =	seq.s32 s7, s2  }
0x1e: {  	s7 =	smul.u32 @!p0 $0xF7A, s2;
	p2 =	seq.s32 @!p0 s5, $0x0  }
0x1f: {  	s9 =	smul.u32 $0xF7A, s1;
	s8 =	simm.s32 @!p0 $0x1BF5;
	p2 =	por !p2, p0  }
0x20: {  	[sflag:s8] =	ssyncset.s32 @!p0 $0xFFFFF086;
	s6 =	sadd.s32 @!p0 s3, s7;
	s7 =	simm.s32 @!p0 $0x108  }
0x21: {  	s3 =	sadd.s32 s3, s9;
	s6 =	sadd.s32 @!p0 $0x88, s6;
	s7 =	simm.s32 @p2 $0x1082  }
0x22: {  	[simem:s7], [sflag:s8] =	dma.local @!p0 [hbm:s6], $0xF7A  }
0x23: {  	s9 =	sor.u32 $0xD0000000, s2;
	s6 =	simm.s32 $0x108;
	_ =	swait.ge @!p0 [sflag:s8], $0x0  }
0x24: {  	s3 =	sadd.s32 $0x88, s3;
	s6 =	simm.s32 @!p1 $0x1082;
	[sflag:s4] =	ssyncset.s32 $0xFFFFF086  }
0x25: {  	[simem:s6], [sflag:s4] =	dma.local [hbm:s3], $0xF7A  }
0x26: {  	[smem:$0x3F89] =	sst s1;
	(tag) =	ssettag s2;
	_ =	strace s9  }
0x27: {  	s1 =	sld [smem:$0x3F99]  }
0x28: {  	s2 =	sld [smem:$0x3F9A]  }
0x29: {  	s4 =	sld [smem:$0x3F9C]  }
0x2a: {  	p0 =	seq.s32 s5, $0x0;
	s5 =	sld [smem:$0x3F9D]  }
0x2b: {  	s6 =	sld [smem:$0x3F9E]  }
0x2c: {  	s7 =	sld [smem:$0x3F9F]  }
0x2d: {  	s3 =	simm.s32 $0x108;
	s8 =	sld [smem:$0x3FA0]  }
0x2e: {  	s3 =	simm.s32 @!p0 $0x1082;
	s9 =	sld [smem:$0x3FA1]  }
0x2f: {  	lr =	sadd.s32 s0, s3;
	s0 =	sld [smem:$0x3F98]  }
0x30: {  	s3 =	sld [smem:$0x3F9B]  }
0x31: {  	[smem:$0x3FA4] =	sst s10  }
0x32: {  	s10 =	sld [smem:$0x3FA2];
	_ =	sdelay $0x3  }
0x33: {  	p0 =	seq.s32 s10, $0x1;
	s10 =	sld [smem:$0x3FA4];
	_ =	sdelay $0x3  }
0x34: {  	[smem:$0x3FA4] =	sst s10  }
0x35: {  	s10 =	sld [smem:$0x3FA3];
	_ =	sdelay $0x3  }
0x36: {  	p1 =	seq.s32 s10, $0x1;
	s10 =	sld [smem:$0x3FA4];
	_ =	sdelay $0x3  }
0x37: {  	[smem:$0x3FA4] =	sst s10  }
0x38: {  	s10 =	sld [smem:$0x3FA5]  }
0x39: {  	_ = 	snop;
	(pc) =	sbr.ind lr, $3  }
0x3a: {  	_ = 	snop  }
0x3b: {  	_ = 	snop  }
0x3c: {  	p2 =	seq.s32 s10, $0x1;
	s10 =	sld [smem:$0x3FA4]  }
0x3d: {  	_ =	shalt  }
0x3e: {  	_ =	shalt  }
0x3f: {  	_ =	shalt  }
0x40: {  	_ =	shalt  }
0x41: {  	_ =	shalt  }
0x42: {  	_ =	shalt  }
0x43: {  	_ =	shalt  }
0x44: {  	_ =	shalt  }
0x45: {  	_ =	shalt  }
0x46: {  	_ =	shalt  }
0x47: {  	_ =	shalt  }
0x48: {  	_ =	shalt  }
0x49: {  	_ =	shalt  }
0x4a: {  	_ =	shalt  }
0x4b: {  	_ =	shalt  }
0x4c: {  	_ =	shalt  }
0x4d: {  	_ =	shalt  }
0x4e: {  	_ =	shalt  }
0x4f: {  	_ =	shalt  }
0x50: {  	_ =	shalt  }
0x51: {  	_ =	shalt  }
0x52: {  	_ =	shalt  }
0x53: {  	_ =	shalt  }
0x54: {  	_ =	shalt  }
0x55: {  	_ =	shalt  }
0x56: {  	_ =	shalt  }
0x57: {  	_ =	shalt  }
0x58: {  	_ =	shalt  }
0x59: {  	_ =	shalt  }
0x5a: {  	_ =	shalt  }
0x5b: {  	_ =	shalt  }
0x5c: {  	_ =	shalt  }
0x5d: {  	_ =	shalt  }
0x5e: {  	_ =	shalt  }
0x5f: {  	_ =	shalt  }
0x60: {  	_ =	shalt  }
0x61: {  	_ =	shalt  }
0x62: {  	_ =	shalt  }
0x63: {  	_ =	shalt  }
0x64: {  	_ =	shalt  }
0x65: {  	_ =	shalt  }
0x66: {  	_ =	shalt  }
0x67: {  	_ =	shalt  }
0x68: {  	_ =	shalt  }
0x69: {  	_ =	shalt  }
0x6a: {  	_ =	shalt  }
0x6b: {  	_ =	shalt  }
0x6c: {  	_ =	shalt  }
0x6d: {  	_ =	shalt  }
0x6e: {  	_ =	shalt  }
0x6f: {  	_ =	shalt  }
0x70: {  	_ =	shalt  }
0x71: {  	_ =	shalt  }
0x72: {  	_ =	shalt  }
0x73: {  	_ =	shalt  }
0x74: {  	_ =	shalt  }
0x75: {  	_ =	shalt  }
0x76: {  	_ =	shalt  }
0x77: {  	_ =	shalt  }
0x78: {  	_ =	shalt  }
0x79: {  	_ =	shalt  }
0x7a: {  	_ =	shalt  }
0x7b: {  	_ =	shalt  }
0x7c: {  	_ =	shalt  }
0x7d: {  	_ =	shalt  }
0x7e: {  	_ =	shalt  }
0x7f: {  	_ =	shalt  }
0x80: {  	_ =	shalt  }
0x81: {  	_ =	shalt  }
0x82: {  	_ =	shalt  }
0x83: {  	_ =	shalt  }
0x84: {  	_ =	shalt  }
0x85: {  	_ =	shalt  }
0x86: {  	_ =	shalt  }
0x87: {  	_ =	shalt  }
.Lfunc_end0:
.L_simem_size_0:
called_computation.1_lowered:
.L_overlay_start_0:
0x88: {  	s2 =	sld [smem:$0x3FD9]  }
0x89: {  	s3 =	sld [smem:$0x3FFE];
	_ =	sdelay $0x1  }
0x8a: {  	s1 =	srdreg.scid  }
0x8b: {  	s0 =	sand.u32 $0x1, s1  }
0x8c: {  	s16 =	sshll.u32 s0, $0xA;
	s2 =	sadd.s32 s3, s2  }
0x8d: {  	s2 =	sadd.s32 s2, s16  }
0x8e: {  	[smem:$0x3FB0] =	sst s2  }
0x8f: {  	_ = 	snop  }
0x90: {  	(tm) =	ssettm $0x1  }
0x91: {  	s17 =	sld [smem:$0x3FFB];
	_ =	sdelay $0x3  }
0x92: {  	_ =	strace s17  }
0x93: {  	s2 =	sld [smem:$0x3FFC];
	_ =	sdelay $0x3  }
0x94: {  	_ =	strace s2  }
0x95: {  	s2 =	sld [smem:$0x3FFD];
	_ =	sdelay $0x3  }
0x96: {  	_ =	strace s2  }
0x97: {  	_ =	strace $0x8FFFFFFF  }
0x98: {  	s18 =	sld [smem:$0x3FDB];
	_ =	sdelay $0x1  }
0x99: {  	s19 =	simm.s32 $_scs_section_size  }
0x9a: {  	s4 =	simm.s32 $_size__tile_overlayer_lowered;
	s5 =	simm.s32 $_tile_overlayer_lowered  }
0x9b: {  	s22 =	simm.s32 $0x1BFF;
	s21 =	sshll.u32 s5, $0x1;
	s2 =	sadd.s32 s19, s18  }
0x9c: {  	s6 =	simm.s32 $0x0;
	s20 =	sshll.u32 s4, $0x1;
	s4 =	sadd.s32 s21, s2  }
0x9d: {  	[timem:s6], [sflag:s22] =	dma.local [hbm:s4], s20  }
0x9e: {  	_ =	swait.ge [sflag:s22], s20  }
0x9f: {  	s3 =	ssub.s32 $0x0, s20;
	[sflag:s22] =	ssyncset.done $0x0  }
0xa0: {  	[sflag:s22] =	ssyncadd.s32 s3;
	_ =	sdelay $0x1  }
0xa1: {  	s23 =	simm.s32 $0x1B8B  }
0xa2: {  	_ =	swait.ge [sflag:s23], $0x1  }
0xa3: {  	[sflag:s23] =	ssyncset.done $0x0  }
0xa4: {  	s25 =	simm.s32 $0x1B8E;
	s24 =	sld [smem:$0x3FFE];
	[sflag:s23] =	ssyncadd.s32 $0xFFFFFFFF  }
0xa5: {  	s26 =	simm.s32 $execute0_lowered;
	[smem:$0x3FD2] =	sst s25  }
0xa6: {  	s4 =	sshll.u32 s26, $0x1;
	_ =	strace $0x80000049;
	[dreg:$0x1] =	wrdreg $0xFFFFFFFF  }
0xa7: {  	s28 =	simm.s32 $_size_execute0_lowered;
	s2 =	sadd.s32 s2, s4;
	[dreg:$0x0] =	wrdreg $0x0  }
0xa8: {  	s4 =	sshll.u32 s28, $0x1;
	[dreg:$0x2] =	wrdreg s2  }
0xa9: {  	[dreg:$0x3] =	wrdreg s4  }
0xaa: {  	[dreg:$0x4] =	wrdreg $0xC0  }
0xab: {  	_ =	task [dreg:s6], $0x5FFFF  }
0xac: {  	[dreg:$0x1] =	wrdreg $0xFFFFFFFF  }
0xad: {  	[dreg:$0x0] =	wrdreg $0x60  }
0xae: {  	[dreg:$0x2] =	wrdreg s24  }
0xaf: {  	[dreg:$0x3] =	wrdreg $0x8E000  }
0xb0: {  	[dreg:$0x4] =	wrdreg $0x9  }
0xb1: {  	_ =	task.clear_ibuf [dreg:s6], $0x5FFFF;
	_ =	strace $0x90000049  }
0xb2: {  	s29 =	simm.s32 $0x9;
	_ =	strace $0x8000004B  }
0xb3: {  	_ =	swait.ge [sflag:s29], $0x1  }
0xb4: {  	[sflag:s29] =	ssyncadd.s32 $0xFFFFFFFF  }
0xb5: {  	_ =	strace $0x9000004B  }
0xb6: {  	_ =	sfence  }
0xb7: {  	s30 =	sld [smem:$0x0];
	_ =	sdelay $0x2  }
0xb8: {  	s31 =	sshll.u32 s1, $0xD;
	s1 =	sshrl.u32 s1, $0x2  }
0xb9: {  	s3 =	sand.u32 $0x4000, s31;
	s1 =	sadd.s32 s1, s30  }
0xba: {  	s0 =	sor.u32 s3, s0;
	s1 =	sshll.u32 s1, $0x11  }
0xbb: {  	s0 =	sor.u32 s1, s0  }
0xbc: {  	s0 =	sadd.s32 $0x8F2B, s0  }
0xbd: {  	[sflag:s0] =	ssyncadd.remote.s32 $0x1  }
0xbe: {  	_ =	sfence.sel $0xFFFF  }
0xbf: {  	[dreg:$0x0] =	wrdreg $0xFFFFFFFF;
	(pc) =	sbr.abs _section_cstart, $3  }
0xc0: {  	[dreg:$0x1] =	wrdreg $0xFFFFFFFF  }
0xc1: {  	_ =	task.clear_ibuf [dreg:s6], $0x2FFFF;
	_ =	strace $0x9FFFFFFF  }
0xc2: {  	(tm) =	ssettm $0x7FFFFFFF  }
0xc3: {  	_ =	shalt  }
tec
execute0_lowered:
.L_overlay_start_1:
0x0: {  	(tag) =	ssettag $0x1  }
0x1: {  	s0 =	srdreg.scid;
	s1 =	rddreg [dreg:$0x0]  }
0x2: {  	s11 =	stileid.u32;
	s2 =	rddreg [dreg:$0x1]  }
0x3: {  	s15 =	simm.s32 $0x10;
	s29 =	simm.s32 $0x2;
	s5 =	smul.u32 $0x14000, s11  }
0x4: {  	s30 =	simm.s32 $0x7;
	s16 =	simm.s32 $0x0;
	s10 =	smul.u32 $0x50000, s11  }
0x5: {  	s31 =	simm.s32 $0x3E00;
	s0 =	sand.u32 $0x1, s0;
	s21 =	smul.u32 $0x2710, s11  }
0x6: {  	s12 =	sadd.s32 $0x10200, s1;
	s22 =	sshll.u32 s11, $0x6;
	s7 =	smul.u32 $0x140000, s0  }
0x7: {  	s3 =	sshll.u32 s0, $0x4;
	s18 =	ssub.s32 $0x2, s0;
	s0 =	smul.u32 $0x27100, s0  }
0x8: {  	s13 =	sor.u32 $0x1C10, s22;
	s4 =	sor.u32 s11, s3;
	s3 =	simm.s32 $0x0  }
0x9: {  	s9 =	sshrl.u32 s5, $0x3;
	s19 =	sshrl.u32 s18, $0x1;
	s20 =	sshrl.u32 s10, $0x2  }
0xa: {  	s10 =	simm.s32 $0x4;
	s11 =	simm.s32 $0x9;
	s4 =	smul.u32 $0x2710, s4  }
0xb: {  	[smem:$0x7FF] =	sst s3;
	s9 =	sadd.s32 s9, s1;
	s5 =	sadd.s32 s5, s7  }
0xc: {  	s7 =	sadd.s32 s20, s2;
	s0 =	sadd.s32 s21, s0;
	s20 =	simm.s32 $0x28  }
0xd: {  	_ =	strace $0x8000004A;
	s5 =	sshrl.u32 s5, $0x3;
	s9 =	sadd.s32 $0x6A000, s9  }
0xe: {  	s23 =	sadd.s32 $0xA0, s0;
	s24 =	sadd.s32 $0xC8, s0;
	s25 =	sadd.s32 $0x78, s0  }
0xf: {  	s26 =	sadd.s32 $0x50, s0;
	s0 =	sadd.s32 $0x28, s0;
	[dreg:$0x3] =	wrdreg s12  }
0x10: {  	s14 =	sshrl.u32 s7, $0x3;
	s7 =	simm.s32 $0x5;
	[dreg:$0x5] =	wrdreg s13  }
0x11: {  	s6 =	sshrl.u32 s4, $0x3;
	s4 =	sadd.s32 $0x1A000, s1;
	[dreg:$0x4] =	wrdreg s9  }
0x12: {  	[dreg:$0xa] =	wrdreg s24;
	s0 =	sshrl.u32 s0, $0x3;
	s24 =	simm.s32 $0x1  }
0x13: {  	[dreg:$0xf] =	wrdreg s14;
	s8 =	sadd.s32 s6, s1;
	s6 =	sadd.s32 s12, s6  }
0x14: {  	s9 =	simm.s32 $0x7A00;
	s0 =	sadd.s32 s0, s12;
	[dreg:$0x7] =	wrdreg s6  }
0x15: {  	s1 =	sadd.s32 s5, s1;
	s8 =	sadd.s32 $0x6400, s8;
	[dreg:$0xe] =	wrdreg s0  }
0x16: {  	s5 =	ssub.s32 s18, s19;
	s1 =	sadd.s32 $0x92000, s1;
	[dreg:$0x6] =	wrdreg s8  }
0x17: {  	s5 =	smax.u32 s5, $0x1;
	s0 =	simm.s32 $0x3;
	[dreg:$0x8] =	wrdreg s1  }
0x18: {  	s6 =	simm.s32 $0x8;
	[dreg:$0x9] =	wrdreg s5;
	s1 =	sshrl.u32 s23, $0x3  }
0x19: {  	s5 =	sshrl.u32 s26, $0x3;
	s8 =	simm.s32 $0x2980;
	s1 =	sadd.s32 s1, s12  }
0x1a: {  	s28 =	sadd.s32 s5, s12;
	[dreg:$0xb] =	wrdreg s1;
	s1 =	sshrl.u32 s25, $0x3  }
0x1b: {  	[dreg:$0xd] =	wrdreg s28;
	s25 =	simm.s32 $0x6;
	s1 =	sadd.s32 s1, s12  }
0x1c: {  	s12 =	simm.s32 $0xA;
	[dreg:$0xc] =	wrdreg s1;
	s1 =	simm.s32 $0x6600  }
.LBB2_1:
0x1d: {  	[dreg:$0x10] =	wrdreg s16  }
0x1e: {  	s5 =	rddreg [dreg:$0x4]  }
0x1f: {  	[spmem:s14], [sflag:s13] =	dma.local [hbm:s5], $0x2800  }
0x20: {  	_ =	swait.ge [sflag:s15], $0x2800  }
0x21: {  	[sflag:s15] =	ssyncset.done $0x0  }
0x22: {  	s17 =	rddreg [dreg:$0x6];
	[sflag:s15] =	ssyncadd.s32 $0xFFFFD800  }
0x23: {  	[tilespmem:s3], [sflag:$0x10] =	stream.linear.gather [hbm4b:s17+s3], $0x2710, $0x38;
	[tilespmem:$0x1CE00] =	vst v63  }
0x24: {  	_ =	swait.ge [sflag:s15], $0x2710  }
0x25: {  	[sflag:s15] =	ssyncset.done $0x0  }
0x26: {  	[sflag:s15] =	ssyncadd.s32 $0xFFFFD8F0  }
0x27: {  	p0 =	por $0x1, $0x1;
	[bflag:$0x0] =	sbarrier.arrive $0xFFFF  }
0x28: {  	s19 =	simm.s32 $0x2780;
	p0 =	por p0, p0;
	s18 =	rddreg [dreg:$0x7]  }
0x29: {  	[tilespmem:s19], [sflag:$0x1] =	stream.linear.gather [hbm4b:s18+s3], $0x28, $0x38;
	[tilespmem:$0x1CE00] =	vst v63  }
0x2a: {  	s21 =	simm.s32 $0x2A00;
	s5 =	simm.s32 @!p0 $0xC  }
0x2b: {  	[tilespmem:s21], [sflag:$0x6] =	stream.indirect.gather [hbm4b:s4+s20], $0x80, s3, s20, $0xb8;
	[tilespmem:$0x1CE00] =	vst v63  }
0x2c: {  	_ =	swait.ge @!p0 [sflag:s5], $0x1400  }
0x2d: {  	[sflag:s5] =	ssyncset.done @!p0 $0x0  }
0x2e: {  	s23 =	simm.s32 $0x2800;
	s22 =	rddreg [dreg:$0xe];
	[sflag:s5] =	ssyncadd.s32 @!p0 $0xFFFFEC00  }
0x2f: {  	[tilespmem:s23], [sflag:$0x2] =	stream.linear.gather [hbm4b:s22+s3], $0x28, $0x38;
	[tilespmem:$0x1CE00] =	vst v63  }
0x30: {  	s26 =	simm.s32 $0x28;
	s28 =	simm.s32 $0x3E00  }
0x31: {  	[tilespmem:s28], [sflag:$0x7] =	stream.indirect.gather [hbm4b:s4+s20], $0x80, s26, s20, $0xb8;
	[tilespmem:$0x1CE00] =	vst v63  }
0x32: {  	_ =	swait.ge [sflag:s24], $0x28  }
0x33: {  	[sflag:s24] =	ssyncset.done $0x0  }
0x34: {  	[sflag:s24] =	ssyncadd.s32 $0xFFFFFFD8  }
0x35: {  	_ =	swait.ge [sflag:s25], $0x1400  }
0x36: {  	[sflag:s25] =	ssyncset.done $0x0  }
0x37: {  	s5 =	simm.s32 @!p0 $0xD;
	[sflag:s25] =	ssyncadd.s32 $0xFFFFEC00  }
0x38: {  	[spmem:s2] =	stream.indirect.scatter.add.f32 [tilespmem:s21], [sflag:$0xB], $0x80, s19, s20, $0xb8;
	[tilespmem:$0x1CE00] =	vst v63  }
0x39: {  	_ =	swait.ge @!p0 [sflag:s5], $0x1400  }
0x3a: {  	[sflag:s5] =	ssyncset.done @!p0 $0x0  }
0x3b: {  	s14 =	simm.s32 $0x2880;
	s18 =	rddreg [dreg:$0xd];
	[sflag:s5] =	ssyncadd.s32 @!p0 $0xFFFFEC00  }
0x3c: {  	[tilespmem:s14], [sflag:$0x3] =	stream.linear.gather [hbm4b:s18+s3], $0x28, $0x38;
	[tilespmem:$0x1CE00] =	vst v63  }
0x3d: {  	s17 =	simm.s32 $0x50;
	s19 =	simm.s32 $0x5200  }
0x3e: {  	[tilespmem:s19], [sflag:$0x8] =	stream.indirect.gather [hbm4b:s4+s20], $0x80, s17, s20, $0xb8;
	[tilespmem:$0x1CE00] =	vst v63  }
0x3f: {  	_ =	swait.ge [sflag:s29], $0x28  }
0x40: {  	[sflag:s29] =	ssyncset.done $0x0  }
0x41: {  	[sflag:s29] =	ssyncadd.s32 $0xFFFFFFD8  }
0x42: {  	_ =	swait.ge [sflag:s30], $0x1400  }
0x43: {  	[sflag:s30] =	ssyncset.done $0x0  }
0x44: {  	s5 =	simm.s32 @!p0 $0xE;
	[sflag:s30] =	ssyncadd.s32 $0xFFFFEC00  }
0x45: {  	[spmem:s2] =	stream.indirect.scatter.add.f32 [tilespmem:s28], [sflag:$0xC], $0x80, s23, s20, $0xb8;
	[tilespmem:$0x1CE00] =	vst v63  }
0x46: {  	_ =	swait.ge @!p0 [sflag:s5], $0x1400  }
0x47: {  	[sflag:s5] =	ssyncset.done @!p0 $0x0  }
0x48: {  	s21 =	simm.s32 $0x2900;
	s17 =	rddreg [dreg:$0xc];
	[sflag:s5] =	ssyncadd.s32 @!p0 $0xFFFFEC00  }
0x49: {  	[tilespmem:s21], [sflag:$0x4] =	stream.linear.gather [hbm4b:s17+s3], $0x28, $0x38;
	[tilespmem:$0x1CE00] =	vst v63  }
0x4a: {  	s23 =	simm.s32 $0x78  }
0x4b: {  	[tilespmem:s1], [sflag:$0x9] =	stream.indirect.gather [hbm4b:s4+s20], $0x80, s23, s20, $0xb8;
	[tilespmem:$0x1CE00] =	vst v63  }
0x4c: {  	_ =	swait.ge [sflag:s0], $0x28  }
0x4d: {  	[sflag:s0] =	ssyncset.done $0x0  }
0x4e: {  	[sflag:s0] =	ssyncadd.s32 $0xFFFFFFD8  }
0x4f: {  	_ =	swait.ge [sflag:s6], $0x1400  }
0x50: {  	[sflag:s6] =	ssyncset.done $0x0  }
0x51: {  	s5 =	simm.s32 @!p0 $0xF;
	[sflag:s6] =	ssyncadd.s32 $0xFFFFEC00  }
0x52: {  	[spmem:s2] =	stream.indirect.scatter.add.f32 [tilespmem:s19], [sflag:$0xD], $0x80, s14, s20, $0xb8;
	[tilespmem:$0x1CE00] =	vst v63  }
0x53: {  	_ =	swait.ge @!p0 [sflag:s5], $0x1400  }
0x54: {  	[sflag:s5] =	ssyncset.done @!p0 $0x0  }
0x55: {  	s26 =	rddreg [dreg:$0xb];
	[sflag:s5] =	ssyncadd.s32 @!p0 $0xFFFFEC00  }
0x56: {  	[tilespmem:s8], [sflag:$0x5] =	stream.linear.gather [hbm4b:s26+s3], $0x28, $0x38;
	[tilespmem:$0x1CE00] =	vst v63  }
0x57: {  	s28 =	simm.s32 $0xA0  }
0x58: {  	[tilespmem:s9], [sflag:$0xA] =	stream.indirect.gather [hbm4b:s4+s20], $0x80, s28, s20, $0xb8;
	[tilespmem:$0x1CE00] =	vst v63  }
0x59: {  	_ =	swait.ge [sflag:s10], $0x28  }
0x5a: {  	[sflag:s10] =	ssyncset.done $0x0  }
0x5b: {  	[sflag:s10] =	ssyncadd.s32 $0xFFFFFFD8  }
0x5c: {  	_ =	swait.ge [sflag:s11], $0x1400  }
0x5d: {  	p0 =	por $0x0, $0x0;
	[sflag:s11] =	ssyncset.done $0x0  }
0x5e: {  	s5 =	simm.s32 @!p0 $0xB;
	[sflag:s11] =	ssyncadd.s32 $0xFFFFEC00  }
0x5f: {  	[spmem:s2] =	stream.indirect.scatter.add.f32 [tilespmem:s1], [sflag:$0xE], $0x80, s21, s20, $0xb8;
	[tilespmem:$0x1CE00] =	vst v63  }
0x60: {  	s15 =	simm.s32 @!p0 $0x2780;
	s21 =	rddreg [dreg:$0xa];
	_ =	swait.ge @!p0 [sflag:s5], $0x1400  }
0x61: {  	s13 =	sshrl.u32 @!p0 s21, $0x3;
	s14 =	rddreg [dreg:$0x3];
	[sflag:s5] =	ssyncset.done @!p0 $0x0  }
0x62: {  	s13 =	sadd.s32 @!p0 s14, s13;
	s14 =	simm.s32 @!p0 $0x0;
	[sflag:s5] =	ssyncadd.s32 @!p0 $0xFFFFEC00  }
0x63: {  	[tilespmem:s15], [sflag:$0x1] =	stream.linear.gather @!p0 [hbm4b:s13+s14], $0x28, $0x38;
	[tilespmem:$0x1CE00] =	vst v63  }
0x64: {  	s5 =	simm.s32 @!p0 $0xC8;
	s13 =	simm.s32 @!p0 $0x28;
	s14 =	simm.s32 @!p0 $0x2A00  }
0x65: {  	[tilespmem:s14], [sflag:$0x6] =	stream.indirect.gather @!p0 [hbm4b:s4+s13], $0x80, s5, s13, $0xb8;
	[tilespmem:$0x1CE00] =	vst v63  }
0x66: {  	p6 =	por $0x0, $0x0;
	s18 =	sadd.s32 $0x19, s18;
	_ =	swait.ge [sflag:s7], $0x28  }
0x67: {  	s17 =	sadd.s32 $0x19, s17;
	s19 =	simm.s32 $0x640;
	[sflag:s7] =	ssyncset.done $0x0  }
0x68: {  	s16 =	sadd.s32 $0x19, s26;
	s15 =	sadd.s32 $0xC8, s21;
	[sflag:s7] =	ssyncadd.s32 $0xFFFFFFD8  }
0x69: {  	s14 =	simm.s32 $0x320;
	p0 =	por p6, p6;
	_ =	swait.ge [sflag:s12], $0x1400  }
0x6a: {  	s13 =	sadd.s32 $0x19, s22;
	s5 =	simm.s32 @!p0 $0xC;
	[sflag:s12] =	ssyncset.done $0x0  }
.LBB2_2:
0x6b: {  	[sflag:s12] =	ssyncadd.s32 $0xFFFFEC00  }
0x6c: {  	[spmem:s2] =	stream.indirect.scatter.add.f32 [tilespmem:s9], [sflag:$0xF], $0x80, s8, s20, $0xb8;
	[tilespmem:$0x1CE00] =	vst v63  }
0x6d: {  	_ =	swait.ge @!p0 [sflag:s5], $0x1400  }
0x6e: {  	[sflag:s5] =	ssyncset.done @!p0 $0x0  }
0x6f: {  	s28 =	simm.s32 $0x2800;
	[sflag:s5] =	ssyncadd.s32 @!p0 $0xFFFFEC00;
	s5 =	sshra.s32 s14, $0x2  }
0x70: {  	[tilespmem:s28], [sflag:$0x2] =	stream.linear.gather [hbm4b:s13+s3], $0x28, $0x38;
	[tilespmem:$0x1CE00] =	vst v63  }
0x71: {  	s22 =	sadd.s32 $0x28, s5  }
0x72: {  	[tilespmem:s31], [sflag:$0x7] =	stream.indirect.gather [hbm4b:s4+s20], $0x80, s22, s20, $0xb8;
	[tilespmem:$0x1CE00] =	vst v63  }
0x73: {  	_ =	swait.ge [sflag:s24], $0x28  }
0x74: {  	[sflag:s24] =	ssyncset.done $0x0  }
0x75: {  	[sflag:s24] =	ssyncadd.s32 $0xFFFFFFD8  }
0x76: {  	_ =	swait.ge [sflag:s25], $0x1400  }
0x77: {  	s23 =	simm.s32 $0x2780;
	[sflag:s25] =	ssyncset.done $0x0  }
0x78: {  	s26 =	simm.s32 $0x2A00;
	s22 =	simm.s32 @!p0 $0xD;
	[sflag:s25] =	ssyncadd.s32 $0xFFFFEC00  }
0x79: {  	[spmem:s2] =	stream.indirect.scatter.add.f32 [tilespmem:s26], [sflag:$0xB], $0x80, s23, s20, $0xb8;
	[tilespmem:$0x1CE00] =	vst v63  }
0x7a: {  	_ =	swait.ge @!p0 [sflag:s22], $0x1400  }
0x7b: {  	[sflag:s22] =	ssyncset.done @!p0 $0x0  }
0x7c: {  	s23 =	simm.s32 $0x2880;
	[sflag:s22] =	ssyncadd.s32 @!p0 $0xFFFFEC00  }
0x7d: {  	[tilespmem:s23], [sflag:$0x3] =	stream.linear.gather [hbm4b:s18+s3], $0x28, $0x38;
	[tilespmem:$0x1CE00] =	vst v63  }
0x7e: {  	s26 =	simm.s32 $0x5200;
	s22 =	sadd.s32 $0x50, s5  }
0x7f: {  	[tilespmem:s26], [sflag:$0x8] =	stream.indirect.gather [hbm4b:s4+s20], $0x80, s22, s20, $0xb8;
	[tilespmem:$0x1CE00] =	vst v63  }
0x80: {  	_ =	swait.ge [sflag:s29], $0x28  }
0x81: {  	[sflag:s29] =	ssyncset.done $0x0  }
0x82: {  	[sflag:s29] =	ssyncadd.s32 $0xFFFFFFD8  }
0x83: {  	_ =	swait.ge [sflag:s30], $0x1400  }
0x84: {  	[sflag:s30] =	ssyncset.done $0x0  }
0x85: {  	s22 =	simm.s32 @!p0 $0xE;
	[sflag:s30] =	ssyncadd.s32 $0xFFFFEC00  }
0x86: {  	[spmem:s2] =	stream.indirect.scatter.add.f32 [tilespmem:s31], [sflag:$0xC], $0x80, s28, s20, $0xb8;
	[tilespmem:$0x1CE00] =	vst v63  }
0x87: {  	_ =	swait.ge @!p0 [sflag:s22], $0x1400  }
0x88: {  	[sflag:s22] =	ssyncset.done @!p0 $0x0  }
0x89: {  	s28 =	simm.s32 $0x2900;
	[sflag:s22] =	ssyncadd.s32 @!p0 $0xFFFFEC00  }
0x8a: {  	[tilespmem:s28], [sflag:$0x4] =	stream.linear.gather [hbm4b:s17+s3], $0x28, $0x38;
	[tilespmem:$0x1CE00] =	vst v63  }
0x8b: {  	s22 =	sadd.s32 $0x78, s5  }
0x8c: {  	[tilespmem:s1], [sflag:$0x9] =	stream.indirect.gather [hbm4b:s4+s20], $0x80, s22, s20, $0xb8;
	[tilespmem:$0x1CE00] =	vst v63  }
0x8d: {  	_ =	swait.ge [sflag:s0], $0x28  }
0x8e: {  	[sflag:s0] =	ssyncset.done $0x0  }
0x8f: {  	[sflag:s0] =	ssyncadd.s32 $0xFFFFFFD8  }
0x90: {  	_ =	swait.ge [sflag:s6], $0x1400  }
0x91: {  	[sflag:s6] =	ssyncset.done $0x0  }
0x92: {  	s22 =	simm.s32 @!p0 $0xF;
	[sflag:s6] =	ssyncadd.s32 $0xFFFFEC00  }
0x93: {  	[spmem:s2] =	stream.indirect.scatter.add.f32 [tilespmem:s26], [sflag:$0xD], $0x80, s23, s20, $0xb8;
	[tilespmem:$0x1CE00] =	vst v63  }
0x94: {  	_ =	swait.ge @!p0 [sflag:s22], $0x1400  }
0x95: {  	[sflag:s22] =	ssyncset.done @!p0 $0x0  }
0x96: {  	[sflag:s22] =	ssyncadd.s32 @!p0 $0xFFFFEC00  }
0x97: {  	[tilespmem:s8], [sflag:$0x5] =	stream.linear.gather [hbm4b:s16+s3], $0x28, $0x38;
	[tilespmem:$0x1CE00] =	vst v63  }
0x98: {  	s5 =	sadd.s32 $0xA0, s5  }
0x99: {  	[tilespmem:s9], [sflag:$0xA] =	stream.indirect.gather [hbm4b:s4+s20], $0x80, s5, s20, $0xb8;
	[tilespmem:$0x1CE00] =	vst v63  }
0x9a: {  	_ =	swait.ge [sflag:s10], $0x28  }
0x9b: {  	[sflag:s10] =	ssyncset.done $0x0  }
0x9c: {  	[sflag:s10] =	ssyncadd.s32 $0xFFFFFFD8  }
0x9d: {  	p2 =	seq.s32 s19, $0x0;
	_ =	swait.ge [sflag:s11], $0x1400  }
0x9e: {  	p0 =	por p2, p2;
	p2 =	seq.s32 s14, $0x9920;
	[sflag:s11] =	ssyncset.done $0x0  }
0x9f: {  	s5 =	simm.s32 @!p2 $0xB;
	[sflag:s11] =	ssyncadd.s32 $0xFFFFEC00  }
0xa0: {  	[spmem:s2] =	stream.indirect.scatter.add.f32 [tilespmem:s1], [sflag:$0xE], $0x80, s28, s20, $0xb8;
	[tilespmem:$0x1CE00] =	vst v63  }
0xa1: {  	s21 =	smov.u32 s19;
	s19 =	sadd.s32 $0x320, s19;
	_ =	swait.ge @!p2 [sflag:s5], $0x1400  }
0xa2: {  	s22 =	sshrl.u32 @!p2 s15, $0x3;
	s14 =	sshra.s32 @!p2 s14, $0x2;
	s23 =	rddreg [dreg:$0x3]  }
0xa3: {  	s26 =	simm.s32 @!p2 $0x2780;
	[sflag:s5] =	ssyncset.done @!p2 $0x0;
	s22 =	sadd.s32 @!p2 s23, s22  }
0xa4: {  	s23 =	sadd.s32 @!p2 $0xC8, s14;
	s14 =	simm.s32 @!p2 $0x0;
	[sflag:s5] =	ssyncadd.s32 @!p2 $0xFFFFEC00  }
0xa5: {  	[tilespmem:s26], [sflag:$0x1] =	stream.linear.gather @!p2 [hbm4b:s22+s14], $0x28, $0x38;
	[tilespmem:$0x1CE00] =	vst v63  }
0xa6: {  	p1 =	sne.s32 s19, $0x9C40;
	s28 =	simm.s32 @!p2 $0x2A00;
	s5 =	simm.s32 @!p2 $0x28  }
0xa7: {  	[tilespmem:s28], [sflag:$0x6] =	stream.indirect.gather @!p2 [hbm4b:s4+s5], $0x80, s23, s5, $0xb8;
	[tilespmem:$0x1CE00] =	vst v63  }
.Ltmp0:
0xa8: {  	_ =	swait.ge [sflag:s7], $0x28;
	(pc) =	sbr.rel @p1 .LBB2_2-.Ltmp0, $4  }
0xa9: {  	s13 =	sadd.s32 $0x19, s13;
	[sflag:s7] =	ssyncset.done $0x0  }
0xaa: {  	s18 =	sadd.s32 $0x19, s18;
	s17 =	sadd.s32 $0x19, s17;
	[sflag:s7] =	ssyncadd.s32 $0xFFFFFFD8  }
0xab: {  	s16 =	sadd.s32 $0x19, s16;
	s15 =	sadd.s32 $0xC8, s15;
	_ =	swait.ge [sflag:s12], $0x1400  }
0xac: {  	s14 =	smov.u32 s21;
	s5 =	simm.s32 @!p0 $0xC;
	[sflag:s12] =	ssyncset.done $0x0  }
0xad: {  	[sflag:s12] =	ssyncadd.s32 $0xFFFFEC00  }
0xae: {  	[spmem:s2] =	stream.indirect.scatter.add.f32 [tilespmem:s9], [sflag:$0xF], $0x80, s8, s20, $0xb8;
	[tilespmem:$0x1CE00] =	vst v63  }
0xaf: {  	_ =	swait.ge @!p0 [sflag:s5], $0x1400  }
0xb0: {  	[sflag:s5] =	ssyncset.done @!p0 $0x0  }
0xb1: {  	s22 =	simm.s32 $0x2800;
	[sflag:s5] =	ssyncadd.s32 @!p0 $0xFFFFEC00;
	s5 =	sshra.s32 s14, $0x2  }
0xb2: {  	[tilespmem:s22], [sflag:$0x2] =	stream.linear.gather [hbm4b:s13+s3], $0x28, $0x38;
	[tilespmem:$0x1CE00] =	vst v63  }
0xb3: {  	s23 =	simm.s32 $0x3E00;
	s28 =	sadd.s32 $0x28, s5  }
0xb4: {  	[tilespmem:s23], [sflag:$0x7] =	stream.indirect.gather [hbm4b:s4+s20], $0x80, s28, s20, $0xb8;
	[tilespmem:$0x1CE00] =	vst v63  }
0xb5: {  	_ =	swait.ge [sflag:s24], $0x28  }
0xb6: {  	[sflag:s24] =	ssyncset.done $0x0  }
0xb7: {  	[sflag:s24] =	ssyncadd.s32 $0xFFFFFFD8  }
0xb8: {  	_ =	swait.ge [sflag:s25], $0x1400  }
0xb9: {  	s19 =	simm.s32 $0x2780;
	[sflag:s25] =	ssyncset.done $0x0  }
0xba: {  	s21 =	simm.s32 $0x2A00;
	s13 =	simm.s32 @!p0 $0xD;
	[sflag:s25] =	ssyncadd.s32 $0xFFFFEC00  }
0xbb: {  	[spmem:s2] =	stream.indirect.scatter.add.f32 [tilespmem:s21], [sflag:$0xB], $0x80, s19, s20, $0xb8;
	[tilespmem:$0x1CE00] =	vst v63  }
0xbc: {  	_ =	swait.ge @!p0 [sflag:s13], $0x1400  }
0xbd: {  	[sflag:s13] =	ssyncset.done @!p0 $0x0  }
0xbe: {  	s19 =	simm.s32 $0x2880;
	[sflag:s13] =	ssyncadd.s32 @!p0 $0xFFFFEC00  }
0xbf: {  	[tilespmem:s19], [sflag:$0x3] =	stream.linear.gather [hbm4b:s18+s3], $0x28, $0x38;
	[tilespmem:$0x1CE00] =	vst v63  }
0xc0: {  	s21 =	simm.s32 $0x5200;
	s18 =	sadd.s32 $0x50, s5  }
0xc1: {  	[tilespmem:s21], [sflag:$0x8] =	stream.indirect.gather [hbm4b:s4+s20], $0x80, s18, s20, $0xb8;
	[tilespmem:$0x1CE00] =	vst v63  }
0xc2: {  	_ =	swait.ge [sflag:s29], $0x28  }
0xc3: {  	[sflag:s29] =	ssyncset.done $0x0  }
0xc4: {  	[sflag:s29] =	ssyncadd.s32 $0xFFFFFFD8  }
0xc5: {  	_ =	swait.ge [sflag:s30], $0x1400  }
0xc6: {  	[sflag:s30] =	ssyncset.done $0x0  }
0xc7: {  	s13 =	simm.s32 @!p0 $0xE;
	[sflag:s30] =	ssyncadd.s32 $0xFFFFEC00  }
0xc8: {  	[spmem:s2] =	stream.indirect.scatter.add.f32 [tilespmem:s23], [sflag:$0xC], $0x80, s22, s20, $0xb8;
	[tilespmem:$0x1CE00] =	vst v63  }
0xc9: {  	_ =	swait.ge @!p0 [sflag:s13], $0x1400  }
0xca: {  	[sflag:s13] =	ssyncset.done @!p0 $0x0  }
0xcb: {  	s26 =	simm.s32 $0x2900;
	[sflag:s13] =	ssyncadd.s32 @!p0 $0xFFFFEC00  }
0xcc: {  	[tilespmem:s26], [sflag:$0x4] =	stream.linear.gather [hbm4b:s17+s3], $0x28, $0x38;
	[tilespmem:$0x1CE00] =	vst v63  }
0xcd: {  	s28 =	sadd.s32 $0x78, s5  }
0xce: {  	[tilespmem:s1], [sflag:$0x9] =	stream.indirect.gather [hbm4b:s4+s20], $0x80, s28, s20, $0xb8;
	[tilespmem:$0x1CE00] =	vst v63  }
0xcf: {  	_ =	swait.ge [sflag:s0], $0x28  }
0xd0: {  	[sflag:s0] =	ssyncset.done $0x0  }
0xd1: {  	[sflag:s0] =	ssyncadd.s32 $0xFFFFFFD8  }
0xd2: {  	_ =	swait.ge [sflag:s6], $0x1400  }
0xd3: {  	[sflag:s6] =	ssyncset.done $0x0  }
0xd4: {  	s13 =	simm.s32 @!p0 $0xF;
	[sflag:s6] =	ssyncadd.s32 $0xFFFFEC00  }
0xd5: {  	[spmem:s2] =	stream.indirect.scatter.add.f32 [tilespmem:s21], [sflag:$0xD], $0x80, s19, s20, $0xb8;
	[tilespmem:$0x1CE00] =	vst v63  }
0xd6: {  	_ =	swait.ge @!p0 [sflag:s13], $0x1400  }
0xd7: {  	[sflag:s13] =	ssyncset.done @!p0 $0x0  }
0xd8: {  	[sflag:s13] =	ssyncadd.s32 @!p0 $0xFFFFEC00  }
0xd9: {  	[tilespmem:s8], [sflag:$0x5] =	stream.linear.gather [hbm4b:s16+s3], $0x28, $0x38;
	[tilespmem:$0x1CE00] =	vst v63  }
0xda: {  	s5 =	sadd.s32 $0xA0, s5  }
0xdb: {  	[tilespmem:s9], [sflag:$0xA] =	stream.indirect.gather [hbm4b:s4+s20], $0x80, s5, s20, $0xb8;
	[tilespmem:$0x1CE00] =	vst v63  }
0xdc: {  	_ =	swait.ge [sflag:s10], $0x28  }
0xdd: {  	[sflag:s10] =	ssyncset.done $0x0  }
0xde: {  	[sflag:s10] =	ssyncadd.s32 $0xFFFFFFD8  }
0xdf: {  	_ =	swait.ge [sflag:s11], $0x1400  }
0xe0: {  	p0 =	seq.s32 s14, $0x9920;
	[sflag:s11] =	ssyncset.done $0x0  }
0xe1: {  	s5 =	simm.s32 @!p0 $0xB;
	[sflag:s11] =	ssyncadd.s32 $0xFFFFEC00  }
0xe2: {  	[spmem:s2] =	stream.indirect.scatter.add.f32 [tilespmem:s1], [sflag:$0xE], $0x80, s26, s20, $0xb8;
	[tilespmem:$0x1CE00] =	vst v63  }
0xe3: {  	_ =	swait.ge @!p0 [sflag:s5], $0x1400  }
0xe4: {  	s13 =	sshrl.u32 @!p0 s15, $0x3;
	s15 =	rddreg [dreg:$0x3]  }
0xe5: {  	[sflag:s5] =	ssyncset.done @!p0 $0x0;
	s13 =	sadd.s32 @!p0 s15, s13  }
0xe6: {  	s15 =	simm.s32 @!p0 $0x0;
	[sflag:s5] =	ssyncadd.s32 @!p0 $0xFFFFEC00;
	s5 =	simm.s32 @!p0 $0x2780  }
0xe7: {  	[tilespmem:s5], [sflag:$0x1] =	stream.linear.gather @!p0 [hbm4b:s13+s15], $0x28, $0x38;
	[tilespmem:$0x1CE00] =	vst v63  }
0xe8: {  	s5 =	sshra.s32 @!p0 s14, $0x2  }
0xe9: {  	s13 =	simm.s32 @!p0 $0x28;
	s14 =	simm.s32 @!p0 $0x2A00;
	s5 =	sadd.s32 @!p0 $0xC8, s5  }
0xea: {  	[tilespmem:s14], [sflag:$0x6] =	stream.indirect.gather @!p0 [hbm4b:s4+s13], $0x80, s5, s13, $0xb8;
	[tilespmem:$0x1CE00] =	vst v63  }
0xeb: {  	_ =	swait.ge [sflag:s7], $0x28  }
0xec: {  	[sflag:s7] =	ssyncset.done $0x0  }
0xed: {  	[sflag:s7] =	ssyncadd.s32 $0xFFFFFFD8  }
0xee: {  	_ =	swait.ge [sflag:s12], $0x1400  }
0xef: {  	[sflag:s12] =	ssyncset.done $0x0  }
0xf0: {  	s17 =	simm.s32 $0xB;
	[sflag:s12] =	ssyncadd.s32 $0xFFFFEC00  }
0xf1: {  	[spmem:s2] =	stream.indirect.scatter.add.f32 [tilespmem:s9], [sflag:$0xF], $0x80, s8, s20, $0xb8;
	[tilespmem:$0x1CE00] =	vst v63  }
0xf2: {  	_ =	swait.ge [sflag:s17], $0x1400  }
0xf3: {  	[sflag:s17] =	ssyncset.done $0x0  }
0xf4: {  	s18 =	simm.s32 $0xC;
	[sflag:s17] =	ssyncadd.s32 $0xFFFFEC00  }
0xf5: {  	_ =	swait.ge [sflag:s18], $0x1400  }
0xf6: {  	[sflag:s18] =	ssyncset.done $0x0  }
0xf7: {  	s19 =	simm.s32 $0xD;
	[sflag:s18] =	ssyncadd.s32 $0xFFFFEC00  }
0xf8: {  	_ =	swait.ge [sflag:s19], $0x1400  }
0xf9: {  	[sflag:s19] =	ssyncset.done $0x0  }
0xfa: {  	s21 =	simm.s32 $0xE;
	[sflag:s19] =	ssyncadd.s32 $0xFFFFEC00  }
0xfb: {  	_ =	swait.ge [sflag:s21], $0x1400  }
0xfc: {  	[sflag:s21] =	ssyncset.done $0x0  }
0xfd: {  	s22 =	simm.s32 $0xF;
	[sflag:s21] =	ssyncadd.s32 $0xFFFFEC00  }
0xfe: {  	_ =	swait.ge [sflag:s22], $0x1400  }
0xff: {  	[sflag:s22] =	ssyncset.done $0x0  }
0x100: {  	[sflag:s22] =	ssyncadd.s32 $0xFFFFEC00  }
0x101: {  	[bflag:$0x0] =	sbarrier.arrive $0xFFFF  }
0x102: {  	s13 =	rddreg [dreg:$0x5]  }
0x103: {  	s23 =	rddreg [dreg:$0x8]  }
0x104: {  	s15 =	simm.s32 $0x10;
	s14 =	rddreg [dreg:$0xf]  }
0x105: {  	[hbm:s23], [sflag:s13] =	dma.local [spmem:s14], $0x2800  }
0x106: {  	_ =	swait.ge [sflag:s15], $0x2800  }
0x107: {  	s26 =	rddreg [dreg:$0x10]  }
0x108: {  	s28 =	rddreg [dreg:$0x9];
	s16 =	sadd.s32 $0x1, s26  }
0x109: {  	p0 =	sne.s32 s16, s28  }
.Ltmp1:
0x10a: {  	_ = 	snop;
	(pc) =	sbr.rel @p0 .LBB2_1-.Ltmp1, $3  }
0x10b: {  	_ =	sdelay $0x1  }
0x10c: {  	[sflag:s15] =	ssyncset.done $0x0  }
0x10d: {  	[sflag:s15] =	ssyncadd.s32 $0xFFFFD800  }
0x10e: {  	_ =	sfence.sel $0x180000  }
0x10f: {  	[bflag:$0x0] =	sbarrier.arrive $0xFFFF  }
0x110: {  	_ =	strace $0x9000004A  }
0x111: {  	s0 =	stileid.u32;
	[bflag:$0x2] =	sbarrier.arrive $0xFFFF  }
0x112: {  	p0 =	sne.s32 s0, $0x0;
	s0 =	rddreg [dreg:$0x2]  }
0x113: {  	s0 =	sadd.s32 @!p0 $0x100000, s0  }
0x114: {  	[sflag:s0] =	ssyncadd.tile.s32 @!p0 $0x1;
	_ =	shalt  }
.Lfunc_end2:
_tile_overlayer_lowered:
.L_overlay_start_2:
0x115: {  	(tag) =	ssettag $0x2  }
0x116: {  	s0 =	rddreg [dreg:$0x0];
	s2 =	stileid.u32  }
0x117: {  	s1 =	rddreg [dreg:$0x1];
	p0 =	sne.s32 s2, $0x0  }
0x118: {  	s3 =	rddreg [dreg:$0x2];
	[bflag:$0x3] =	sbarrier.arrive $0xFFFF;
	s2 =	simm.s32 @!p0 $0x1C10  }
0x119: {  	[timem:s3], [sflag:s2] =	dma.local @!p0 [hbm:s0], s1  }
0x11a: {  	s0 =	simm.s32 @!p0 $0x10  }
0x11b: {  	_ =	swait.ge @!p0 [sflag:s0], s1  }
0x11c: {  	s1 =	ssub.s32 @!p0 $0x0, s1;
	[sflag:s0] =	ssyncset.done @!p0 $0x0  }
0x11d: {  	[sflag:s0] =	ssyncadd.s32 @!p0 s1  }
0x11e: {  	[bflag:$0x3] =	sbarrier.arrive $0xFFFF  }
0x11f: {  	_ =	shalt  }

// kernel: kernel.16.cloned.1.call-start
scs
__scs_entry_jumppad:
0x0: {  	(pc) =	sbr.rel $0x88, $3  }
0x1: {  	(tag) =	ssettag $0x0;
	lr =	simm.s32 $0x1  }
0x2: {  	[smem:$0x3F89] =	sst lr;
	_ =	strace $0xD0000000  }
0x3: {  	_ = 	snop  }
0x4: {  	_ = 	snop  }
0x5: {  	_ = 	snop  }
0x6: {  	_ = 	snop  }
0x7: {  	_ = 	snop  }
__scs_overlays_trampoline_lowered:
0x8: {  	[smem:$0x3F98] =	sst s0  }
0x9: {  	[smem:$0x3F99] =	sst s1  }
0xa: {  	[smem:$0x3F9A] =	sst s2  }
0xb: {  	[smem:$0x3F9B] =	sst s3  }
0xc: {  	[smem:$0x3F9C] =	sst s4  }
0xd: {  	[smem:$0x3F9D] =	sst s5  }
0xe: {  	[smem:$0x3F9E] =	sst s6  }
0xf: {  	[smem:$0x3F9F] =	sst s7  }
0x10: {  	[smem:$0x3FA0] =	sst s8  }
0x11: {  	[smem:$0x3FA1] =	sst s9;
	s0 =	simm.s32 @!p0 $0x0  }
0x12: {  	s1 =	sld [smem:$0x3F87];
	s0 =	simm.s32 @p0 $0x1  }
0x13: {  	[smem:$0x3FA2] =	sst s0;
	s0 =	simm.s32 @!p1 $0x0  }
0x14: {  	s2 =	sld [smem:$0x3F86];
	s0 =	simm.s32 @p1 $0x1  }
0x15: {  	[smem:$0x3FA3] =	sst s0;
	s0 =	simm.s32 @!p2 $0x0  }
0x16: {  	s3 =	sld [smem:$0x3FDB];
	s0 =	simm.s32 @p2 $0x1  }
0x17: {  	s4 =	simm.s32 $0x1BF5;
	[smem:$0x3FA5] =	sst s0  }
0x18: {  	s0 =	sld [smem:$0x3F88];
	_ =	swait.ge [sflag:s4], $0x0  }
0x19: {  	s7 =	sld [smem:$0x3F89]  }
0x1a: {  	s8 =	sadd.s32 $0xFFFFE003, lr  }
0x1b: {  	s9 =	sadd.s32 $0xFFFFFEF7, lr;
	s5 =	simm.s32 $0xFFFFFFFF;
	p2 =	slt.u32 s8, $0xFFFFF086  }
0x1c: {  	p1 =	slt.u32 s9, $0xF7A;
	s5 =	simm.s32 @!p2 $0x0  }
0x1d: {  	s5 =	simm.s32 @p1 $0x1;
	p0 =	seq.s32 s7, s2  }
0x1e: {  	s7 =	smul.u32 @!p0 $0xF7A, s2;
	p2 =	seq.s32 @!p0 s5, $0x0  }
0x1f: {  	s9 =	smul.u32 $0xF7A, s1;
	s8 =	simm.s32 @!p0 $0x1BF5;
	p2 =	por !p2, p0  }
0x20: {  	[sflag:s8] =	ssyncset.s32 @!p0 $0xFFFFF086;
	s6 =	sadd.s32 @!p0 s3, s7;
	s7 =	simm.s32 @!p0 $0x108  }
0x21: {  	s3 =	sadd.s32 s3, s9;
	s6 =	sadd.s32 @!p0 $0x88, s6;
	s7 =	simm.s32 @p2 $0x1082  }
0x22: {  	[simem:s7], [sflag:s8] =	dma.local @!p0 [hbm:s6], $0xF7A  }
0x23: {  	s9 =	sor.u32 $0xD0000000, s2;
	s6 =	simm.s32 $0x108;
	_ =	swait.ge @!p0 [sflag:s8], $0x0  }
0x24: {  	s3 =	sadd.s32 $0x88, s3;
	s6 =	simm.s32 @!p1 $0x1082;
	[sflag:s4] =	ssyncset.s32 $0xFFFFF086  }
0x25: {  	[simem:s6], [sflag:s4] =	dma.local [hbm:s3], $0xF7A  }
0x26: {  	[smem:$0x3F89] =	sst s1;
	(tag) =	ssettag s2;
	_ =	strace s9  }
0x27: {  	s1 =	sld [smem:$0x3F99]  }
0x28: {  	s2 =	sld [smem:$0x3F9A]  }
0x29: {  	s4 =	sld [smem:$0x3F9C]  }
0x2a: {  	p0 =	seq.s32 s5, $0x0;
	s5 =	sld [smem:$0x3F9D]  }
0x2b: {  	s6 =	sld [smem:$0x3F9E]  }
0x2c: {  	s7 =	sld [smem:$0x3F9F]  }
0x2d: {  	s3 =	simm.s32 $0x108;
	s8 =	sld [smem:$0x3FA0]  }
0x2e: {  	s3 =	simm.s32 @!p0 $0x1082;
	s9 =	sld [smem:$0x3FA1]  }
0x2f: {  	lr =	sadd.s32 s0, s3;
	s0 =	sld [smem:$0x3F98]  }
0x30: {  	s3 =	sld [smem:$0x3F9B]  }
0x31: {  	[smem:$0x3FA4] =	sst s10  }
0x32: {  	s10 =	sld [smem:$0x3FA2];
	_ =	sdelay $0x3  }
0x33: {  	p0 =	seq.s32 s10, $0x1;
	s10 =	sld [smem:$0x3FA4];
	_ =	sdelay $0x3  }
0x34: {  	[smem:$0x3FA4] =	sst s10  }
0x35: {  	s10 =	sld [smem:$0x3FA3];
	_ =	sdelay $0x3  }
0x36: {  	p1 =	seq.s32 s10, $0x1;
	s10 =	sld [smem:$0x3FA4];
	_ =	sdelay $0x3  }
0x37: {  	[smem:$0x3FA4] =	sst s10  }
0x38: {  	s10 =	sld [smem:$0x3FA5]  }
0x39: {  	_ = 	snop;
	(pc) =	sbr.ind lr, $3  }
0x3a: {  	_ = 	snop  }
0x3b: {  	_ = 	snop  }
0x3c: {  	p2 =	seq.s32 s10, $0x1;
	s10 =	sld [smem:$0x3FA4]  }
0x3d: {  	_ =	shalt  }
0x3e: {  	_ =	shalt  }
0x3f: {  	_ =	shalt  }
0x40: {  	_ =	shalt  }
0x41: {  	_ =	shalt  }
0x42: {  	_ =	shalt  }
0x43: {  	_ =	shalt  }
0x44: {  	_ =	shalt  }
0x45: {  	_ =	shalt  }
0x46: {  	_ =	shalt  }
0x47: {  	_ =	shalt  }
0x48: {  	_ =	shalt  }
0x49: {  	_ =	shalt  }
0x4a: {  	_ =	shalt  }
0x4b: {  	_ =	shalt  }
0x4c: {  	_ =	shalt  }
0x4d: {  	_ =	shalt  }
0x4e: {  	_ =	shalt  }
0x4f: {  	_ =	shalt  }
0x50: {  	_ =	shalt  }
0x51: {  	_ =	shalt  }
0x52: {  	_ =	shalt  }
0x53: {  	_ =	shalt  }
0x54: {  	_ =	shalt  }
0x55: {  	_ =	shalt  }
0x56: {  	_ =	shalt  }
0x57: {  	_ =	shalt  }
0x58: {  	_ =	shalt  }
0x59: {  	_ =	shalt  }
0x5a: {  	_ =	shalt  }
0x5b: {  	_ =	shalt  }
0x5c: {  	_ =	shalt  }
0x5d: {  	_ =	shalt  }
0x5e: {  	_ =	shalt  }
0x5f: {  	_ =	shalt  }
0x60: {  	_ =	shalt  }
0x61: {  	_ =	shalt  }
0x62: {  	_ =	shalt  }
0x63: {  	_ =	shalt  }
0x64: {  	_ =	shalt  }
0x65: {  	_ =	shalt  }
0x66: {  	_ =	shalt  }
0x67: {  	_ =	shalt  }
0x68: {  	_ =	shalt  }
0x69: {  	_ =	shalt  }
0x6a: {  	_ =	shalt  }
0x6b: {  	_ =	shalt  }
0x6c: {  	_ =	shalt  }
0x6d: {  	_ =	shalt  }
0x6e: {  	_ =	shalt  }
0x6f: {  	_ =	shalt  }
0x70: {  	_ =	shalt  }
0x71: {  	_ =	shalt  }
0x72: {  	_ =	shalt  }
0x73: {  	_ =	shalt  }
0x74: {  	_ =	shalt  }
0x75: {  	_ =	shalt  }
0x76: {  	_ =	shalt  }
0x77: {  	_ =	shalt  }
0x78: {  	_ =	shalt  }
0x79: {  	_ =	shalt  }
0x7a: {  	_ =	shalt  }
0x7b: {  	_ =	shalt  }
0x7c: {  	_ =	shalt  }
0x7d: {  	_ =	shalt  }
0x7e: {  	_ =	shalt  }
0x7f: {  	_ =	shalt  }
0x80: {  	_ =	shalt  }
0x81: {  	_ =	shalt  }
0x82: {  	_ =	shalt  }
0x83: {  	_ =	shalt  }
0x84: {  	_ =	shalt  }
0x85: {  	_ =	shalt  }
0x86: {  	_ =	shalt  }
0x87: {  	_ =	shalt  }
.Lfunc_end0:
.L_simem_size_0:
called_computation.2_lowered:
.L_overlay_start_0:
0x88: {  	s2 =	sld [smem:$0x3FD9]  }
0x89: {  	s3 =	sld [smem:$0x3FFE];
	_ =	sdelay $0x1  }
0x8a: {  	s1 =	srdreg.scid  }
0x8b: {  	s0 =	sand.u32 $0x1, s1  }
0x8c: {  	s16 =	sshll.u32 s0, $0xA;
	s2 =	sadd.s32 s3, s2  }
0x8d: {  	s2 =	sadd.s32 s2, s16  }
0x8e: {  	[smem:$0x3FB0] =	sst s2  }
0x8f: {  	_ = 	snop  }
0x90: {  	(tm) =	ssettm $0x1  }
0x91: {  	s17 =	sld [smem:$0x3FFB];
	_ =	sdelay $0x3  }
0x92: {  	_ =	strace s17  }
0x93: {  	s2 =	sld [smem:$0x3FFC];
	_ =	sdelay $0x3  }
0x94: {  	_ =	strace s2  }
0x95: {  	s2 =	sld [smem:$0x3FFD];
	_ =	sdelay $0x3  }
0x96: {  	_ =	strace s2  }
0x97: {  	_ =	strace $0x8FFFFFFF  }
0x98: {  	s18 =	sld [smem:$0x3FDB];
	_ =	sdelay $0x1  }
0x99: {  	s19 =	simm.s32 $_scs_section_size  }
0x9a: {  	s4 =	simm.s32 $_size__tile_overlayer_lowered;
	s5 =	simm.s32 $_tile_overlayer_lowered  }
0x9b: {  	s22 =	simm.s32 $0x1BFF;
	s21 =	sshll.u32 s5, $0x1;
	s2 =	sadd.s32 s19, s18  }
0x9c: {  	s6 =	simm.s32 $0x0;
	s20 =	sshll.u32 s4, $0x1;
	s4 =	sadd.s32 s21, s2  }
0x9d: {  	[timem:s6], [sflag:s22] =	dma.local [hbm:s4], s20  }
0x9e: {  	_ =	swait.ge [sflag:s22], s20  }
0x9f: {  	s3 =	ssub.s32 $0x0, s20;
	[sflag:s22] =	ssyncset.done $0x0  }
0xa0: {  	[sflag:s22] =	ssyncadd.s32 s3;
	_ =	sdelay $0x1  }
0xa1: {  	s23 =	simm.s32 $0x1B8B  }
0xa2: {  	_ =	swait.ge [sflag:s23], $0x1  }
0xa3: {  	[sflag:s23] =	ssyncset.done $0x0  }
0xa4: {  	s25 =	simm.s32 $0x1B8E;
	s24 =	sld [smem:$0x3FFE];
	[sflag:s23] =	ssyncadd.s32 $0xFFFFFFFF  }
0xa5: {  	s26 =	simm.s32 $execute0_lowered;
	[smem:$0x3FD2] =	sst s25  }
0xa6: {  	s4 =	sshll.u32 s26, $0x1;
	_ =	strace $0x8000004C;
	[dreg:$0x1] =	wrdreg $0xFFFFFFFF  }
0xa7: {  	s28 =	simm.s32 $_size_execute0_lowered;
	s2 =	sadd.s32 s2, s4;
	[dreg:$0x0] =	wrdreg $0x0  }
0xa8: {  	s4 =	sshll.u32 s28, $0x1;
	[dreg:$0x2] =	wrdreg s2  }
0xa9: {  	[dreg:$0x3] =	wrdreg s4  }
0xaa: {  	[dreg:$0x4] =	wrdreg $0xC0  }
0xab: {  	_ =	task [dreg:s6], $0x5FFFF  }
0xac: {  	[dreg:$0x1] =	wrdreg $0xFFFFFFFF  }
0xad: {  	[dreg:$0x0] =	wrdreg $0x60  }
0xae: {  	[dreg:$0x2] =	wrdreg s24  }
0xaf: {  	[dreg:$0x3] =	wrdreg $0x8E000  }
0xb0: {  	[dreg:$0x4] =	wrdreg $0x9  }
0xb1: {  	_ =	task.clear_ibuf [dreg:s6], $0x5FFFF;
	_ =	strace $0x9000004C  }
0xb2: {  	s29 =	simm.s32 $0x9;
	_ =	strace $0x8000004E  }
0xb3: {  	_ =	swait.ge [sflag:s29], $0x1  }
0xb4: {  	[sflag:s29] =	ssyncadd.s32 $0xFFFFFFFF  }
0xb5: {  	_ =	strace $0x9000004E  }
0xb6: {  	_ =	sfence  }
0xb7: {  	s30 =	sld [smem:$0x0];
	_ =	sdelay $0x2  }
0xb8: {  	s31 =	sshll.u32 s1, $0xD;
	s1 =	sshrl.u32 s1, $0x2  }
0xb9: {  	s3 =	sand.u32 $0x4000, s31;
	s1 =	sadd.s32 s1, s30  }
0xba: {  	s0 =	sor.u32 s3, s0;
	s1 =	sshll.u32 s1, $0x11  }
0xbb: {  	s0 =	sor.u32 s1, s0  }
0xbc: {  	s0 =	sadd.s32 $0x8F2B, s0  }
0xbd: {  	[sflag:s0] =	ssyncadd.remote.s32 $0x1  }
0xbe: {  	_ =	sfence.sel $0xFFFF  }
0xbf: {  	[dreg:$0x0] =	wrdreg $0xFFFFFFFF;
	(pc) =	sbr.abs _section_cstart, $3  }
0xc0: {  	[dreg:$0x1] =	wrdreg $0xFFFFFFFF  }
0xc1: {  	_ =	task.clear_ibuf [dreg:s6], $0x2FFFF;
	_ =	strace $0x9FFFFFFF  }
0xc2: {  	(tm) =	ssettm $0x7FFFFFFF  }
0xc3: {  	_ =	shalt  }
tec
execute0_lowered:
.L_overlay_start_1:
0x0: {  	(tag) =	ssettag $0x1  }
0x1: {  	s0 =	srdreg.scid;
	s1 =	rddreg [dreg:$0x0]  }
0x2: {  	s11 =	stileid.u32;
	s2 =	rddreg [dreg:$0x1]  }
0x3: {  	s15 =	simm.s32 $0x10;
	s29 =	simm.s32 $0x2;
	s5 =	smul.u32 $0x14000, s11  }
0x4: {  	s30 =	simm.s32 $0x7;
	s16 =	simm.s32 $0x0;
	s10 =	smul.u32 $0x50000, s11  }
0x5: {  	s31 =	simm.s32 $0x3E00;
	s0 =	sand.u32 $0x1, s0;
	s21 =	smul.u32 $0x2710, s11  }
0x6: {  	s12 =	sadd.s32 $0x10200, s1;
	s22 =	sshll.u32 s11, $0x6;
	s7 =	smul.u32 $0x140000, s0  }
0x7: {  	s3 =	sshll.u32 s0, $0x4;
	s18 =	ssub.s32 $0x2, s0;
	s0 =	smul.u32 $0x27100, s0  }
0x8: {  	s13 =	sor.u32 $0x1C10, s22;
	s4 =	sor.u32 s11, s3;
	s3 =	simm.s32 $0x0  }
0x9: {  	s9 =	sshrl.u32 s5, $0x3;
	s19 =	sshrl.u32 s18, $0x1;
	s20 =	sshrl.u32 s10, $0x2  }
0xa: {  	s10 =	simm.s32 $0x4;
	s11 =	simm.s32 $0x9;
	s4 =	smul.u32 $0x2710, s4  }
0xb: {  	[smem:$0x7FF] =	sst s3;
	s9 =	sadd.s32 s9, s1;
	s5 =	sadd.s32 s5, s7  }
0xc: {  	s7 =	sadd.s32 s20, s2;
	s0 =	sadd.s32 s21, s0;
	s20 =	simm.s32 $0x28  }
0xd: {  	_ =	strace $0x8000004D;
	s5 =	sshrl.u32 s5, $0x3;
	s9 =	sadd.s32 $0x6A000, s9  }
0xe: {  	s23 =	sadd.s32 $0xA0, s0;
	s24 =	sadd.s32 $0xC8, s0;
	s25 =	sadd.s32 $0x78, s0  }
0xf: {  	s26 =	sadd.s32 $0x50, s0;
	s0 =	sadd.s32 $0x28, s0;
	[dreg:$0x3] =	wrdreg s12  }
0x10: {  	s14 =	sshrl.u32 s7, $0x3;
	s7 =	simm.s32 $0x5;
	[dreg:$0x5] =	wrdreg s13  }
0x11: {  	s6 =	sshrl.u32 s4, $0x3;
	s4 =	sadd.s32 $0x1A000, s1;
	[dreg:$0x4] =	wrdreg s9  }
0x12: {  	[dreg:$0xa] =	wrdreg s24;
	s0 =	sshrl.u32 s0, $0x3;
	s24 =	simm.s32 $0x1  }
0x13: {  	[dreg:$0xf] =	wrdreg s14;
	s8 =	sadd.s32 s6, s1;
	s6 =	sadd.s32 s12, s6  }
0x14: {  	s9 =	simm.s32 $0x7A00;
	s0 =	sadd.s32 s0, s12;
	[dreg:$0x7] =	wrdreg s6  }
0x15: {  	s1 =	sadd.s32 s5, s1;
	s8 =	sadd.s32 $0x6400, s8;
	[dreg:$0xe] =	wrdreg s0  }
0x16: {  	s5 =	ssub.s32 s18, s19;
	s1 =	sadd.s32 $0x92000, s1;
	[dreg:$0x6] =	wrdreg s8  }
0x17: {  	s5 =	smax.u32 s5, $0x1;
	s0 =	simm.s32 $0x3;
	[dreg:$0x8] =	wrdreg s1  }
0x18: {  	s6 =	simm.s32 $0x8;
	[dreg:$0x9] =	wrdreg s5;
	s1 =	sshrl.u32 s23, $0x3  }
0x19: {  	s5 =	sshrl.u32 s26, $0x3;
	s8 =	simm.s32 $0x2980;
	s1 =	sadd.s32 s1, s12  }
0x1a: {  	s28 =	sadd.s32 s5, s12;
	[dreg:$0xb] =	wrdreg s1;
	s1 =	sshrl.u32 s25, $0x3  }
0x1b: {  	[dreg:$0xd] =	wrdreg s28;
	s25 =	simm.s32 $0x6;
	s1 =	sadd.s32 s1, s12  }
0x1c: {  	s12 =	simm.s32 $0xA;
	[dreg:$0xc] =	wrdreg s1;
	s1 =	simm.s32 $0x6600  }
.LBB2_1:
0x1d: {  	[dreg:$0x10] =	wrdreg s16  }
0x1e: {  	s5 =	rddreg [dreg:$0x4]  }
0x1f: {  	[spmem:s14], [sflag:s13] =	dma.local [hbm:s5], $0x2800  }
0x20: {  	_ =	swait.ge [sflag:s15], $0x2800  }
0x21: {  	[sflag:s15] =	ssyncset.done $0x0  }
0x22: {  	s17 =	rddreg [dreg:$0x6];
	[sflag:s15] =	ssyncadd.s32 $0xFFFFD800  }
0x23: {  	[tilespmem:s3], [sflag:$0x10] =	stream.linear.gather [hbm4b:s17+s3], $0x2710, $0x38;
	[tilespmem:$0x1CE00] =	vst v63  }
0x24: {  	_ =	swait.ge [sflag:s15], $0x2710  }
0x25: {  	[sflag:s15] =	ssyncset.done $0x0  }
0x26: {  	[sflag:s15] =	ssyncadd.s32 $0xFFFFD8F0  }
0x27: {  	p0 =	por $0x1, $0x1;
	[bflag:$0x0] =	sbarrier.arrive $0xFFFF  }
0x28: {  	s19 =	simm.s32 $0x2780;
	p0 =	por p0, p0;
	s18 =	rddreg [dreg:$0x7]  }
0x29: {  	[tilespmem:s19], [sflag:$0x1] =	stream.linear.gather [hbm4b:s18+s3], $0x28, $0x38;
	[tilespmem:$0x1CE00] =	vst v63  }
0x2a: {  	s21 =	simm.s32 $0x2A00;
	s5 =	simm.s32 @!p0 $0xC  }
0x2b: {  	[tilespmem:s21], [sflag:$0x6] =	stream.indirect.gather [hbm4b:s4+s20], $0x80, s3, s20, $0xb8;
	[tilespmem:$0x1CE00] =	vst v63  }
0x2c: {  	_ =	swait.ge @!p0 [sflag:s5], $0x1400  }
0x2d: {  	[sflag:s5] =	ssyncset.done @!p0 $0x0  }
0x2e: {  	s23 =	simm.s32 $0x2800;
	s22 =	rddreg [dreg:$0xe];
	[sflag:s5] =	ssyncadd.s32 @!p0 $0xFFFFEC00  }
0x2f: {  	[tilespmem:s23], [sflag:$0x2] =	stream.linear.gather [hbm4b:s22+s3], $0x28, $0x38;
	[tilespmem:$0x1CE00] =	vst v63  }
0x30: {  	s26 =	simm.s32 $0x28;
	s28 =	simm.s32 $0x3E00  }
0x31: {  	[tilespmem:s28], [sflag:$0x7] =	stream.indirect.gather [hbm4b:s4+s20], $0x80, s26, s20, $0xb8;
	[tilespmem:$0x1CE00] =	vst v63  }
0x32: {  	_ =	swait.ge [sflag:s24], $0x28  }
0x33: {  	[sflag:s24] =	ssyncset.done $0x0  }
0x34: {  	[sflag:s24] =	ssyncadd.s32 $0xFFFFFFD8  }
0x35: {  	_ =	swait.ge [sflag:s25], $0x1400  }
0x36: {  	[sflag:s25] =	ssyncset.done $0x0  }
0x37: {  	s5 =	simm.s32 @!p0 $0xD;
	[sflag:s25] =	ssyncadd.s32 $0xFFFFEC00  }
0x38: {  	[spmem:s2] =	stream.indirect.scatter.add.f32 [tilespmem:s21], [sflag:$0xB], $0x80, s19, s20, $0xb8;
	[tilespmem:$0x1CE00] =	vst v63  }
0x39: {  	_ =	swait.ge @!p0 [sflag:s5], $0x1400  }
0x3a: {  	[sflag:s5] =	ssyncset.done @!p0 $0x0  }
0x3b: {  	s14 =	simm.s32 $0x2880;
	s18 =	rddreg [dreg:$0xd];
	[sflag:s5] =	ssyncadd.s32 @!p0 $0xFFFFEC00  }
0x3c: {  	[tilespmem:s14], [sflag:$0x3] =	stream.linear.gather [hbm4b:s18+s3], $0x28, $0x38;
	[tilespmem:$0x1CE00] =	vst v63  }
0x3d: {  	s17 =	simm.s32 $0x50;
	s19 =	simm.s32 $0x5200  }
0x3e: {  	[tilespmem:s19], [sflag:$0x8] =	stream.indirect.gather [hbm4b:s4+s20], $0x80, s17, s20, $0xb8;
	[tilespmem:$0x1CE00] =	vst v63  }
0x3f: {  	_ =	swait.ge [sflag:s29], $0x28  }
0x40: {  	[sflag:s29] =	ssyncset.done $0x0  }
0x41: {  	[sflag:s29] =	ssyncadd.s32 $0xFFFFFFD8  }
0x42: {  	_ =	swait.ge [sflag:s30], $0x1400  }
0x43: {  	[sflag:s30] =	ssyncset.done $0x0  }
0x44: {  	s5 =	simm.s32 @!p0 $0xE;
	[sflag:s30] =	ssyncadd.s32 $0xFFFFEC00  }
0x45: {  	[spmem:s2] =	stream.indirect.scatter.add.f32 [tilespmem:s28], [sflag:$0xC], $0x80, s23, s20, $0xb8;
	[tilespmem:$0x1CE00] =	vst v63  }
0x46: {  	_ =	swait.ge @!p0 [sflag:s5], $0x1400  }
0x47: {  	[sflag:s5] =	ssyncset.done @!p0 $0x0  }
0x48: {  	s21 =	simm.s32 $0x2900;
	s17 =	rddreg [dreg:$0xc];
	[sflag:s5] =	ssyncadd.s32 @!p0 $0xFFFFEC00  }
0x49: {  	[tilespmem:s21], [sflag:$0x4] =	stream.linear.gather [hbm4b:s17+s3], $0x28, $0x38;
	[tilespmem:$0x1CE00] =	vst v63  }
0x4a: {  	s23 =	simm.s32 $0x78  }
0x4b: {  	[tilespmem:s1], [sflag:$0x9] =	stream.indirect.gather [hbm4b:s4+s20], $0x80, s23, s20, $0xb8;
	[tilespmem:$0x1CE00] =	vst v63  }
0x4c: {  	_ =	swait.ge [sflag:s0], $0x28  }
0x4d: {  	[sflag:s0] =	ssyncset.done $0x0  }
0x4e: {  	[sflag:s0] =	ssyncadd.s32 $0xFFFFFFD8  }
0x4f: {  	_ =	swait.ge [sflag:s6], $0x1400  }
0x50: {  	[sflag:s6] =	ssyncset.done $0x0  }
0x51: {  	s5 =	simm.s32 @!p0 $0xF;
	[sflag:s6] =	ssyncadd.s32 $0xFFFFEC00  }
0x52: {  	[spmem:s2] =	stream.indirect.scatter.add.f32 [tilespmem:s19], [sflag:$0xD], $0x80, s14, s20, $0xb8;
	[tilespmem:$0x1CE00] =	vst v63  }
0x53: {  	_ =	swait.ge @!p0 [sflag:s5], $0x1400  }
0x54: {  	[sflag:s5] =	ssyncset.done @!p0 $0x0  }
0x55: {  	s26 =	rddreg [dreg:$0xb];
	[sflag:s5] =	ssyncadd.s32 @!p0 $0xFFFFEC00  }
0x56: {  	[tilespmem:s8], [sflag:$0x5] =	stream.linear.gather [hbm4b:s26+s3], $0x28, $0x38;
	[tilespmem:$0x1CE00] =	vst v63  }
0x57: {  	s28 =	simm.s32 $0xA0  }
0x58: {  	[tilespmem:s9], [sflag:$0xA] =	stream.indirect.gather [hbm4b:s4+s20], $0x80, s28, s20, $0xb8;
	[tilespmem:$0x1CE00] =	vst v63  }
0x59: {  	_ =	swait.ge [sflag:s10], $0x28  }
0x5a: {  	[sflag:s10] =	ssyncset.done $0x0  }
0x5b: {  	[sflag:s10] =	ssyncadd.s32 $0xFFFFFFD8  }
0x5c: {  	_ =	swait.ge [sflag:s11], $0x1400  }
0x5d: {  	p0 =	por $0x0, $0x0;
	[sflag:s11] =	ssyncset.done $0x0  }
0x5e: {  	s5 =	simm.s32 @!p0 $0xB;
	[sflag:s11] =	ssyncadd.s32 $0xFFFFEC00  }
0x5f: {  	[spmem:s2] =	stream.indirect.scatter.add.f32 [tilespmem:s1], [sflag:$0xE], $0x80, s21, s20, $0xb8;
	[tilespmem:$0x1CE00] =	vst v63  }
0x60: {  	s15 =	simm.s32 @!p0 $0x2780;
	s21 =	rddreg [dreg:$0xa];
	_ =	swait.ge @!p0 [sflag:s5], $0x1400  }
0x61: {  	s13 =	sshrl.u32 @!p0 s21, $0x3;
	s14 =	rddreg [dreg:$0x3];
	[sflag:s5] =	ssyncset.done @!p0 $0x0  }
0x62: {  	s13 =	sadd.s32 @!p0 s14, s13;
	s14 =	simm.s32 @!p0 $0x0;
	[sflag:s5] =	ssyncadd.s32 @!p0 $0xFFFFEC00  }
0x63: {  	[tilespmem:s15], [sflag:$0x1] =	stream.linear.gather @!p0 [hbm4b:s13+s14], $0x28, $0x38;
	[tilespmem:$0x1CE00] =	vst v63  }
0x64: {  	s5 =	simm.s32 @!p0 $0xC8;
	s13 =	simm.s32 @!p0 $0x28;
	s14 =	simm.s32 @!p0 $0x2A00  }
0x65: {  	[tilespmem:s14], [sflag:$0x6] =	stream.indirect.gather @!p0 [hbm4b:s4+s13], $0x80, s5, s13, $0xb8;
	[tilespmem:$0x1CE00] =	vst v63  }
0x66: {  	p6 =	por $0x0, $0x0;
	s18 =	sadd.s32 $0x19, s18;
	_ =	swait.ge [sflag:s7], $0x28  }
0x67: {  	s17 =	sadd.s32 $0x19, s17;
	s19 =	simm.s32 $0x640;
	[sflag:s7] =	ssyncset.done $0x0  }
0x68: {  	s16 =	sadd.s32 $0x19, s26;
	s15 =	sadd.s32 $0xC8, s21;
	[sflag:s7] =	ssyncadd.s32 $0xFFFFFFD8  }
0x69: {  	s14 =	simm.s32 $0x320;
	p0 =	por p6, p6;
	_ =	swait.ge [sflag:s12], $0x1400  }
0x6a: {  	s13 =	sadd.s32 $0x19, s22;
	s5 =	simm.s32 @!p0 $0xC;
	[sflag:s12] =	ssyncset.done $0x0  }
.LBB2_2:
0x6b: {  	[sflag:s12] =	ssyncadd.s32 $0xFFFFEC00  }
0x6c: {  	[spmem:s2] =	stream.indirect.scatter.add.f32 [tilespmem:s9], [sflag:$0xF], $0x80, s8, s20, $0xb8;
	[tilespmem:$0x1CE00] =	vst v63  }
0x6d: {  	_ =	swait.ge @!p0 [sflag:s5], $0x1400  }
0x6e: {  	[sflag:s5] =	ssyncset.done @!p0 $0x0  }
0x6f: {  	s28 =	simm.s32 $0x2800;
	[sflag:s5] =	ssyncadd.s32 @!p0 $0xFFFFEC00;
	s5 =	sshra.s32 s14, $0x2  }
0x70: {  	[tilespmem:s28], [sflag:$0x2] =	stream.linear.gather [hbm4b:s13+s3], $0x28, $0x38;
	[tilespmem:$0x1CE00] =	vst v63  }
0x71: {  	s22 =	sadd.s32 $0x28, s5  }
0x72: {  	[tilespmem:s31], [sflag:$0x7] =	stream.indirect.gather [hbm4b:s4+s20], $0x80, s22, s20, $0xb8;
	[tilespmem:$0x1CE00] =	vst v63  }
0x73: {  	_ =	swait.ge [sflag:s24], $0x28  }
0x74: {  	[sflag:s24] =	ssyncset.done $0x0  }
0x75: {  	[sflag:s24] =	ssyncadd.s32 $0xFFFFFFD8  }
0x76: {  	_ =	swait.ge [sflag:s25], $0x1400  }
0x77: {  	s23 =	simm.s32 $0x2780;
	[sflag:s25] =	ssyncset.done $0x0  }
0x78: {  	s26 =	simm.s32 $0x2A00;
	s22 =	simm.s32 @!p0 $0xD;
	[sflag:s25] =	ssyncadd.s32 $0xFFFFEC00  }
0x79: {  	[spmem:s2] =	stream.indirect.scatter.add.f32 [tilespmem:s26], [sflag:$0xB], $0x80, s23, s20, $0xb8;
	[tilespmem:$0x1CE00] =	vst v63  }
0x7a: {  	_ =	swait.ge @!p0 [sflag:s22], $0x1400  }
0x7b: {  	[sflag:s22] =	ssyncset.done @!p0 $0x0  }
0x7c: {  	s23 =	simm.s32 $0x2880;
	[sflag:s22] =	ssyncadd.s32 @!p0 $0xFFFFEC00  }
0x7d: {  	[tilespmem:s23], [sflag:$0x3] =	stream.linear.gather [hbm4b:s18+s3], $0x28, $0x38;
	[tilespmem:$0x1CE00] =	vst v63  }
0x7e: {  	s26 =	simm.s32 $0x5200;
	s22 =	sadd.s32 $0x50, s5  }
0x7f: {  	[tilespmem:s26], [sflag:$0x8] =	stream.indirect.gather [hbm4b:s4+s20], $0x80, s22, s20, $0xb8;
	[tilespmem:$0x1CE00] =	vst v63  }
0x80: {  	_ =	swait.ge [sflag:s29], $0x28  }
0x81: {  	[sflag:s29] =	ssyncset.done $0x0  }
0x82: {  	[sflag:s29] =	ssyncadd.s32 $0xFFFFFFD8  }
0x83: {  	_ =	swait.ge [sflag:s30], $0x1400  }
0x84: {  	[sflag:s30] =	ssyncset.done $0x0  }
0x85: {  	s22 =	simm.s32 @!p0 $0xE;
	[sflag:s30] =	ssyncadd.s32 $0xFFFFEC00  }
0x86: {  	[spmem:s2] =	stream.indirect.scatter.add.f32 [tilespmem:s31], [sflag:$0xC], $0x80, s28, s20, $0xb8;
	[tilespmem:$0x1CE00] =	vst v63  }
0x87: {  	_ =	swait.ge @!p0 [sflag:s22], $0x1400  }
0x88: {  	[sflag:s22] =	ssyncset.done @!p0 $0x0  }
0x89: {  	s28 =	simm.s32 $0x2900;
	[sflag:s22] =	ssyncadd.s32 @!p0 $0xFFFFEC00  }
0x8a: {  	[tilespmem:s28], [sflag:$0x4] =	stream.linear.gather [hbm4b:s17+s3], $0x28, $0x38;
	[tilespmem:$0x1CE00] =	vst v63  }
0x8b: {  	s22 =	sadd.s32 $0x78, s5  }
0x8c: {  	[tilespmem:s1], [sflag:$0x9] =	stream.indirect.gather [hbm4b:s4+s20], $0x80, s22, s20, $0xb8;
	[tilespmem:$0x1CE00] =	vst v63  }
0x8d: {  	_ =	swait.ge [sflag:s0], $0x28  }
0x8e: {  	[sflag:s0] =	ssyncset.done $0x0  }
0x8f: {  	[sflag:s0] =	ssyncadd.s32 $0xFFFFFFD8  }
0x90: {  	_ =	swait.ge [sflag:s6], $0x1400  }
0x91: {  	[sflag:s6] =	ssyncset.done $0x0  }
0x92: {  	s22 =	simm.s32 @!p0 $0xF;
	[sflag:s6] =	ssyncadd.s32 $0xFFFFEC00  }
0x93: {  	[spmem:s2] =	stream.indirect.scatter.add.f32 [tilespmem:s26], [sflag:$0xD], $0x80, s23, s20, $0xb8;
	[tilespmem:$0x1CE00] =	vst v63  }
0x94: {  	_ =	swait.ge @!p0 [sflag:s22], $0x1400  }
0x95: {  	[sflag:s22] =	ssyncset.done @!p0 $0x0  }
0x96: {  	[sflag:s22] =	ssyncadd.s32 @!p0 $0xFFFFEC00  }
0x97: {  	[tilespmem:s8], [sflag:$0x5] =	stream.linear.gather [hbm4b:s16+s3], $0x28, $0x38;
	[tilespmem:$0x1CE00] =	vst v63  }
0x98: {  	s5 =	sadd.s32 $0xA0, s5  }
0x99: {  	[tilespmem:s9], [sflag:$0xA] =	stream.indirect.gather [hbm4b:s4+s20], $0x80, s5, s20, $0xb8;
	[tilespmem:$0x1CE00] =	vst v63  }
0x9a: {  	_ =	swait.ge [sflag:s10], $0x28  }
0x9b: {  	[sflag:s10] =	ssyncset.done $0x0  }
0x9c: {  	[sflag:s10] =	ssyncadd.s32 $0xFFFFFFD8  }
0x9d: {  	p2 =	seq.s32 s19, $0x0;
	_ =	swait.ge [sflag:s11], $0x1400  }
0x9e: {  	p0 =	por p2, p2;
	p2 =	seq.s32 s14, $0x9920;
	[sflag:s11] =	ssyncset.done $0x0  }
0x9f: {  	s5 =	simm.s32 @!p2 $0xB;
	[sflag:s11] =	ssyncadd.s32 $0xFFFFEC00  }
0xa0: {  	[spmem:s2] =	stream.indirect.scatter.add.f32 [tilespmem:s1], [sflag:$0xE], $0x80, s28, s20, $0xb8;
	[tilespmem:$0x1CE00] =	vst v63  }
0xa1: {  	s21 =	smov.u32 s19;
	s19 =	sadd.s32 $0x320, s19;
	_ =	swait.ge @!p2 [sflag:s5], $0x1400  }
0xa2: {  	s22 =	sshrl.u32 @!p2 s15, $0x3;
	s14 =	sshra.s32 @!p2 s14, $0x2;
	s23 =	rddreg [dreg:$0x3]  }
0xa3: {  	s26 =	simm.s32 @!p2 $0x2780;
	[sflag:s5] =	ssyncset.done @!p2 $0x0;
	s22 =	sadd.s32 @!p2 s23, s22  }
0xa4: {  	s23 =	sadd.s32 @!p2 $0xC8, s14;
	s14 =	simm.s32 @!p2 $0x0;
	[sflag:s5] =	ssyncadd.s32 @!p2 $0xFFFFEC00  }
0xa5: {  	[tilespmem:s26], [sflag:$0x1] =	stream.linear.gather @!p2 [hbm4b:s22+s14], $0x28, $0x38;
	[tilespmem:$0x1CE00] =	vst v63  }
0xa6: {  	p1 =	sne.s32 s19, $0x9C40;
	s28 =	simm.s32 @!p2 $0x2A00;
	s5 =	simm.s32 @!p2 $0x28  }
0xa7: {  	[tilespmem:s28], [sflag:$0x6] =	stream.indirect.gather @!p2 [hbm4b:s4+s5], $0x80, s23, s5, $0xb8;
	[tilespmem:$0x1CE00] =	vst v63  }
.Ltmp0:
0xa8: {  	_ =	swait.ge [sflag:s7], $0x28;
	(pc) =	sbr.rel @p1 .LBB2_2-.Ltmp0, $4  }
0xa9: {  	s13 =	sadd.s32 $0x19, s13;
	[sflag:s7] =	ssyncset.done $0x0  }
0xaa: {  	s18 =	sadd.s32 $0x19, s18;
	s17 =	sadd.s32 $0x19, s17;
	[sflag:s7] =	ssyncadd.s32 $0xFFFFFFD8  }
0xab: {  	s16 =	sadd.s32 $0x19, s16;
	s15 =	sadd.s32 $0xC8, s15;
	_ =	swait.ge [sflag:s12], $0x1400  }
0xac: {  	s14 =	smov.u32 s21;
	s5 =	simm.s32 @!p0 $0xC;
	[sflag:s12] =	ssyncset.done $0x0  }
0xad: {  	[sflag:s12] =	ssyncadd.s32 $0xFFFFEC00  }
0xae: {  	[spmem:s2] =	stream.indirect.scatter.add.f32 [tilespmem:s9], [sflag:$0xF], $0x80, s8, s20, $0xb8;
	[tilespmem:$0x1CE00] =	vst v63  }
0xaf: {  	_ =	swait.ge @!p0 [sflag:s5], $0x1400  }
0xb0: {  	[sflag:s5] =	ssyncset.done @!p0 $0x0  }
0xb1: {  	s22 =	simm.s32 $0x2800;
	[sflag:s5] =	ssyncadd.s32 @!p0 $0xFFFFEC00;
	s5 =	sshra.s32 s14, $0x2  }
0xb2: {  	[tilespmem:s22], [sflag:$0x2] =	stream.linear.gather [hbm4b:s13+s3], $0x28, $0x38;
	[tilespmem:$0x1CE00] =	vst v63  }
0xb3: {  	s23 =	simm.s32 $0x3E00;
	s28 =	sadd.s32 $0x28, s5  }
0xb4: {  	[tilespmem:s23], [sflag:$0x7] =	stream.indirect.gather [hbm4b:s4+s20], $0x80, s28, s20, $0xb8;
	[tilespmem:$0x1CE00] =	vst v63  }
0xb5: {  	_ =	swait.ge [sflag:s24], $0x28  }
0xb6: {  	[sflag:s24] =	ssyncset.done $0x0  }
0xb7: {  	[sflag:s24] =	ssyncadd.s32 $0xFFFFFFD8  }
0xb8: {  	_ =	swait.ge [sflag:s25], $0x1400  }
0xb9: {  	s19 =	simm.s32 $0x2780;
	[sflag:s25] =	ssyncset.done $0x0  }
0xba: {  	s21 =	simm.s32 $0x2A00;
	s13 =	simm.s32 @!p0 $0xD;
	[sflag:s25] =	ssyncadd.s32 $0xFFFFEC00  }
0xbb: {  	[spmem:s2] =	stream.indirect.scatter.add.f32 [tilespmem:s21], [sflag:$0xB], $0x80, s19, s20, $0xb8;
	[tilespmem:$0x1CE00] =	vst v63  }
0xbc: {  	_ =	swait.ge @!p0 [sflag:s13], $0x1400  }
0xbd: {  	[sflag:s13] =	ssyncset.done @!p0 $0x0  }
0xbe: {  	s19 =	simm.s32 $0x2880;
	[sflag:s13] =	ssyncadd.s32 @!p0 $0xFFFFEC00  }
0xbf: {  	[tilespmem:s19], [sflag:$0x3] =	stream.linear.gather [hbm4b:s18+s3], $0x28, $0x38;
	[tilespmem:$0x1CE00] =	vst v63  }
0xc0: {  	s21 =	simm.s32 $0x5200;
	s18 =	sadd.s32 $0x50, s5  }
0xc1: {  	[tilespmem:s21], [sflag:$0x8] =	stream.indirect.gather [hbm4b:s4+s20], $0x80, s18, s20, $0xb8;
	[tilespmem:$0x1CE00] =	vst v63  }
0xc2: {  	_ =	swait.ge [sflag:s29], $0x28  }
0xc3: {  	[sflag:s29] =	ssyncset.done $0x0  }
0xc4: {  	[sflag:s29] =	ssyncadd.s32 $0xFFFFFFD8  }
0xc5: {  	_ =	swait.ge [sflag:s30], $0x1400  }
0xc6: {  	[sflag:s30] =	ssyncset.done $0x0  }
0xc7: {  	s13 =	simm.s32 @!p0 $0xE;
	[sflag:s30] =	ssyncadd.s32 $0xFFFFEC00  }
0xc8: {  	[spmem:s2] =	stream.indirect.scatter.add.f32 [tilespmem:s23], [sflag:$0xC], $0x80, s22, s20, $0xb8;
	[tilespmem:$0x1CE00] =	vst v63  }
0xc9: {  	_ =	swait.ge @!p0 [sflag:s13], $0x1400  }
0xca: {  	[sflag:s13] =	ssyncset.done @!p0 $0x0  }
0xcb: {  	s26 =	simm.s32 $0x2900;
	[sflag:s13] =	ssyncadd.s32 @!p0 $0xFFFFEC00  }
0xcc: {  	[tilespmem:s26], [sflag:$0x4] =	stream.linear.gather [hbm4b:s17+s3], $0x28, $0x38;
	[tilespmem:$0x1CE00] =	vst v63  }
0xcd: {  	s28 =	sadd.s32 $0x78, s5  }
0xce: {  	[tilespmem:s1], [sflag:$0x9] =	stream.indirect.gather [hbm4b:s4+s20], $0x80, s28, s20, $0xb8;
	[tilespmem:$0x1CE00] =	vst v63  }
0xcf: {  	_ =	swait.ge [sflag:s0], $0x28  }
0xd0: {  	[sflag:s0] =	ssyncset.done $0x0  }
0xd1: {  	[sflag:s0] =	ssyncadd.s32 $0xFFFFFFD8  }
0xd2: {  	_ =	swait.ge [sflag:s6], $0x1400  }
0xd3: {  	[sflag:s6] =	ssyncset.done $0x0  }
0xd4: {  	s13 =	simm.s32 @!p0 $0xF;
	[sflag:s6] =	ssyncadd.s32 $0xFFFFEC00  }
0xd5: {  	[spmem:s2] =	stream.indirect.scatter.add.f32 [tilespmem:s21], [sflag:$0xD], $0x80, s19, s20, $0xb8;
	[tilespmem:$0x1CE00] =	vst v63  }
0xd6: {  	_ =	swait.ge @!p0 [sflag:s13], $0x1400  }
0xd7: {  	[sflag:s13] =	ssyncset.done @!p0 $0x0  }
0xd8: {  	[sflag:s13] =	ssyncadd.s32 @!p0 $0xFFFFEC00  }
0xd9: {  	[tilespmem:s8], [sflag:$0x5] =	stream.linear.gather [hbm4b:s16+s3], $0x28, $0x38;
	[tilespmem:$0x1CE00] =	vst v63  }
0xda: {  	s5 =	sadd.s32 $0xA0, s5  }
0xdb: {  	[tilespmem:s9], [sflag:$0xA] =	stream.indirect.gather [hbm4b:s4+s20], $0x80, s5, s20, $0xb8;
	[tilespmem:$0x1CE00] =	vst v63  }
0xdc: {  	_ =	swait.ge [sflag:s10], $0x28  }
0xdd: {  	[sflag:s10] =	ssyncset.done $0x0  }
0xde: {  	[sflag:s10] =	ssyncadd.s32 $0xFFFFFFD8  }
0xdf: {  	_ =	swait.ge [sflag:s11], $0x1400  }
0xe0: {  	p0 =	seq.s32 s14, $0x9920;
	[sflag:s11] =	ssyncset.done $0x0  }
0xe1: {  	s5 =	simm.s32 @!p0 $0xB;
	[sflag:s11] =	ssyncadd.s32 $0xFFFFEC00  }
0xe2: {  	[spmem:s2] =	stream.indirect.scatter.add.f32 [tilespmem:s1], [sflag:$0xE], $0x80, s26, s20, $0xb8;
	[tilespmem:$0x1CE00] =	vst v63  }
0xe3: {  	_ =	swait.ge @!p0 [sflag:s5], $0x1400  }
0xe4: {  	s13 =	sshrl.u32 @!p0 s15, $0x3;
	s15 =	rddreg [dreg:$0x3]  }
0xe5: {  	[sflag:s5] =	ssyncset.done @!p0 $0x0;
	s13 =	sadd.s32 @!p0 s15, s13  }
0xe6: {  	s15 =	simm.s32 @!p0 $0x0;
	[sflag:s5] =	ssyncadd.s32 @!p0 $0xFFFFEC00;
	s5 =	simm.s32 @!p0 $0x2780  }
0xe7: {  	[tilespmem:s5], [sflag:$0x1] =	stream.linear.gather @!p0 [hbm4b:s13+s15], $0x28, $0x38;
	[tilespmem:$0x1CE00] =	vst v63  }
0xe8: {  	s5 =	sshra.s32 @!p0 s14, $0x2  }
0xe9: {  	s13 =	simm.s32 @!p0 $0x28;
	s14 =	simm.s32 @!p0 $0x2A00;
	s5 =	sadd.s32 @!p0 $0xC8, s5  }
0xea: {  	[tilespmem:s14], [sflag:$0x6] =	stream.indirect.gather @!p0 [hbm4b:s4+s13], $0x80, s5, s13, $0xb8;
	[tilespmem:$0x1CE00] =	vst v63  }
0xeb: {  	_ =	swait.ge [sflag:s7], $0x28  }
0xec: {  	[sflag:s7] =	ssyncset.done $0x0  }
0xed: {  	[sflag:s7] =	ssyncadd.s32 $0xFFFFFFD8  }
0xee: {  	_ =	swait.ge [sflag:s12], $0x1400  }
0xef: {  	[sflag:s12] =	ssyncset.done $0x0  }
0xf0: {  	s17 =	simm.s32 $0xB;
	[sflag:s12] =	ssyncadd.s32 $0xFFFFEC00  }
0xf1: {  	[spmem:s2] =	stream.indirect.scatter.add.f32 [tilespmem:s9], [sflag:$0xF], $0x80, s8, s20, $0xb8;
	[tilespmem:$0x1CE00] =	vst v63  }
0xf2: {  	_ =	swait.ge [sflag:s17], $0x1400  }
0xf3: {  	[sflag:s17] =	ssyncset.done $0x0  }
0xf4: {  	s18 =	simm.s32 $0xC;
	[sflag:s17] =	ssyncadd.s32 $0xFFFFEC00  }
0xf5: {  	_ =	swait.ge [sflag:s18], $0x1400  }
0xf6: {  	[sflag:s18] =	ssyncset.done $0x0  }
0xf7: {  	s19 =	simm.s32 $0xD;
	[sflag:s18] =	ssyncadd.s32 $0xFFFFEC00  }
0xf8: {  	_ =	swait.ge [sflag:s19], $0x1400  }
0xf9: {  	[sflag:s19] =	ssyncset.done $0x0  }
0xfa: {  	s21 =	simm.s32 $0xE;
	[sflag:s19] =	ssyncadd.s32 $0xFFFFEC00  }
0xfb: {  	_ =	swait.ge [sflag:s21], $0x1400  }
0xfc: {  	[sflag:s21] =	ssyncset.done $0x0  }
0xfd: {  	s22 =	simm.s32 $0xF;
	[sflag:s21] =	ssyncadd.s32 $0xFFFFEC00  }
0xfe: {  	_ =	swait.ge [sflag:s22], $0x1400  }
0xff: {  	[sflag:s22] =	ssyncset.done $0x0  }
0x100: {  	[sflag:s22] =	ssyncadd.s32 $0xFFFFEC00  }
0x101: {  	[bflag:$0x0] =	sbarrier.arrive $0xFFFF  }
0x102: {  	s13 =	rddreg [dreg:$0x5]  }
0x103: {  	s23 =	rddreg [dreg:$0x8]  }
0x104: {  	s15 =	simm.s32 $0x10;
	s14 =	rddreg [dreg:$0xf]  }
0x105: {  	[hbm:s23], [sflag:s13] =	dma.local [spmem:s14], $0x2800  }
0x106: {  	_ =	swait.ge [sflag:s15], $0x2800  }
0x107: {  	s26 =	rddreg [dreg:$0x10]  }
0x108: {  	s28 =	rddreg [dreg:$0x9];
	s16 =	sadd.s32 $0x1, s26  }
0x109: {  	p0 =	sne.s32 s16, s28  }
.Ltmp1:
0x10a: {  	_ = 	snop;
	(pc) =	sbr.rel @p0 .LBB2_1-.Ltmp1, $3  }
0x10b: {  	_ =	sdelay $0x1  }
0x10c: {  	[sflag:s15] =	ssyncset.done $0x0  }
0x10d: {  	[sflag:s15] =	ssyncadd.s32 $0xFFFFD800  }
0x10e: {  	_ =	sfence.sel $0x180000  }
0x10f: {  	[bflag:$0x0] =	sbarrier.arrive $0xFFFF  }
0x110: {  	_ =	strace $0x9000004D  }
0x111: {  	s0 =	stileid.u32;
	[bflag:$0x2] =	sbarrier.arrive $0xFFFF  }
0x112: {  	p0 =	sne.s32 s0, $0x0;
	s0 =	rddreg [dreg:$0x2]  }
0x113: {  	s0 =	sadd.s32 @!p0 $0x100000, s0  }
0x114: {  	[sflag:s0] =	ssyncadd.tile.s32 @!p0 $0x1;
	_ =	shalt  }
.Lfunc_end2:
_tile_overlayer_lowered:
.L_overlay_start_2:
0x115: {  	(tag) =	ssettag $0x2  }
0x116: {  	s0 =	rddreg [dreg:$0x0];
	s2 =	stileid.u32  }
0x117: {  	s1 =	rddreg [dreg:$0x1];
	p0 =	sne.s32 s2, $0x0  }
0x118: {  	s3 =	rddreg [dreg:$0x2];
	[bflag:$0x3] =	sbarrier.arrive $0xFFFF;
	s2 =	simm.s32 @!p0 $0x1C10  }
0x119: {  	[timem:s3], [sflag:s2] =	dma.local @!p0 [hbm:s0], s1  }
0x11a: {  	s0 =	simm.s32 @!p0 $0x10  }
0x11b: {  	_ =	swait.ge @!p0 [sflag:s0], s1  }
0x11c: {  	s1 =	ssub.s32 @!p0 $0x0, s1;
	[sflag:s0] =	ssyncset.done @!p0 $0x0  }
0x11d: {  	[sflag:s0] =	ssyncadd.s32 @!p0 s1  }
0x11e: {  	[bflag:$0x3] =	sbarrier.arrive $0xFFFF  }
0x11f: {  	_ =	shalt  }

// kernel: kernel.19.cloned.1.call-start
scs
__scs_entry_jumppad:
0x0: {  	(pc) =	sbr.rel $0x88, $3  }
0x1: {  	(tag) =	ssettag $0x0;
	lr =	simm.s32 $0x1  }
0x2: {  	[smem:$0x3F89] =	sst lr;
	_ =	strace $0xD0000000  }
0x3: {  	_ = 	snop  }
0x4: {  	_ = 	snop  }
0x5: {  	_ = 	snop  }
0x6: {  	_ = 	snop  }
0x7: {  	_ = 	snop  }
__scs_overlays_trampoline_lowered:
0x8: {  	[smem:$0x3F98] =	sst s0  }
0x9: {  	[smem:$0x3F99] =	sst s1  }
0xa: {  	[smem:$0x3F9A] =	sst s2  }
0xb: {  	[smem:$0x3F9B] =	sst s3  }
0xc: {  	[smem:$0x3F9C] =	sst s4  }
0xd: {  	[smem:$0x3F9D] =	sst s5  }
0xe: {  	[smem:$0x3F9E] =	sst s6  }
0xf: {  	[smem:$0x3F9F] =	sst s7  }
0x10: {  	[smem:$0x3FA0] =	sst s8  }
0x11: {  	[smem:$0x3FA1] =	sst s9;
	s0 =	simm.s32 @!p0 $0x0  }
0x12: {  	s1 =	sld [smem:$0x3F87];
	s0 =	simm.s32 @p0 $0x1  }
0x13: {  	[smem:$0x3FA2] =	sst s0;
	s0 =	simm.s32 @!p1 $0x0  }
0x14: {  	s2 =	sld [smem:$0x3F86];
	s0 =	simm.s32 @p1 $0x1  }
0x15: {  	[smem:$0x3FA3] =	sst s0;
	s0 =	simm.s32 @!p2 $0x0  }
0x16: {  	s3 =	sld [smem:$0x3FDB];
	s0 =	simm.s32 @p2 $0x1  }
0x17: {  	s4 =	simm.s32 $0x1BF5;
	[smem:$0x3FA5] =	sst s0  }
0x18: {  	s0 =	sld [smem:$0x3F88];
	_ =	swait.ge [sflag:s4], $0x0  }
0x19: {  	s7 =	sld [smem:$0x3F89]  }
0x1a: {  	s8 =	sadd.s32 $0xFFFFE003, lr  }
0x1b: {  	s9 =	sadd.s32 $0xFFFFFEF7, lr;
	s5 =	simm.s32 $0xFFFFFFFF;
	p2 =	slt.u32 s8, $0xFFFFF086  }
0x1c: {  	p1 =	slt.u32 s9, $0xF7A;
	s5 =	simm.s32 @!p2 $0x0  }
0x1d: {  	s5 =	simm.s32 @p1 $0x1;
	p0 =	seq.s32 s7, s2  }
0x1e: {  	s7 =	smul.u32 @!p0 $0xF7A, s2;
	p2 =	seq.s32 @!p0 s5, $0x0  }
0x1f: {  	s9 =	smul.u32 $0xF7A, s1;
	s8 =	simm.s32 @!p0 $0x1BF5;
	p2 =	por !p2, p0  }
0x20: {  	[sflag:s8] =	ssyncset.s32 @!p0 $0xFFFFF086;
	s6 =	sadd.s32 @!p0 s3, s7;
	s7 =	simm.s32 @!p0 $0x108  }
0x21: {  	s3 =	sadd.s32 s3, s9;
	s6 =	sadd.s32 @!p0 $0x88, s6;
	s7 =	simm.s32 @p2 $0x1082  }
0x22: {  	[simem:s7], [sflag:s8] =	dma.local @!p0 [hbm:s6], $0xF7A  }
0x23: {  	s9 =	sor.u32 $0xD0000000, s2;
	s6 =	simm.s32 $0x108;
	_ =	swait.ge @!p0 [sflag:s8], $0x0  }
0x24: {  	s3 =	sadd.s32 $0x88, s3;
	s6 =	simm.s32 @!p1 $0x1082;
	[sflag:s4] =	ssyncset.s32 $0xFFFFF086  }
0x25: {  	[simem:s6], [sflag:s4] =	dma.local [hbm:s3], $0xF7A  }
0x26: {  	[smem:$0x3F89] =	sst s1;
	(tag) =	ssettag s2;
	_ =	strace s9  }
0x27: {  	s1 =	sld [smem:$0x3F99]  }
0x28: {  	s2 =	sld [smem:$0x3F9A]  }
0x29: {  	s4 =	sld [smem:$0x3F9C]  }
0x2a: {  	p0 =	seq.s32 s5, $0x0;
	s5 =	sld [smem:$0x3F9D]  }
0x2b: {  	s6 =	sld [smem:$0x3F9E]  }
0x2c: {  	s7 =	sld [smem:$0x3F9F]  }
0x2d: {  	s3 =	simm.s32 $0x108;
	s8 =	sld [smem:$0x3FA0]  }
0x2e: {  	s3 =	simm.s32 @!p0 $0x1082;
	s9 =	sld [smem:$0x3FA1]  }
0x2f: {  	lr =	sadd.s32 s0, s3;
	s0 =	sld [smem:$0x3F98]  }
0x30: {  	s3 =	sld [smem:$0x3F9B]  }
0x31: {  	[smem:$0x3FA4] =	sst s10  }
0x32: {  	s10 =	sld [smem:$0x3FA2];
	_ =	sdelay $0x3  }
0x33: {  	p0 =	seq.s32 s10, $0x1;
	s10 =	sld [smem:$0x3FA4];
	_ =	sdelay $0x3  }
0x34: {  	[smem:$0x3FA4] =	sst s10  }
0x35: {  	s10 =	sld [smem:$0x3FA3];
	_ =	sdelay $0x3  }
0x36: {  	p1 =	seq.s32 s10, $0x1;
	s10 =	sld [smem:$0x3FA4];
	_ =	sdelay $0x3  }
0x37: {  	[smem:$0x3FA4] =	sst s10  }
0x38: {  	s10 =	sld [smem:$0x3FA5]  }
0x39: {  	_ = 	snop;
	(pc) =	sbr.ind lr, $3  }
0x3a: {  	_ = 	snop  }
0x3b: {  	_ = 	snop  }
0x3c: {  	p2 =	seq.s32 s10, $0x1;
	s10 =	sld [smem:$0x3FA4]  }
0x3d: {  	_ =	shalt  }
0x3e: {  	_ =	shalt  }
0x3f: {  	_ =	shalt  }
0x40: {  	_ =	shalt  }
0x41: {  	_ =	shalt  }
0x42: {  	_ =	shalt  }
0x43: {  	_ =	shalt  }
0x44: {  	_ =	shalt  }
0x45: {  	_ =	shalt  }
0x46: {  	_ =	shalt  }
0x47: {  	_ =	shalt  }
0x48: {  	_ =	shalt  }
0x49: {  	_ =	shalt  }
0x4a: {  	_ =	shalt  }
0x4b: {  	_ =	shalt  }
0x4c: {  	_ =	shalt  }
0x4d: {  	_ =	shalt  }
0x4e: {  	_ =	shalt  }
0x4f: {  	_ =	shalt  }
0x50: {  	_ =	shalt  }
0x51: {  	_ =	shalt  }
0x52: {  	_ =	shalt  }
0x53: {  	_ =	shalt  }
0x54: {  	_ =	shalt  }
0x55: {  	_ =	shalt  }
0x56: {  	_ =	shalt  }
0x57: {  	_ =	shalt  }
0x58: {  	_ =	shalt  }
0x59: {  	_ =	shalt  }
0x5a: {  	_ =	shalt  }
0x5b: {  	_ =	shalt  }
0x5c: {  	_ =	shalt  }
0x5d: {  	_ =	shalt  }
0x5e: {  	_ =	shalt  }
0x5f: {  	_ =	shalt  }
0x60: {  	_ =	shalt  }
0x61: {  	_ =	shalt  }
0x62: {  	_ =	shalt  }
0x63: {  	_ =	shalt  }
0x64: {  	_ =	shalt  }
0x65: {  	_ =	shalt  }
0x66: {  	_ =	shalt  }
0x67: {  	_ =	shalt  }
0x68: {  	_ =	shalt  }
0x69: {  	_ =	shalt  }
0x6a: {  	_ =	shalt  }
0x6b: {  	_ =	shalt  }
0x6c: {  	_ =	shalt  }
0x6d: {  	_ =	shalt  }
0x6e: {  	_ =	shalt  }
0x6f: {  	_ =	shalt  }
0x70: {  	_ =	shalt  }
0x71: {  	_ =	shalt  }
0x72: {  	_ =	shalt  }
0x73: {  	_ =	shalt  }
0x74: {  	_ =	shalt  }
0x75: {  	_ =	shalt  }
0x76: {  	_ =	shalt  }
0x77: {  	_ =	shalt  }
0x78: {  	_ =	shalt  }
0x79: {  	_ =	shalt  }
0x7a: {  	_ =	shalt  }
0x7b: {  	_ =	shalt  }
0x7c: {  	_ =	shalt  }
0x7d: {  	_ =	shalt  }
0x7e: {  	_ =	shalt  }
0x7f: {  	_ =	shalt  }
0x80: {  	_ =	shalt  }
0x81: {  	_ =	shalt  }
0x82: {  	_ =	shalt  }
0x83: {  	_ =	shalt  }
0x84: {  	_ =	shalt  }
0x85: {  	_ =	shalt  }
0x86: {  	_ =	shalt  }
0x87: {  	_ =	shalt  }
.Lfunc_end0:
.L_simem_size_0:
called_computation.3_lowered:
.L_overlay_start_0:
0x88: {  	s2 =	sld [smem:$0x3FD9]  }
0x89: {  	s3 =	sld [smem:$0x3FFE];
	_ =	sdelay $0x1  }
0x8a: {  	s1 =	srdreg.scid  }
0x8b: {  	s0 =	sand.u32 $0x1, s1  }
0x8c: {  	s17 =	sshll.u32 s0, $0xA;
	s2 =	sadd.s32 s3, s2  }
0x8d: {  	s2 =	sadd.s32 s2, s17  }
0x8e: {  	[smem:$0x3FB0] =	sst s2  }
0x8f: {  	_ = 	snop  }
0x90: {  	s2 =	sld [smem:$0x3FC7]  }
0x91: {  	s18 =	sld [smem:$0x3FD0];
	(tm) =	ssettm $0x1  }
0x92: {  	s4 =	sld [smem:$0x3FFB];
	_ =	sdelay $0x3  }
0x93: {  	_ =	strace s4  }
0x94: {  	s4 =	sld [smem:$0x3FFC];
	_ =	sdelay $0x3  }
0x95: {  	_ =	strace s4  }
0x96: {  	s4 =	sld [smem:$0x3FFD];
	_ =	sdelay $0x3  }
0x97: {  	_ =	strace s4  }
0x98: {  	_ =	strace $0x8FFFFFFF  }
0x99: {  	s19 =	sld [smem:$0x3FDB];
	_ =	sdelay $0x1  }
0x9a: {  	s5 =	simm.s32 $_scs_section_size  }
0x9b: {  	s6 =	simm.s32 $_size__tile_overlayer_lowered;
	s7 =	simm.s32 $_tile_overlayer_lowered  }
0x9c: {  	s22 =	simm.s32 $0x1BFF;
	s21 =	sshll.u32 s7, $0x1;
	s4 =	sadd.s32 s5, s19  }
0x9d: {  	s8 =	simm.s32 $0x0;
	s20 =	sshll.u32 s6, $0x1;
	s6 =	sadd.s32 s21, s4  }
0x9e: {  	[timem:s8], [sflag:s22] =	dma.local [hbm:s6], s20  }
0x9f: {  	_ =	swait.ge [sflag:s22], s20  }
0xa0: {  	s5 =	ssub.s32 $0x0, s20;
	[sflag:s22] =	ssyncset.done $0x0  }
0xa1: {  	[sflag:s22] =	ssyncadd.s32 s5;
	_ =	sdelay $0x1  }
0xa2: {  	s23 =	simm.s32 $0x1B8B  }
0xa3: {  	_ =	swait.ge [sflag:s23], $0x1  }
0xa4: {  	[sflag:s23] =	ssyncset.done $0x0  }
0xa5: {  	s25 =	simm.s32 $0x1B8E;
	s24 =	sld [smem:$0x3FFE];
	[sflag:s23] =	ssyncadd.s32 $0xFFFFFFFF  }
0xa6: {  	s26 =	simm.s32 $execute0_lowered;
	[smem:$0x3FD2] =	sst s25  }
0xa7: {  	s6 =	sshll.u32 s26, $0x1;
	_ =	strace $0x8000004F;
	[dreg:$0x1] =	wrdreg $0xFFFFFFFF  }
0xa8: {  	s28 =	simm.s32 $_size_execute0_lowered;
	s4 =	sadd.s32 s4, s6;
	[dreg:$0x0] =	wrdreg $0x0  }
0xa9: {  	s6 =	sshll.u32 s28, $0x1;
	[dreg:$0x2] =	wrdreg s4  }
0xaa: {  	[dreg:$0x3] =	wrdreg s6  }
0xab: {  	[dreg:$0x4] =	wrdreg $0xC0  }
0xac: {  	_ =	task [dreg:s8], $0x5FFFF  }
0xad: {  	[dreg:$0x1] =	wrdreg $0xFFFFFFFF  }
0xae: {  	[dreg:$0x0] =	wrdreg $0x60  }
0xaf: {  	[dreg:$0x2] =	wrdreg s24  }
0xb0: {  	[dreg:$0x3] =	wrdreg s2  }
0xb1: {  	[dreg:$0x4] =	wrdreg s18  }
0xb2: {  	[dreg:$0x5] =	wrdreg $0x153000  }
0xb3: {  	[dreg:$0x6] =	wrdreg $0x163000  }
0xb4: {  	[dreg:$0x7] =	wrdreg $0x9  }
0xb5: {  	_ =	task.clear_ibuf [dreg:s8], $0x8FFFF;
	_ =	strace $0x9000004F  }
0xb6: {  	s29 =	simm.s32 $0x9;
	_ =	strace $0x80000051  }
0xb7: {  	_ =	swait.ge [sflag:s29], $0x1  }
0xb8: {  	[sflag:s29] =	ssyncadd.s32 $0xFFFFFFFF  }
0xb9: {  	_ =	strace $0x90000051  }
0xba: {  	_ =	sfence  }
0xbb: {  	s30 =	sld [smem:$0x0];
	_ =	sdelay $0x2  }
0xbc: {  	s31 =	sshll.u32 s1, $0xD;
	s1 =	sshrl.u32 s1, $0x2  }
0xbd: {  	s3 =	sand.u32 $0x4000, s31;
	s1 =	sadd.s32 s1, s30  }
0xbe: {  	s0 =	sor.u32 s3, s0;
	s1 =	sshll.u32 s1, $0x11  }
0xbf: {  	s0 =	sor.u32 s1, s0  }
0xc0: {  	s0 =	sadd.s32 $0x8F2B, s0  }
0xc1: {  	[sflag:s0] =	ssyncadd.remote.s32 $0x1  }
0xc2: {  	_ =	sfence.sel $0xFFFF  }
0xc3: {  	[dreg:$0x0] =	wrdreg $0xFFFFFFFF;
	(pc) =	sbr.abs _section_cstart, $3  }
0xc4: {  	[dreg:$0x1] =	wrdreg $0xFFFFFFFF  }
0xc5: {  	_ =	task.clear_ibuf [dreg:s8], $0x2FFFF;
	_ =	strace $0x9FFFFFFF  }
0xc6: {  	(tm) =	ssettm $0x7FFFFFFF  }
0xc7: {  	_ =	shalt  }
tec
execute0_lowered:
.L_overlay_start_1:
0x0: {  	(tag) =	ssettag $0x1  }
0x1: {  	s9 =	rddreg [dreg:$0x0]  }
0x2: {  	s1 =	rddreg [dreg:$0x1]  }
0x3: {  	s2 =	rddreg [dreg:$0x2]  }
0x4: {  	s3 =	rddreg [dreg:$0x3]  }
0x5: {  	s4 =	rddreg [dreg:$0x4];
	s5 =	simm.s32 $0x0  }
0x6: {  	s16 =	stileid.u32;
	s8 =	srdreg.scid;
	s19 =	simm.s32 $0x5300  }
0x7: {  	s20 =	simm.s32 $0x5080;
	s23 =	simm.s32 $0x2880;
	s24 =	simm.s32 $0x50  }
0x8: {  	s25 =	simm.s32 $0x4;
	s26 =	simm.s32 $0x0;
	[smem:$0x7FF] =	sst s5  }
0x9: {  	s6 =	sadd.s32 $0x6400, s9;
	s7 =	sadd.s32 $0xE2000, s9;
	s10 =	sshll.u32 s16, $0x9  }
0xa: {  	s11 =	sand.u32 $0x1, s8;
	s8 =	sadd.s32 $0x2E400, s9;
	s30 =	sshll.u32 s16, $0xC  }
0xb: {  	s31 =	sshll.u32 s16, $0x6;
	p0 =	sne.s32 s16, $0x0;
	_ =	strace $0x80000050  }
0xc: {  	s12 =	sadd.s32 s10, s9;
	s13 =	sshll.u32 s11, $0x4;
	s14 =	sshll.u32 s11, $0x6  }
0xd: {  	s29 =	ssub.s32 $0x2, s11;
	s18 =	sadd.s32 s30, s3;
	s11 =	sshll.u32 s11, $0xD  }
0xe: {  	s21 =	sshrl.u32 @!p0 s4, $0x3;
	s22 =	sor.u32 s16, s13;
	s14 =	sadd.s32 s14, s9  }
0xf: {  	s17 =	sshrl.u32 s29, $0x1;
	s12 =	sadd.s32 s11, s12;
	s16 =	sshrl.u32 s18, $0x3  }
.Ltmp0:
0x10: {  	s18 =	simm.s32 $0x5100;
	s15 =	sshll.u32 s22, $0xD;
	(pc) =	sbr.rel .LBB2_1-.Ltmp0, $4  }
0x11: {  	v0 =	vlaneseq.u32;
	s17 =	ssub.s32 s29, s17;
	s11 =	smul.u32 $0x190, s22;
	s12 =	sadd.s32 $0x70600, s12  }
0x12: {  	v1 =	vimm.f32 $1.000000000e+00;
	v2 =	vor.u32 $0x10, v0;
	s13 =	sadd.s32 $0x70400, s14;
	p1 =	sgt.u32 s22, $0x18;
	s22 =	simm.s32 $0x80  }
0x13: {  	v3 =	vor.u32 $0x20, v0;
	v4 =	vor.u32 $0x30, v0;
	v5 =	vor.u32 $0x40, v0;
	s15 =	sadd.s32 s15, s9;
	s9 =	sadd.s32 s8, s10;
	s10 =	sor.u32 $0x1C01, s31  }
0x14: {  	v6 =	vor.u32 $0x50, v0;
	v7 =	vor.u32 $0x60, v0;
	v8 =	vor.u32 $0x70, v0;
	s14 =	sadd.s32 $0x30400, s15;
	s15 =	smax.u32 s17, $0x1;
	s17 =	simm.s32 $0x1  }
.LBB2_5:
0x15: {  	[spmem:s4] =	stream.indirect.scatter.add.f32 [tilespmem:s18], [sflag:$0x1], $0x80, s20, s25, $0xb8;
	[tilespmem:$0x16320] =	vst v63  }
0x16: {  	_ =	swait.ge [sflag:s17], $0x200  }
0x17: {  	[sflag:s17] =	ssyncset.done $0x0  }
0x18: {  	[sflag:s17] =	ssyncadd.s32 $0xFFFFFE00  }
0x19: {  	[bflag:$0x0] =	sbarrier.arrive $0xFFFF  }
0x1a: {  	[hbm:s12], [sflag:s10] =	dma.local [spmem:s16], $0x200  }
0x1b: {  	_ =	swait.ge [sflag:s17], $0x200  }
0x1c: {  	[sflag:s17] =	ssyncset.done $0x0  }
0x1d: {  	[sflag:s17] =	ssyncadd.s32 $0xFFFFFE00  }
0x1e: {  	[hbm:s13], [sflag:s10] =	dma.local @!p0 [spmem:s21], $0x40  }
0x1f: {  	s26 =	sadd.s32 $0x1, s26;
	_ =	swait.ge @!p0 [sflag:s28], $0x40  }
0x20: {  	p2 =	sne.s32 s26, s15;
	[sflag:s28] =	ssyncset.done @!p0 $0x0  }
.Ltmp1:
0x21: {  	[sflag:s28] =	ssyncadd.s32 @!p0 $0xFFFFFFC0;
	(pc) =	sbr.rel @!p2 .LBB2_6-.Ltmp1, $4  }
0x22: {  	[hbm4b:s14+s5] =	stream.linear.scatter [tilespmem:s19], [sflag:$0x1], $0x10000, $0x38;
	[tilespmem:$0x16320] =	vst v63  }
0x23: {  	_ =	swait.ge [sflag:s17], $0x10000  }
0x24: {  	[sflag:s17] =	ssyncset.done $0x0  }
0x25: {  	[sflag:s17] =	ssyncadd.s32 $0xFFFF0000  }
.LBB2_1:
0x26: {  	[spmem:s16], [sflag:s10] =	dma.local [hbm:s9], $0x200  }
0x27: {  	_ =	swait.ge [sflag:s17], $0x200  }
0x28: {  	[sflag:s17] =	ssyncset.done $0x0  }
0x29: {  	[sflag:s17] =	ssyncadd.s32 $0xFFFFFE00  }
0x2a: {  	[tilespmem:s18], [sflag:$0x1] =	stream.linear.gather [hbm4b:s8+s5], $0x200, $0x38;
	[tilespmem:$0x16320] =	vst v63  }
0x2b: {  	_ =	swait.ge [sflag:s17], $0x200  }
0x2c: {  	[sflag:s17] =	ssyncset.done $0x0  }
0x2d: {  	[sflag:s17] =	ssyncadd.s32 $0xFFFFFE00  }
0x2e: {  	[tilespmem:s19], [sflag:$0x1] =	stream.linear.gather [hbm4b:s8+s5], $0x10000, $0x38;
	[tilespmem:$0x16320] =	vst v63  }
0x2f: {  	_ =	swait.ge [sflag:s17], $0x10000  }
0x30: {  	[sflag:s17] =	ssyncset.done $0x0  }
0x31: {  	[sflag:s17] =	ssyncadd.s32 $0xFFFF0000  }
0x32: {  	[tilespmem:s20], [sflag:$0x1] =	stream.linear.gather [hbm4b:s2+s5], $0x80, $0x38;
	[tilespmem:$0x16320] =	vst v63  }
0x33: {  	_ =	swait.ge [sflag:s17], $0x80  }
0x34: {  	[sflag:s17] =	ssyncset.done $0x0  }
0x35: {  	s28 =	simm.s32 @!p0 $0x1;
	[sflag:s17] =	ssyncadd.s32 $0xFFFFFF80  }
0x36: {  	[spmem:s21], [sflag:s10] =	dma.local @!p0 [hbm:s8], $0x40  }
.Ltmp2:
0x37: {  	_ =	swait.ge @!p0 [sflag:s28], $0x40;
	(pc) =	sbr.rel @p1 .LBB2_5-.Ltmp2, $4  }
0x38: {  	[sflag:s28] =	ssyncset.done @!p0 $0x0  }
0x39: {  	[sflag:s28] =	ssyncadd.s32 @!p0 $0xFFFFFFC0  }
0x3a: {  	[bflag:$0x0] =	sbarrier.arrive $0xFFFF  }
0x3b: {  	s29 =	simm.s32 $0x0  }
.LBB2_2:
0x3c: {  	s30 =	smul.u32 $0x50, s29;
	_ =	sdelay $0x1  }
0x3d: {  	s30 =	sadd.s32 s11, s30  }
0x3e: {  	s31 =	sshrl.u32 s30, $0x3  }
0x3f: {  	s0 =	simm.s32 $0x0;
	s31 =	sadd.s32 s1, s31  }
0x40: {  	[tilespmem:s0], [sflag:$0x1] =	stream.linear.gather [hbm4b:s31+s0], $0x50, $0x38;
	[tilespmem:$0x16320] =	vst v63  }
0x41: {  	_ =	swait.ge [sflag:s17], $0x50  }
0x42: {  	s30 =	sshll.u32 s30, $0x4;
	[sflag:s17] =	ssyncset.done $0x0  }
0x43: {  	s31 =	sadd.s32 s7, s30;
	[sflag:s17] =	ssyncadd.s32 $0xFFFFFFB0  }
0x44: {  	[tilespmem:s22], [sflag:$0x1] =	stream.linear.gather [hbm4b:s31+s0], $0x2800, $0x38;
	[tilespmem:$0x16320] =	vst v63  }
0x45: {  	_ =	swait.ge [sflag:s17], $0x2800  }
0x46: {  	[sflag:s17] =	ssyncset.done $0x0  }
0x47: {  	s30 =	sadd.s32 s6, s30;
	[sflag:s17] =	ssyncadd.s32 $0xFFFFD800  }
0x48: {  	[tilespmem:s23], [sflag:$0x1] =	stream.linear.gather [hbm4b:s30+s0], $0x2800, $0x38;
	[tilespmem:$0x16320] =	vst v63  }
0x49: {  	_ =	swait.ge [sflag:s17], $0x2800  }
0x4a: {  	s31 =	simm.s32 $0x0;
	[sflag:s17] =	ssyncset.done $0x0  }
0x4b: {  	v9 =	vmov s31;
	[sflag:s17] =	ssyncadd.s32 $0xFFFFD800  }
0x4c: {  	[spmem:s3] =	stream.indirect.scatter.add.f32 [tilespmem:s23], [sflag:$0x1], $0x80, s0, s24, $0xb8;
	[tilespmem:$0x16320] =	vst v63  }
0x4d: {  	_ =	swait.ge [sflag:s17], $0x2800  }
0x4e: {  	[sflag:s17] =	ssyncset.done $0x0  }
0x4f: {  	[sflag:s17] =	ssyncadd.s32 $0xFFFFD800  }
0x50: {  	v9 =	vld.idx.msk [tilespmem:v9+s22+$0x0], $0xffff;
	_ =	sdelay $0x4  }
0x51: {  	v9 =	vtrunc.f32 v9  }
0x52: {  	v9 =	vcvt.f32.s32 v9;
	_ =	sdelay $0x1  }
0x53: {  	v10 =	vor.u32 s31, v0;
	v11 =	vshll.u32 v9, $0x7  }
0x54: {  	v12 =	vor.u32 v0, v11;
	_ =	sdelay $0x2  }
0x55: {  	[tilespmem:v9+s18+$0x0] =	vst.idx.add.f32.msk $0x1, v1  }
0x56: {  	v9 =	vld.idx.msk [tilespmem:v10+s23+$0x0], $0xffff  }
0x57: {  	v10 =	vld.idx.msk [tilespmem:v12+s19+$0x0], $0xffff;
	_ =	sdelay $0x1  }
0x58: {  	v13 =	vor.u32 s31, v2  }
0x59: {  	v14 =	vor.u32 v2, v11;
	_ =	sdelay $0x1  }
0x5a: {  	v9 =	vmax.f32 v10, v9  }
0x5b: {  	[tilespmem:v12+s19+$0x0] =	vst.idx.msk $0xffff, v9  }
0x5c: {  	v9 =	vld.idx.msk [tilespmem:v13+s23+$0x0], $0xffff  }
0x5d: {  	v10 =	vld.idx.msk [tilespmem:v14+s19+$0x0], $0xffff;
	_ =	sdelay $0x1  }
0x5e: {  	v54 =	vor.u32 s31, v3  }
0x5f: {  	v55 =	vor.u32 v3, v11;
	_ =	sdelay $0x1  }
0x60: {  	v9 =	vmax.f32 v10, v9  }
0x61: {  	[tilespmem:v14+s19+$0x0] =	vst.idx.msk $0xffff, v9  }
0x62: {  	v9 =	vld.idx.msk [tilespmem:v54+s23+$0x0], $0xffff  }
0x63: {  	v10 =	vld.idx.msk [tilespmem:v55+s19+$0x0], $0xffff;
	_ =	sdelay $0x1  }
0x64: {  	v56 =	vor.u32 s31, v4  }
0x65: {  	v57 =	vor.u32 v4, v11;
	_ =	sdelay $0x1  }
0x66: {  	v9 =	vmax.f32 v10, v9  }
0x67: {  	[tilespmem:v55+s19+$0x0] =	vst.idx.msk $0xffff, v9  }
0x68: {  	v9 =	vld.idx.msk [tilespmem:v56+s23+$0x0], $0xffff  }
0x69: {  	v10 =	vld.idx.msk [tilespmem:v57+s19+$0x0], $0xffff;
	_ =	sdelay $0x1  }
0x6a: {  	v58 =	vor.u32 s31, v5  }
0x6b: {  	v59 =	vor.u32 v5, v11;
	_ =	sdelay $0x1  }
0x6c: {  	v9 =	vmax.f32 v10, v9  }
0x6d: {  	[tilespmem:v57+s19+$0x0] =	vst.idx.msk $0xffff, v9  }
0x6e: {  	v9 =	vld.idx.msk [tilespmem:v58+s23+$0x0], $0xffff  }
0x6f: {  	v10 =	vld.idx.msk [tilespmem:v59+s19+$0x0], $0xffff;
	_ =	sdelay $0x1  }
0x70: {  	v60 =	vor.u32 s31, v6  }
0x71: {  	v61 =	vor.u32 v6, v11;
	_ =	sdelay $0x1  }
0x72: {  	v9 =	vmax.f32 v10, v9  }
0x73: {  	[tilespmem:v59+s19+$0x0] =	vst.idx.msk $0xffff, v9  }
0x74: {  	v9 =	vld.idx.msk [tilespmem:v60+s23+$0x0], $0xffff  }
0x75: {  	v10 =	vld.idx.msk [tilespmem:v61+s19+$0x0], $0xffff;
	_ =	sdelay $0x1  }
0x76: {  	v62 =	vor.u32 s31, v7  }
0x77: {  	v63 =	vor.u32 v7, v11;
	_ =	sdelay $0x1  }
0x78: {  	v9 =	vmax.f32 v10, v9  }
0x79: {  	[tilespmem:v61+s19+$0x0] =	vst.idx.msk $0xffff, v9  }
0x7a: {  	v9 =	vld.idx.msk [tilespmem:v62+s23+$0x0], $0xffff  }
0x7b: {  	v10 =	vld.idx.msk [tilespmem:v63+s19+$0x0], $0xffff;
	_ =	sdelay $0x4  }
0x7c: {  	v12 =	vmax.f32 v10, v9;
	v10 =	vor.u32 s31, v8  }
0x7d: {  	v9 =	vor.u32 v8, v11;
	_ =	sdelay $0x2  }
0x7e: {  	s30 =	simm.s32 $0x1;
	[tilespmem:v63+s19+$0x0] =	vst.idx.msk $0xffff, v12  }
.LBB2_3:
0x7f: {  	p2 =	sne.s32 s30, $0x4F;
	v10 =	vld.idx.msk [tilespmem:v10+s23+$0x0], $0xffff;
	s0 =	smov.u32 s30;
	s30 =	sadd.s32 $0x1, s30  }
0x80: {  	v11 =	vld.idx.msk [tilespmem:v9+s19+$0x0], $0xffff  }
0x81: {  	s31 =	sshll.u32 s0, $0x7  }
0x82: {  	v12 =	vmov s31;
	_ =	sdelay $0x3  }
0x83: {  	v10 =	vmax.f32 v11, v10  }
0x84: {  	[tilespmem:v9+s19+$0x0] =	vst.idx.msk $0xffff, v10  }
0x85: {  	v9 =	vld.idx.msk [tilespmem:v12+s22+$0x0], $0xffff;
	_ =	sdelay $0x5  }
0x86: {  	v9 =	vtrunc.f32 v9  }
0x87: {  	v9 =	vcvt.f32.s32 v9;
	_ =	sdelay $0x1  }
0x88: {  	v10 =	vor.u32 s31, v0;
	v11 =	vshll.u32 v9, $0x7  }
0x89: {  	v12 =	vor.u32 v0, v11;
	_ =	sdelay $0x2  }
0x8a: {  	[tilespmem:v9+s18+$0x0] =	vst.idx.add.f32.msk $0x1, v1  }
0x8b: {  	v9 =	vld.idx.msk [tilespmem:v10+s23+$0x0], $0xffff  }
0x8c: {  	v10 =	vld.idx.msk [tilespmem:v12+s19+$0x0], $0xffff;
	_ =	sdelay $0x2  }
0x8d: {  	v13 =	vor.u32 s31, v2  }
0x8e: {  	v14 =	vor.u32 v2, v11;
	_ =	sdelay $0x1  }
0x8f: {  	v9 =	vmax.f32 v10, v9  }
0x90: {  	[tilespmem:v12+s19+$0x0] =	vst.idx.msk $0xffff, v9  }
0x91: {  	v9 =	vld.idx.msk [tilespmem:v13+s23+$0x0], $0xffff  }
0x92: {  	v10 =	vld.idx.msk [tilespmem:v14+s19+$0x0], $0xffff;
	_ =	sdelay $0x2  }
0x93: {  	v12 =	vor.u32 s31, v3  }
0x94: {  	v13 =	vor.u32 v3, v11;
	_ =	sdelay $0x1  }
0x95: {  	v9 =	vmax.f32 v10, v9  }
0x96: {  	[tilespmem:v14+s19+$0x0] =	vst.idx.msk $0xffff, v9  }
0x97: {  	v9 =	vld.idx.msk [tilespmem:v12+s23+$0x0], $0xffff  }
0x98: {  	v10 =	vld.idx.msk [tilespmem:v13+s19+$0x0], $0xffff;
	_ =	sdelay $0x2  }
0x99: {  	v12 =	vor.u32 s31, v4  }
0x9a: {  	v14 =	vor.u32 v4, v11;
	_ =	sdelay $0x1  }
0x9b: {  	v9 =	vmax.f32 v10, v9  }
0x9c: {  	[tilespmem:v13+s19+$0x0] =	vst.idx.msk $0xffff, v9  }
0x9d: {  	v9 =	vld.idx.msk [tilespmem:v12+s23+$0x0], $0xffff  }
0x9e: {  	v10 =	vld.idx.msk [tilespmem:v14+s19+$0x0], $0xffff;
	_ =	sdelay $0x2  }
0x9f: {  	v12 =	vor.u32 s31, v5  }
0xa0: {  	v13 =	vor.u32 v5, v11;
	_ =	sdelay $0x1  }
0xa1: {  	v9 =	vmax.f32 v10, v9  }
0xa2: {  	[tilespmem:v14+s19+$0x0] =	vst.idx.msk $0xffff, v9  }
0xa3: {  	v9 =	vld.idx.msk [tilespmem:v12+s23+$0x0], $0xffff  }
0xa4: {  	v10 =	vld.idx.msk [tilespmem:v13+s19+$0x0], $0xffff;
	_ =	sdelay $0x2  }
0xa5: {  	v12 =	vor.u32 s31, v6  }
0xa6: {  	v14 =	vor.u32 v6, v11;
	_ =	sdelay $0x1  }
0xa7: {  	v9 =	vmax.f32 v10, v9  }
0xa8: {  	[tilespmem:v13+s19+$0x0] =	vst.idx.msk $0xffff, v9  }
0xa9: {  	v9 =	vld.idx.msk [tilespmem:v12+s23+$0x0], $0xffff  }
0xaa: {  	v10 =	vld.idx.msk [tilespmem:v14+s19+$0x0], $0xffff;
	_ =	sdelay $0x2  }
0xab: {  	v12 =	vor.u32 s31, v7  }
0xac: {  	v13 =	vor.u32 v7, v11;
	_ =	sdelay $0x1  }
0xad: {  	v9 =	vmax.f32 v10, v9  }
0xae: {  	[tilespmem:v14+s19+$0x0] =	vst.idx.msk $0xffff, v9  }
0xaf: {  	v12 =	vld.idx.msk [tilespmem:v12+s23+$0x0], $0xffff  }
0xb0: {  	v14 =	vld.idx.msk [tilespmem:v13+s19+$0x0], $0xffff;
	_ =	sdelay $0x2  }
.Ltmp3:
0xb1: {  	v10 =	vor.u32 s31, v8;
	v9 =	vor.u32 v8, v11;
	(pc) =	sbr.rel @p2 .LBB2_3-.Ltmp3, $3  }
0xb2: {  	_ =	sdelay $0x1  }
0xb3: {  	v11 =	vmax.f32 v14, v12  }
0xb4: {  	[tilespmem:v13+s19+$0x0] =	vst.idx.msk $0xffff, v11  }
0xb5: {  	_ =	sdelay $0x3  }
0xb6: {  	v10 =	vld.idx.msk [tilespmem:v10+s23+$0x0], $0xffff  }
0xb7: {  	v11 =	vld.idx.msk [tilespmem:v9+s19+$0x0], $0xffff;
	s29 =	sadd.s32 $0x1, s29  }
0xb8: {  	p2 =	sne.s32 s29, $0x5  }
.Ltmp4:
0xb9: {  	_ = 	snop;
	(pc) =	sbr.rel @p2 .LBB2_2-.Ltmp4, $4  }
.Ltmp5:
0xba: {  	_ = 	snop;
	(pc) =	sbr.rel @!p2 .LBB2_5-.Ltmp5, $4  }
0xbb: {  	_ = 	snop  }
0xbc: {  	v10 =	vmax.f32 v11, v10  }
0xbd: {  	[tilespmem:v9+s19+$0x0] =	vst.idx.msk $0xffff, v10  }
0xbe: {  	_ = 	snop  }
.LBB2_6:
0xbf: {  	_ =	sfence.sel $0x180000  }
0xc0: {  	[bflag:$0x0] =	sbarrier.arrive $0xFFFF  }
0xc1: {  	_ =	strace $0x90000050  }
0xc2: {  	[bflag:$0x2] =	sbarrier.arrive $0xFFFF  }
0xc3: {  	s0 =	rddreg [dreg:$0x5]  }
0xc4: {  	s0 =	sadd.s32 @!p0 $0x100000, s0  }
0xc5: {  	[sflag:s0] =	ssyncadd.tile.s32 @!p0 $0x1;
	_ =	shalt  }
.Lfunc_end2:
_tile_overlayer_lowered:
.L_overlay_start_2:
0xc6: {  	(tag) =	ssettag $0x2  }
0xc7: {  	s0 =	rddreg [dreg:$0x0];
	s2 =	stileid.u32  }
0xc8: {  	s1 =	rddreg [dreg:$0x1];
	p0 =	sne.s32 s2, $0x0  }
0xc9: {  	s3 =	rddreg [dreg:$0x2];
	[bflag:$0x3] =	sbarrier.arrive $0xFFFF;
	s2 =	simm.s32 @!p0 $0x1C01  }
0xca: {  	[timem:s3], [sflag:s2] =	dma.local @!p0 [hbm:s0], s1  }
0xcb: {  	s0 =	simm.s32 @!p0 $0x1  }
0xcc: {  	_ =	swait.ge @!p0 [sflag:s0], s1  }
0xcd: {  	s1 =	ssub.s32 @!p0 $0x0, s1;
	[sflag:s0] =	ssyncset.done @!p0 $0x0  }
0xce: {  	[sflag:s0] =	ssyncadd.s32 @!p0 s1  }
0xcf: {  	[bflag:$0x3] =	sbarrier.arrive $0xFFFF  }
0xd0: {  	_ =	shalt  }

</sc_bundles>
